<compile_context>
chip_gen: v7x
topology: tpu7x:2x2x1
jax: 0.10.2.dev20260603
libtpu: 0.0.44.dev20260713+nightly
codegen_flags: <defaults>
</compile_context>

<pallas_src>
import functools

import jax
import jax.numpy as jnp
from jax import lax
from jax.experimental import pallas as pl
from jax.experimental.pallas import tpu as pltpu
from jax.experimental.pallas import tpu_sc as plsc

NC = 2
NS = 16
L = 16
NW = NC * NS

D = 128
DV = D // L
S = 200
B = 1024
BPW = B // NW
TPW = BPW * S
EPS = 1e-12
TUNROLL = 5
NBUF = 3
C1 = 104
C2 = S - C1

_mesh = plsc.VectorSubcoreMesh(core_axis_name="c", subcore_axis_name="s")


@functools.partial(
    pl.kernel,
    out_type=jax.ShapeDtypeStruct((B * S, D), jnp.float32),
    mesh=_mesh,
    scratch_types=[
        pltpu.VMEM((TPW,), jnp.int32),
        pltpu.VMEM((S, D), jnp.float32),
        pltpu.VMEM((S, D), jnp.float32),
        pltpu.VMEM((S, D), jnp.float32),
        pltpu.VMEM((S, D), jnp.float32),
        pltpu.VMEM((D,), jnp.float32),
        pltpu.VMEM((D,), jnp.float32),
        pltpu.SemaphoreType.DMA,
        pltpu.SemaphoreType.DMA,
        pltpu.SemaphoreType.DMA,
        pltpu.SemaphoreType.DMA,
        pltpu.SemaphoreType.DMA,
        pltpu.SemaphoreType.DMA,
    ],
    compiler_params=pltpu.CompilerParams(needs_layout_passes=False),
)
def _bert_embed(x_hbm, ww_hbm, pos_hbm, g_hbm, b_hbm, out_hbm,
                idx_v, rows0, rows1, rows2, pos_v, g_v, b_v,
                in0, in1, in2, out0, out1, out2):
    rows = [rows0, rows1, rows2]
    isems = [in0, in1, in2]
    osems = [out0, out1, out2]

    wid = lax.axis_index("s") * NC + lax.axis_index("c")
    tok0 = wid * TPW

    pltpu.sync_copy(pos_hbm, pos_v)
    pltpu.sync_copy(g_hbm, g_v)
    pltpu.sync_copy(b_hbm, b_v)
    pltpu.sync_copy(x_hbm.at[pl.ds(tok0, TPW)], idx_v)

    gregs = [g_v[pl.ds(k * L, L)] for k in range(DV)]
    bregs = [b_v[pl.ds(k * L, L)] for k in range(DV)]

    def start_gather(tbase, buf, sem):
        pltpu.async_copy(ww_hbm.at[idx_v.at[pl.ds(tbase, C1)]],
                         buf.at[pl.ds(0, C1)], sem)
        pltpu.async_copy(ww_hbm.at[idx_v.at[pl.ds(tbase + C1, C2)]],
                         buf.at[pl.ds(C1, C2)], sem)

    def wait_gather(buf, sem):
        pltpu.make_async_copy(ww_hbm.at[idx_v.at[pl.ds(0, C1)]],
                              buf.at[pl.ds(0, C1)], sem).wait()
        pltpu.make_async_copy(ww_hbm.at[idx_v.at[pl.ds(0, C2)]],
                              buf.at[pl.ds(C1, C2)], sem).wait()

    def wait_out(buf, sem):
        pltpu.make_async_copy(buf, out_hbm.at[pl.ds(0, S)], sem).wait()

    def compute_batch(buf):
        def tok_body(ti, carry2):
          for u in range(TUNROLL):
            t = ti * TUNROLL + u
            e = [buf[t, pl.ds(k * L, L)] + pos_v[t, pl.ds(k * L, L)]
                 for k in range(DV)]
            s1 = e[0]
            for k in range(1, DV):
                s1 = s1 + e[k]
            s2 = e[0] * e[0]
            for k in range(1, DV):
                s2 = s2 + e[k] * e[k]
            tot1 = lax.reduce_sum_p.bind(s1, axes=(0,))
            tot2 = lax.reduce_sum_p.bind(s2, axes=(0,))
            mean = tot1 * (1.0 / D)
            var = tot2 * (1.0 / D) - mean * mean
            a = var + EPS
            ibits = lax.bitcast_convert_type(a, jnp.int32)
            ibits = jnp.int32(0x5F3759DF) - lax.shift_right_logical(ibits, 1)
            y = lax.bitcast_convert_type(ibits, jnp.float32)
            half = a * 0.5
            for _ in range(2):
                y = y * (1.5 - half * (y * y))
            istd = y
            for k in range(DV):
                o = (e[k] - mean) * (istd * gregs[k]) + bregs[k]
                buf[t, pl.ds(k * L, L)] = o
          return carry2

        lax.fori_loop(0, S // TUNROLL, tok_body, 0)

    start_gather(0, rows[0], isems[0])

    def step_body(step, carry):
        for j in range(NBUF):
            i = step * NBUF + j
            q = (j + 1) % NBUF
            cb = lax.rem(i, BPW) * S
            nb = lax.rem(i + 1, BPW) * S

            @pl.when(i >= 2)
            def _():
                wait_out(rows[q], osems[q])
            start_gather(nb, rows[q], isems[q])
            wait_gather(rows[j], isems[j])
            compute_batch(rows[j])
            pltpu.async_copy(rows[j], out_hbm.at[pl.ds(tok0 + cb, S)],
                             osems[j])
        return carry

    lax.fori_loop(0, (BPW + 1) // NBUF, step_body, 0)

    wait_out(rows[1], osems[1])
    wait_out(rows[2], osems[2])
    wait_gather(rows[0], isems[0])


def kernel(x, W_word, W_pos, gamma, beta):
    x_flat = x.reshape(-1).astype(jnp.int32)
    out = _bert_embed(x_flat, W_word, W_pos[:S].astype(jnp.float32),
                      gamma, beta)
    return out.reshape(B, S, D)

# --- scband reference (transcript-rebuilt; emitter-appended) ---
"""Pipeline reference for scband-bert-embeddings-81973745812059 (READ-ONLY COPY).

The authoritative reference and input builder live on the scoring server;
editing this copy changes nothing except your own understanding.
"""

import jax, jax.numpy as jnp
import numpy as np

VOCAB = 100000
N_EMBED = 128
MAX_SEQ = 200
BATCH = 1024
SEQ = 200
EPS = 1e-12

def setup_inputs(seed: int = 0) -> dict:
    key = jax.random.key(seed)
    k1, k2, k3 = jax.random.split(key, 3)
    x = jax.random.randint(k1, (BATCH, SEQ), 0, VOCAB, dtype=jnp.int64) if jax.config.jax_enable_x64 else jax.random.randint(k1, (BATCH, SEQ), 0, VOCAB, dtype=jnp.int32)
    W_word = jax.random.normal(k2, (VOCAB, N_EMBED), dtype=jnp.float32)
    W_pos = jax.random.normal(k3, (MAX_SEQ, N_EMBED), dtype=jnp.float32)
    gamma = jnp.ones((N_EMBED,), dtype=jnp.float32)
    beta = jnp.zeros((N_EMBED,), dtype=jnp.float32)
    return {"x": x, "W_word": W_word, "W_pos": W_pos, "gamma": gamma, "beta": beta}

def reference(x, W_word, W_pos, gamma, beta):
    seq_len = x.shape[1]
    position_ids = jnp.clip(jnp.arange(seq_len), 0, W_pos.shape[0] - 1)
    xc = jnp.clip(x, 0, W_word.shape[0] - 1)
    words_embeddings = jnp.take(W_word, xc, axis=0)
    position_embeddings = jnp.take(W_pos, position_ids, axis=0)
    embeddings = words_embeddings + position_embeddings[None, :, :]
    mean = jnp.mean(embeddings, axis=-1, keepdims=True)
    var = jnp.mean((embeddings - mean) ** 2, axis=-1, keepdims=True)
    normed = (embeddings - mean) / jnp.sqrt(var + EPS)
    out = normed * gamma + beta
    # dropout is identity in eval mode
    return out

if __name__ == "__main__":
    import jax
    _d = setup_inputs()
    print(jax.jit(kernel)(*tuple(_d.values())))

</pallas_src>

<mosaic_0001>
#map = affine_map<(d0, d1) -> (0)>
#map1 = affine_map<(d0, d1) -> (0, 0)>
module attributes {stable_mosaic.version = 14 : i64} {
  func.func @_bert_embed(%arg0: i32, %arg1: i32, %arg2: memref<204800xi32, #tpu.memory_space<hbm>>, %arg3: memref<100000x128xf32, #tpu.memory_space<hbm>>, %arg4: memref<200x128xf32, #tpu.memory_space<hbm>>, %arg5: memref<128xf32, #tpu.memory_space<hbm>>, %arg6: memref<128xf32, #tpu.memory_space<hbm>>, %arg7: memref<204800x128xf32, #tpu.memory_space<hbm>>, %arg8: memref<6400xi32, #tpu.memory_space<vmem>>, %arg9: memref<200x128xf32, #tpu.memory_space<vmem>>, %arg10: memref<200x128xf32, #tpu.memory_space<vmem>>, %arg11: memref<200x128xf32, #tpu.memory_space<vmem>>, %arg12: memref<200x128xf32, #tpu.memory_space<vmem>>, %arg13: memref<128xf32, #tpu.memory_space<vmem>>, %arg14: memref<128xf32, #tpu.memory_space<vmem>>, %arg15: memref<!tpu.dma_semaphore, #tpu.memory_space<semaphore_mem>>, %arg16: memref<!tpu.dma_semaphore, #tpu.memory_space<semaphore_mem>>, %arg17: memref<!tpu.dma_semaphore, #tpu.memory_space<semaphore_mem>>, %arg18: memref<!tpu.dma_semaphore, #tpu.memory_space<semaphore_mem>>, %arg19: memref<!tpu.dma_semaphore, #tpu.memory_space<semaphore_mem>>, %arg20: memref<!tpu.dma_semaphore, #tpu.memory_space<semaphore_mem>>) attributes {dimension_semantics = [#tpu.dimension_semantics<core_parallel>, #tpu.dimension_semantics<subcore_parallel>], iteration_bounds = array<i64: 2, 16>, scalar_prefetch = 0 : i64, scratch_operands = 13 : i64, tpu.core_type = #tpu.core_type<sc_vector_subcore>, window_params = [{transform_indices = #map}, {transform_indices = #map1}, {transform_indices = #map1}, {transform_indices = #map}, {transform_indices = #map}, {transform_indices = #map1}]} {
    %mul3A = arith.constant 2 : i32
    %mul3A_0 = arith.muli %arg1, %mul3A : i32
    %add3A = arith.addi %mul3A_0, %arg0 : i32
    %mul3A_1 = arith.constant 6400 : i32
    %mul3A_2 = arith.muli %add3A, %mul3A_1 : i32
    "tpu.region"() ({
      %run_scoped3A = tpu.sem_alloc : memref<!tpu.dma_semaphore, #tpu.memory_space<semaphore_mem>>
      tpu.enqueue_dma source(%arg4 : memref<200x128xf32, #tpu.memory_space<hbm>>) target(%arg12 : memref<200x128xf32, #tpu.memory_space<vmem>>) target_semaphore(%run_scoped3A : memref<!tpu.dma_semaphore, #tpu.memory_space<semaphore_mem>>)
      tpu.wait_dma2 semaphore(%run_scoped3A : memref<!tpu.dma_semaphore, #tpu.memory_space<semaphore_mem>>) src(%arg4 : memref<200x128xf32, #tpu.memory_space<hbm>>) dst(%arg12 : memref<200x128xf32, #tpu.memory_space<vmem>>)
      tpu.yield
    }) : () -> ()
    "tpu.region"() ({
      %run_scoped3A = tpu.sem_alloc : memref<!tpu.dma_semaphore, #tpu.memory_space<semaphore_mem>>
      tpu.enqueue_dma source(%arg5 : memref<128xf32, #tpu.memory_space<hbm>>) target(%arg13 : memref<128xf32, #tpu.memory_space<vmem>>) target_semaphore(%run_scoped3A : memref<!tpu.dma_semaphore, #tpu.memory_space<semaphore_mem>>)
      tpu.wait_dma2 semaphore(%run_scoped3A : memref<!tpu.dma_semaphore, #tpu.memory_space<semaphore_mem>>) src(%arg5 : memref<128xf32, #tpu.memory_space<hbm>>) dst(%arg13 : memref<128xf32, #tpu.memory_space<vmem>>)
      tpu.yield
    }) : () -> ()
    "tpu.region"() ({
      %run_scoped3A = tpu.sem_alloc : memref<!tpu.dma_semaphore, #tpu.memory_space<semaphore_mem>>
      tpu.enqueue_dma source(%arg6 : memref<128xf32, #tpu.memory_space<hbm>>) target(%arg14 : memref<128xf32, #tpu.memory_space<vmem>>) target_semaphore(%run_scoped3A : memref<!tpu.dma_semaphore, #tpu.memory_space<semaphore_mem>>)
      tpu.wait_dma2 semaphore(%run_scoped3A : memref<!tpu.dma_semaphore, #tpu.memory_space<semaphore_mem>>) src(%arg6 : memref<128xf32, #tpu.memory_space<hbm>>) dst(%arg14 : memref<128xf32, #tpu.memory_space<vmem>>)
      tpu.yield
    }) : () -> ()
    "tpu.region"() ({
      %run_scoped3A = tpu.sem_alloc : memref<!tpu.dma_semaphore, #tpu.memory_space<semaphore_mem>>
      %dma_start3A_81 = tpu.memref_slice %arg2[%mul3A_2] : memref<204800xi32, #tpu.memory_space<hbm>> -> memref<6400xi32, #tpu.memory_space<hbm>>
      %dma_start3A_82 = tpu.memref_slice %arg2[%mul3A_2] : memref<204800xi32, #tpu.memory_space<hbm>> -> memref<6400xi32, #tpu.memory_space<hbm>>
      tpu.enqueue_dma source(%dma_start3A_82 : memref<6400xi32, #tpu.memory_space<hbm>>) target(%arg8 : memref<6400xi32, #tpu.memory_space<vmem>>) target_semaphore(%run_scoped3A : memref<!tpu.dma_semaphore, #tpu.memory_space<semaphore_mem>>)
      %dma_wait3A_83 = tpu.memref_slice %arg2[%mul3A_2] : memref<204800xi32, #tpu.memory_space<hbm>> -> memref<6400xi32, #tpu.memory_space<hbm>>
      %dma_wait3A_84 = tpu.memref_slice %arg2[%mul3A_2] : memref<204800xi32, #tpu.memory_space<hbm>> -> memref<6400xi32, #tpu.memory_space<hbm>>
      tpu.wait_dma2 semaphore(%run_scoped3A : memref<!tpu.dma_semaphore, #tpu.memory_space<semaphore_mem>>) src(%dma_wait3A_84 : memref<6400xi32, #tpu.memory_space<hbm>>) dst(%arg8 : memref<6400xi32, #tpu.memory_space<vmem>>)
      tpu.yield
    }) : () -> ()
    %get3A = arith.constant 0 : index
    %get3A_3 = tpu.vector_load %arg13[%get3A] {strides = array<i32>} : memref<128xf32, #tpu.memory_space<vmem>>, vector<16xf32>,
    %get3A_4 = arith.constant 16 : index
    %get3A_5 = tpu.vector_load %arg13[%get3A_4] {strides = array<i32>} : memref<128xf32, #tpu.memory_space<vmem>>, vector<16xf32>,
    %get3A_6 = arith.constant 32 : index
    %get3A_7 = tpu.vector_load %arg13[%get3A_6] {strides = array<i32>} : memref<128xf32, #tpu.memory_space<vmem>>, vector<16xf32>,
    %get3A_8 = arith.constant 48 : index
    %get3A_9 = tpu.vector_load %arg13[%get3A_8] {strides = array<i32>} : memref<128xf32, #tpu.memory_space<vmem>>, vector<16xf32>,
    %get3A_10 = arith.constant 64 : index
    %get3A_11 = tpu.vector_load %arg13[%get3A_10] {strides = array<i32>} : memref<128xf32, #tpu.memory_space<vmem>>, vector<16xf32>,
    %get3A_12 = arith.constant 80 : index
    %get3A_13 = tpu.vector_load %arg13[%get3A_12] {strides = array<i32>} : memref<128xf32, #tpu.memory_space<vmem>>, vector<16xf32>,
    %get3A_14 = arith.constant 96 : index
    %get3A_15 = tpu.vector_load %arg13[%get3A_14] {strides = array<i32>} : memref<128xf32, #tpu.memory_space<vmem>>, vector<16xf32>,
    %get3A_16 = arith.constant 112 : index
    %get3A_17 = tpu.vector_load %arg13[%get3A_16] {strides = array<i32>} : memref<128xf32, #tpu.memory_space<vmem>>, vector<16xf32>,
    %get3A_18 = arith.constant 0 : index
    %get3A_19 = tpu.vector_load %arg14[%get3A_18] {strides = array<i32>} : memref<128xf32, #tpu.memory_space<vmem>>, vector<16xf32>,
    %get3A_20 = arith.constant 16 : index
    %get3A_21 = tpu.vector_load %arg14[%get3A_20] {strides = array<i32>} : memref<128xf32, #tpu.memory_space<vmem>>, vector<16xf32>,
    %get3A_22 = arith.constant 32 : index
    %get3A_23 = tpu.vector_load %arg14[%get3A_22] {strides = array<i32>} : memref<128xf32, #tpu.memory_space<vmem>>, vector<16xf32>,
    %get3A_24 = arith.constant 48 : index
    %get3A_25 = tpu.vector_load %arg14[%get3A_24] {strides = array<i32>} : memref<128xf32, #tpu.memory_space<vmem>>, vector<16xf32>,
    %get3A_26 = arith.constant 64 : index
    %get3A_27 = tpu.vector_load %arg14[%get3A_26] {strides = array<i32>} : memref<128xf32, #tpu.memory_space<vmem>>, vector<16xf32>,
    %get3A_28 = arith.constant 80 : index
    %get3A_29 = tpu.vector_load %arg14[%get3A_28] {strides = array<i32>} : memref<128xf32, #tpu.memory_space<vmem>>, vector<16xf32>,
    %get3A_30 = arith.constant 96 : index
    %get3A_31 = tpu.vector_load %arg14[%get3A_30] {strides = array<i32>} : memref<128xf32, #tpu.memory_space<vmem>>, vector<16xf32>,
    %get3A_32 = arith.constant 112 : index
    %get3A_33 = tpu.vector_load %arg14[%get3A_32] {strides = array<i32>} : memref<128xf32, #tpu.memory_space<vmem>>, vector<16xf32>,
    %dma_start3A = arith.constant 0 : i32
    %dma_start3A_34 = arith.constant 0 : i32
    %dma_start3A_35 = tpu.memref_slice %arg9[%dma_start3A, %dma_start3A_34] : memref<200x128xf32, #tpu.memory_space<vmem>> -> memref<104x128xf32, #tpu.memory_space<vmem>>
    %dma_start3A_36 = arith.constant 0 : i32
    %dma_start3A_37 = tpu.memref_slice %arg8[%dma_start3A_36] : memref<6400xi32, #tpu.memory_space<vmem>> -> memref<104xi32, #tpu.memory_space<vmem>>
    %dma_start3A_38 = arith.constant 0 : i32
    %dma_start3A_39 = arith.constant 0 : i32
    %dma_start3A_40 = tpu.memref_slice %arg3[%dma_start3A_38, %dma_start3A_39] : memref<100000x128xf32, #tpu.memory_space<hbm>> -> memref<100000x128xf32, #tpu.memory_space<hbm>>
    tpu.enqueue_indirect_dma source(%dma_start3A_40 : memref<100000x128xf32, #tpu.memory_space<hbm>>) target(%dma_start3A_35 : memref<104x128xf32, #tpu.memory_space<vmem>>) offsets(%dma_start3A_37 : memref<104xi32, #tpu.memory_space<vmem>>) semaphore(%arg15 : memref<!tpu.dma_semaphore, #tpu.memory_space<semaphore_mem>>)
    %dma_start3A_41 = arith.constant 104 : i32
    %dma_start3A_42 = arith.constant 0 : i32
    %dma_start3A_43 = tpu.memref_slice %arg9[%dma_start3A_41, %dma_start3A_42] : memref<200x128xf32, #tpu.memory_space<vmem>> -> memref<96x128xf32, #tpu.memory_space<vmem>>
    %dma_start3A_44 = arith.constant 104 : i32
    %dma_start3A_45 = tpu.memref_slice %arg8[%dma_start3A_44] : memref<6400xi32, #tpu.memory_space<vmem>> -> memref<96xi32, #tpu.memory_space<vmem>>
    %dma_start3A_46 = arith.constant 0 : i32
    %dma_start3A_47 = arith.constant 0 : i32
    %dma_start3A_48 = tpu.memref_slice %arg3[%dma_start3A_46, %dma_start3A_47] : memref<100000x128xf32, #tpu.memory_space<hbm>> -> memref<100000x128xf32, #tpu.memory_space<hbm>>
    tpu.enqueue_indirect_dma source(%dma_start3A_48 : memref<100000x128xf32, #tpu.memory_space<hbm>>) target(%dma_start3A_43 : memref<96x128xf32, #tpu.memory_space<vmem>>) offsets(%dma_start3A_45 : memref<96xi32, #tpu.memory_space<vmem>>) semaphore(%arg15 : memref<!tpu.dma_semaphore, #tpu.memory_space<semaphore_mem>>)
    %scan3A = arith.constant 0 : i32
    %scan3A_49 = arith.constant 0 : i32
    %scan3A_50 = arith.constant 11 : i32
    %scan3A_51 = arith.addi %scan3A_49, %scan3A_50 : i32
    %scan3A_52 = arith.constant 1 : i32
    scf.for %scan3A_81 = %scan3A_49 to %scan3A_51 step %scan3A_52  : i32 {
      %mul3A_82 = arith.constant 3 : i32
      %mul3A_83 = arith.muli %scan3A_81, %mul3A_82 : i32
      %add3A_84 = arith.constant 0 : i32
      %add3A_85 = arith.addi %mul3A_83, %add3A_84 : i32
      %rem3A = arith.constant 32 : i32
      %rem3A_86 = arith.remsi %add3A_85, %rem3A : i32
      %mul3A_87 = arith.constant 200 : i32
      %mul3A_88 = arith.muli %rem3A_86, %mul3A_87 : i32
      %add3A_89 = arith.constant 1 : i32
      %add3A_90 = arith.addi %add3A_85, %add3A_89 : i32
      %rem3A_91 = arith.constant 32 : i32
      %rem3A_92 = arith.remsi %add3A_90, %rem3A_91 : i32
      %mul3A_93 = arith.constant 200 : i32
      %mul3A_94 = arith.muli %rem3A_92, %mul3A_93 : i32
      %ge3A = arith.constant 2 : i32
      %ge3A_95 = arith.cmpi sge, %add3A_85, %ge3A : i32
      %convert_element_type3A = arith.extui %ge3A_95 : i1 to i32
      %cond3A = arith.constant 0 : i32
      %cond3A_96 = arith.cmpi ne, %convert_element_type3A, %cond3A : i32
      scf.if %cond3A_96 {
        %dma_wait3A_264 = arith.constant 0 : i32
        %dma_wait3A_265 = arith.constant 0 : i32
        %dma_wait3A_266 = tpu.memref_slice %arg7[%dma_wait3A_264, %dma_wait3A_265] : memref<204800x128xf32, #tpu.memory_space<hbm>> -> memref<200x128xf32, #tpu.memory_space<hbm>>
        %dma_wait3A_267 = arith.constant 0 : i32
        %dma_wait3A_268 = arith.constant 0 : i32
        %dma_wait3A_269 = tpu.memref_slice %arg7[%dma_wait3A_267, %dma_wait3A_268] : memref<204800x128xf32, #tpu.memory_space<hbm>> -> memref<200x128xf32, #tpu.memory_space<hbm>>
        tpu.wait_dma2 semaphore(%arg19 : memref<!tpu.dma_semaphore, #tpu.memory_space<semaphore_mem>>) src(%arg10 : memref<200x128xf32, #tpu.memory_space<vmem>>) dst(%dma_wait3A_269 : memref<200x128xf32, #tpu.memory_space<hbm>>)
      } else {
      }
      %dma_start3A_97 = arith.constant 0 : i32
      %dma_start3A_98 = arith.constant 0 : i32
      %dma_start3A_99 = tpu.memref_slice %arg10[%dma_start3A_97, %dma_start3A_98] : memref<200x128xf32, #tpu.memory_space<vmem>> -> memref<104x128xf32, #tpu.memory_space<vmem>>
      %dma_start3A_100 = tpu.memref_slice %arg8[%mul3A_94] : memref<6400xi32, #tpu.memory_space<vmem>> -> memref<104xi32, #tpu.memory_space<vmem>>
      %dma_start3A_101 = arith.constant 0 : i32
      %dma_start3A_102 = arith.constant 0 : i32
      %dma_start3A_103 = tpu.memref_slice %arg3[%dma_start3A_101, %dma_start3A_102] : memref<100000x128xf32, #tpu.memory_space<hbm>> -> memref<100000x128xf32, #tpu.memory_space<hbm>>
      tpu.enqueue_indirect_dma source(%dma_start3A_103 : memref<100000x128xf32, #tpu.memory_space<hbm>>) target(%dma_start3A_99 : memref<104x128xf32, #tpu.memory_space<vmem>>) offsets(%dma_start3A_100 : memref<104xi32, #tpu.memory_space<vmem>>) semaphore(%arg16 : memref<!tpu.dma_semaphore, #tpu.memory_space<semaphore_mem>>)
      %add3A_104 = arith.constant 104 : i32
      %add3A_105 = arith.addi %mul3A_94, %add3A_104 : i32
      %dma_start3A_106 = arith.constant 104 : i32
      %dma_start3A_107 = arith.constant 0 : i32
      %dma_start3A_108 = tpu.memref_slice %arg10[%dma_start3A_106, %dma_start3A_107] : memref<200x128xf32, #tpu.memory_space<vmem>> -> memref<96x128xf32, #tpu.memory_space<vmem>>
      %dma_start3A_109 = tpu.memref_slice %arg8[%add3A_105] : memref<6400xi32, #tpu.memory_space<vmem>> -> memref<96xi32, #tpu.memory_space<vmem>>
      %dma_start3A_110 = arith.constant 0 : i32
      %dma_start3A_111 = arith.constant 0 : i32
      %dma_start3A_112 = tpu.memref_slice %arg3[%dma_start3A_110, %dma_start3A_111] : memref<100000x128xf32, #tpu.memory_space<hbm>> -> memref<100000x128xf32, #tpu.memory_space<hbm>>
      tpu.enqueue_indirect_dma source(%dma_start3A_112 : memref<100000x128xf32, #tpu.memory_space<hbm>>) target(%dma_start3A_108 : memref<96x128xf32, #tpu.memory_space<vmem>>) offsets(%dma_start3A_109 : memref<96xi32, #tpu.memory_space<vmem>>) semaphore(%arg16 : memref<!tpu.dma_semaphore, #tpu.memory_space<semaphore_mem>>)
      %dma_wait3A_113 = arith.constant 0 : i32
      %dma_wait3A_114 = arith.constant 0 : i32
      %dma_wait3A_115 = tpu.memref_slice %arg9[%dma_wait3A_113, %dma_wait3A_114] : memref<200x128xf32, #tpu.memory_space<vmem>> -> memref<104x128xf32, #tpu.memory_space<vmem>>
      %dma_wait3A_116 = arith.constant 0 : i32
      %dma_wait3A_117 = tpu.memref_slice %arg8[%dma_wait3A_116] : memref<6400xi32, #tpu.memory_space<vmem>> -> memref<104xi32, #tpu.memory_space<vmem>>
      %dma_wait3A_118 = arith.constant 0 : i32
      %dma_wait3A_119 = arith.constant 0 : i32
      %dma_wait3A_120 = tpu.memref_slice %arg3[%dma_wait3A_118, %dma_wait3A_119] : memref<100000x128xf32, #tpu.memory_space<hbm>> -> memref<100000x128xf32, #tpu.memory_space<hbm>>
      tpu.wait_indirect_dma semaphore(%arg15 : memref<!tpu.dma_semaphore, #tpu.memory_space<semaphore_mem>>) src(%dma_wait3A_120 : memref<100000x128xf32, #tpu.memory_space<hbm>>) dst(%dma_wait3A_115 : memref<104x128xf32, #tpu.memory_space<vmem>>)
      %dma_wait3A_121 = arith.constant 104 : i32
      %dma_wait3A_122 = arith.constant 0 : i32
      %dma_wait3A_123 = tpu.memref_slice %arg9[%dma_wait3A_121, %dma_wait3A_122] : memref<200x128xf32, #tpu.memory_space<vmem>> -> memref<96x128xf32, #tpu.memory_space<vmem>>
      %dma_wait3A_124 = arith.constant 0 : i32
      %dma_wait3A_125 = tpu.memref_slice %arg8[%dma_wait3A_124] : memref<6400xi32, #tpu.memory_space<vmem>> -> memref<96xi32, #tpu.memory_space<vmem>>
      %dma_wait3A_126 = arith.constant 0 : i32
      %dma_wait3A_127 = arith.constant 0 : i32
      %dma_wait3A_128 = tpu.memref_slice %arg3[%dma_wait3A_126, %dma_wait3A_127] : memref<100000x128xf32, #tpu.memory_space<hbm>> -> memref<100000x128xf32, #tpu.memory_space<hbm>>
      tpu.wait_indirect_dma semaphore(%arg15 : memref<!tpu.dma_semaphore, #tpu.memory_space<semaphore_mem>>) src(%dma_wait3A_128 : memref<100000x128xf32, #tpu.memory_space<hbm>>) dst(%dma_wait3A_123 : memref<96x128xf32, #tpu.memory_space<vmem>>)
      %scan3A_129 = arith.constant 0 : i32
      %scan3A_130 = arith.constant 0 : i32
      %scan3A_131 = arith.constant 40 : i32
      %scan3A_132 = arith.addi %scan3A_130, %scan3A_131 : i32
      %scan3A_133 = arith.constant 1 : i32
      scf.for %scan3A_264 = %scan3A_130 to %scan3A_132 step %scan3A_133  : i32 {
        %mul3A_265 = arith.constant 5 : i32
        %mul3A_266 = arith.muli %scan3A_264, %mul3A_265 : i32
        %add3A_267 = arith.constant 0 : i32
        %add3A_268 = arith.addi %mul3A_266, %add3A_267 : i32
        %get3A_269 = arith.index_cast %add3A_268 : i32 to index
        %get3A_270 = arith.constant 0 : index
        %get3A_271 = tpu.vector_load %arg9[%get3A_269, %get3A_270] {strides = array<i32>} : memref<200x128xf32, #tpu.memory_space<vmem>>, vector<16xf32>,
        %get3A_272 = arith.index_cast %add3A_268 : i32 to index
        %get3A_273 = arith.constant 0 : index
        %get3A_274 = tpu.vector_load %arg12[%get3A_272, %get3A_273] {strides = array<i32>} : memref<200x128xf32, #tpu.memory_space<vmem>>, vector<16xf32>,
        %add3A_275 = arith.addf %get3A_271, %get3A_274 : vector<16xf32>
        %get3A_276 = arith.index_cast %add3A_268 : i32 to index
        %get3A_277 = arith.constant 16 : index
        %get3A_278 = tpu.vector_load %arg9[%get3A_276, %get3A_277] {strides = array<i32>} : memref<200x128xf32, #tpu.memory_space<vmem>>, vector<16xf32>,
        %get3A_279 = arith.index_cast %add3A_268 : i32 to index
        %get3A_280 = arith.constant 16 : index
        %get3A_281 = tpu.vector_load %arg12[%get3A_279, %get3A_280] {strides = array<i32>} : memref<200x128xf32, #tpu.memory_space<vmem>>, vector<16xf32>,
        %add3A_282 = arith.addf %get3A_278, %get3A_281 : vector<16xf32>
        %get3A_283 = arith.index_cast %add3A_268 : i32 to index
        %get3A_284 = arith.constant 32 : index
        %get3A_285 = tpu.vector_load %arg9[%get3A_283, %get3A_284] {strides = array<i32>} : memref<200x128xf32, #tpu.memory_space<vmem>>, vector<16xf32>,
        %get3A_286 = arith.index_cast %add3A_268 : i32 to index
        %get3A_287 = arith.constant 32 : index
        %get3A_288 = tpu.vector_load %arg12[%get3A_286, %get3A_287] {strides = array<i32>} : memref<200x128xf32, #tpu.memory_space<vmem>>, vector<16xf32>,
        %add3A_289 = arith.addf %get3A_285, %get3A_288 : vector<16xf32>
        %get3A_290 = arith.index_cast %add3A_268 : i32 to index
        %get3A_291 = arith.constant 48 : index
        %get3A_292 = tpu.vector_load %arg9[%get3A_290, %get3A_291] {strides = array<i32>} : memref<200x128xf32, #tpu.memory_space<vmem>>, vector<16xf32>,
        %get3A_293 = arith.index_cast %add3A_268 : i32 to index
        %get3A_294 = arith.constant 48 : index
        %get3A_295 = tpu.vector_load %arg12[%get3A_293, %get3A_294] {strides = array<i32>} : memref<200x128xf32, #tpu.memory_space<vmem>>, vector<16xf32>,
        %add3A_296 = arith.addf %get3A_292, %get3A_295 : vector<16xf32>
        %get3A_297 = arith.index_cast %add3A_268 : i32 to index
        %get3A_298 = arith.constant 64 : index
        %get3A_299 = tpu.vector_load %arg9[%get3A_297, %get3A_298] {strides = array<i32>} : memref<200x128xf32, #tpu.memory_space<vmem>>, vector<16xf32>,
        %get3A_300 = arith.index_cast %add3A_268 : i32 to index
        %get3A_301 = arith.constant 64 : index
        %get3A_302 = tpu.vector_load %arg12[%get3A_300, %get3A_301] {strides = array<i32>} : memref<200x128xf32, #tpu.memory_space<vmem>>, vector<16xf32>,
        %add3A_303 = arith.addf %get3A_299, %get3A_302 : vector<16xf32>
        %get3A_304 = arith.index_cast %add3A_268 : i32 to index
        %get3A_305 = arith.constant 80 : index
        %get3A_306 = tpu.vector_load %arg9[%get3A_304, %get3A_305] {strides = array<i32>} : memref<200x128xf32, #tpu.memory_space<vmem>>, vector<16xf32>,
        %get3A_307 = arith.index_cast %add3A_268 : i32 to index
        %get3A_308 = arith.constant 80 : index
        %get3A_309 = tpu.vector_load %arg12[%get3A_307, %get3A_308] {strides = array<i32>} : memref<200x128xf32, #tpu.memory_space<vmem>>, vector<16xf32>,
        %add3A_310 = arith.addf %get3A_306, %get3A_309 : vector<16xf32>
        %get3A_311 = arith.index_cast %add3A_268 : i32 to index
        %get3A_312 = arith.constant 96 : index
        %get3A_313 = tpu.vector_load %arg9[%get3A_311, %get3A_312] {strides = array<i32>} : memref<200x128xf32, #tpu.memory_space<vmem>>, vector<16xf32>,
        %get3A_314 = arith.index_cast %add3A_268 : i32 to index
        %get3A_315 = arith.constant 96 : index
        %get3A_316 = tpu.vector_load %arg12[%get3A_314, %get3A_315] {strides = array<i32>} : memref<200x128xf32, #tpu.memory_space<vmem>>, vector<16xf32>,
        %add3A_317 = arith.addf %get3A_313, %get3A_316 : vector<16xf32>
        %get3A_318 = arith.index_cast %add3A_268 : i32 to index
        %get3A_319 = arith.constant 112 : index
        %get3A_320 = tpu.vector_load %arg9[%get3A_318, %get3A_319] {strides = array<i32>} : memref<200x128xf32, #tpu.memory_space<vmem>>, vector<16xf32>,
        %get3A_321 = arith.index_cast %add3A_268 : i32 to index
        %get3A_322 = arith.constant 112 : index
        %get3A_323 = tpu.vector_load %arg12[%get3A_321, %get3A_322] {strides = array<i32>} : memref<200x128xf32, #tpu.memory_space<vmem>>, vector<16xf32>,
        %add3A_324 = arith.addf %get3A_320, %get3A_323 : vector<16xf32>
        %add3A_325 = arith.addf %add3A_275, %add3A_282 : vector<16xf32>
        %add3A_326 = arith.addf %add3A_325, %add3A_289 : vector<16xf32>
        %add3A_327 = arith.addf %add3A_326, %add3A_296 : vector<16xf32>
        %add3A_328 = arith.addf %add3A_327, %add3A_303 : vector<16xf32>
        %add3A_329 = arith.addf %add3A_328, %add3A_310 : vector<16xf32>
        %add3A_330 = arith.addf %add3A_329, %add3A_317 : vector<16xf32>
        %add3A_331 = arith.addf %add3A_330, %add3A_324 : vector<16xf32>
        %mul3A_332 = arith.mulf %add3A_275, %add3A_275 : vector<16xf32>
        %mul3A_333 = arith.mulf %add3A_282, %add3A_282 : vector<16xf32>
        %add3A_334 = arith.addf %mul3A_332, %mul3A_333 : vector<16xf32>
        %mul3A_335 = arith.mulf %add3A_289, %add3A_289 : vector<16xf32>
        %add3A_336 = arith.addf %add3A_334, %mul3A_335 : vector<16xf32>
        %mul3A_337 = arith.mulf %add3A_296, %add3A_296 : vector<16xf32>
        %add3A_338 = arith.addf %add3A_336, %mul3A_337 : vector<16xf32>
        %mul3A_339 = arith.mulf %add3A_303, %add3A_303 : vector<16xf32>
        %add3A_340 = arith.addf %add3A_338, %mul3A_339 : vector<16xf32>
        %mul3A_341 = arith.mulf %add3A_310, %add3A_310 : vector<16xf32>
        %add3A_342 = arith.addf %add3A_340, %mul3A_341 : vector<16xf32>
        %mul3A_343 = arith.mulf %add3A_317, %add3A_317 : vector<16xf32>
        %add3A_344 = arith.addf %add3A_342, %mul3A_343 : vector<16xf32>
        %mul3A_345 = arith.mulf %add3A_324, %add3A_324 : vector<16xf32>
        %add3A_346 = arith.addf %add3A_344, %mul3A_345 : vector<16xf32>
        %reduce_sum3A = arith.constant true
        %reduce_sum3A_347 = vector.broadcast %reduce_sum3A : i1 to vector<16xi1>
        %reduce_sum3A_348 = tpu.scan <sum>, %add3A_331 masked %reduce_sum3A_347 : vector<16xf32>, vector<16xi1> -> vector<16xf32>
        %reduce_sum3A_349 = vector.extract %reduce_sum3A_348[15] : f32 from vector<16xf32>
        %reduce_sum3A_350 = arith.constant true
        %reduce_sum3A_351 = vector.broadcast %reduce_sum3A_350 : i1 to vector<16xi1>
        %reduce_sum3A_352 = tpu.scan <sum>, %add3A_346 masked %reduce_sum3A_351 : vector<16xf32>, vector<16xi1> -> vector<16xf32>
        %reduce_sum3A_353 = vector.extract %reduce_sum3A_352[15] : f32 from vector<16xf32>
        %mul3A_354 = arith.constant 7.812500e-03 : f32
        %mul3A_355 = arith.mulf %reduce_sum3A_349, %mul3A_354 : f32
        %mul3A_356 = arith.constant 7.812500e-03 : f32
        %mul3A_357 = arith.mulf %reduce_sum3A_353, %mul3A_356 : f32
        %mul3A_358 = arith.mulf %mul3A_355, %mul3A_355 : f32
        %sub3A = arith.subf %mul3A_357, %mul3A_358 : f32
        %add3A_359 = arith.constant 9.99999996E-13 : f32
        %add3A_360 = arith.addf %sub3A, %add3A_359 : f32
        %bitcast_convert_type3A = arith.bitcast %add3A_360 : f32 to i32
        %shift_right_logical3A = arith.constant 1 : i32
        %shift_right_logical3A_361 = arith.shrui %bitcast_convert_type3A, %shift_right_logical3A : i32
        %sub3A_362 = arith.constant 1597463007 : i32
        %sub3A_363 = arith.subi %sub3A_362, %shift_right_logical3A_361 : i32
        %bitcast_convert_type3A_364 = arith.bitcast %sub3A_363 : i32 to f32
        %mul3A_365 = arith.constant 5.000000e-01 : f32
        %mul3A_366 = arith.mulf %add3A_360, %mul3A_365 : f32
        %mul3A_367 = arith.mulf %bitcast_convert_type3A_364, %bitcast_convert_type3A_364 : f32
        %mul3A_368 = arith.mulf %mul3A_366, %mul3A_367 : f32
        %sub3A_369 = arith.constant 1.500000e+00 : f32
        %sub3A_370 = arith.subf %sub3A_369, %mul3A_368 : f32
        %mul3A_371 = arith.mulf %bitcast_convert_type3A_364, %sub3A_370 : f32
        %mul3A_372 = arith.mulf %mul3A_371, %mul3A_371 : f32
        %mul3A_373 = arith.mulf %mul3A_366, %mul3A_372 : f32
        %sub3A_374 = arith.constant 1.500000e+00 : f32
        %sub3A_375 = arith.subf %sub3A_374, %mul3A_373 : f32
        %mul3A_376 = arith.mulf %mul3A_371, %sub3A_375 : f32
        %sub3A_377 = vector.broadcast %mul3A_355 : f32 to vector<16xf32>
        %sub3A_378 = arith.subf %add3A_275, %sub3A_377 : vector<16xf32>
        %mul3A_379 = vector.broadcast %mul3A_376 : f32 to vector<16xf32>
        %mul3A_380 = arith.mulf %mul3A_379, %get3A_3 : vector<16xf32>
        %mul3A_381 = arith.mulf %sub3A_378, %mul3A_380 : vector<16xf32>
        %add3A_382 = arith.addf %mul3A_381, %get3A_19 : vector<16xf32>
        %swap3A = arith.index_cast %add3A_268 : i32 to index
        %swap3A_383 = arith.constant 0 : index
        %swap3A_384 = tpu.vector_load %arg9[%swap3A, %swap3A_383] {strides = array<i32>} : memref<200x128xf32, #tpu.memory_space<vmem>>, vector<16xf32>,
        tpu.vector_store %arg9[%swap3A, %swap3A_383], %add3A_382 {strides = array<i32>} : memref<200x128xf32, #tpu.memory_space<vmem>>, vector<16xf32>,
        %sub3A_385 = vector.broadcast %mul3A_355 : f32 to vector<16xf32>
        %sub3A_386 = arith.subf %add3A_282, %sub3A_385 : vector<16xf32>
        %mul3A_387 = vector.broadcast %mul3A_376 : f32 to vector<16xf32>
        %mul3A_388 = arith.mulf %mul3A_387, %get3A_5 : vector<16xf32>
        %mul3A_389 = arith.mulf %sub3A_386, %mul3A_388 : vector<16xf32>
        %add3A_390 = arith.addf %mul3A_389, %get3A_21 : vector<16xf32>
        %swap3A_391 = arith.index_cast %add3A_268 : i32 to index
        %swap3A_392 = arith.constant 16 : index
        %swap3A_393 = tpu.vector_load %arg9[%swap3A_391, %swap3A_392] {strides = array<i32>} : memref<200x128xf32, #tpu.memory_space<vmem>>, vector<16xf32>,
        tpu.vector_store %arg9[%swap3A_391, %swap3A_392], %add3A_390 {strides = array<i32>} : memref<200x128xf32, #tpu.memory_space<vmem>>, vector<16xf32>,
        %sub3A_394 = vector.broadcast %mul3A_355 : f32 to vector<16xf32>
        %sub3A_395 = arith.subf %add3A_289, %sub3A_394 : vector<16xf32>
        %mul3A_396 = vector.broadcast %mul3A_376 : f32 to vector<16xf32>
        %mul3A_397 = arith.mulf %mul3A_396, %get3A_7 : vector<16xf32>
        %mul3A_398 = arith.mulf %sub3A_395, %mul3A_397 : vector<16xf32>
        %add3A_399 = arith.addf %mul3A_398, %get3A_23 : vector<16xf32>
        %swap3A_400 = arith.index_cast %add3A_268 : i32 to index
        %swap3A_401 = arith.constant 32 : index
        %swap3A_402 = tpu.vector_load %arg9[%swap3A_400, %swap3A_401] {strides = array<i32>} : memref<200x128xf32, #tpu.memory_space<vmem>>, vector<16xf32>,
        tpu.vector_store %arg9[%swap3A_400, %swap3A_401], %add3A_399 {strides = array<i32>} : memref<200x128xf32, #tpu.memory_space<vmem>>, vector<16xf32>,
        %sub3A_403 = vector.broadcast %mul3A_355 : f32 to vector<16xf32>
        %sub3A_404 = arith.subf %add3A_296, %sub3A_403 : vector<16xf32>
        %mul3A_405 = vector.broadcast %mul3A_376 : f32 to vector<16xf32>
        %mul3A_406 = arith.mulf %mul3A_405, %get3A_9 : vector<16xf32>
        %mul3A_407 = arith.mulf %sub3A_404, %mul3A_406 : vector<16xf32>
        %add3A_408 = arith.addf %mul3A_407, %get3A_25 : vector<16xf32>
        %swap3A_409 = arith.index_cast %add3A_268 : i32 to index
        %swap3A_410 = arith.constant 48 : index
        %swap3A_411 = tpu.vector_load %arg9[%swap3A_409, %swap3A_410] {strides = array<i32>} : memref<200x128xf32, #tpu.memory_space<vmem>>, vector<16xf32>,
        tpu.vector_store %arg9[%swap3A_409, %swap3A_410], %add3A_408 {strides = array<i32>} : memref<200x128xf32, #tpu.memory_space<vmem>>, vector<16xf32>,
        %sub3A_412 = vector.broadcast %mul3A_355 : f32 to vector<16xf32>
        %sub3A_413 = arith.subf %add3A_303, %sub3A_412 : vector<16xf32>
        %mul3A_414 = vector.broadcast %mul3A_376 : f32 to vector<16xf32>
        %mul3A_415 = arith.mulf %mul3A_414, %get3A_11 : vector<16xf32>
        %mul3A_416 = arith.mulf %sub3A_413, %mul3A_415 : vector<16xf32>
        %add3A_417 = arith.addf %mul3A_416, %get3A_27 : vector<16xf32>
        %swap3A_418 = arith.index_cast %add3A_268 : i32 to index
        %swap3A_419 = arith.constant 64 : index
        %swap3A_420 = tpu.vector_load %arg9[%swap3A_418, %swap3A_419] {strides = array<i32>} : memref<200x128xf32, #tpu.memory_space<vmem>>, vector<16xf32>,
        tpu.vector_store %arg9[%swap3A_418, %swap3A_419], %add3A_417 {strides = array<i32>} : memref<200x128xf32, #tpu.memory_space<vmem>>, vector<16xf32>,
        %sub3A_421 = vector.broadcast %mul3A_355 : f32 to vector<16xf32>
        %sub3A_422 = arith.subf %add3A_310, %sub3A_421 : vector<16xf32>
        %mul3A_423 = vector.broadcast %mul3A_376 : f32 to vector<16xf32>
        %mul3A_424 = arith.mulf %mul3A_423, %get3A_13 : vector<16xf32>
        %mul3A_425 = arith.mulf %sub3A_422, %mul3A_424 : vector<16xf32>
        %add3A_426 = arith.addf %mul3A_425, %get3A_29 : vector<16xf32>
        %swap3A_427 = arith.index_cast %add3A_268 : i32 to index
        %swap3A_428 = arith.constant 80 : index
        %swap3A_429 = tpu.vector_load %arg9[%swap3A_427, %swap3A_428] {strides = array<i32>} : memref<200x128xf32, #tpu.memory_space<vmem>>, vector<16xf32>,
        tpu.vector_store %arg9[%swap3A_427, %swap3A_428], %add3A_426 {strides = array<i32>} : memref<200x128xf32, #tpu.memory_space<vmem>>, vector<16xf32>,
        %sub3A_430 = vector.broadcast %mul3A_355 : f32 to vector<16xf32>
        %sub3A_431 = arith.subf %add3A_317, %sub3A_430 : vector<16xf32>
        %mul3A_432 = vector.broadcast %mul3A_376 : f32 to vector<16xf32>
        %mul3A_433 = arith.mulf %mul3A_432, %get3A_15 : vector<16xf32>
        %mul3A_434 = arith.mulf %sub3A_431, %mul3A_433 : vector<16xf32>
        %add3A_435 = arith.addf %mul3A_434, %get3A_31 : vector<16xf32>
        %swap3A_436 = arith.index_cast %add3A_268 : i32 to index
        %swap3A_437 = arith.constant 96 : index
        %swap3A_438 = tpu.vector_load %arg9[%swap3A_436, %swap3A_437] {strides = array<i32>} : memref<200x128xf32, #tpu.memory_space<vmem>>, vector<16xf32>,
        tpu.vector_store %arg9[%swap3A_436, %swap3A_437], %add3A_435 {strides = array<i32>} : memref<200x128xf32, #tpu.memory_space<vmem>>, vector<16xf32>,
        %sub3A_439 = vector.broadcast %mul3A_355 : f32 to vector<16xf32>
        %sub3A_440 = arith.subf %add3A_324, %sub3A_439 : vector<16xf32>
        %mul3A_441 = vector.broadcast %mul3A_376 : f32 to vector<16xf32>
        %mul3A_442 = arith.mulf %mul3A_441, %get3A_17 : vector<16xf32>
        %mul3A_443 = arith.mulf %sub3A_440, %mul3A_442 : vector<16xf32>
        %add3A_444 = arith.addf %mul3A_443, %get3A_33 : vector<16xf32>
        %swap3A_445 = arith.index_cast %add3A_268 : i32 to index
        %swap3A_446 = arith.constant 112 : index
        %swap3A_447 = tpu.vector_load %arg9[%swap3A_445, %swap3A_446] {strides = array<i32>} : memref<200x128xf32, #tpu.memory_space<vmem>>, vector<16xf32>,
        tpu.vector_store %arg9[%swap3A_445, %swap3A_446], %add3A_444 {strides = array<i32>} : memref<200x128xf32, #tpu.memory_space<vmem>>, vector<16xf32>,
        %mul3A_448 = arith.constant 5 : i32
        %mul3A_449 = arith.muli %scan3A_264, %mul3A_448 : i32
        %add3A_450 = arith.constant 1 : i32
        %add3A_451 = arith.addi %mul3A_449, %add3A_450 : i32
        %get3A_452 = arith.index_cast %add3A_451 : i32 to index
        %get3A_453 = arith.constant 0 : index
        %get3A_454 = tpu.vector_load %arg9[%get3A_452, %get3A_453] {strides = array<i32>} : memref<200x128xf32, #tpu.memory_space<vmem>>, vector<16xf32>,
        %get3A_455 = arith.index_cast %add3A_451 : i32 to index
        %get3A_456 = arith.constant 0 : index
        %get3A_457 = tpu.vector_load %arg12[%get3A_455, %get3A_456] {strides = array<i32>} : memref<200x128xf32, #tpu.memory_space<vmem>>, vector<16xf32>,
        %add3A_458 = arith.addf %get3A_454, %get3A_457 : vector<16xf32>
        %get3A_459 = arith.index_cast %add3A_451 : i32 to index
        %get3A_460 = arith.constant 16 : index
        %get3A_461 = tpu.vector_load %arg9[%get3A_459, %get3A_460] {strides = array<i32>} : memref<200x128xf32, #tpu.memory_space<vmem>>, vector<16xf32>,
        %get3A_462 = arith.index_cast %add3A_451 : i32 to index
        %get3A_463 = arith.constant 16 : index
        %get3A_464 = tpu.vector_load %arg12[%get3A_462, %get3A_463] {strides = array<i32>} : memref<200x128xf32, #tpu.memory_space<vmem>>, vector<16xf32>,
        %add3A_465 = arith.addf %get3A_461, %get3A_464 : vector<16xf32>
        %get3A_466 = arith.index_cast %add3A_451 : i32 to index
        %get3A_467 = arith.constant 32 : index
        %get3A_468 = tpu.vector_load %arg9[%get3A_466, %get3A_467] {strides = array<i32>} : memref<200x128xf32, #tpu.memory_space<vmem>>, vector<16xf32>,
        %get3A_469 = arith.index_cast %add3A_451 : i32 to index
        %get3A_470 = arith.constant 32 : index
        %get3A_471 = tpu.vector_load %arg12[%get3A_469, %get3A_470] {strides = array<i32>} : memref<200x128xf32, #tpu.memory_space<vmem>>, vector<16xf32>,
        %add3A_472 = arith.addf %get3A_468, %get3A_471 : vector<16xf32>
        %get3A_473 = arith.index_cast %add3A_451 : i32 to index
        %get3A_474 = arith.constant 48 : index
        %get3A_475 = tpu.vector_load %arg9[%get3A_473, %get3A_474] {strides = array<i32>} : memref<200x128xf32, #tpu.memory_space<vmem>>, vector<16xf32>,
        %get3A_476 = arith.index_cast %add3A_451 : i32 to index
        %get3A_477 = arith.constant 48 : index
        %get3A_478 = tpu.vector_load %arg12[%get3A_476, %get3A_477] {strides = array<i32>} : memref<200x128xf32, #tpu.memory_space<vmem>>, vector<16xf32>,
        %add3A_479 = arith.addf %get3A_475, %get3A_478 : vector<16xf32>
        %get3A_480 = arith.index_cast %add3A_451 : i32 to index
        %get3A_481 = arith.constant 64 : index
        %get3A_482 = tpu.vector_load %arg9[%get3A_480, %get3A_481] {strides = array<i32>} : memref<200x128xf32, #tpu.memory_space<vmem>>, vector<16xf32>,
        %get3A_483 = arith.index_cast %add3A_451 : i32 to index
        %get3A_484 = arith.constant 64 : index
        %get3A_485 = tpu.vector_load %arg12[%get3A_483, %get3A_484] {strides = array<i32>} : memref<200x128xf32, #tpu.memory_space<vmem>>, vector<16xf32>,
        %add3A_486 = arith.addf %get3A_482, %get3A_485 : vector<16xf32>
        %get3A_487 = arith.index_cast %add3A_451 : i32 to index
        %get3A_488 = arith.constant 80 : index
        %get3A_489 = tpu.vector_load %arg9[%get3A_487, %get3A_488] {strides = array<i32>} : memref<200x128xf32, #tpu.memory_space<vmem>>, vector<16xf32>,
        %get3A_490 = arith.index_cast %add3A_451 : i32 to index
        %get3A_491 = arith.constant 80 : index
        %get3A_492 = tpu.vector_load %arg12[%get3A_490, %get3A_491] {strides = array<i32>} : memref<200x128xf32, #tpu.memory_space<vmem>>, vector<16xf32>,
        %add3A_493 = arith.addf %get3A_489, %get3A_492 : vector<16xf32>
        %get3A_494 = arith.index_cast %add3A_451 : i32 to index
        %get3A_495 = arith.constant 96 : index
        %get3A_496 = tpu.vector_load %arg9[%get3A_494, %get3A_495] {strides = array<i32>} : memref<200x128xf32, #tpu.memory_space<vmem>>, vector<16xf32>,
        %get3A_497 = arith.index_cast %add3A_451 : i32 to index
        %get3A_498 = arith.constant 96 : index
        %get3A_499 = tpu.vector_load %arg12[%get3A_497, %get3A_498] {strides = array<i32>} : memref<200x128xf32, #tpu.memory_space<vmem>>, vector<16xf32>,
        %add3A_500 = arith.addf %get3A_496, %get3A_499 : vector<16xf32>
        %get3A_501 = arith.index_cast %add3A_451 : i32 to index
        %get3A_502 = arith.constant 112 : index
        %get3A_503 = tpu.vector_load %arg9[%get3A_501, %get3A_502] {strides = array<i32>} : memref<200x128xf32, #tpu.memory_space<vmem>>, vector<16xf32>,
        %get3A_504 = arith.index_cast %add3A_451 : i32 to index
        %get3A_505 = arith.constant 112 : index
        %get3A_506 = tpu.vector_load %arg12[%get3A_504, %get3A_505] {strides = array<i32>} : memref<200x128xf32, #tpu.memory_space<vmem>>, vector<16xf32>,
        %add3A_507 = arith.addf %get3A_503, %get3A_506 : vector<16xf32>
        %add3A_508 = arith.addf %add3A_458, %add3A_465 : vector<16xf32>
        %add3A_509 = arith.addf %add3A_508, %add3A_472 : vector<16xf32>
        %add3A_510 = arith.addf %add3A_509, %add3A_479 : vector<16xf32>
        %add3A_511 = arith.addf %add3A_510, %add3A_486 : vector<16xf32>
        %add3A_512 = arith.addf %add3A_511, %add3A_493 : vector<16xf32>
        %add3A_513 = arith.addf %add3A_512, %add3A_500 : vector<16xf32>
        %add3A_514 = arith.addf %add3A_513, %add3A_507 : vector<16xf32>
        %mul3A_515 = arith.mulf %add3A_458, %add3A_458 : vector<16xf32>
        %mul3A_516 = arith.mulf %add3A_465, %add3A_465 : vector<16xf32>
        %add3A_517 = arith.addf %mul3A_515, %mul3A_516 : vector<16xf32>
        %mul3A_518 = arith.mulf %add3A_472, %add3A_472 : vector<16xf32>
        %add3A_519 = arith.addf %add3A_517, %mul3A_518 : vector<16xf32>
        %mul3A_520 = arith.mulf %add3A_479, %add3A_479 : vector<16xf32>
        %add3A_521 = arith.addf %add3A_519, %mul3A_520 : vector<16xf32>
        %mul3A_522 = arith.mulf %add3A_486, %add3A_486 : vector<16xf32>
        %add3A_523 = arith.addf %add3A_521, %mul3A_522 : vector<16xf32>
        %mul3A_524 = arith.mulf %add3A_493, %add3A_493 : vector<16xf32>
        %add3A_525 = arith.addf %add3A_523, %mul3A_524 : vector<16xf32>
        %mul3A_526 = arith.mulf %add3A_500, %add3A_500 : vector<16xf32>
        %add3A_527 = arith.addf %add3A_525, %mul3A_526 : vector<16xf32>
        %mul3A_528 = arith.mulf %add3A_507, %add3A_507 : vector<16xf32>
        %add3A_529 = arith.addf %add3A_527, %mul3A_528 : vector<16xf32>
        %reduce_sum3A_530 = arith.constant true
        %reduce_sum3A_531 = vector.broadcast %reduce_sum3A_530 : i1 to vector<16xi1>
        %reduce_sum3A_532 = tpu.scan <sum>, %add3A_514 masked %reduce_sum3A_531 : vector<16xf32>, vector<16xi1> -> vector<16xf32>
        %reduce_sum3A_533 = vector.extract %reduce_sum3A_532[15] : f32 from vector<16xf32>
        %reduce_sum3A_534 = arith.constant true
        %reduce_sum3A_535 = vector.broadcast %reduce_sum3A_534 : i1 to vector<16xi1>
        %reduce_sum3A_536 = tpu.scan <sum>, %add3A_529 masked %reduce_sum3A_535 : vector<16xf32>, vector<16xi1> -> vector<16xf32>
        %reduce_sum3A_537 = vector.extract %reduce_sum3A_536[15] : f32 from vector<16xf32>
        %mul3A_538 = arith.constant 7.812500e-03 : f32
        %mul3A_539 = arith.mulf %reduce_sum3A_533, %mul3A_538 : f32
        %mul3A_540 = arith.constant 7.812500e-03 : f32
        %mul3A_541 = arith.mulf %reduce_sum3A_537, %mul3A_540 : f32
        %mul3A_542 = arith.mulf %mul3A_539, %mul3A_539 : f32
        %sub3A_543 = arith.subf %mul3A_541, %mul3A_542 : f32
        %add3A_544 = arith.constant 9.99999996E-13 : f32
        %add3A_545 = arith.addf %sub3A_543, %add3A_544 : f32
        %bitcast_convert_type3A_546 = arith.bitcast %add3A_545 : f32 to i32
        %shift_right_logical3A_547 = arith.constant 1 : i32
        %shift_right_logical3A_548 = arith.shrui %bitcast_convert_type3A_546, %shift_right_logical3A_547 : i32
        %sub3A_549 = arith.constant 1597463007 : i32
        %sub3A_550 = arith.subi %sub3A_549, %shift_right_logical3A_548 : i32
        %bitcast_convert_type3A_551 = arith.bitcast %sub3A_550 : i32 to f32
        %mul3A_552 = arith.constant 5.000000e-01 : f32
        %mul3A_553 = arith.mulf %add3A_545, %mul3A_552 : f32
        %mul3A_554 = arith.mulf %bitcast_convert_type3A_551, %bitcast_convert_type3A_551 : f32
        %mul3A_555 = arith.mulf %mul3A_553, %mul3A_554 : f32
        %sub3A_556 = arith.constant 1.500000e+00 : f32
        %sub3A_557 = arith.subf %sub3A_556, %mul3A_555 : f32
        %mul3A_558 = arith.mulf %bitcast_convert_type3A_551, %sub3A_557 : f32
        %mul3A_559 = arith.mulf %mul3A_558, %mul3A_558 : f32
        %mul3A_560 = arith.mulf %mul3A_553, %mul3A_559 : f32
        %sub3A_561 = arith.constant 1.500000e+00 : f32
        %sub3A_562 = arith.subf %sub3A_561, %mul3A_560 : f32
        %mul3A_563 = arith.mulf %mul3A_558, %sub3A_562 : f32
        %sub3A_564 = vector.broadcast %mul3A_539 : f32 to vector<16xf32>
        %sub3A_565 = arith.subf %add3A_458, %sub3A_564 : vector<16xf32>
        %mul3A_566 = vector.broadcast %mul3A_563 : f32 to vector<16xf32>
        %mul3A_567 = arith.mulf %mul3A_566, %get3A_3 : vector<16xf32>
        %mul3A_568 = arith.mulf %sub3A_565, %mul3A_567 : vector<16xf32>
        %add3A_569 = arith.addf %mul3A_568, %get3A_19 : vector<16xf32>
        %swap3A_570 = arith.index_cast %add3A_451 : i32 to index
        %swap3A_571 = arith.constant 0 : index
        %swap3A_572 = tpu.vector_load %arg9[%swap3A_570, %swap3A_571] {strides = array<i32>} : memref<200x128xf32, #tpu.memory_space<vmem>>, vector<16xf32>,
        tpu.vector_store %arg9[%swap3A_570, %swap3A_571], %add3A_569 {strides = array<i32>} : memref<200x128xf32, #tpu.memory_space<vmem>>, vector<16xf32>,
        %sub3A_573 = vector.broadcast %mul3A_539 : f32 to vector<16xf32>
        %sub3A_574 = arith.subf %add3A_465, %sub3A_573 : vector<16xf32>
        %mul3A_575 = vector.broadcast %mul3A_563 : f32 to vector<16xf32>
        %mul3A_576 = arith.mulf %mul3A_575, %get3A_5 : vector<16xf32>
        %mul3A_577 = arith.mulf %sub3A_574, %mul3A_576 : vector<16xf32>
        %add3A_578 = arith.addf %mul3A_577, %get3A_21 : vector<16xf32>
        %swap3A_579 = arith.index_cast %add3A_451 : i32 to index
        %swap3A_580 = arith.constant 16 : index
        %swap3A_581 = tpu.vector_load %arg9[%swap3A_579, %swap3A_580] {strides = array<i32>} : memref<200x128xf32, #tpu.memory_space<vmem>>, vector<16xf32>,
        tpu.vector_store %arg9[%swap3A_579, %swap3A_580], %add3A_578 {strides = array<i32>} : memref<200x128xf32, #tpu.memory_space<vmem>>, vector<16xf32>,
        %sub3A_582 = vector.broadcast %mul3A_539 : f32 to vector<16xf32>
        %sub3A_583 = arith.subf %add3A_472, %sub3A_582 : vector<16xf32>
        %mul3A_584 = vector.broadcast %mul3A_563 : f32 to vector<16xf32>
        %mul3A_585 = arith.mulf %mul3A_584, %get3A_7 : vector<16xf32>
        %mul3A_586 = arith.mulf %sub3A_583, %mul3A_585 : vector<16xf32>
        %add3A_587 = arith.addf %mul3A_586, %get3A_23 : vector<16xf32>
        %swap3A_588 = arith.index_cast %add3A_451 : i32 to index
        %swap3A_589 = arith.constant 32 : index
        %swap3A_590 = tpu.vector_load %arg9[%swap3A_588, %swap3A_589] {strides = array<i32>} : memref<200x128xf32, #tpu.memory_space<vmem>>, vector<16xf32>,
        tpu.vector_store %arg9[%swap3A_588, %swap3A_589], %add3A_587 {strides = array<i32>} : memref<200x128xf32, #tpu.memory_space<vmem>>, vector<16xf32>,
        %sub3A_591 = vector.broadcast %mul3A_539 : f32 to vector<16xf32>
        %sub3A_592 = arith.subf %add3A_479, %sub3A_591 : vector<16xf32>
        %mul3A_593 = vector.broadcast %mul3A_563 : f32 to vector<16xf32>
        %mul3A_594 = arith.mulf %mul3A_593, %get3A_9 : vector<16xf32>
        %mul3A_595 = arith.mulf %sub3A_592, %mul3A_594 : vector<16xf32>
        %add3A_596 = arith.addf %mul3A_595, %get3A_25 : vector<16xf32>
        %swap3A_597 = arith.index_cast %add3A_451 : i32 to index
        %swap3A_598 = arith.constant 48 : index
        %swap3A_599 = tpu.vector_load %arg9[%swap3A_597, %swap3A_598] {strides = array<i32>} : memref<200x128xf32, #tpu.memory_space<vmem>>, vector<16xf32>,
        tpu.vector_store %arg9[%swap3A_597, %swap3A_598], %add3A_596 {strides = array<i32>} : memref<200x128xf32, #tpu.memory_space<vmem>>, vector<16xf32>,
        %sub3A_600 = vector.broadcast %mul3A_539 : f32 to vector<16xf32>
        %sub3A_601 = arith.subf %add3A_486, %sub3A_600 : vector<16xf32>
        %mul3A_602 = vector.broadcast %mul3A_563 : f32 to vector<16xf32>
        %mul3A_603 = arith.mulf %mul3A_602, %get3A_11 : vector<16xf32>
        %mul3A_604 = arith.mulf %sub3A_601, %mul3A_603 : vector<16xf32>
        %add3A_605 = arith.addf %mul3A_604, %get3A_27 : vector<16xf32>
        %swap3A_606 = arith.index_cast %add3A_451 : i32 to index
        %swap3A_607 = arith.constant 64 : index
        %swap3A_608 = tpu.vector_load %arg9[%swap3A_606, %swap3A_607] {strides = array<i32>} : memref<200x128xf32, #tpu.memory_space<vmem>>, vector<16xf32>,
        tpu.vector_store %arg9[%swap3A_606, %swap3A_607], %add3A_605 {strides = array<i32>} : memref<200x128xf32, #tpu.memory_space<vmem>>, vector<16xf32>,
        %sub3A_609 = vector.broadcast %mul3A_539 : f32 to vector<16xf32>
        %sub3A_610 = arith.subf %add3A_493, %sub3A_609 : vector<16xf32>
        %mul3A_611 = vector.broadcast %mul3A_563 : f32 to vector<16xf32>
        %mul3A_612 = arith.mulf %mul3A_611, %get3A_13 : vector<16xf32>
        %mul3A_613 = arith.mulf %sub3A_610, %mul3A_612 : vector<16xf32>
        %add3A_614 = arith.addf %mul3A_613, %get3A_29 : vector<16xf32>
        %swap3A_615 = arith.index_cast %add3A_451 : i32 to index
        %swap3A_616 = arith.constant 80 : index
        %swap3A_617 = tpu.vector_load %arg9[%swap3A_615, %swap3A_616] {strides = array<i32>} : memref<200x128xf32, #tpu.memory_space<vmem>>, vector<16xf32>,
        tpu.vector_store %arg9[%swap3A_615, %swap3A_616], %add3A_614 {strides = array<i32>} : memref<200x128xf32, #tpu.memory_space<vmem>>, vector<16xf32>,
        %sub3A_618 = vector.broadcast %mul3A_539 : f32 to vector<16xf32>
        %sub3A_619 = arith.subf %add3A_500, %sub3A_618 : vector<16xf32>
        %mul3A_620 = vector.broadcast %mul3A_563 : f32 to vector<16xf32>
        %mul3A_621 = arith.mulf %mul3A_620, %get3A_15 : vector<16xf32>
        %mul3A_622 = arith.mulf %sub3A_619, %mul3A_621 : vector<16xf32>
        %add3A_623 = arith.addf %mul3A_622, %get3A_31 : vector<16xf32>
        %swap3A_624 = arith.index_cast %add3A_451 : i32 to index
        %swap3A_625 = arith.constant 96 : index
        %swap3A_626 = tpu.vector_load %arg9[%swap3A_624, %swap3A_625] {strides = array<i32>} : memref<200x128xf32, #tpu.memory_space<vmem>>, vector<16xf32>,
        tpu.vector_store %arg9[%swap3A_624, %swap3A_625], %add3A_623 {strides = array<i32>} : memref<200x128xf32, #tpu.memory_space<vmem>>, vector<16xf32>,
        %sub3A_627 = vector.broadcast %mul3A_539 : f32 to vector<16xf32>
        %sub3A_628 = arith.subf %add3A_507, %sub3A_627 : vector<16xf32>
        %mul3A_629 = vector.broadcast %mul3A_563 : f32 to vector<16xf32>
        %mul3A_630 = arith.mulf %mul3A_629, %get3A_17 : vector<16xf32>
        %mul3A_631 = arith.mulf %sub3A_628, %mul3A_630 : vector<16xf32>
        %add3A_632 = arith.addf %mul3A_631, %get3A_33 : vector<16xf32>
        %swap3A_633 = arith.index_cast %add3A_451 : i32 to index
        %swap3A_634 = arith.constant 112 : index
        %swap3A_635 = tpu.vector_load %arg9[%swap3A_633, %swap3A_634] {strides = array<i32>} : memref<200x128xf32, #tpu.memory_space<vmem>>, vector<16xf32>,
        tpu.vector_store %arg9[%swap3A_633, %swap3A_634], %add3A_632 {strides = array<i32>} : memref<200x128xf32, #tpu.memory_space<vmem>>, vector<16xf32>,
        %mul3A_636 = arith.constant 5 : i32
        %mul3A_637 = arith.muli %scan3A_264, %mul3A_636 : i32
        %add3A_638 = arith.constant 2 : i32
        %add3A_639 = arith.addi %mul3A_637, %add3A_638 : i32
        %get3A_640 = arith.index_cast %add3A_639 : i32 to index
        %get3A_641 = arith.constant 0 : index
        %get3A_642 = tpu.vector_load %arg9[%get3A_640, %get3A_641] {strides = array<i32>} : memref<200x128xf32, #tpu.memory_space<vmem>>, vector<16xf32>,
        %get3A_643 = arith.index_cast %add3A_639 : i32 to index
        %get3A_644 = arith.constant 0 : index
        %get3A_645 = tpu.vector_load %arg12[%get3A_643, %get3A_644] {strides = array<i32>} : memref<200x128xf32, #tpu.memory_space<vmem>>, vector<16xf32>,
        %add3A_646 = arith.addf %get3A_642, %get3A_645 : vector<16xf32>
        %get3A_647 = arith.index_cast %add3A_639 : i32 to index
        %get3A_648 = arith.constant 16 : index
        %get3A_649 = tpu.vector_load %arg9[%get3A_647, %get3A_648] {strides = array<i32>} : memref<200x128xf32, #tpu.memory_space<vmem>>, vector<16xf32>,
        %get3A_650 = arith.index_cast %add3A_639 : i32 to index
        %get3A_651 = arith.constant 16 : index
        %get3A_652 = tpu.vector_load %arg12[%get3A_650, %get3A_651] {strides = array<i32>} : memref<200x128xf32, #tpu.memory_space<vmem>>, vector<16xf32>,
        %add3A_653 = arith.addf %get3A_649, %get3A_652 : vector<16xf32>
        %get3A_654 = arith.index_cast %add3A_639 : i32 to index
        %get3A_655 = arith.constant 32 : index
        %get3A_656 = tpu.vector_load %arg9[%get3A_654, %get3A_655] {strides = array<i32>} : memref<200x128xf32, #tpu.memory_space<vmem>>, vector<16xf32>,
        %get3A_657 = arith.index_cast %add3A_639 : i32 to index
        %get3A_658 = arith.constant 32 : index
        %get3A_659 = tpu.vector_load %arg12[%get3A_657, %get3A_658] {strides = array<i32>} : memref<200x128xf32, #tpu.memory_space<vmem>>, vector<16xf32>,
        %add3A_660 = arith.addf %get3A_656, %get3A_659 : vector<16xf32>
        %get3A_661 = arith.index_cast %add3A_639 : i32 to index
        %get3A_662 = arith.constant 48 : index
        %get3A_663 = tpu.vector_load %arg9[%get3A_661, %get3A_662] {strides = array<i32>} : memref<200x128xf32, #tpu.memory_space<vmem>>, vector<16xf32>,
        %get3A_664 = arith.index_cast %add3A_639 : i32 to index
        %get3A_665 = arith.constant 48 : index
        %get3A_666 = tpu.vector_load %arg12[%get3A_664, %get3A_665] {strides = array<i32>} : memref<200x128xf32, #tpu.memory_space<vmem>>, vector<16xf32>,
        %add3A_667 = arith.addf %get3A_663, %get3A_666 : vector<16xf32>
        %get3A_668 = arith.index_cast %add3A_639 : i32 to index
        %get3A_669 = arith.constant 64 : index
        %get3A_670 = tpu.vector_load %arg9[%get3A_668, %get3A_669] {strides = array<i32>} : memref<200x128xf32, #tpu.memory_space<vmem>>, vector<16xf32>,
        %get3A_671 = arith.index_cast %add3A_639 : i32 to index
        %get3A_672 = arith.constant 64 : index
        %get3A_673 = tpu.vector_load %arg12[%get3A_671, %get3A_672] {strides = array<i32>} : memref<200x128xf32, #tpu.memory_space<vmem>>, vector<16xf32>,
        %add3A_674 = arith.addf %get3A_670, %get3A_673 : vector<16xf32>
        %get3A_675 = arith.index_cast %add3A_639 : i32 to index
        %get3A_676 = arith.constant 80 : index
        %get3A_677 = tpu.vector_load %arg9[%get3A_675, %get3A_676] {strides = array<i32>} : memref<200x128xf32, #tpu.memory_space<vmem>>, vector<16xf32>,
        %get3A_678 = arith.index_cast %add3A_639 : i32 to index
        %get3A_679 = arith.constant 80 : index
        %get3A_680 = tpu.vector_load %arg12[%get3A_678, %get3A_679] {strides = array<i32>} : memref<200x128xf32, #tpu.memory_space<vmem>>, vector<16xf32>,
        %add3A_681 = arith.addf %get3A_677, %get3A_680 : vector<16xf32>
        %get3A_682 = arith.index_cast %add3A_639 : i32 to index
        %get3A_683 = arith.constant 96 : index
        %get3A_684 = tpu.vector_load %arg9[%get3A_682, %get3A_683] {strides = array<i32>} : memref<200x128xf32, #tpu.memory_space<vmem>>, vector<16xf32>,
        %get3A_685 = arith.index_cast %add3A_639 : i32 to index
        %get3A_686 = arith.constant 96 : index
        %get3A_687 = tpu.vector_load %arg12[%get3A_685, %get3A_686] {strides = array<i32>} : memref<200x128xf32, #tpu.memory_space<vmem>>, vector<16xf32>,
        %add3A_688 = arith.addf %get3A_684, %get3A_687 : vector<16xf32>
        %get3A_689 = arith.index_cast %add3A_639 : i32 to index
        %get3A_690 = arith.constant 112 : index
        %get3A_691 = tpu.vector_load %arg9[%get3A_689, %get3A_690] {strides = array<i32>} : memref<200x128xf32, #tpu.memory_space<vmem>>, vector<16xf32>,
        %get3A_692 = arith.index_cast %add3A_639 : i32 to index
        %get3A_693 = arith.constant 112 : index
        %get3A_694 = tpu.vector_load %arg12[%get3A_692, %get3A_693] {strides = array<i32>} : memref<200x128xf32, #tpu.memory_space<vmem>>, vector<16xf32>,
        %add3A_695 = arith.addf %get3A_691, %get3A_694 : vector<16xf32>
        %add3A_696 = arith.addf %add3A_646, %add3A_653 : vector<16xf32>
        %add3A_697 = arith.addf %add3A_696, %add3A_660 : vector<16xf32>
        %add3A_698 = arith.addf %add3A_697, %add3A_667 : vector<16xf32>
        %add3A_699 = arith.addf %add3A_698, %add3A_674 : vector<16xf32>
        %add3A_700 = arith.addf %add3A_699, %add3A_681 : vector<16xf32>
        %add3A_701 = arith.addf %add3A_700, %add3A_688 : vector<16xf32>
        %add3A_702 = arith.addf %add3A_701, %add3A_695 : vector<16xf32>
        %mul3A_703 = arith.mulf %add3A_646, %add3A_646 : vector<16xf32>
        %mul3A_704 = arith.mulf %add3A_653, %add3A_653 : vector<16xf32>
        %add3A_705 = arith.addf %mul3A_703, %mul3A_704 : vector<16xf32>
        %mul3A_706 = arith.mulf %add3A_660, %add3A_660 : vector<16xf32>
        %add3A_707 = arith.addf %add3A_705, %mul3A_706 : vector<16xf32>
        %mul3A_708 = arith.mulf %add3A_667, %add3A_667 : vector<16xf32>
        %add3A_709 = arith.addf %add3A_707, %mul3A_708 : vector<16xf32>
        %mul3A_710 = arith.mulf %add3A_674, %add3A_674 : vector<16xf32>
        %add3A_711 = arith.addf %add3A_709, %mul3A_710 : vector<16xf32>
        %mul3A_712 = arith.mulf %add3A_681, %add3A_681 : vector<16xf32>
        %add3A_713 = arith.addf %add3A_711, %mul3A_712 : vector<16xf32>
        %mul3A_714 = arith.mulf %add3A_688, %add3A_688 : vector<16xf32>
        %add3A_715 = arith.addf %add3A_713, %mul3A_714 : vector<16xf32>
        %mul3A_716 = arith.mulf %add3A_695, %add3A_695 : vector<16xf32>
        %add3A_717 = arith.addf %add3A_715, %mul3A_716 : vector<16xf32>
        %reduce_sum3A_718 = arith.constant true
        %reduce_sum3A_719 = vector.broadcast %reduce_sum3A_718 : i1 to vector<16xi1>
        %reduce_sum3A_720 = tpu.scan <sum>, %add3A_702 masked %reduce_sum3A_719 : vector<16xf32>, vector<16xi1> -> vector<16xf32>
        %reduce_sum3A_721 = vector.extract %reduce_sum3A_720[15] : f32 from vector<16xf32>
        %reduce_sum3A_722 = arith.constant true
        %reduce_sum3A_723 = vector.broadcast %reduce_sum3A_722 : i1 to vector<16xi1>
        %reduce_sum3A_724 = tpu.scan <sum>, %add3A_717 masked %reduce_sum3A_723 : vector<16xf32>, vector<16xi1> -> vector<16xf32>
        %reduce_sum3A_725 = vector.extract %reduce_sum3A_724[15] : f32 from vector<16xf32>
        %mul3A_726 = arith.constant 7.812500e-03 : f32
        %mul3A_727 = arith.mulf %reduce_sum3A_721, %mul3A_726 : f32
        %mul3A_728 = arith.constant 7.812500e-03 : f32
        %mul3A_729 = arith.mulf %reduce_sum3A_725, %mul3A_728 : f32
        %mul3A_730 = arith.mulf %mul3A_727, %mul3A_727 : f32
        %sub3A_731 = arith.subf %mul3A_729, %mul3A_730 : f32
        %add3A_732 = arith.constant 9.99999996E-13 : f32
        %add3A_733 = arith.addf %sub3A_731, %add3A_732 : f32
        %bitcast_convert_type3A_734 = arith.bitcast %add3A_733 : f32 to i32
        %shift_right_logical3A_735 = arith.constant 1 : i32
        %shift_right_logical3A_736 = arith.shrui %bitcast_convert_type3A_734, %shift_right_logical3A_735 : i32
        %sub3A_737 = arith.constant 1597463007 : i32
        %sub3A_738 = arith.subi %sub3A_737, %shift_right_logical3A_736 : i32
        %bitcast_convert_type3A_739 = arith.bitcast %sub3A_738 : i32 to f32
        %mul3A_740 = arith.constant 5.000000e-01 : f32
        %mul3A_741 = arith.mulf %add3A_733, %mul3A_740 : f32
        %mul3A_742 = arith.mulf %bitcast_convert_type3A_739, %bitcast_convert_type3A_739 : f32
        %mul3A_743 = arith.mulf %mul3A_741, %mul3A_742 : f32
        %sub3A_744 = arith.constant 1.500000e+00 : f32
        %sub3A_745 = arith.subf %sub3A_744, %mul3A_743 : f32
        %mul3A_746 = arith.mulf %bitcast_convert_type3A_739, %sub3A_745 : f32
        %mul3A_747 = arith.mulf %mul3A_746, %mul3A_746 : f32
        %mul3A_748 = arith.mulf %mul3A_741, %mul3A_747 : f32
        %sub3A_749 = arith.constant 1.500000e+00 : f32
        %sub3A_750 = arith.subf %sub3A_749, %mul3A_748 : f32
        %mul3A_751 = arith.mulf %mul3A_746, %sub3A_750 : f32
        %sub3A_752 = vector.broadcast %mul3A_727 : f32 to vector<16xf32>
        %sub3A_753 = arith.subf %add3A_646, %sub3A_752 : vector<16xf32>
        %mul3A_754 = vector.broadcast %mul3A_751 : f32 to vector<16xf32>
        %mul3A_755 = arith.mulf %mul3A_754, %get3A_3 : vector<16xf32>
        %mul3A_756 = arith.mulf %sub3A_753, %mul3A_755 : vector<16xf32>
        %add3A_757 = arith.addf %mul3A_756, %get3A_19 : vector<16xf32>
        %swap3A_758 = arith.index_cast %add3A_639 : i32 to index
        %swap3A_759 = arith.constant 0 : index
        %swap3A_760 = tpu.vector_load %arg9[%swap3A_758, %swap3A_759] {strides = array<i32>} : memref<200x128xf32, #tpu.memory_space<vmem>>, vector<16xf32>,
        tpu.vector_store %arg9[%swap3A_758, %swap3A_759], %add3A_757 {strides = array<i32>} : memref<200x128xf32, #tpu.memory_space<vmem>>, vector<16xf32>,
        %sub3A_761 = vector.broadcast %mul3A_727 : f32 to vector<16xf32>
        %sub3A_762 = arith.subf %add3A_653, %sub3A_761 : vector<16xf32>
        %mul3A_763 = vector.broadcast %mul3A_751 : f32 to vector<16xf32>
        %mul3A_764 = arith.mulf %mul3A_763, %get3A_5 : vector<16xf32>
        %mul3A_765 = arith.mulf %sub3A_762, %mul3A_764 : vector<16xf32>
        %add3A_766 = arith.addf %mul3A_765, %get3A_21 : vector<16xf32>
        %swap3A_767 = arith.index_cast %add3A_639 : i32 to index
        %swap3A_768 = arith.constant 16 : index
        %swap3A_769 = tpu.vector_load %arg9[%swap3A_767, %swap3A_768] {strides = array<i32>} : memref<200x128xf32, #tpu.memory_space<vmem>>, vector<16xf32>,
        tpu.vector_store %arg9[%swap3A_767, %swap3A_768], %add3A_766 {strides = array<i32>} : memref<200x128xf32, #tpu.memory_space<vmem>>, vector<16xf32>,
        %sub3A_770 = vector.broadcast %mul3A_727 : f32 to vector<16xf32>
        %sub3A_771 = arith.subf %add3A_660, %sub3A_770 : vector<16xf32>
        %mul3A_772 = vector.broadcast %mul3A_751 : f32 to vector<16xf32>
        %mul3A_773 = arith.mulf %mul3A_772, %get3A_7 : vector<16xf32>
        %mul3A_774 = arith.mulf %sub3A_771, %mul3A_773 : vector<16xf32>
        %add3A_775 = arith.addf %mul3A_774, %get3A_23 : vector<16xf32>
        %swap3A_776 = arith.index_cast %add3A_639 : i32 to index
        %swap3A_777 = arith.constant 32 : index
        %swap3A_778 = tpu.vector_load %arg9[%swap3A_776, %swap3A_777] {strides = array<i32>} : memref<200x128xf32, #tpu.memory_space<vmem>>, vector<16xf32>,
        tpu.vector_store %arg9[%swap3A_776, %swap3A_777], %add3A_775 {strides = array<i32>} : memref<200x128xf32, #tpu.memory_space<vmem>>, vector<16xf32>,
        %sub3A_779 = vector.broadcast %mul3A_727 : f32 to vector<16xf32>
        %sub3A_780 = arith.subf %add3A_667, %sub3A_779 : vector<16xf32>
        %mul3A_781 = vector.broadcast %mul3A_751 : f32 to vector<16xf32>
        %mul3A_782 = arith.mulf %mul3A_781, %get3A_9 : vector<16xf32>
        %mul3A_783 = arith.mulf %sub3A_780, %mul3A_782 : vector<16xf32>
        %add3A_784 = arith.addf %mul3A_783, %get3A_25 : vector<16xf32>
        %swap3A_785 = arith.index_cast %add3A_639 : i32 to index
        %swap3A_786 = arith.constant 48 : index
        %swap3A_787 = tpu.vector_load %arg9[%swap3A_785, %swap3A_786] {strides = array<i32>} : memref<200x128xf32, #tpu.memory_space<vmem>>, vector<16xf32>,
        tpu.vector_store %arg9[%swap3A_785, %swap3A_786], %add3A_784 {strides = array<i32>} : memref<200x128xf32, #tpu.memory_space<vmem>>, vector<16xf32>,
        %sub3A_788 = vector.broadcast %mul3A_727 : f32 to vector<16xf32>
        %sub3A_789 = arith.subf %add3A_674, %sub3A_788 : vector<16xf32>
        %mul3A_790 = vector.broadcast %mul3A_751 : f32 to vector<16xf32>
        %mul3A_791 = arith.mulf %mul3A_790, %get3A_11 : vector<16xf32>
        %mul3A_792 = arith.mulf %sub3A_789, %mul3A_791 : vector<16xf32>
        %add3A_793 = arith.addf %mul3A_792, %get3A_27 : vector<16xf32>
        %swap3A_794 = arith.index_cast %add3A_639 : i32 to index
        %swap3A_795 = arith.constant 64 : index
        %swap3A_796 = tpu.vector_load %arg9[%swap3A_794, %swap3A_795] {strides = array<i32>} : memref<200x128xf32, #tpu.memory_space<vmem>>, vector<16xf32>,
        tpu.vector_store %arg9[%swap3A_794, %swap3A_795], %add3A_793 {strides = array<i32>} : memref<200x128xf32, #tpu.memory_space<vmem>>, vector<16xf32>,
        %sub3A_797 = vector.broadcast %mul3A_727 : f32 to vector<16xf32>
        %sub3A_798 = arith.subf %add3A_681, %sub3A_797 : vector<16xf32>
        %mul3A_799 = vector.broadcast %mul3A_751 : f32 to vector<16xf32>
        %mul3A_800 = arith.mulf %mul3A_799, %get3A_13 : vector<16xf32>
        %mul3A_801 = arith.mulf %sub3A_798, %mul3A_800 : vector<16xf32>
        %add3A_802 = arith.addf %mul3A_801, %get3A_29 : vector<16xf32>
        %swap3A_803 = arith.index_cast %add3A_639 : i32 to index
        %swap3A_804 = arith.constant 80 : index
        %swap3A_805 = tpu.vector_load %arg9[%swap3A_803, %swap3A_804] {strides = array<i32>} : memref<200x128xf32, #tpu.memory_space<vmem>>, vector<16xf32>,
        tpu.vector_store %arg9[%swap3A_803, %swap3A_804], %add3A_802 {strides = array<i32>} : memref<200x128xf32, #tpu.memory_space<vmem>>, vector<16xf32>,
        %sub3A_806 = vector.broadcast %mul3A_727 : f32 to vector<16xf32>
        %sub3A_807 = arith.subf %add3A_688, %sub3A_806 : vector<16xf32>
        %mul3A_808 = vector.broadcast %mul3A_751 : f32 to vector<16xf32>
        %mul3A_809 = arith.mulf %mul3A_808, %get3A_15 : vector<16xf32>
        %mul3A_810 = arith.mulf %sub3A_807, %mul3A_809 : vector<16xf32>
        %add3A_811 = arith.addf %mul3A_810, %get3A_31 : vector<16xf32>
        %swap3A_812 = arith.index_cast %add3A_639 : i32 to index
        %swap3A_813 = arith.constant 96 : index
        %swap3A_814 = tpu.vector_load %arg9[%swap3A_812, %swap3A_813] {strides = array<i32>} : memref<200x128xf32, #tpu.memory_space<vmem>>, vector<16xf32>,
        tpu.vector_store %arg9[%swap3A_812, %swap3A_813], %add3A_811 {strides = array<i32>} : memref<200x128xf32, #tpu.memory_space<vmem>>, vector<16xf32>,
        %sub3A_815 = vector.broadcast %mul3A_727 : f32 to vector<16xf32>
        %sub3A_816 = arith.subf %add3A_695, %sub3A_815 : vector<16xf32>
        %mul3A_817 = vector.broadcast %mul3A_751 : f32 to vector<16xf32>
        %mul3A_818 = arith.mulf %mul3A_817, %get3A_17 : vector<16xf32>
        %mul3A_819 = arith.mulf %sub3A_816, %mul3A_818 : vector<16xf32>
        %add3A_820 = arith.addf %mul3A_819, %get3A_33 : vector<16xf32>
        %swap3A_821 = arith.index_cast %add3A_639 : i32 to index
        %swap3A_822 = arith.constant 112 : index
        %swap3A_823 = tpu.vector_load %arg9[%swap3A_821, %swap3A_822] {strides = array<i32>} : memref<200x128xf32, #tpu.memory_space<vmem>>, vector<16xf32>,
        tpu.vector_store %arg9[%swap3A_821, %swap3A_822], %add3A_820 {strides = array<i32>} : memref<200x128xf32, #tpu.memory_space<vmem>>, vector<16xf32>,
        %mul3A_824 = arith.constant 5 : i32
        %mul3A_825 = arith.muli %scan3A_264, %mul3A_824 : i32
        %add3A_826 = arith.constant 3 : i32
        %add3A_827 = arith.addi %mul3A_825, %add3A_826 : i32
        %get3A_828 = arith.index_cast %add3A_827 : i32 to index
        %get3A_829 = arith.constant 0 : index
        %get3A_830 = tpu.vector_load %arg9[%get3A_828, %get3A_829] {strides = array<i32>} : memref<200x128xf32, #tpu.memory_space<vmem>>, vector<16xf32>,
        %get3A_831 = arith.index_cast %add3A_827 : i32 to index
        %get3A_832 = arith.constant 0 : index
        %get3A_833 = tpu.vector_load %arg12[%get3A_831, %get3A_832] {strides = array<i32>} : memref<200x128xf32, #tpu.memory_space<vmem>>, vector<16xf32>,
        %add3A_834 = arith.addf %get3A_830, %get3A_833 : vector<16xf32>
        %get3A_835 = arith.index_cast %add3A_827 : i32 to index
        %get3A_836 = arith.constant 16 : index
        %get3A_837 = tpu.vector_load %arg9[%get3A_835, %get3A_836] {strides = array<i32>} : memref<200x128xf32, #tpu.memory_space<vmem>>, vector<16xf32>,
        %get3A_838 = arith.index_cast %add3A_827 : i32 to index
        %get3A_839 = arith.constant 16 : index
        %get3A_840 = tpu.vector_load %arg12[%get3A_838, %get3A_839] {strides = array<i32>} : memref<200x128xf32, #tpu.memory_space<vmem>>, vector<16xf32>,
        %add3A_841 = arith.addf %get3A_837, %get3A_840 : vector<16xf32>
        %get3A_842 = arith.index_cast %add3A_827 : i32 to index
        %get3A_843 = arith.constant 32 : index
        %get3A_844 = tpu.vector_load %arg9[%get3A_842, %get3A_843] {strides = array<i32>} : memref<200x128xf32, #tpu.memory_space<vmem>>, vector<16xf32>,
        %get3A_845 = arith.index_cast %add3A_827 : i32 to index
        %get3A_846 = arith.constant 32 : index
        %get3A_847 = tpu.vector_load %arg12[%get3A_845, %get3A_846] {strides = array<i32>} : memref<200x128xf32, #tpu.memory_space<vmem>>, vector<16xf32>,
        %add3A_848 = arith.addf %get3A_844, %get3A_847 : vector<16xf32>
        %get3A_849 = arith.index_cast %add3A_827 : i32 to index
        %get3A_850 = arith.constant 48 : index
        %get3A_851 = tpu.vector_load %arg9[%get3A_849, %get3A_850] {strides = array<i32>} : memref<200x128xf32, #tpu.memory_space<vmem>>, vector<16xf32>,
        %get3A_852 = arith.index_cast %add3A_827 : i32 to index
        %get3A_853 = arith.constant 48 : index
        %get3A_854 = tpu.vector_load %arg12[%get3A_852, %get3A_853] {strides = array<i32>} : memref<200x128xf32, #tpu.memory_space<vmem>>, vector<16xf32>,
        %add3A_855 = arith.addf %get3A_851, %get3A_854 : vector<16xf32>
        %get3A_856 = arith.index_cast %add3A_827 : i32 to index
        %get3A_857 = arith.constant 64 : index
        %get3A_858 = tpu.vector_load %arg9[%get3A_856, %get3A_857] {strides = array<i32>} : memref<200x128xf32, #tpu.memory_space<vmem>>, vector<16xf32>,
        %get3A_859 = arith.index_cast %add3A_827 : i32 to index
        %get3A_860 = arith.constant 64 : index
        %get3A_861 = tpu.vector_load %arg12[%get3A_859, %get3A_860] {strides = array<i32>} : memref<200x128xf32, #tpu.memory_space<vmem>>, vector<16xf32>,
        %add3A_862 = arith.addf %get3A_858, %get3A_861 : vector<16xf32>
        %get3A_863 = arith.index_cast %add3A_827 : i32 to index
        %get3A_864 = arith.constant 80 : index
        %get3A_865 = tpu.vector_load %arg9[%get3A_863, %get3A_864] {strides = array<i32>} : memref<200x128xf32, #tpu.memory_space<vmem>>, vector<16xf32>,
        %get3A_866 = arith.index_cast %add3A_827 : i32 to index
        %get3A_867 = arith.constant 80 : index
        %get3A_868 = tpu.vector_load %arg12[%get3A_866, %get3A_867] {strides = array<i32>} : memref<200x128xf32, #tpu.memory_space<vmem>>, vector<16xf32>,
        %add3A_869 = arith.addf %get3A_865, %get3A_868 : vector<16xf32>
        %get3A_870 = arith.index_cast %add3A_827 : i32 to index
        %get3A_871 = arith.constant 96 : index
        %get3A_872 = tpu.vector_load %arg9[%get3A_870, %get3A_871] {strides = array<i32>} : memref<200x128xf32, #tpu.memory_space<vmem>>, vector<16xf32>,
        %get3A_873 = arith.index_cast %add3A_827 : i32 to index
        %get3A_874 = arith.constant 96 : index
        %get3A_875 = tpu.vector_load %arg12[%get3A_873, %get3A_874] {strides = array<i32>} : memref<200x128xf32, #tpu.memory_space<vmem>>, vector<16xf32>,
        %add3A_876 = arith.addf %get3A_872, %get3A_875 : vector<16xf32>
        %get3A_877 = arith.index_cast %add3A_827 : i32 to index
        %get3A_878 = arith.constant 112 : index
        %get3A_879 = tpu.vector_load %arg9[%get3A_877, %get3A_878] {strides = array<i32>} : memref<200x128xf32, #tpu.memory_space<vmem>>, vector<16xf32>,
        %get3A_880 = arith.index_cast %add3A_827 : i32 to index
        %get3A_881 = arith.constant 112 : index
        %get3A_882 = tpu.vector_load %arg12[%get3A_880, %get3A_881] {strides = array<i32>} : memref<200x128xf32, #tpu.memory_space<vmem>>, vector<16xf32>,
        %add3A_883 = arith.addf %get3A_879, %get3A_882 : vector<16xf32>
        %add3A_884 = arith.addf %add3A_834, %add3A_841 : vector<16xf32>
        %add3A_885 = arith.addf %add3A_884, %add3A_848 : vector<16xf32>
        %add3A_886 = arith.addf %add3A_885, %add3A_855 : vector<16xf32>
        %add3A_887 = arith.addf %add3A_886, %add3A_862 : vector<16xf32>
        %add3A_888 = arith.addf %add3A_887, %add3A_869 : vector<16xf32>
        %add3A_889 = arith.addf %add3A_888, %add3A_876 : vector<16xf32>
        %add3A_890 = arith.addf %add3A_889, %add3A_883 : vector<16xf32>
        %mul3A_891 = arith.mulf %add3A_834, %add3A_834 : vector<16xf32>
        %mul3A_892 = arith.mulf %add3A_841, %add3A_841 : vector<16xf32>
        %add3A_893 = arith.addf %mul3A_891, %mul3A_892 : vector<16xf32>
        %mul3A_894 = arith.mulf %add3A_848, %add3A_848 : vector<16xf32>
        %add3A_895 = arith.addf %add3A_893, %mul3A_894 : vector<16xf32>
        %mul3A_896 = arith.mulf %add3A_855, %add3A_855 : vector<16xf32>
        %add3A_897 = arith.addf %add3A_895, %mul3A_896 : vector<16xf32>
        %mul3A_898 = arith.mulf %add3A_862, %add3A_862 : vector<16xf32>
        %add3A_899 = arith.addf %add3A_897, %mul3A_898 : vector<16xf32>
        %mul3A_900 = arith.mulf %add3A_869, %add3A_869 : vector<16xf32>
        %add3A_901 = arith.addf %add3A_899, %mul3A_900 : vector<16xf32>
        %mul3A_902 = arith.mulf %add3A_876, %add3A_876 : vector<16xf32>
        %add3A_903 = arith.addf %add3A_901, %mul3A_902 : vector<16xf32>
        %mul3A_904 = arith.mulf %add3A_883, %add3A_883 : vector<16xf32>
        %add3A_905 = arith.addf %add3A_903, %mul3A_904 : vector<16xf32>
        %reduce_sum3A_906 = arith.constant true
        %reduce_sum3A_907 = vector.broadcast %reduce_sum3A_906 : i1 to vector<16xi1>
        %reduce_sum3A_908 = tpu.scan <sum>, %add3A_890 masked %reduce_sum3A_907 : vector<16xf32>, vector<16xi1> -> vector<16xf32>
        %reduce_sum3A_909 = vector.extract %reduce_sum3A_908[15] : f32 from vector<16xf32>
        %reduce_sum3A_910 = arith.constant true
        %reduce_sum3A_911 = vector.broadcast %reduce_sum3A_910 : i1 to vector<16xi1>
        %reduce_sum3A_912 = tpu.scan <sum>, %add3A_905 masked %reduce_sum3A_911 : vector<16xf32>, vector<16xi1> -> vector<16xf32>
        %reduce_sum3A_913 = vector.extract %reduce_sum3A_912[15] : f32 from vector<16xf32>
        %mul3A_914 = arith.constant 7.812500e-03 : f32
        %mul3A_915 = arith.mulf %reduce_sum3A_909, %mul3A_914 : f32
        %mul3A_916 = arith.constant 7.812500e-03 : f32
        %mul3A_917 = arith.mulf %reduce_sum3A_913, %mul3A_916 : f32
        %mul3A_918 = arith.mulf %mul3A_915, %mul3A_915 : f32
        %sub3A_919 = arith.subf %mul3A_917, %mul3A_918 : f32
        %add3A_920 = arith.constant 9.99999996E-13 : f32
        %add3A_921 = arith.addf %sub3A_919, %add3A_920 : f32
        %bitcast_convert_type3A_922 = arith.bitcast %add3A_921 : f32 to i32
        %shift_right_logical3A_923 = arith.constant 1 : i32
        %shift_right_logical3A_924 = arith.shrui %bitcast_convert_type3A_922, %shift_right_logical3A_923 : i32
        %sub3A_925 = arith.constant 1597463007 : i32
        %sub3A_926 = arith.subi %sub3A_925, %shift_right_logical3A_924 : i32
        %bitcast_convert_type3A_927 = arith.bitcast %sub3A_926 : i32 to f32
        %mul3A_928 = arith.constant 5.000000e-01 : f32
        %mul3A_929 = arith.mulf %add3A_921, %mul3A_928 : f32
        %mul3A_930 = arith.mulf %bitcast_convert_type3A_927, %bitcast_convert_type3A_927 : f32
        %mul3A_931 = arith.mulf %mul3A_929, %mul3A_930 : f32
        %sub3A_932 = arith.constant 1.500000e+00 : f32
        %sub3A_933 = arith.subf %sub3A_932, %mul3A_931 : f32
        %mul3A_934 = arith.mulf %bitcast_convert_type3A_927, %sub3A_933 : f32
        %mul3A_935 = arith.mulf %mul3A_934, %mul3A_934 : f32
        %mul3A_936 = arith.mulf %mul3A_929, %mul3A_935 : f32
        %sub3A_937 = arith.constant 1.500000e+00 : f32
        %sub3A_938 = arith.subf %sub3A_937, %mul3A_936 : f32
        %mul3A_939 = arith.mulf %mul3A_934, %sub3A_938 : f32
        %sub3A_940 = vector.broadcast %mul3A_915 : f32 to vector<16xf32>
        %sub3A_941 = arith.subf %add3A_834, %sub3A_940 : vector<16xf32>
        %mul3A_942 = vector.broadcast %mul3A_939 : f32 to vector<16xf32>
        %mul3A_943 = arith.mulf %mul3A_942, %get3A_3 : vector<16xf32>
        %mul3A_944 = arith.mulf %sub3A_941, %mul3A_943 : vector<16xf32>
        %add3A_945 = arith.addf %mul3A_944, %get3A_19 : vector<16xf32>
        %swap3A_946 = arith.index_cast %add3A_827 : i32 to index
        %swap3A_947 = arith.constant 0 : index
        %swap3A_948 = tpu.vector_load %arg9[%swap3A_946, %swap3A_947] {strides = array<i32>} : memref<200x128xf32, #tpu.memory_space<vmem>>, vector<16xf32>,
        tpu.vector_store %arg9[%swap3A_946, %swap3A_947], %add3A_945 {strides = array<i32>} : memref<200x128xf32, #tpu.memory_space<vmem>>, vector<16xf32>,
        %sub3A_949 = vector.broadcast %mul3A_915 : f32 to vector<16xf32>
        %sub3A_950 = arith.subf %add3A_841, %sub3A_949 : vector<16xf32>
        %mul3A_951 = vector.broadcast %mul3A_939 : f32 to vector<16xf32>
        %mul3A_952 = arith.mulf %mul3A_951, %get3A_5 : vector<16xf32>
        %mul3A_953 = arith.mulf %sub3A_950, %mul3A_952 : vector<16xf32>
        %add3A_954 = arith.addf %mul3A_953, %get3A_21 : vector<16xf32>
        %swap3A_955 = arith.index_cast %add3A_827 : i32 to index
        %swap3A_956 = arith.constant 16 : index
        %swap3A_957 = tpu.vector_load %arg9[%swap3A_955, %swap3A_956] {strides = array<i32>} : memref<200x128xf32, #tpu.memory_space<vmem>>, vector<16xf32>,
        tpu.vector_store %arg9[%swap3A_955, %swap3A_956], %add3A_954 {strides = array<i32>} : memref<200x128xf32, #tpu.memory_space<vmem>>, vector<16xf32>,
        %sub3A_958 = vector.broadcast %mul3A_915 : f32 to vector<16xf32>
        %sub3A_959 = arith.subf %add3A_848, %sub3A_958 : vector<16xf32>
        %mul3A_960 = vector.broadcast %mul3A_939 : f32 to vector<16xf32>
        %mul3A_961 = arith.mulf %mul3A_960, %get3A_7 : vector<16xf32>
        %mul3A_962 = arith.mulf %sub3A_959, %mul3A_961 : vector<16xf32>
        %add3A_963 = arith.addf %mul3A_962, %get3A_23 : vector<16xf32>
        %swap3A_964 = arith.index_cast %add3A_827 : i32 to index
        %swap3A_965 = arith.constant 32 : index
        %swap3A_966 = tpu.vector_load %arg9[%swap3A_964, %swap3A_965] {strides = array<i32>} : memref<200x128xf32, #tpu.memory_space<vmem>>, vector<16xf32>,
        tpu.vector_store %arg9[%swap3A_964, %swap3A_965], %add3A_963 {strides = array<i32>} : memref<200x128xf32, #tpu.memory_space<vmem>>, vector<16xf32>,
        %sub3A_967 = vector.broadcast %mul3A_915 : f32 to vector<16xf32>
        %sub3A_968 = arith.subf %add3A_855, %sub3A_967 : vector<16xf32>
        %mul3A_969 = vector.broadcast %mul3A_939 : f32 to vector<16xf32>
        %mul3A_970 = arith.mulf %mul3A_969, %get3A_9 : vector<16xf32>
        %mul3A_971 = arith.mulf %sub3A_968, %mul3A_970 : vector<16xf32>
        %add3A_972 = arith.addf %mul3A_971, %get3A_25 : vector<16xf32>
        %swap3A_973 = arith.index_cast %add3A_827 : i32 to index
        %swap3A_974 = arith.constant 48 : index
        %swap3A_975 = tpu.vector_load %arg9[%swap3A_973, %swap3A_974] {strides = array<i32>} : memref<200x128xf32, #tpu.memory_space<vmem>>, vector<16xf32>,
        tpu.vector_store %arg9[%swap3A_973, %swap3A_974], %add3A_972 {strides = array<i32>} : memref<200x128xf32, #tpu.memory_space<vmem>>, vector<16xf32>,
        %sub3A_976 = vector.broadcast %mul3A_915 : f32 to vector<16xf32>
        %sub3A_977 = arith.subf %add3A_862, %sub3A_976 : vector<16xf32>
        %mul3A_978 = vector.broadcast %mul3A_939 : f32 to vector<16xf32>
        %mul3A_979 = arith.mulf %mul3A_978, %get3A_11 : vector<16xf32>
        %mul3A_980 = arith.mulf %sub3A_977, %mul3A_979 : vector<16xf32>
        %add3A_981 = arith.addf %mul3A_980, %get3A_27 : vector<16xf32>
        %swap3A_982 = arith.index_cast %add3A_827 : i32 to index
        %swap3A_983 = arith.constant 64 : index
        %swap3A_984 = tpu.vector_load %arg9[%swap3A_982, %swap3A_983] {strides = array<i32>} : memref<200x128xf32, #tpu.memory_space<vmem>>, vector<16xf32>,
        tpu.vector_store %arg9[%swap3A_982, %swap3A_983], %add3A_981 {strides = array<i32>} : memref<200x128xf32, #tpu.memory_space<vmem>>, vector<16xf32>,
        %sub3A_985 = vector.broadcast %mul3A_915 : f32 to vector<16xf32>
        %sub3A_986 = arith.subf %add3A_869, %sub3A_985 : vector<16xf32>
        %mul3A_987 = vector.broadcast %mul3A_939 : f32 to vector<16xf32>
        %mul3A_988 = arith.mulf %mul3A_987, %get3A_13 : vector<16xf32>
        %mul3A_989 = arith.mulf %sub3A_986, %mul3A_988 : vector<16xf32>
        %add3A_990 = arith.addf %mul3A_989, %get3A_29 : vector<16xf32>
        %swap3A_991 = arith.index_cast %add3A_827 : i32 to index
        %swap3A_992 = arith.constant 80 : index
        %swap3A_993 = tpu.vector_load %arg9[%swap3A_991, %swap3A_992] {strides = array<i32>} : memref<200x128xf32, #tpu.memory_space<vmem>>, vector<16xf32>,
        tpu.vector_store %arg9[%swap3A_991, %swap3A_992], %add3A_990 {strides = array<i32>} : memref<200x128xf32, #tpu.memory_space<vmem>>, vector<16xf32>,
        %sub3A_994 = vector.broadcast %mul3A_915 : f32 to vector<16xf32>
        %sub3A_995 = arith.subf %add3A_876, %sub3A_994 : vector<16xf32>
        %mul3A_996 = vector.broadcast %mul3A_939 : f32 to vector<16xf32>
        %mul3A_997 = arith.mulf %mul3A_996, %get3A_15 : vector<16xf32>
        %mul3A_998 = arith.mulf %sub3A_995, %mul3A_997 : vector<16xf32>
        %add3A_999 = arith.addf %mul3A_998, %get3A_31 : vector<16xf32>
        %swap3A_1000 = arith.index_cast %add3A_827 : i32 to index
        %swap3A_1001 = arith.constant 96 : index
        %swap3A_1002 = tpu.vector_load %arg9[%swap3A_1000, %swap3A_1001] {strides = array<i32>} : memref<200x128xf32, #tpu.memory_space<vmem>>, vector<16xf32>,
        tpu.vector_store %arg9[%swap3A_1000, %swap3A_1001], %add3A_999 {strides = array<i32>} : memref<200x128xf32, #tpu.memory_space<vmem>>, vector<16xf32>,
        %sub3A_1003 = vector.broadcast %mul3A_915 : f32 to vector<16xf32>
        %sub3A_1004 = arith.subf %add3A_883, %sub3A_1003 : vector<16xf32>
        %mul3A_1005 = vector.broadcast %mul3A_939 : f32 to vector<16xf32>
        %mul3A_1006 = arith.mulf %mul3A_1005, %get3A_17 : vector<16xf32>
        %mul3A_1007 = arith.mulf %sub3A_1004, %mul3A_1006 : vector<16xf32>
        %add3A_1008 = arith.addf %mul3A_1007, %get3A_33 : vector<16xf32>
        %swap3A_1009 = arith.index_cast %add3A_827 : i32 to index
        %swap3A_1010 = arith.constant 112 : index
        %swap3A_1011 = tpu.vector_load %arg9[%swap3A_1009, %swap3A_1010] {strides = array<i32>} : memref<200x128xf32, #tpu.memory_space<vmem>>, vector<16xf32>,
        tpu.vector_store %arg9[%swap3A_1009, %swap3A_1010], %add3A_1008 {strides = array<i32>} : memref<200x128xf32, #tpu.memory_space<vmem>>, vector<16xf32>,
        %mul3A_1012 = arith.constant 5 : i32
        %mul3A_1013 = arith.muli %scan3A_264, %mul3A_1012 : i32
        %add3A_1014 = arith.constant 4 : i32
        %add3A_1015 = arith.addi %mul3A_1013, %add3A_1014 : i32
        %get3A_1016 = arith.index_cast %add3A_1015 : i32 to index
        %get3A_1017 = arith.constant 0 : index
        %get3A_1018 = tpu.vector_load %arg9[%get3A_1016, %get3A_1017] {strides = array<i32>} : memref<200x128xf32, #tpu.memory_space<vmem>>, vector<16xf32>,
        %get3A_1019 = arith.index_cast %add3A_1015 : i32 to index
        %get3A_1020 = arith.constant 0 : index
        %get3A_1021 = tpu.vector_load %arg12[%get3A_1019, %get3A_1020] {strides = array<i32>} : memref<200x128xf32, #tpu.memory_space<vmem>>, vector<16xf32>,
        %add3A_1022 = arith.addf %get3A_1018, %get3A_1021 : vector<16xf32>
        %get3A_1023 = arith.index_cast %add3A_1015 : i32 to index
        %get3A_1024 = arith.constant 16 : index
        %get3A_1025 = tpu.vector_load %arg9[%get3A_1023, %get3A_1024] {strides = array<i32>} : memref<200x128xf32, #tpu.memory_space<vmem>>, vector<16xf32>,
        %get3A_1026 = arith.index_cast %add3A_1015 : i32 to index
        %get3A_1027 = arith.constant 16 : index
        %get3A_1028 = tpu.vector_load %arg12[%get3A_1026, %get3A_1027] {strides = array<i32>} : memref<200x128xf32, #tpu.memory_space<vmem>>, vector<16xf32>,
        %add3A_1029 = arith.addf %get3A_1025, %get3A_1028 : vector<16xf32>
        %get3A_1030 = arith.index_cast %add3A_1015 : i32 to index
        %get3A_1031 = arith.constant 32 : index
        %get3A_1032 = tpu.vector_load %arg9[%get3A_1030, %get3A_1031] {strides = array<i32>} : memref<200x128xf32, #tpu.memory_space<vmem>>, vector<16xf32>,
        %get3A_1033 = arith.index_cast %add3A_1015 : i32 to index
        %get3A_1034 = arith.constant 32 : index
        %get3A_1035 = tpu.vector_load %arg12[%get3A_1033, %get3A_1034] {strides = array<i32>} : memref<200x128xf32, #tpu.memory_space<vmem>>, vector<16xf32>,
        %add3A_1036 = arith.addf %get3A_1032, %get3A_1035 : vector<16xf32>
        %get3A_1037 = arith.index_cast %add3A_1015 : i32 to index
        %get3A_1038 = arith.constant 48 : index
        %get3A_1039 = tpu.vector_load %arg9[%get3A_1037, %get3A_1038] {strides = array<i32>} : memref<200x128xf32, #tpu.memory_space<vmem>>, vector<16xf32>,
        %get3A_1040 = arith.index_cast %add3A_1015 : i32 to index
        %get3A_1041 = arith.constant 48 : index
        %get3A_1042 = tpu.vector_load %arg12[%get3A_1040, %get3A_1041] {strides = array<i32>} : memref<200x128xf32, #tpu.memory_space<vmem>>, vector<16xf32>,
        %add3A_1043 = arith.addf %get3A_1039, %get3A_1042 : vector<16xf32>
        %get3A_1044 = arith.index_cast %add3A_1015 : i32 to index
        %get3A_1045 = arith.constant 64 : index
        %get3A_1046 = tpu.vector_load %arg9[%get3A_1044, %get3A_1045] {strides = array<i32>} : memref<200x128xf32, #tpu.memory_space<vmem>>, vector<16xf32>,
        %get3A_1047 = arith.index_cast %add3A_1015 : i32 to index
        %get3A_1048 = arith.constant 64 : index
        %get3A_1049 = tpu.vector_load %arg12[%get3A_1047, %get3A_1048] {strides = array<i32>} : memref<200x128xf32, #tpu.memory_space<vmem>>, vector<16xf32>,
        %add3A_1050 = arith.addf %get3A_1046, %get3A_1049 : vector<16xf32>
        %get3A_1051 = arith.index_cast %add3A_1015 : i32 to index
        %get3A_1052 = arith.constant 80 : index
        %get3A_1053 = tpu.vector_load %arg9[%get3A_1051, %get3A_1052] {strides = array<i32>} : memref<200x128xf32, #tpu.memory_space<vmem>>, vector<16xf32>,
        %get3A_1054 = arith.index_cast %add3A_1015 : i32 to index
        %get3A_1055 = arith.constant 80 : index
        %get3A_1056 = tpu.vector_load %arg12[%get3A_1054, %get3A_1055] {strides = array<i32>} : memref<200x128xf32, #tpu.memory_space<vmem>>, vector<16xf32>,
        %add3A_1057 = arith.addf %get3A_1053, %get3A_1056 : vector<16xf32>
        %get3A_1058 = arith.index_cast %add3A_1015 : i32 to index
        %get3A_1059 = arith.constant 96 : index
        %get3A_1060 = tpu.vector_load %arg9[%get3A_1058, %get3A_1059] {strides = array<i32>} : memref<200x128xf32, #tpu.memory_space<vmem>>, vector<16xf32>,
        %get3A_1061 = arith.index_cast %add3A_1015 : i32 to index
        %get3A_1062 = arith.constant 96 : index
        %get3A_1063 = tpu.vector_load %arg12[%get3A_1061, %get3A_1062] {strides = array<i32>} : memref<200x128xf32, #tpu.memory_space<vmem>>, vector<16xf32>,
        %add3A_1064 = arith.addf %get3A_1060, %get3A_1063 : vector<16xf32>
        %get3A_1065 = arith.index_cast %add3A_1015 : i32 to index
        %get3A_1066 = arith.constant 112 : index
        %get3A_1067 = tpu.vector_load %arg9[%get3A_1065, %get3A_1066] {strides = array<i32>} : memref<200x128xf32, #tpu.memory_space<vmem>>, vector<16xf32>,
        %get3A_1068 = arith.index_cast %add3A_1015 : i32 to index
        %get3A_1069 = arith.constant 112 : index
        %get3A_1070 = tpu.vector_load %arg12[%get3A_1068, %get3A_1069] {strides = array<i32>} : memref<200x128xf32, #tpu.memory_space<vmem>>, vector<16xf32>,
        %add3A_1071 = arith.addf %get3A_1067, %get3A_1070 : vector<16xf32>
        %add3A_1072 = arith.addf %add3A_1022, %add3A_1029 : vector<16xf32>
        %add3A_1073 = arith.addf %add3A_1072, %add3A_1036 : vector<16xf32>
        %add3A_1074 = arith.addf %add3A_1073, %add3A_1043 : vector<16xf32>
        %add3A_1075 = arith.addf %add3A_1074, %add3A_1050 : vector<16xf32>
        %add3A_1076 = arith.addf %add3A_1075, %add3A_1057 : vector<16xf32>
        %add3A_1077 = arith.addf %add3A_1076, %add3A_1064 : vector<16xf32>
        %add3A_1078 = arith.addf %add3A_1077, %add3A_1071 : vector<16xf32>
        %mul3A_1079 = arith.mulf %add3A_1022, %add3A_1022 : vector<16xf32>
        %mul3A_1080 = arith.mulf %add3A_1029, %add3A_1029 : vector<16xf32>
        %add3A_1081 = arith.addf %mul3A_1079, %mul3A_1080 : vector<16xf32>
        %mul3A_1082 = arith.mulf %add3A_1036, %add3A_1036 : vector<16xf32>
        %add3A_1083 = arith.addf %add3A_1081, %mul3A_1082 : vector<16xf32>
        %mul3A_1084 = arith.mulf %add3A_1043, %add3A_1043 : vector<16xf32>
        %add3A_1085 = arith.addf %add3A_1083, %mul3A_1084 : vector<16xf32>
        %mul3A_1086 = arith.mulf %add3A_1050, %add3A_1050 : vector<16xf32>
        %add3A_1087 = arith.addf %add3A_1085, %mul3A_1086 : vector<16xf32>
        %mul3A_1088 = arith.mulf %add3A_1057, %add3A_1057 : vector<16xf32>
        %add3A_1089 = arith.addf %add3A_1087, %mul3A_1088 : vector<16xf32>
        %mul3A_1090 = arith.mulf %add3A_1064, %add3A_1064 : vector<16xf32>
        %add3A_1091 = arith.addf %add3A_1089, %mul3A_1090 : vector<16xf32>
        %mul3A_1092 = arith.mulf %add3A_1071, %add3A_1071 : vector<16xf32>
        %add3A_1093 = arith.addf %add3A_1091, %mul3A_1092 : vector<16xf32>
        %reduce_sum3A_1094 = arith.constant true
        %reduce_sum3A_1095 = vector.broadcast %reduce_sum3A_1094 : i1 to vector<16xi1>
        %reduce_sum3A_1096 = tpu.scan <sum>, %add3A_1078 masked %reduce_sum3A_1095 : vector<16xf32>, vector<16xi1> -> vector<16xf32>
        %reduce_sum3A_1097 = vector.extract %reduce_sum3A_1096[15] : f32 from vector<16xf32>
        %reduce_sum3A_1098 = arith.constant true
        %reduce_sum3A_1099 = vector.broadcast %reduce_sum3A_1098 : i1 to vector<16xi1>
        %reduce_sum3A_1100 = tpu.scan <sum>, %add3A_1093 masked %reduce_sum3A_1099 : vector<16xf32>, vector<16xi1> -> vector<16xf32>
        %reduce_sum3A_1101 = vector.extract %reduce_sum3A_1100[15] : f32 from vector<16xf32>
        %mul3A_1102 = arith.constant 7.812500e-03 : f32
        %mul3A_1103 = arith.mulf %reduce_sum3A_1097, %mul3A_1102 : f32
        %mul3A_1104 = arith.constant 7.812500e-03 : f32
        %mul3A_1105 = arith.mulf %reduce_sum3A_1101, %mul3A_1104 : f32
        %mul3A_1106 = arith.mulf %mul3A_1103, %mul3A_1103 : f32
        %sub3A_1107 = arith.subf %mul3A_1105, %mul3A_1106 : f32
        %add3A_1108 = arith.constant 9.99999996E-13 : f32
        %add3A_1109 = arith.addf %sub3A_1107, %add3A_1108 : f32
        %bitcast_convert_type3A_1110 = arith.bitcast %add3A_1109 : f32 to i32
        %shift_right_logical3A_1111 = arith.constant 1 : i32
        %shift_right_logical3A_1112 = arith.shrui %bitcast_convert_type3A_1110, %shift_right_logical3A_1111 : i32
        %sub3A_1113 = arith.constant 1597463007 : i32
        %sub3A_1114 = arith.subi %sub3A_1113, %shift_right_logical3A_1112 : i32
        %bitcast_convert_type3A_1115 = arith.bitcast %sub3A_1114 : i32 to f32
        %mul3A_1116 = arith.constant 5.000000e-01 : f32
        %mul3A_1117 = arith.mulf %add3A_1109, %mul3A_1116 : f32
        %mul3A_1118 = arith.mulf %bitcast_convert_type3A_1115, %bitcast_convert_type3A_1115 : f32
        %mul3A_1119 = arith.mulf %mul3A_1117, %mul3A_1118 : f32
        %sub3A_1120 = arith.constant 1.500000e+00 : f32
        %sub3A_1121 = arith.subf %sub3A_1120, %mul3A_1119 : f32
        %mul3A_1122 = arith.mulf %bitcast_convert_type3A_1115, %sub3A_1121 : f32
        %mul3A_1123 = arith.mulf %mul3A_1122, %mul3A_1122 : f32
        %mul3A_1124 = arith.mulf %mul3A_1117, %mul3A_1123 : f32
        %sub3A_1125 = arith.constant 1.500000e+00 : f32
        %sub3A_1126 = arith.subf %sub3A_1125, %mul3A_1124 : f32
        %mul3A_1127 = arith.mulf %mul3A_1122, %sub3A_1126 : f32
        %sub3A_1128 = vector.broadcast %mul3A_1103 : f32 to vector<16xf32>
        %sub3A_1129 = arith.subf %add3A_1022, %sub3A_1128 : vector<16xf32>
        %mul3A_1130 = vector.broadcast %mul3A_1127 : f32 to vector<16xf32>
        %mul3A_1131 = arith.mulf %mul3A_1130, %get3A_3 : vector<16xf32>
        %mul3A_1132 = arith.mulf %sub3A_1129, %mul3A_1131 : vector<16xf32>
        %add3A_1133 = arith.addf %mul3A_1132, %get3A_19 : vector<16xf32>
        %swap3A_1134 = arith.index_cast %add3A_1015 : i32 to index
        %swap3A_1135 = arith.constant 0 : index
        %swap3A_1136 = tpu.vector_load %arg9[%swap3A_1134, %swap3A_1135] {strides = array<i32>} : memref<200x128xf32, #tpu.memory_space<vmem>>, vector<16xf32>,
        tpu.vector_store %arg9[%swap3A_1134, %swap3A_1135], %add3A_1133 {strides = array<i32>} : memref<200x128xf32, #tpu.memory_space<vmem>>, vector<16xf32>,
        %sub3A_1137 = vector.broadcast %mul3A_1103 : f32 to vector<16xf32>
        %sub3A_1138 = arith.subf %add3A_1029, %sub3A_1137 : vector<16xf32>
        %mul3A_1139 = vector.broadcast %mul3A_1127 : f32 to vector<16xf32>
        %mul3A_1140 = arith.mulf %mul3A_1139, %get3A_5 : vector<16xf32>
        %mul3A_1141 = arith.mulf %sub3A_1138, %mul3A_1140 : vector<16xf32>
        %add3A_1142 = arith.addf %mul3A_1141, %get3A_21 : vector<16xf32>
        %swap3A_1143 = arith.index_cast %add3A_1015 : i32 to index
        %swap3A_1144 = arith.constant 16 : index
        %swap3A_1145 = tpu.vector_load %arg9[%swap3A_1143, %swap3A_1144] {strides = array<i32>} : memref<200x128xf32, #tpu.memory_space<vmem>>, vector<16xf32>,
        tpu.vector_store %arg9[%swap3A_1143, %swap3A_1144], %add3A_1142 {strides = array<i32>} : memref<200x128xf32, #tpu.memory_space<vmem>>, vector<16xf32>,
        %sub3A_1146 = vector.broadcast %mul3A_1103 : f32 to vector<16xf32>
        %sub3A_1147 = arith.subf %add3A_1036, %sub3A_1146 : vector<16xf32>
        %mul3A_1148 = vector.broadcast %mul3A_1127 : f32 to vector<16xf32>
        %mul3A_1149 = arith.mulf %mul3A_1148, %get3A_7 : vector<16xf32>
        %mul3A_1150 = arith.mulf %sub3A_1147, %mul3A_1149 : vector<16xf32>
        %add3A_1151 = arith.addf %mul3A_1150, %get3A_23 : vector<16xf32>
        %swap3A_1152 = arith.index_cast %add3A_1015 : i32 to index
        %swap3A_1153 = arith.constant 32 : index
        %swap3A_1154 = tpu.vector_load %arg9[%swap3A_1152, %swap3A_1153] {strides = array<i32>} : memref<200x128xf32, #tpu.memory_space<vmem>>, vector<16xf32>,
        tpu.vector_store %arg9[%swap3A_1152, %swap3A_1153], %add3A_1151 {strides = array<i32>} : memref<200x128xf32, #tpu.memory_space<vmem>>, vector<16xf32>,
        %sub3A_1155 = vector.broadcast %mul3A_1103 : f32 to vector<16xf32>
        %sub3A_1156 = arith.subf %add3A_1043, %sub3A_1155 : vector<16xf32>
        %mul3A_1157 = vector.broadcast %mul3A_1127 : f32 to vector<16xf32>
        %mul3A_1158 = arith.mulf %mul3A_1157, %get3A_9 : vector<16xf32>
        %mul3A_1159 = arith.mulf %sub3A_1156, %mul3A_1158 : vector<16xf32>
        %add3A_1160 = arith.addf %mul3A_1159, %get3A_25 : vector<16xf32>
        %swap3A_1161 = arith.index_cast %add3A_1015 : i32 to index
        %swap3A_1162 = arith.constant 48 : index
        %swap3A_1163 = tpu.vector_load %arg9[%swap3A_1161, %swap3A_1162] {strides = array<i32>} : memref<200x128xf32, #tpu.memory_space<vmem>>, vector<16xf32>,
        tpu.vector_store %arg9[%swap3A_1161, %swap3A_1162], %add3A_1160 {strides = array<i32>} : memref<200x128xf32, #tpu.memory_space<vmem>>, vector<16xf32>,
        %sub3A_1164 = vector.broadcast %mul3A_1103 : f32 to vector<16xf32>
        %sub3A_1165 = arith.subf %add3A_1050, %sub3A_1164 : vector<16xf32>
        %mul3A_1166 = vector.broadcast %mul3A_1127 : f32 to vector<16xf32>
        %mul3A_1167 = arith.mulf %mul3A_1166, %get3A_11 : vector<16xf32>
        %mul3A_1168 = arith.mulf %sub3A_1165, %mul3A_1167 : vector<16xf32>
        %add3A_1169 = arith.addf %mul3A_1168, %get3A_27 : vector<16xf32>
        %swap3A_1170 = arith.index_cast %add3A_1015 : i32 to index
        %swap3A_1171 = arith.constant 64 : index
        %swap3A_1172 = tpu.vector_load %arg9[%swap3A_1170, %swap3A_1171] {strides = array<i32>} : memref<200x128xf32, #tpu.memory_space<vmem>>, vector<16xf32>,
        tpu.vector_store %arg9[%swap3A_1170, %swap3A_1171], %add3A_1169 {strides = array<i32>} : memref<200x128xf32, #tpu.memory_space<vmem>>, vector<16xf32>,
        %sub3A_1173 = vector.broadcast %mul3A_1103 : f32 to vector<16xf32>
        %sub3A_1174 = arith.subf %add3A_1057, %sub3A_1173 : vector<16xf32>
        %mul3A_1175 = vector.broadcast %mul3A_1127 : f32 to vector<16xf32>
        %mul3A_1176 = arith.mulf %mul3A_1175, %get3A_13 : vector<16xf32>
        %mul3A_1177 = arith.mulf %sub3A_1174, %mul3A_1176 : vector<16xf32>
        %add3A_1178 = arith.addf %mul3A_1177, %get3A_29 : vector<16xf32>
        %swap3A_1179 = arith.index_cast %add3A_1015 : i32 to index
        %swap3A_1180 = arith.constant 80 : index
        %swap3A_1181 = tpu.vector_load %arg9[%swap3A_1179, %swap3A_1180] {strides = array<i32>} : memref<200x128xf32, #tpu.memory_space<vmem>>, vector<16xf32>,
        tpu.vector_store %arg9[%swap3A_1179, %swap3A_1180], %add3A_1178 {strides = array<i32>} : memref<200x128xf32, #tpu.memory_space<vmem>>, vector<16xf32>,
        %sub3A_1182 = vector.broadcast %mul3A_1103 : f32 to vector<16xf32>
        %sub3A_1183 = arith.subf %add3A_1064, %sub3A_1182 : vector<16xf32>
        %mul3A_1184 = vector.broadcast %mul3A_1127 : f32 to vector<16xf32>
        %mul3A_1185 = arith.mulf %mul3A_1184, %get3A_15 : vector<16xf32>
        %mul3A_1186 = arith.mulf %sub3A_1183, %mul3A_1185 : vector<16xf32>
        %add3A_1187 = arith.addf %mul3A_1186, %get3A_31 : vector<16xf32>
        %swap3A_1188 = arith.index_cast %add3A_1015 : i32 to index
        %swap3A_1189 = arith.constant 96 : index
        %swap3A_1190 = tpu.vector_load %arg9[%swap3A_1188, %swap3A_1189] {strides = array<i32>} : memref<200x128xf32, #tpu.memory_space<vmem>>, vector<16xf32>,
        tpu.vector_store %arg9[%swap3A_1188, %swap3A_1189], %add3A_1187 {strides = array<i32>} : memref<200x128xf32, #tpu.memory_space<vmem>>, vector<16xf32>,
        %sub3A_1191 = vector.broadcast %mul3A_1103 : f32 to vector<16xf32>
        %sub3A_1192 = arith.subf %add3A_1071, %sub3A_1191 : vector<16xf32>
        %mul3A_1193 = vector.broadcast %mul3A_1127 : f32 to vector<16xf32>
        %mul3A_1194 = arith.mulf %mul3A_1193, %get3A_17 : vector<16xf32>
        %mul3A_1195 = arith.mulf %sub3A_1192, %mul3A_1194 : vector<16xf32>
        %add3A_1196 = arith.addf %mul3A_1195, %get3A_33 : vector<16xf32>
        %swap3A_1197 = arith.index_cast %add3A_1015 : i32 to index
        %swap3A_1198 = arith.constant 112 : index
        %swap3A_1199 = tpu.vector_load %arg9[%swap3A_1197, %swap3A_1198] {strides = array<i32>} : memref<200x128xf32, #tpu.memory_space<vmem>>, vector<16xf32>,
        tpu.vector_store %arg9[%swap3A_1197, %swap3A_1198], %add3A_1196 {strides = array<i32>} : memref<200x128xf32, #tpu.memory_space<vmem>>, vector<16xf32>,
      }
      %scan3A_134 = arith.constant 40 : i32
      %add3A_135 = arith.addi %mul3A_2, %mul3A_88 : i32
      %dma_start3A_136 = arith.constant 0 : i32
      %dma_start3A_137 = tpu.memref_slice %arg7[%add3A_135, %dma_start3A_136] : memref<204800x128xf32, #tpu.memory_space<hbm>> -> memref<200x128xf32, #tpu.memory_space<hbm>>
      %dma_start3A_138 = arith.constant 0 : i32
      %dma_start3A_139 = tpu.memref_slice %arg7[%add3A_135, %dma_start3A_138] : memref<204800x128xf32, #tpu.memory_space<hbm>> -> memref<200x128xf32, #tpu.memory_space<hbm>>
      tpu.enqueue_dma source(%arg9 : memref<200x128xf32, #tpu.memory_space<vmem>>) target(%dma_start3A_139 : memref<200x128xf32, #tpu.memory_space<hbm>>) target_semaphore(%arg18 : memref<!tpu.dma_semaphore, #tpu.memory_space<semaphore_mem>>)
      %mul3A_140 = arith.constant 3 : i32
      %mul3A_141 = arith.muli %scan3A_81, %mul3A_140 : i32
      %add3A_142 = arith.constant 1 : i32
      %add3A_143 = arith.addi %mul3A_141, %add3A_142 : i32
      %rem3A_144 = arith.constant 32 : i32
      %rem3A_145 = arith.remsi %add3A_143, %rem3A_144 : i32
      %mul3A_146 = arith.constant 200 : i32
      %mul3A_147 = arith.muli %rem3A_145, %mul3A_146 : i32
      %add3A_148 = arith.constant 1 : i32
      %add3A_149 = arith.addi %add3A_143, %add3A_148 : i32
      %rem3A_150 = arith.constant 32 : i32
      %rem3A_151 = arith.remsi %add3A_149, %rem3A_150 : i32
      %mul3A_152 = arith.constant 200 : i32
      %mul3A_153 = arith.muli %rem3A_151, %mul3A_152 : i32
      %ge3A_154 = arith.constant 2 : i32
      %ge3A_155 = arith.cmpi sge, %add3A_143, %ge3A_154 : i32
      %convert_element_type3A_156 = arith.extui %ge3A_155 : i1 to i32
      %cond3A_157 = arith.constant 0 : i32
      %cond3A_158 = arith.cmpi ne, %convert_element_type3A_156, %cond3A_157 : i32
      scf.if %cond3A_158 {
        %dma_wait3A_264 = arith.constant 0 : i32
        %dma_wait3A_265 = arith.constant 0 : i32
        %dma_wait3A_266 = tpu.memref_slice %arg7[%dma_wait3A_264, %dma_wait3A_265] : memref<204800x128xf32, #tpu.memory_space<hbm>> -> memref<200x128xf32, #tpu.memory_space<hbm>>
        %dma_wait3A_267 = arith.constant 0 : i32
        %dma_wait3A_268 = arith.constant 0 : i32
        %dma_wait3A_269 = tpu.memref_slice %arg7[%dma_wait3A_267, %dma_wait3A_268] : memref<204800x128xf32, #tpu.memory_space<hbm>> -> memref<200x128xf32, #tpu.memory_space<hbm>>
        tpu.wait_dma2 semaphore(%arg20 : memref<!tpu.dma_semaphore, #tpu.memory_space<semaphore_mem>>) src(%arg11 : memref<200x128xf32, #tpu.memory_space<vmem>>) dst(%dma_wait3A_269 : memref<200x128xf32, #tpu.memory_space<hbm>>)
      } else {
      }
      %dma_start3A_159 = arith.constant 0 : i32
      %dma_start3A_160 = arith.constant 0 : i32
      %dma_start3A_161 = tpu.memref_slice %arg11[%dma_start3A_159, %dma_start3A_160] : memref<200x128xf32, #tpu.memory_space<vmem>> -> memref<104x128xf32, #tpu.memory_space<vmem>>
      %dma_start3A_162 = tpu.memref_slice %arg8[%mul3A_153] : memref<6400xi32, #tpu.memory_space<vmem>> -> memref<104xi32, #tpu.memory_space<vmem>>
      %dma_start3A_163 = arith.constant 0 : i32
      %dma_start3A_164 = arith.constant 0 : i32
      %dma_start3A_165 = tpu.memref_slice %arg3[%dma_start3A_163, %dma_start3A_164] : memref<100000x128xf32, #tpu.memory_space<hbm>> -> memref<100000x128xf32, #tpu.memory_space<hbm>>
      tpu.enqueue_indirect_dma source(%dma_start3A_165 : memref<100000x128xf32, #tpu.memory_space<hbm>>) target(%dma_start3A_161 : memref<104x128xf32, #tpu.memory_space<vmem>>) offsets(%dma_start3A_162 : memref<104xi32, #tpu.memory_space<vmem>>) semaphore(%arg17 : memref<!tpu.dma_semaphore, #tpu.memory_space<semaphore_mem>>)
      %add3A_166 = arith.constant 104 : i32
      %add3A_167 = arith.addi %mul3A_153, %add3A_166 : i32
      %dma_start3A_168 = arith.constant 104 : i32
      %dma_start3A_169 = arith.constant 0 : i32
      %dma_start3A_170 = tpu.memref_slice %arg11[%dma_start3A_168, %dma_start3A_169] : memref<200x128xf32, #tpu.memory_space<vmem>> -> memref<96x128xf32, #tpu.memory_space<vmem>>
      %dma_start3A_171 = tpu.memref_slice %arg8[%add3A_167] : memref<6400xi32, #tpu.memory_space<vmem>> -> memref<96xi32, #tpu.memory_space<vmem>>
      %dma_start3A_172 = arith.constant 0 : i32
      %dma_start3A_173 = arith.constant 0 : i32
      %dma_start3A_174 = tpu.memref_slice %arg3[%dma_start3A_172, %dma_start3A_173] : memref<100000x128xf32, #tpu.memory_space<hbm>> -> memref<100000x128xf32, #tpu.memory_space<hbm>>
      tpu.enqueue_indirect_dma source(%dma_start3A_174 : memref<100000x128xf32, #tpu.memory_space<hbm>>) target(%dma_start3A_170 : memref<96x128xf32, #tpu.memory_space<vmem>>) offsets(%dma_start3A_171 : memref<96xi32, #tpu.memory_space<vmem>>) semaphore(%arg17 : memref<!tpu.dma_semaphore, #tpu.memory_space<semaphore_mem>>)
      %dma_wait3A_175 = arith.constant 0 : i32
      %dma_wait3A_176 = arith.constant 0 : i32
      %dma_wait3A_177 = tpu.memref_slice %arg10[%dma_wait3A_175, %dma_wait3A_176] : memref<200x128xf32, #tpu.memory_space<vmem>> -> memref<104x128xf32, #tpu.memory_space<vmem>>
      %dma_wait3A_178 = arith.constant 0 : i32
      %dma_wait3A_179 = tpu.memref_slice %arg8[%dma_wait3A_178] : memref<6400xi32, #tpu.memory_space<vmem>> -> memref<104xi32, #tpu.memory_space<vmem>>
      %dma_wait3A_180 = arith.constant 0 : i32
      %dma_wait3A_181 = arith.constant 0 : i32
      %dma_wait3A_182 = tpu.memref_slice %arg3[%dma_wait3A_180, %dma_wait3A_181] : memref<100000x128xf32, #tpu.memory_space<hbm>> -> memref<100000x128xf32, #tpu.memory_space<hbm>>
      tpu.wait_indirect_dma semaphore(%arg16 : memref<!tpu.dma_semaphore, #tpu.memory_space<semaphore_mem>>) src(%dma_wait3A_182 : memref<100000x128xf32, #tpu.memory_space<hbm>>) dst(%dma_wait3A_177 : memref<104x128xf32, #tpu.memory_space<vmem>>)
      %dma_wait3A_183 = arith.constant 104 : i32
      %dma_wait3A_184 = arith.constant 0 : i32
      %dma_wait3A_185 = tpu.memref_slice %arg10[%dma_wait3A_183, %dma_wait3A_184] : memref<200x128xf32, #tpu.memory_space<vmem>> -> memref<96x128xf32, #tpu.memory_space<vmem>>
      %dma_wait3A_186 = arith.constant 0 : i32
      %dma_wait3A_187 = tpu.memref_slice %arg8[%dma_wait3A_186] : memref<6400xi32, #tpu.memory_space<vmem>> -> memref<96xi32, #tpu.memory_space<vmem>>
      %dma_wait3A_188 = arith.constant 0 : i32
      %dma_wait3A_189 = arith.constant 0 : i32
      %dma_wait3A_190 = tpu.memref_slice %arg3[%dma_wait3A_188, %dma_wait3A_189] : memref<100000x128xf32, #tpu.memory_space<hbm>> -> memref<100000x128xf32, #tpu.memory_space<hbm>>
      tpu.wait_indirect_dma semaphore(%arg16 : memref<!tpu.dma_semaphore, #tpu.memory_space<semaphore_mem>>) src(%dma_wait3A_190 : memref<100000x128xf32, #tpu.memory_space<hbm>>) dst(%dma_wait3A_185 : memref<96x128xf32, #tpu.memory_space<vmem>>)
      %scan3A_191 = arith.constant 0 : i32
      %scan3A_192 = arith.constant 0 : i32
      %scan3A_193 = arith.constant 40 : i32
      %scan3A_194 = arith.addi %scan3A_192, %scan3A_193 : i32
      %scan3A_195 = arith.constant 1 : i32
      scf.for %scan3A_264 = %scan3A_192 to %scan3A_194 step %scan3A_195  : i32 {
        %mul3A_265 = arith.constant 5 : i32
        %mul3A_266 = arith.muli %scan3A_264, %mul3A_265 : i32
        %add3A_267 = arith.constant 0 : i32
        %add3A_268 = arith.addi %mul3A_266, %add3A_267 : i32
        %get3A_269 = arith.index_cast %add3A_268 : i32 to index
        %get3A_270 = arith.constant 0 : index
        %get3A_271 = tpu.vector_load %arg10[%get3A_269, %get3A_270] {strides = array<i32>} : memref<200x128xf32, #tpu.memory_space<vmem>>, vector<16xf32>,
        %get3A_272 = arith.index_cast %add3A_268 : i32 to index
        %get3A_273 = arith.constant 0 : index
        %get3A_274 = tpu.vector_load %arg12[%get3A_272, %get3A_273] {strides = array<i32>} : memref<200x128xf32, #tpu.memory_space<vmem>>, vector<16xf32>,
        %add3A_275 = arith.addf %get3A_271, %get3A_274 : vector<16xf32>
        %get3A_276 = arith.index_cast %add3A_268 : i32 to index
        %get3A_277 = arith.constant 16 : index
        %get3A_278 = tpu.vector_load %arg10[%get3A_276, %get3A_277] {strides = array<i32>} : memref<200x128xf32, #tpu.memory_space<vmem>>, vector<16xf32>,
        %get3A_279 = arith.index_cast %add3A_268 : i32 to index
        %get3A_280 = arith.constant 16 : index
        %get3A_281 = tpu.vector_load %arg12[%get3A_279, %get3A_280] {strides = array<i32>} : memref<200x128xf32, #tpu.memory_space<vmem>>, vector<16xf32>,
        %add3A_282 = arith.addf %get3A_278, %get3A_281 : vector<16xf32>
        %get3A_283 = arith.index_cast %add3A_268 : i32 to index
        %get3A_284 = arith.constant 32 : index
        %get3A_285 = tpu.vector_load %arg10[%get3A_283, %get3A_284] {strides = array<i32>} : memref<200x128xf32, #tpu.memory_space<vmem>>, vector<16xf32>,
        %get3A_286 = arith.index_cast %add3A_268 : i32 to index
        %get3A_287 = arith.constant 32 : index
        %get3A_288 = tpu.vector_load %arg12[%get3A_286, %get3A_287] {strides = array<i32>} : memref<200x128xf32, #tpu.memory_space<vmem>>, vector<16xf32>,
        %add3A_289 = arith.addf %get3A_285, %get3A_288 : vector<16xf32>
        %get3A_290 = arith.index_cast %add3A_268 : i32 to index
        %get3A_291 = arith.constant 48 : index
        %get3A_292 = tpu.vector_load %arg10[%get3A_290, %get3A_291] {strides = array<i32>} : memref<200x128xf32, #tpu.memory_space<vmem>>, vector<16xf32>,
        %get3A_293 = arith.index_cast %add3A_268 : i32 to index
        %get3A_294 = arith.constant 48 : index
        %get3A_295 = tpu.vector_load %arg12[%get3A_293, %get3A_294] {strides = array<i32>} : memref<200x128xf32, #tpu.memory_space<vmem>>, vector<16xf32>,
        %add3A_296 = arith.addf %get3A_292, %get3A_295 : vector<16xf32>
        %get3A_297 = arith.index_cast %add3A_268 : i32 to index
        %get3A_298 = arith.constant 64 : index
        %get3A_299 = tpu.vector_load %arg10[%get3A_297, %get3A_298] {strides = array<i32>} : memref<200x128xf32, #tpu.memory_space<vmem>>, vector<16xf32>,
        %get3A_300 = arith.index_cast %add3A_268 : i32 to index
        %get3A_301 = arith.constant 64 : index
        %get3A_302 = tpu.vector_load %arg12[%get3A_300, %get3A_301] {strides = array<i32>} : memref<200x128xf32, #tpu.memory_space<vmem>>, vector<16xf32>,
        %add3A_303 = arith.addf %get3A_299, %get3A_302 : vector<16xf32>
        %get3A_304 = arith.index_cast %add3A_268 : i32 to index
        %get3A_305 = arith.constant 80 : index
        %get3A_306 = tpu.vector_load %arg10[%get3A_304, %get3A_305] {strides = array<i32>} : memref<200x128xf32, #tpu.memory_space<vmem>>, vector<16xf32>,
        %get3A_307 = arith.index_cast %add3A_268 : i32 to index
        %get3A_308 = arith.constant 80 : index
        %get3A_309 = tpu.vector_load %arg12[%get3A_307, %get3A_308] {strides = array<i32>} : memref<200x128xf32, #tpu.memory_space<vmem>>, vector<16xf32>,
        %add3A_310 = arith.addf %get3A_306, %get3A_309 : vector<16xf32>
        %get3A_311 = arith.index_cast %add3A_268 : i32 to index
        %get3A_312 = arith.constant 96 : index
        %get3A_313 = tpu.vector_load %arg10[%get3A_311, %get3A_312] {strides = array<i32>} : memref<200x128xf32, #tpu.memory_space<vmem>>, vector<16xf32>,
        %get3A_314 = arith.index_cast %add3A_268 : i32 to index
        %get3A_315 = arith.constant 96 : index
        %get3A_316 = tpu.vector_load %arg12[%get3A_314, %get3A_315] {strides = array<i32>} : memref<200x128xf32, #tpu.memory_space<vmem>>, vector<16xf32>,
        %add3A_317 = arith.addf %get3A_313, %get3A_316 : vector<16xf32>
        %get3A_318 = arith.index_cast %add3A_268 : i32 to index
        %get3A_319 = arith.constant 112 : index
        %get3A_320 = tpu.vector_load %arg10[%get3A_318, %get3A_319] {strides = array<i32>} : memref<200x128xf32, #tpu.memory_space<vmem>>, vector<16xf32>,
        %get3A_321 = arith.index_cast %add3A_268 : i32 to index
        %get3A_322 = arith.constant 112 : index
        %get3A_323 = tpu.vector_load %arg12[%get3A_321, %get3A_322] {strides = array<i32>} : memref<200x128xf32, #tpu.memory_space<vmem>>, vector<16xf32>,
        %add3A_324 = arith.addf %get3A_320, %get3A_323 : vector<16xf32>
        %add3A_325 = arith.addf %add3A_275, %add3A_282 : vector<16xf32>
        %add3A_326 = arith.addf %add3A_325, %add3A_289 : vector<16xf32>
        %add3A_327 = arith.addf %add3A_326, %add3A_296 : vector<16xf32>
        %add3A_328 = arith.addf %add3A_327, %add3A_303 : vector<16xf32>
        %add3A_329 = arith.addf %add3A_328, %add3A_310 : vector<16xf32>
        %add3A_330 = arith.addf %add3A_329, %add3A_317 : vector<16xf32>
        %add3A_331 = arith.addf %add3A_330, %add3A_324 : vector<16xf32>
        %mul3A_332 = arith.mulf %add3A_275, %add3A_275 : vector<16xf32>
        %mul3A_333 = arith.mulf %add3A_282, %add3A_282 : vector<16xf32>
        %add3A_334 = arith.addf %mul3A_332, %mul3A_333 : vector<16xf32>
        %mul3A_335 = arith.mulf %add3A_289, %add3A_289 : vector<16xf32>
        %add3A_336 = arith.addf %add3A_334, %mul3A_335 : vector<16xf32>
        %mul3A_337 = arith.mulf %add3A_296, %add3A_296 : vector<16xf32>
        %add3A_338 = arith.addf %add3A_336, %mul3A_337 : vector<16xf32>
        %mul3A_339 = arith.mulf %add3A_303, %add3A_303 : vector<16xf32>
        %add3A_340 = arith.addf %add3A_338, %mul3A_339 : vector<16xf32>
        %mul3A_341 = arith.mulf %add3A_310, %add3A_310 : vector<16xf32>
        %add3A_342 = arith.addf %add3A_340, %mul3A_341 : vector<16xf32>
        %mul3A_343 = arith.mulf %add3A_317, %add3A_317 : vector<16xf32>
        %add3A_344 = arith.addf %add3A_342, %mul3A_343 : vector<16xf32>
        %mul3A_345 = arith.mulf %add3A_324, %add3A_324 : vector<16xf32>
        %add3A_346 = arith.addf %add3A_344, %mul3A_345 : vector<16xf32>
        %reduce_sum3A = arith.constant true
        %reduce_sum3A_347 = vector.broadcast %reduce_sum3A : i1 to vector<16xi1>
        %reduce_sum3A_348 = tpu.scan <sum>, %add3A_331 masked %reduce_sum3A_347 : vector<16xf32>, vector<16xi1> -> vector<16xf32>
        %reduce_sum3A_349 = vector.extract %reduce_sum3A_348[15] : f32 from vector<16xf32>
        %reduce_sum3A_350 = arith.constant true
        %reduce_sum3A_351 = vector.broadcast %reduce_sum3A_350 : i1 to vector<16xi1>
        %reduce_sum3A_352 = tpu.scan <sum>, %add3A_346 masked %reduce_sum3A_351 : vector<16xf32>, vector<16xi1> -> vector<16xf32>
        %reduce_sum3A_353 = vector.extract %reduce_sum3A_352[15] : f32 from vector<16xf32>
        %mul3A_354 = arith.constant 7.812500e-03 : f32
        %mul3A_355 = arith.mulf %reduce_sum3A_349, %mul3A_354 : f32
        %mul3A_356 = arith.constant 7.812500e-03 : f32
        %mul3A_357 = arith.mulf %reduce_sum3A_353, %mul3A_356 : f32
        %mul3A_358 = arith.mulf %mul3A_355, %mul3A_355 : f32
        %sub3A = arith.subf %mul3A_357, %mul3A_358 : f32
        %add3A_359 = arith.constant 9.99999996E-13 : f32
        %add3A_360 = arith.addf %sub3A, %add3A_359 : f32
        %bitcast_convert_type3A = arith.bitcast %add3A_360 : f32 to i32
        %shift_right_logical3A = arith.constant 1 : i32
        %shift_right_logical3A_361 = arith.shrui %bitcast_convert_type3A, %shift_right_logical3A : i32
        %sub3A_362 = arith.constant 1597463007 : i32
        %sub3A_363 = arith.subi %sub3A_362, %shift_right_logical3A_361 : i32
        %bitcast_convert_type3A_364 = arith.bitcast %sub3A_363 : i32 to f32
        %mul3A_365 = arith.constant 5.000000e-01 : f32
        %mul3A_366 = arith.mulf %add3A_360, %mul3A_365 : f32
        %mul3A_367 = arith.mulf %bitcast_convert_type3A_364, %bitcast_convert_type3A_364 : f32
        %mul3A_368 = arith.mulf %mul3A_366, %mul3A_367 : f32
        %sub3A_369 = arith.constant 1.500000e+00 : f32
        %sub3A_370 = arith.subf %sub3A_369, %mul3A_368 : f32
        %mul3A_371 = arith.mulf %bitcast_convert_type3A_364, %sub3A_370 : f32
        %mul3A_372 = arith.mulf %mul3A_371, %mul3A_371 : f32
        %mul3A_373 = arith.mulf %mul3A_366, %mul3A_372 : f32
        %sub3A_374 = arith.constant 1.500000e+00 : f32
        %sub3A_375 = arith.subf %sub3A_374, %mul3A_373 : f32
        %mul3A_376 = arith.mulf %mul3A_371, %sub3A_375 : f32
        %sub3A_377 = vector.broadcast %mul3A_355 : f32 to vector<16xf32>
        %sub3A_378 = arith.subf %add3A_275, %sub3A_377 : vector<16xf32>
        %mul3A_379 = vector.broadcast %mul3A_376 : f32 to vector<16xf32>
        %mul3A_380 = arith.mulf %mul3A_379, %get3A_3 : vector<16xf32>
        %mul3A_381 = arith.mulf %sub3A_378, %mul3A_380 : vector<16xf32>
        %add3A_382 = arith.addf %mul3A_381, %get3A_19 : vector<16xf32>
        %swap3A = arith.index_cast %add3A_268 : i32 to index
        %swap3A_383 = arith.constant 0 : index
        %swap3A_384 = tpu.vector_load %arg10[%swap3A, %swap3A_383] {strides = array<i32>} : memref<200x128xf32, #tpu.memory_space<vmem>>, vector<16xf32>,
        tpu.vector_store %arg10[%swap3A, %swap3A_383], %add3A_382 {strides = array<i32>} : memref<200x128xf32, #tpu.memory_space<vmem>>, vector<16xf32>,
        %sub3A_385 = vector.broadcast %mul3A_355 : f32 to vector<16xf32>
        %sub3A_386 = arith.subf %add3A_282, %sub3A_385 : vector<16xf32>
        %mul3A_387 = vector.broadcast %mul3A_376 : f32 to vector<16xf32>
        %mul3A_388 = arith.mulf %mul3A_387, %get3A_5 : vector<16xf32>
        %mul3A_389 = arith.mulf %sub3A_386, %mul3A_388 : vector<16xf32>
        %add3A_390 = arith.addf %mul3A_389, %get3A_21 : vector<16xf32>
        %swap3A_391 = arith.index_cast %add3A_268 : i32 to index
        %swap3A_392 = arith.constant 16 : index
        %swap3A_393 = tpu.vector_load %arg10[%swap3A_391, %swap3A_392] {strides = array<i32>} : memref<200x128xf32, #tpu.memory_space<vmem>>, vector<16xf32>,
        tpu.vector_store %arg10[%swap3A_391, %swap3A_392], %add3A_390 {strides = array<i32>} : memref<200x128xf32, #tpu.memory_space<vmem>>, vector<16xf32>,
        %sub3A_394 = vector.broadcast %mul3A_355 : f32 to vector<16xf32>
        %sub3A_395 = arith.subf %add3A_289, %sub3A_394 : vector<16xf32>
        %mul3A_396 = vector.broadcast %mul3A_376 : f32 to vector<16xf32>
        %mul3A_397 = arith.mulf %mul3A_396, %get3A_7 : vector<16xf32>
        %mul3A_398 = arith.mulf %sub3A_395, %mul3A_397 : vector<16xf32>
        %add3A_399 = arith.addf %mul3A_398, %get3A_23 : vector<16xf32>
        %swap3A_400 = arith.index_cast %add3A_268 : i32 to index
        %swap3A_401 = arith.constant 32 : index
        %swap3A_402 = tpu.vector_load %arg10[%swap3A_400, %swap3A_401] {strides = array<i32>} : memref<200x128xf32, #tpu.memory_space<vmem>>, vector<16xf32>,
        tpu.vector_store %arg10[%swap3A_400, %swap3A_401], %add3A_399 {strides = array<i32>} : memref<200x128xf32, #tpu.memory_space<vmem>>, vector<16xf32>,
        %sub3A_403 = vector.broadcast %mul3A_355 : f32 to vector<16xf32>
        %sub3A_404 = arith.subf %add3A_296, %sub3A_403 : vector<16xf32>
        %mul3A_405 = vector.broadcast %mul3A_376 : f32 to vector<16xf32>
        %mul3A_406 = arith.mulf %mul3A_405, %get3A_9 : vector<16xf32>
        %mul3A_407 = arith.mulf %sub3A_404, %mul3A_406 : vector<16xf32>
        %add3A_408 = arith.addf %mul3A_407, %get3A_25 : vector<16xf32>
        %swap3A_409 = arith.index_cast %add3A_268 : i32 to index
        %swap3A_410 = arith.constant 48 : index
        %swap3A_411 = tpu.vector_load %arg10[%swap3A_409, %swap3A_410] {strides = array<i32>} : memref<200x128xf32, #tpu.memory_space<vmem>>, vector<16xf32>,
        tpu.vector_store %arg10[%swap3A_409, %swap3A_410], %add3A_408 {strides = array<i32>} : memref<200x128xf32, #tpu.memory_space<vmem>>, vector<16xf32>,
        %sub3A_412 = vector.broadcast %mul3A_355 : f32 to vector<16xf32>
        %sub3A_413 = arith.subf %add3A_303, %sub3A_412 : vector<16xf32>
        %mul3A_414 = vector.broadcast %mul3A_376 : f32 to vector<16xf32>
        %mul3A_415 = arith.mulf %mul3A_414, %get3A_11 : vector<16xf32>
        %mul3A_416 = arith.mulf %sub3A_413, %mul3A_415 : vector<16xf32>
        %add3A_417 = arith.addf %mul3A_416, %get3A_27 : vector<16xf32>
        %swap3A_418 = arith.index_cast %add3A_268 : i32 to index
        %swap3A_419 = arith.constant 64 : index
        %swap3A_420 = tpu.vector_load %arg10[%swap3A_418, %swap3A_419] {strides = array<i32>} : memref<200x128xf32, #tpu.memory_space<vmem>>, vector<16xf32>,
        tpu.vector_store %arg10[%swap3A_418, %swap3A_419], %add3A_417 {strides = array<i32>} : memref<200x128xf32, #tpu.memory_space<vmem>>, vector<16xf32>,
        %sub3A_421 = vector.broadcast %mul3A_355 : f32 to vector<16xf32>
        %sub3A_422 = arith.subf %add3A_310, %sub3A_421 : vector<16xf32>
        %mul3A_423 = vector.broadcast %mul3A_376 : f32 to vector<16xf32>
        %mul3A_424 = arith.mulf %mul3A_423, %get3A_13 : vector<16xf32>
        %mul3A_425 = arith.mulf %sub3A_422, %mul3A_424 : vector<16xf32>
        %add3A_426 = arith.addf %mul3A_425, %get3A_29 : vector<16xf32>
        %swap3A_427 = arith.index_cast %add3A_268 : i32 to index
        %swap3A_428 = arith.constant 80 : index
        %swap3A_429 = tpu.vector_load %arg10[%swap3A_427, %swap3A_428] {strides = array<i32>} : memref<200x128xf32, #tpu.memory_space<vmem>>, vector<16xf32>,
        tpu.vector_store %arg10[%swap3A_427, %swap3A_428], %add3A_426 {strides = array<i32>} : memref<200x128xf32, #tpu.memory_space<vmem>>, vector<16xf32>,
        %sub3A_430 = vector.broadcast %mul3A_355 : f32 to vector<16xf32>
        %sub3A_431 = arith.subf %add3A_317, %sub3A_430 : vector<16xf32>
        %mul3A_432 = vector.broadcast %mul3A_376 : f32 to vector<16xf32>
        %mul3A_433 = arith.mulf %mul3A_432, %get3A_15 : vector<16xf32>
        %mul3A_434 = arith.mulf %sub3A_431, %mul3A_433 : vector<16xf32>
        %add3A_435 = arith.addf %mul3A_434, %get3A_31 : vector<16xf32>
        %swap3A_436 = arith.index_cast %add3A_268 : i32 to index
        %swap3A_437 = arith.constant 96 : index
        %swap3A_438 = tpu.vector_load %arg10[%swap3A_436, %swap3A_437] {strides = array<i32>} : memref<200x128xf32, #tpu.memory_space<vmem>>, vector<16xf32>,
        tpu.vector_store %arg10[%swap3A_436, %swap3A_437], %add3A_435 {strides = array<i32>} : memref<200x128xf32, #tpu.memory_space<vmem>>, vector<16xf32>,
        %sub3A_439 = vector.broadcast %mul3A_355 : f32 to vector<16xf32>
        %sub3A_440 = arith.subf %add3A_324, %sub3A_439 : vector<16xf32>
        %mul3A_441 = vector.broadcast %mul3A_376 : f32 to vector<16xf32>
        %mul3A_442 = arith.mulf %mul3A_441, %get3A_17 : vector<16xf32>
        %mul3A_443 = arith.mulf %sub3A_440, %mul3A_442 : vector<16xf32>
        %add3A_444 = arith.addf %mul3A_443, %get3A_33 : vector<16xf32>
        %swap3A_445 = arith.index_cast %add3A_268 : i32 to index
        %swap3A_446 = arith.constant 112 : index
        %swap3A_447 = tpu.vector_load %arg10[%swap3A_445, %swap3A_446] {strides = array<i32>} : memref<200x128xf32, #tpu.memory_space<vmem>>, vector<16xf32>,
        tpu.vector_store %arg10[%swap3A_445, %swap3A_446], %add3A_444 {strides = array<i32>} : memref<200x128xf32, #tpu.memory_space<vmem>>, vector<16xf32>,
        %mul3A_448 = arith.constant 5 : i32
        %mul3A_449 = arith.muli %scan3A_264, %mul3A_448 : i32
        %add3A_450 = arith.constant 1 : i32
        %add3A_451 = arith.addi %mul3A_449, %add3A_450 : i32
        %get3A_452 = arith.index_cast %add3A_451 : i32 to index
        %get3A_453 = arith.constant 0 : index
        %get3A_454 = tpu.vector_load %arg10[%get3A_452, %get3A_453] {strides = array<i32>} : memref<200x128xf32, #tpu.memory_space<vmem>>, vector<16xf32>,
        %get3A_455 = arith.index_cast %add3A_451 : i32 to index
        %get3A_456 = arith.constant 0 : index
        %get3A_457 = tpu.vector_load %arg12[%get3A_455, %get3A_456] {strides = array<i32>} : memref<200x128xf32, #tpu.memory_space<vmem>>, vector<16xf32>,
        %add3A_458 = arith.addf %get3A_454, %get3A_457 : vector<16xf32>
        %get3A_459 = arith.index_cast %add3A_451 : i32 to index
        %get3A_460 = arith.constant 16 : index
        %get3A_461 = tpu.vector_load %arg10[%get3A_459, %get3A_460] {strides = array<i32>} : memref<200x128xf32, #tpu.memory_space<vmem>>, vector<16xf32>,
        %get3A_462 = arith.index_cast %add3A_451 : i32 to index
        %get3A_463 = arith.constant 16 : index
        %get3A_464 = tpu.vector_load %arg12[%get3A_462, %get3A_463] {strides = array<i32>} : memref<200x128xf32, #tpu.memory_space<vmem>>, vector<16xf32>,
        %add3A_465 = arith.addf %get3A_461, %get3A_464 : vector<16xf32>
        %get3A_466 = arith.index_cast %add3A_451 : i32 to index
        %get3A_467 = arith.constant 32 : index
        %get3A_468 = tpu.vector_load %arg10[%get3A_466, %get3A_467] {strides = array<i32>} : memref<200x128xf32, #tpu.memory_space<vmem>>, vector<16xf32>,
        %get3A_469 = arith.index_cast %add3A_451 : i32 to index
        %get3A_470 = arith.constant 32 : index
        %get3A_471 = tpu.vector_load %arg12[%get3A_469, %get3A_470] {strides = array<i32>} : memref<200x128xf32, #tpu.memory_space<vmem>>, vector<16xf32>,
        %add3A_472 = arith.addf %get3A_468, %get3A_471 : vector<16xf32>
        %get3A_473 = arith.index_cast %add3A_451 : i32 to index
        %get3A_474 = arith.constant 48 : index
        %get3A_475 = tpu.vector_load %arg10[%get3A_473, %get3A_474] {strides = array<i32>} : memref<200x128xf32, #tpu.memory_space<vmem>>, vector<16xf32>,
        %get3A_476 = arith.index_cast %add3A_451 : i32 to index
        %get3A_477 = arith.constant 48 : index
        %get3A_478 = tpu.vector_load %arg12[%get3A_476, %get3A_477] {strides = array<i32>} : memref<200x128xf32, #tpu.memory_space<vmem>>, vector<16xf32>,
        %add3A_479 = arith.addf %get3A_475, %get3A_478 : vector<16xf32>
        %get3A_480 = arith.index_cast %add3A_451 : i32 to index
        %get3A_481 = arith.constant 64 : index
        %get3A_482 = tpu.vector_load %arg10[%get3A_480, %get3A_481] {strides = array<i32>} : memref<200x128xf32, #tpu.memory_space<vmem>>, vector<16xf32>,
        %get3A_483 = arith.index_cast %add3A_451 : i32 to index
        %get3A_484 = arith.constant 64 : index
        %get3A_485 = tpu.vector_load %arg12[%get3A_483, %get3A_484] {strides = array<i32>} : memref<200x128xf32, #tpu.memory_space<vmem>>, vector<16xf32>,
        %add3A_486 = arith.addf %get3A_482, %get3A_485 : vector<16xf32>
        %get3A_487 = arith.index_cast %add3A_451 : i32 to index
        %get3A_488 = arith.constant 80 : index
        %get3A_489 = tpu.vector_load %arg10[%get3A_487, %get3A_488] {strides = array<i32>} : memref<200x128xf32, #tpu.memory_space<vmem>>, vector<16xf32>,
        %get3A_490 = arith.index_cast %add3A_451 : i32 to index
        %get3A_491 = arith.constant 80 : index
        %get3A_492 = tpu.vector_load %arg12[%get3A_490, %get3A_491] {strides = array<i32>} : memref<200x128xf32, #tpu.memory_space<vmem>>, vector<16xf32>,
        %add3A_493 = arith.addf %get3A_489, %get3A_492 : vector<16xf32>
        %get3A_494 = arith.index_cast %add3A_451 : i32 to index
        %get3A_495 = arith.constant 96 : index
        %get3A_496 = tpu.vector_load %arg10[%get3A_494, %get3A_495] {strides = array<i32>} : memref<200x128xf32, #tpu.memory_space<vmem>>, vector<16xf32>,
        %get3A_497 = arith.index_cast %add3A_451 : i32 to index
        %get3A_498 = arith.constant 96 : index
        %get3A_499 = tpu.vector_load %arg12[%get3A_497, %get3A_498] {strides = array<i32>} : memref<200x128xf32, #tpu.memory_space<vmem>>, vector<16xf32>,
        %add3A_500 = arith.addf %get3A_496, %get3A_499 : vector<16xf32>
        %get3A_501 = arith.index_cast %add3A_451 : i32 to index
        %get3A_502 = arith.constant 112 : index
        %get3A_503 = tpu.vector_load %arg10[%get3A_501, %get3A_502] {strides = array<i32>} : memref<200x128xf32, #tpu.memory_space<vmem>>, vector<16xf32>,
        %get3A_504 = arith.index_cast %add3A_451 : i32 to index
        %get3A_505 = arith.constant 112 : index
        %get3A_506 = tpu.vector_load %arg12[%get3A_504, %get3A_505] {strides = array<i32>} : memref<200x128xf32, #tpu.memory_space<vmem>>, vector<16xf32>,
        %add3A_507 = arith.addf %get3A_503, %get3A_506 : vector<16xf32>
        %add3A_508 = arith.addf %add3A_458, %add3A_465 : vector<16xf32>
        %add3A_509 = arith.addf %add3A_508, %add3A_472 : vector<16xf32>
        %add3A_510 = arith.addf %add3A_509, %add3A_479 : vector<16xf32>
        %add3A_511 = arith.addf %add3A_510, %add3A_486 : vector<16xf32>
        %add3A_512 = arith.addf %add3A_511, %add3A_493 : vector<16xf32>
        %add3A_513 = arith.addf %add3A_512, %add3A_500 : vector<16xf32>
        %add3A_514 = arith.addf %add3A_513, %add3A_507 : vector<16xf32>
        %mul3A_515 = arith.mulf %add3A_458, %add3A_458 : vector<16xf32>
        %mul3A_516 = arith.mulf %add3A_465, %add3A_465 : vector<16xf32>
        %add3A_517 = arith.addf %mul3A_515, %mul3A_516 : vector<16xf32>
        %mul3A_518 = arith.mulf %add3A_472, %add3A_472 : vector<16xf32>
        %add3A_519 = arith.addf %add3A_517, %mul3A_518 : vector<16xf32>
        %mul3A_520 = arith.mulf %add3A_479, %add3A_479 : vector<16xf32>
        %add3A_521 = arith.addf %add3A_519, %mul3A_520 : vector<16xf32>
        %mul3A_522 = arith.mulf %add3A_486, %add3A_486 : vector<16xf32>
        %add3A_523 = arith.addf %add3A_521, %mul3A_522 : vector<16xf32>
        %mul3A_524 = arith.mulf %add3A_493, %add3A_493 : vector<16xf32>
        %add3A_525 = arith.addf %add3A_523, %mul3A_524 : vector<16xf32>
        %mul3A_526 = arith.mulf %add3A_500, %add3A_500 : vector<16xf32>
        %add3A_527 = arith.addf %add3A_525, %mul3A_526 : vector<16xf32>
        %mul3A_528 = arith.mulf %add3A_507, %add3A_507 : vector<16xf32>
        %add3A_529 = arith.addf %add3A_527, %mul3A_528 : vector<16xf32>
        %reduce_sum3A_530 = arith.constant true
        %reduce_sum3A_531 = vector.broadcast %reduce_sum3A_530 : i1 to vector<16xi1>
        %reduce_sum3A_532 = tpu.scan <sum>, %add3A_514 masked %reduce_sum3A_531 : vector<16xf32>, vector<16xi1> -> vector<16xf32>
        %reduce_sum3A_533 = vector.extract %reduce_sum3A_532[15] : f32 from vector<16xf32>
        %reduce_sum3A_534 = arith.constant true
        %reduce_sum3A_535 = vector.broadcast %reduce_sum3A_534 : i1 to vector<16xi1>
        %reduce_sum3A_536 = tpu.scan <sum>, %add3A_529 masked %reduce_sum3A_535 : vector<16xf32>, vector<16xi1> -> vector<16xf32>
        %reduce_sum3A_537 = vector.extract %reduce_sum3A_536[15] : f32 from vector<16xf32>
        %mul3A_538 = arith.constant 7.812500e-03 : f32
        %mul3A_539 = arith.mulf %reduce_sum3A_533, %mul3A_538 : f32
        %mul3A_540 = arith.constant 7.812500e-03 : f32
        %mul3A_541 = arith.mulf %reduce_sum3A_537, %mul3A_540 : f32
        %mul3A_542 = arith.mulf %mul3A_539, %mul3A_539 : f32
        %sub3A_543 = arith.subf %mul3A_541, %mul3A_542 : f32
        %add3A_544 = arith.constant 9.99999996E-13 : f32
        %add3A_545 = arith.addf %sub3A_543, %add3A_544 : f32
        %bitcast_convert_type3A_546 = arith.bitcast %add3A_545 : f32 to i32
        %shift_right_logical3A_547 = arith.constant 1 : i32
        %shift_right_logical3A_548 = arith.shrui %bitcast_convert_type3A_546, %shift_right_logical3A_547 : i32
        %sub3A_549 = arith.constant 1597463007 : i32
        %sub3A_550 = arith.subi %sub3A_549, %shift_right_logical3A_548 : i32
        %bitcast_convert_type3A_551 = arith.bitcast %sub3A_550 : i32 to f32
        %mul3A_552 = arith.constant 5.000000e-01 : f32
        %mul3A_553 = arith.mulf %add3A_545, %mul3A_552 : f32
        %mul3A_554 = arith.mulf %bitcast_convert_type3A_551, %bitcast_convert_type3A_551 : f32
        %mul3A_555 = arith.mulf %mul3A_553, %mul3A_554 : f32
        %sub3A_556 = arith.constant 1.500000e+00 : f32
        %sub3A_557 = arith.subf %sub3A_556, %mul3A_555 : f32
        %mul3A_558 = arith.mulf %bitcast_convert_type3A_551, %sub3A_557 : f32
        %mul3A_559 = arith.mulf %mul3A_558, %mul3A_558 : f32
        %mul3A_560 = arith.mulf %mul3A_553, %mul3A_559 : f32
        %sub3A_561 = arith.constant 1.500000e+00 : f32
        %sub3A_562 = arith.subf %sub3A_561, %mul3A_560 : f32
        %mul3A_563 = arith.mulf %mul3A_558, %sub3A_562 : f32
        %sub3A_564 = vector.broadcast %mul3A_539 : f32 to vector<16xf32>
        %sub3A_565 = arith.subf %add3A_458, %sub3A_564 : vector<16xf32>
        %mul3A_566 = vector.broadcast %mul3A_563 : f32 to vector<16xf32>
        %mul3A_567 = arith.mulf %mul3A_566, %get3A_3 : vector<16xf32>
        %mul3A_568 = arith.mulf %sub3A_565, %mul3A_567 : vector<16xf32>
        %add3A_569 = arith.addf %mul3A_568, %get3A_19 : vector<16xf32>
        %swap3A_570 = arith.index_cast %add3A_451 : i32 to index
        %swap3A_571 = arith.constant 0 : index
        %swap3A_572 = tpu.vector_load %arg10[%swap3A_570, %swap3A_571] {strides = array<i32>} : memref<200x128xf32, #tpu.memory_space<vmem>>, vector<16xf32>,
        tpu.vector_store %arg10[%swap3A_570, %swap3A_571], %add3A_569 {strides = array<i32>} : memref<200x128xf32, #tpu.memory_space<vmem>>, vector<16xf32>,
        %sub3A_573 = vector.broadcast %mul3A_539 : f32 to vector<16xf32>
        %sub3A_574 = arith.subf %add3A_465, %sub3A_573 : vector<16xf32>
        %mul3A_575 = vector.broadcast %mul3A_563 : f32 to vector<16xf32>
        %mul3A_576 = arith.mulf %mul3A_575, %get3A_5 : vector<16xf32>
        %mul3A_577 = arith.mulf %sub3A_574, %mul3A_576 : vector<16xf32>
        %add3A_578 = arith.addf %mul3A_577, %get3A_21 : vector<16xf32>
        %swap3A_579 = arith.index_cast %add3A_451 : i32 to index
        %swap3A_580 = arith.constant 16 : index
        %swap3A_581 = tpu.vector_load %arg10[%swap3A_579, %swap3A_580] {strides = array<i32>} : memref<200x128xf32, #tpu.memory_space<vmem>>, vector<16xf32>,
        tpu.vector_store %arg10[%swap3A_579, %swap3A_580], %add3A_578 {strides = array<i32>} : memref<200x128xf32, #tpu.memory_space<vmem>>, vector<16xf32>,
        %sub3A_582 = vector.broadcast %mul3A_539 : f32 to vector<16xf32>
        %sub3A_583 = arith.subf %add3A_472, %sub3A_582 : vector<16xf32>
        %mul3A_584 = vector.broadcast %mul3A_563 : f32 to vector<16xf32>
        %mul3A_585 = arith.mulf %mul3A_584, %get3A_7 : vector<16xf32>
        %mul3A_586 = arith.mulf %sub3A_583, %mul3A_585 : vector<16xf32>
        %add3A_587 = arith.addf %mul3A_586, %get3A_23 : vector<16xf32>
        %swap3A_588 = arith.index_cast %add3A_451 : i32 to index
        %swap3A_589 = arith.constant 32 : index
        %swap3A_590 = tpu.vector_load %arg10[%swap3A_588, %swap3A_589] {strides = array<i32>} : memref<200x128xf32, #tpu.memory_space<vmem>>, vector<16xf32>,
        tpu.vector_store %arg10[%swap3A_588, %swap3A_589], %add3A_587 {strides = array<i32>} : memref<200x128xf32, #tpu.memory_space<vmem>>, vector<16xf32>,
        %sub3A_591 = vector.broadcast %mul3A_539 : f32 to vector<16xf32>
        %sub3A_592 = arith.subf %add3A_479, %sub3A_591 : vector<16xf32>
        %mul3A_593 = vector.broadcast %mul3A_563 : f32 to vector<16xf32>
        %mul3A_594 = arith.mulf %mul3A_593, %get3A_9 : vector<16xf32>
        %mul3A_595 = arith.mulf %sub3A_592, %mul3A_594 : vector<16xf32>
        %add3A_596 = arith.addf %mul3A_595, %get3A_25 : vector<16xf32>
        %swap3A_597 = arith.index_cast %add3A_451 : i32 to index
        %swap3A_598 = arith.constant 48 : index
        %swap3A_599 = tpu.vector_load %arg10[%swap3A_597, %swap3A_598] {strides = array<i32>} : memref<200x128xf32, #tpu.memory_space<vmem>>, vector<16xf32>,
        tpu.vector_store %arg10[%swap3A_597, %swap3A_598], %add3A_596 {strides = array<i32>} : memref<200x128xf32, #tpu.memory_space<vmem>>, vector<16xf32>,
        %sub3A_600 = vector.broadcast %mul3A_539 : f32 to vector<16xf32>
        %sub3A_601 = arith.subf %add3A_486, %sub3A_600 : vector<16xf32>
        %mul3A_602 = vector.broadcast %mul3A_563 : f32 to vector<16xf32>
        %mul3A_603 = arith.mulf %mul3A_602, %get3A_11 : vector<16xf32>
        %mul3A_604 = arith.mulf %sub3A_601, %mul3A_603 : vector<16xf32>
        %add3A_605 = arith.addf %mul3A_604, %get3A_27 : vector<16xf32>
        %swap3A_606 = arith.index_cast %add3A_451 : i32 to index
        %swap3A_607 = arith.constant 64 : index
        %swap3A_608 = tpu.vector_load %arg10[%swap3A_606, %swap3A_607] {strides = array<i32>} : memref<200x128xf32, #tpu.memory_space<vmem>>, vector<16xf32>,
        tpu.vector_store %arg10[%swap3A_606, %swap3A_607], %add3A_605 {strides = array<i32>} : memref<200x128xf32, #tpu.memory_space<vmem>>, vector<16xf32>,
        %sub3A_609 = vector.broadcast %mul3A_539 : f32 to vector<16xf32>
        %sub3A_610 = arith.subf %add3A_493, %sub3A_609 : vector<16xf32>
        %mul3A_611 = vector.broadcast %mul3A_563 : f32 to vector<16xf32>
        %mul3A_612 = arith.mulf %mul3A_611, %get3A_13 : vector<16xf32>
        %mul3A_613 = arith.mulf %sub3A_610, %mul3A_612 : vector<16xf32>
        %add3A_614 = arith.addf %mul3A_613, %get3A_29 : vector<16xf32>
        %swap3A_615 = arith.index_cast %add3A_451 : i32 to index
        %swap3A_616 = arith.constant 80 : index
        %swap3A_617 = tpu.vector_load %arg10[%swap3A_615, %swap3A_616] {strides = array<i32>} : memref<200x128xf32, #tpu.memory_space<vmem>>, vector<16xf32>,
        tpu.vector_store %arg10[%swap3A_615, %swap3A_616], %add3A_614 {strides = array<i32>} : memref<200x128xf32, #tpu.memory_space<vmem>>, vector<16xf32>,
        %sub3A_618 = vector.broadcast %mul3A_539 : f32 to vector<16xf32>
        %sub3A_619 = arith.subf %add3A_500, %sub3A_618 : vector<16xf32>
        %mul3A_620 = vector.broadcast %mul3A_563 : f32 to vector<16xf32>
        %mul3A_621 = arith.mulf %mul3A_620, %get3A_15 : vector<16xf32>
        %mul3A_622 = arith.mulf %sub3A_619, %mul3A_621 : vector<16xf32>
        %add3A_623 = arith.addf %mul3A_622, %get3A_31 : vector<16xf32>
        %swap3A_624 = arith.index_cast %add3A_451 : i32 to index
        %swap3A_625 = arith.constant 96 : index
        %swap3A_626 = tpu.vector_load %arg10[%swap3A_624, %swap3A_625] {strides = array<i32>} : memref<200x128xf32, #tpu.memory_space<vmem>>, vector<16xf32>,
        tpu.vector_store %arg10[%swap3A_624, %swap3A_625], %add3A_623 {strides = array<i32>} : memref<200x128xf32, #tpu.memory_space<vmem>>, vector<16xf32>,
        %sub3A_627 = vector.broadcast %mul3A_539 : f32 to vector<16xf32>
        %sub3A_628 = arith.subf %add3A_507, %sub3A_627 : vector<16xf32>
        %mul3A_629 = vector.broadcast %mul3A_563 : f32 to vector<16xf32>
        %mul3A_630 = arith.mulf %mul3A_629, %get3A_17 : vector<16xf32>
        %mul3A_631 = arith.mulf %sub3A_628, %mul3A_630 : vector<16xf32>
        %add3A_632 = arith.addf %mul3A_631, %get3A_33 : vector<16xf32>
        %swap3A_633 = arith.index_cast %add3A_451 : i32 to index
        %swap3A_634 = arith.constant 112 : index
        %swap3A_635 = tpu.vector_load %arg10[%swap3A_633, %swap3A_634] {strides = array<i32>} : memref<200x128xf32, #tpu.memory_space<vmem>>, vector<16xf32>,
        tpu.vector_store %arg10[%swap3A_633, %swap3A_634], %add3A_632 {strides = array<i32>} : memref<200x128xf32, #tpu.memory_space<vmem>>, vector<16xf32>,
        %mul3A_636 = arith.constant 5 : i32
        %mul3A_637 = arith.muli %scan3A_264, %mul3A_636 : i32
        %add3A_638 = arith.constant 2 : i32
        %add3A_639 = arith.addi %mul3A_637, %add3A_638 : i32
        %get3A_640 = arith.index_cast %add3A_639 : i32 to index
        %get3A_641 = arith.constant 0 : index
        %get3A_642 = tpu.vector_load %arg10[%get3A_640, %get3A_641] {strides = array<i32>} : memref<200x128xf32, #tpu.memory_space<vmem>>, vector<16xf32>,
        %get3A_643 = arith.index_cast %add3A_639 : i32 to index
        %get3A_644 = arith.constant 0 : index
        %get3A_645 = tpu.vector_load %arg12[%get3A_643, %get3A_644] {strides = array<i32>} : memref<200x128xf32, #tpu.memory_space<vmem>>, vector<16xf32>,
        %add3A_646 = arith.addf %get3A_642, %get3A_645 : vector<16xf32>
        %get3A_647 = arith.index_cast %add3A_639 : i32 to index
        %get3A_648 = arith.constant 16 : index
        %get3A_649 = tpu.vector_load %arg10[%get3A_647, %get3A_648] {strides = array<i32>} : memref<200x128xf32, #tpu.memory_space<vmem>>, vector<16xf32>,
        %get3A_650 = arith.index_cast %add3A_639 : i32 to index
        %get3A_651 = arith.constant 16 : index
        %get3A_652 = tpu.vector_load %arg12[%get3A_650, %get3A_651] {strides = array<i32>} : memref<200x128xf32, #tpu.memory_space<vmem>>, vector<16xf32>,
        %add3A_653 = arith.addf %get3A_649, %get3A_652 : vector<16xf32>
        %get3A_654 = arith.index_cast %add3A_639 : i32 to index
        %get3A_655 = arith.constant 32 : index
        %get3A_656 = tpu.vector_load %arg10[%get3A_654, %get3A_655] {strides = array<i32>} : memref<200x128xf32, #tpu.memory_space<vmem>>, vector<16xf32>,
        %get3A_657 = arith.index_cast %add3A_639 : i32 to index
        %get3A_658 = arith.constant 32 : index
        %get3A_659 = tpu.vector_load %arg12[%get3A_657, %get3A_658] {strides = array<i32>} : memref<200x128xf32, #tpu.memory_space<vmem>>, vector<16xf32>,
        %add3A_660 = arith.addf %get3A_656, %get3A_659 : vector<16xf32>
        %get3A_661 = arith.index_cast %add3A_639 : i32 to index
        %get3A_662 = arith.constant 48 : index
        %get3A_663 = tpu.vector_load %arg10[%get3A_661, %get3A_662] {strides = array<i32>} : memref<200x128xf32, #tpu.memory_space<vmem>>, vector<16xf32>,
        %get3A_664 = arith.index_cast %add3A_639 : i32 to index
        %get3A_665 = arith.constant 48 : index
        %get3A_666 = tpu.vector_load %arg12[%get3A_664, %get3A_665] {strides = array<i32>} : memref<200x128xf32, #tpu.memory_space<vmem>>, vector<16xf32>,
        %add3A_667 = arith.addf %get3A_663, %get3A_666 : vector<16xf32>
        %get3A_668 = arith.index_cast %add3A_639 : i32 to index
        %get3A_669 = arith.constant 64 : index
        %get3A_670 = tpu.vector_load %arg10[%get3A_668, %get3A_669] {strides = array<i32>} : memref<200x128xf32, #tpu.memory_space<vmem>>, vector<16xf32>,
        %get3A_671 = arith.index_cast %add3A_639 : i32 to index
        %get3A_672 = arith.constant 64 : index
        %get3A_673 = tpu.vector_load %arg12[%get3A_671, %get3A_672] {strides = array<i32>} : memref<200x128xf32, #tpu.memory_space<vmem>>, vector<16xf32>,
        %add3A_674 = arith.addf %get3A_670, %get3A_673 : vector<16xf32>
        %get3A_675 = arith.index_cast %add3A_639 : i32 to index
        %get3A_676 = arith.constant 80 : index
        %get3A_677 = tpu.vector_load %arg10[%get3A_675, %get3A_676] {strides = array<i32>} : memref<200x128xf32, #tpu.memory_space<vmem>>, vector<16xf32>,
        %get3A_678 = arith.index_cast %add3A_639 : i32 to index
        %get3A_679 = arith.constant 80 : index
        %get3A_680 = tpu.vector_load %arg12[%get3A_678, %get3A_679] {strides = array<i32>} : memref<200x128xf32, #tpu.memory_space<vmem>>, vector<16xf32>,
        %add3A_681 = arith.addf %get3A_677, %get3A_680 : vector<16xf32>
        %get3A_682 = arith.index_cast %add3A_639 : i32 to index
        %get3A_683 = arith.constant 96 : index
        %get3A_684 = tpu.vector_load %arg10[%get3A_682, %get3A_683] {strides = array<i32>} : memref<200x128xf32, #tpu.memory_space<vmem>>, vector<16xf32>,
        %get3A_685 = arith.index_cast %add3A_639 : i32 to index
        %get3A_686 = arith.constant 96 : index
        %get3A_687 = tpu.vector_load %arg12[%get3A_685, %get3A_686] {strides = array<i32>} : memref<200x128xf32, #tpu.memory_space<vmem>>, vector<16xf32>,
        %add3A_688 = arith.addf %get3A_684, %get3A_687 : vector<16xf32>
        %get3A_689 = arith.index_cast %add3A_639 : i32 to index
        %get3A_690 = arith.constant 112 : index
        %get3A_691 = tpu.vector_load %arg10[%get3A_689, %get3A_690] {strides = array<i32>} : memref<200x128xf32, #tpu.memory_space<vmem>>, vector<16xf32>,
        %get3A_692 = arith.index_cast %add3A_639 : i32 to index
        %get3A_693 = arith.constant 112 : index
        %get3A_694 = tpu.vector_load %arg12[%get3A_692, %get3A_693] {strides = array<i32>} : memref<200x128xf32, #tpu.memory_space<vmem>>, vector<16xf32>,
        %add3A_695 = arith.addf %get3A_691, %get3A_694 : vector<16xf32>
        %add3A_696 = arith.addf %add3A_646, %add3A_653 : vector<16xf32>
        %add3A_697 = arith.addf %add3A_696, %add3A_660 : vector<16xf32>
        %add3A_698 = arith.addf %add3A_697, %add3A_667 : vector<16xf32>
        %add3A_699 = arith.addf %add3A_698, %add3A_674 : vector<16xf32>
        %add3A_700 = arith.addf %add3A_699, %add3A_681 : vector<16xf32>
        %add3A_701 = arith.addf %add3A_700, %add3A_688 : vector<16xf32>
        %add3A_702 = arith.addf %add3A_701, %add3A_695 : vector<16xf32>
        %mul3A_703 = arith.mulf %add3A_646, %add3A_646 : vector<16xf32>
        %mul3A_704 = arith.mulf %add3A_653, %add3A_653 : vector<16xf32>
        %add3A_705 = arith.addf %mul3A_703, %mul3A_704 : vector<16xf32>
        %mul3A_706 = arith.mulf %add3A_660, %add3A_660 : vector<16xf32>
        %add3A_707 = arith.addf %add3A_705, %mul3A_706 : vector<16xf32>
        %mul3A_708 = arith.mulf %add3A_667, %add3A_667 : vector<16xf32>
        %add3A_709 = arith.addf %add3A_707, %mul3A_708 : vector<16xf32>
        %mul3A_710 = arith.mulf %add3A_674, %add3A_674 : vector<16xf32>
        %add3A_711 = arith.addf %add3A_709, %mul3A_710 : vector<16xf32>
        %mul3A_712 = arith.mulf %add3A_681, %add3A_681 : vector<16xf32>
        %add3A_713 = arith.addf %add3A_711, %mul3A_712 : vector<16xf32>
        %mul3A_714 = arith.mulf %add3A_688, %add3A_688 : vector<16xf32>
        %add3A_715 = arith.addf %add3A_713, %mul3A_714 : vector<16xf32>
        %mul3A_716 = arith.mulf %add3A_695, %add3A_695 : vector<16xf32>
        %add3A_717 = arith.addf %add3A_715, %mul3A_716 : vector<16xf32>
        %reduce_sum3A_718 = arith.constant true
        %reduce_sum3A_719 = vector.broadcast %reduce_sum3A_718 : i1 to vector<16xi1>
        %reduce_sum3A_720 = tpu.scan <sum>, %add3A_702 masked %reduce_sum3A_719 : vector<16xf32>, vector<16xi1> -> vector<16xf32>
        %reduce_sum3A_721 = vector.extract %reduce_sum3A_720[15] : f32 from vector<16xf32>
        %reduce_sum3A_722 = arith.constant true
        %reduce_sum3A_723 = vector.broadcast %reduce_sum3A_722 : i1 to vector<16xi1>
        %reduce_sum3A_724 = tpu.scan <sum>, %add3A_717 masked %reduce_sum3A_723 : vector<16xf32>, vector<16xi1> -> vector<16xf32>
        %reduce_sum3A_725 = vector.extract %reduce_sum3A_724[15] : f32 from vector<16xf32>
        %mul3A_726 = arith.constant 7.812500e-03 : f32
        %mul3A_727 = arith.mulf %reduce_sum3A_721, %mul3A_726 : f32
        %mul3A_728 = arith.constant 7.812500e-03 : f32
        %mul3A_729 = arith.mulf %reduce_sum3A_725, %mul3A_728 : f32
        %mul3A_730 = arith.mulf %mul3A_727, %mul3A_727 : f32
        %sub3A_731 = arith.subf %mul3A_729, %mul3A_730 : f32
        %add3A_732 = arith.constant 9.99999996E-13 : f32
        %add3A_733 = arith.addf %sub3A_731, %add3A_732 : f32
        %bitcast_convert_type3A_734 = arith.bitcast %add3A_733 : f32 to i32
        %shift_right_logical3A_735 = arith.constant 1 : i32
        %shift_right_logical3A_736 = arith.shrui %bitcast_convert_type3A_734, %shift_right_logical3A_735 : i32
        %sub3A_737 = arith.constant 1597463007 : i32
        %sub3A_738 = arith.subi %sub3A_737, %shift_right_logical3A_736 : i32
        %bitcast_convert_type3A_739 = arith.bitcast %sub3A_738 : i32 to f32
        %mul3A_740 = arith.constant 5.000000e-01 : f32
        %mul3A_741 = arith.mulf %add3A_733, %mul3A_740 : f32
        %mul3A_742 = arith.mulf %bitcast_convert_type3A_739, %bitcast_convert_type3A_739 : f32
        %mul3A_743 = arith.mulf %mul3A_741, %mul3A_742 : f32
        %sub3A_744 = arith.constant 1.500000e+00 : f32
        %sub3A_745 = arith.subf %sub3A_744, %mul3A_743 : f32
        %mul3A_746 = arith.mulf %bitcast_convert_type3A_739, %sub3A_745 : f32
        %mul3A_747 = arith.mulf %mul3A_746, %mul3A_746 : f32
        %mul3A_748 = arith.mulf %mul3A_741, %mul3A_747 : f32
        %sub3A_749 = arith.constant 1.500000e+00 : f32
        %sub3A_750 = arith.subf %sub3A_749, %mul3A_748 : f32
        %mul3A_751 = arith.mulf %mul3A_746, %sub3A_750 : f32
        %sub3A_752 = vector.broadcast %mul3A_727 : f32 to vector<16xf32>
        %sub3A_753 = arith.subf %add3A_646, %sub3A_752 : vector<16xf32>
        %mul3A_754 = vector.broadcast %mul3A_751 : f32 to vector<16xf32>
        %mul3A_755 = arith.mulf %mul3A_754, %get3A_3 : vector<16xf32>
        %mul3A_756 = arith.mulf %sub3A_753, %mul3A_755 : vector<16xf32>
        %add3A_757 = arith.addf %mul3A_756, %get3A_19 : vector<16xf32>
        %swap3A_758 = arith.index_cast %add3A_639 : i32 to index
        %swap3A_759 = arith.constant 0 : index
        %swap3A_760 = tpu.vector_load %arg10[%swap3A_758, %swap3A_759] {strides = array<i32>} : memref<200x128xf32, #tpu.memory_space<vmem>>, vector<16xf32>,
        tpu.vector_store %arg10[%swap3A_758, %swap3A_759], %add3A_757 {strides = array<i32>} : memref<200x128xf32, #tpu.memory_space<vmem>>, vector<16xf32>,
        %sub3A_761 = vector.broadcast %mul3A_727 : f32 to vector<16xf32>
        %sub3A_762 = arith.subf %add3A_653, %sub3A_761 : vector<16xf32>
        %mul3A_763 = vector.broadcast %mul3A_751 : f32 to vector<16xf32>
        %mul3A_764 = arith.mulf %mul3A_763, %get3A_5 : vector<16xf32>
        %mul3A_765 = arith.mulf %sub3A_762, %mul3A_764 : vector<16xf32>
        %add3A_766 = arith.addf %mul3A_765, %get3A_21 : vector<16xf32>
        %swap3A_767 = arith.index_cast %add3A_639 : i32 to index
        %swap3A_768 = arith.constant 16 : index
        %swap3A_769 = tpu.vector_load %arg10[%swap3A_767, %swap3A_768] {strides = array<i32>} : memref<200x128xf32, #tpu.memory_space<vmem>>, vector<16xf32>,
        tpu.vector_store %arg10[%swap3A_767, %swap3A_768], %add3A_766 {strides = array<i32>} : memref<200x128xf32, #tpu.memory_space<vmem>>, vector<16xf32>,
        %sub3A_770 = vector.broadcast %mul3A_727 : f32 to vector<16xf32>
        %sub3A_771 = arith.subf %add3A_660, %sub3A_770 : vector<16xf32>
        %mul3A_772 = vector.broadcast %mul3A_751 : f32 to vector<16xf32>
        %mul3A_773 = arith.mulf %mul3A_772, %get3A_7 : vector<16xf32>
        %mul3A_774 = arith.mulf %sub3A_771, %mul3A_773 : vector<16xf32>
        %add3A_775 = arith.addf %mul3A_774, %get3A_23 : vector<16xf32>
        %swap3A_776 = arith.index_cast %add3A_639 : i32 to index
        %swap3A_777 = arith.constant 32 : index
        %swap3A_778 = tpu.vector_load %arg10[%swap3A_776, %swap3A_777] {strides = array<i32>} : memref<200x128xf32, #tpu.memory_space<vmem>>, vector<16xf32>,
        tpu.vector_store %arg10[%swap3A_776, %swap3A_777], %add3A_775 {strides = array<i32>} : memref<200x128xf32, #tpu.memory_space<vmem>>, vector<16xf32>,
        %sub3A_779 = vector.broadcast %mul3A_727 : f32 to vector<16xf32>
        %sub3A_780 = arith.subf %add3A_667, %sub3A_779 : vector<16xf32>
        %mul3A_781 = vector.broadcast %mul3A_751 : f32 to vector<16xf32>
        %mul3A_782 = arith.mulf %mul3A_781, %get3A_9 : vector<16xf32>
        %mul3A_783 = arith.mulf %sub3A_780, %mul3A_782 : vector<16xf32>
        %add3A_784 = arith.addf %mul3A_783, %get3A_25 : vector<16xf32>
        %swap3A_785 = arith.index_cast %add3A_639 : i32 to index
        %swap3A_786 = arith.constant 48 : index
        %swap3A_787 = tpu.vector_load %arg10[%swap3A_785, %swap3A_786] {strides = array<i32>} : memref<200x128xf32, #tpu.memory_space<vmem>>, vector<16xf32>,
        tpu.vector_store %arg10[%swap3A_785, %swap3A_786], %add3A_784 {strides = array<i32>} : memref<200x128xf32, #tpu.memory_space<vmem>>, vector<16xf32>,
        %sub3A_788 = vector.broadcast %mul3A_727 : f32 to vector<16xf32>
        %sub3A_789 = arith.subf %add3A_674, %sub3A_788 : vector<16xf32>
        %mul3A_790 = vector.broadcast %mul3A_751 : f32 to vector<16xf32>
        %mul3A_791 = arith.mulf %mul3A_790, %get3A_11 : vector<16xf32>
        %mul3A_792 = arith.mulf %sub3A_789, %mul3A_791 : vector<16xf32>
        %add3A_793 = arith.addf %mul3A_792, %get3A_27 : vector<16xf32>
        %swap3A_794 = arith.index_cast %add3A_639 : i32 to index
        %swap3A_795 = arith.constant 64 : index
        %swap3A_796 = tpu.vector_load %arg10[%swap3A_794, %swap3A_795] {strides = array<i32>} : memref<200x128xf32, #tpu.memory_space<vmem>>, vector<16xf32>,
        tpu.vector_store %arg10[%swap3A_794, %swap3A_795], %add3A_793 {strides = array<i32>} : memref<200x128xf32, #tpu.memory_space<vmem>>, vector<16xf32>,
        %sub3A_797 = vector.broadcast %mul3A_727 : f32 to vector<16xf32>
        %sub3A_798 = arith.subf %add3A_681, %sub3A_797 : vector<16xf32>
        %mul3A_799 = vector.broadcast %mul3A_751 : f32 to vector<16xf32>
        %mul3A_800 = arith.mulf %mul3A_799, %get3A_13 : vector<16xf32>
        %mul3A_801 = arith.mulf %sub3A_798, %mul3A_800 : vector<16xf32>
        %add3A_802 = arith.addf %mul3A_801, %get3A_29 : vector<16xf32>
        %swap3A_803 = arith.index_cast %add3A_639 : i32 to index
        %swap3A_804 = arith.constant 80 : index
        %swap3A_805 = tpu.vector_load %arg10[%swap3A_803, %swap3A_804] {strides = array<i32>} : memref<200x128xf32, #tpu.memory_space<vmem>>, vector<16xf32>,
        tpu.vector_store %arg10[%swap3A_803, %swap3A_804], %add3A_802 {strides = array<i32>} : memref<200x128xf32, #tpu.memory_space<vmem>>, vector<16xf32>,
        %sub3A_806 = vector.broadcast %mul3A_727 : f32 to vector<16xf32>
        %sub3A_807 = arith.subf %add3A_688, %sub3A_806 : vector<16xf32>
        %mul3A_808 = vector.broadcast %mul3A_751 : f32 to vector<16xf32>
        %mul3A_809 = arith.mulf %mul3A_808, %get3A_15 : vector<16xf32>
        %mul3A_810 = arith.mulf %sub3A_807, %mul3A_809 : vector<16xf32>
        %add3A_811 = arith.addf %mul3A_810, %get3A_31 : vector<16xf32>
        %swap3A_812 = arith.index_cast %add3A_639 : i32 to index
        %swap3A_813 = arith.constant 96 : index
        %swap3A_814 = tpu.vector_load %arg10[%swap3A_812, %swap3A_813] {strides = array<i32>} : memref<200x128xf32, #tpu.memory_space<vmem>>, vector<16xf32>,
        tpu.vector_store %arg10[%swap3A_812, %swap3A_813], %add3A_811 {strides = array<i32>} : memref<200x128xf32, #tpu.memory_space<vmem>>, vector<16xf32>,
        %sub3A_815 = vector.broadcast %mul3A_727 : f32 to vector<16xf32>
        %sub3A_816 = arith.subf %add3A_695, %sub3A_815 : vector<16xf32>
        %mul3A_817 = vector.broadcast %mul3A_751 : f32 to vector<16xf32>
        %mul3A_818 = arith.mulf %mul3A_817, %get3A_17 : vector<16xf32>
        %mul3A_819 = arith.mulf %sub3A_816, %mul3A_818 : vector<16xf32>
        %add3A_820 = arith.addf %mul3A_819, %get3A_33 : vector<16xf32>
        %swap3A_821 = arith.index_cast %add3A_639 : i32 to index
        %swap3A_822 = arith.constant 112 : index
        %swap3A_823 = tpu.vector_load %arg10[%swap3A_821, %swap3A_822] {strides = array<i32>} : memref<200x128xf32, #tpu.memory_space<vmem>>, vector<16xf32>,
        tpu.vector_store %arg10[%swap3A_821, %swap3A_822], %add3A_820 {strides = array<i32>} : memref<200x128xf32, #tpu.memory_space<vmem>>, vector<16xf32>,
        %mul3A_824 = arith.constant 5 : i32
        %mul3A_825 = arith.muli %scan3A_264, %mul3A_824 : i32
        %add3A_826 = arith.constant 3 : i32
        %add3A_827 = arith.addi %mul3A_825, %add3A_826 : i32
        %get3A_828 = arith.index_cast %add3A_827 : i32 to index
        %get3A_829 = arith.constant 0 : index
        %get3A_830 = tpu.vector_load %arg10[%get3A_828, %get3A_829] {strides = array<i32>} : memref<200x128xf32, #tpu.memory_space<vmem>>, vector<16xf32>,
        %get3A_831 = arith.index_cast %add3A_827 : i32 to index
        %get3A_832 = arith.constant 0 : index
        %get3A_833 = tpu.vector_load %arg12[%get3A_831, %get3A_832] {strides = array<i32>} : memref<200x128xf32, #tpu.memory_space<vmem>>, vector<16xf32>,
        %add3A_834 = arith.addf %get3A_830, %get3A_833 : vector<16xf32>
        %get3A_835 = arith.index_cast %add3A_827 : i32 to index
        %get3A_836 = arith.constant 16 : index
        %get3A_837 = tpu.vector_load %arg10[%get3A_835, %get3A_836] {strides = array<i32>} : memref<200x128xf32, #tpu.memory_space<vmem>>, vector<16xf32>,
        %get3A_838 = arith.index_cast %add3A_827 : i32 to index
        %get3A_839 = arith.constant 16 : index
        %get3A_840 = tpu.vector_load %arg12[%get3A_838, %get3A_839] {strides = array<i32>} : memref<200x128xf32, #tpu.memory_space<vmem>>, vector<16xf32>,
        %add3A_841 = arith.addf %get3A_837, %get3A_840 : vector<16xf32>
        %get3A_842 = arith.index_cast %add3A_827 : i32 to index
        %get3A_843 = arith.constant 32 : index
        %get3A_844 = tpu.vector_load %arg10[%get3A_842, %get3A_843] {strides = array<i32>} : memref<200x128xf32, #tpu.memory_space<vmem>>, vector<16xf32>,
        %get3A_845 = arith.index_cast %add3A_827 : i32 to index
        %get3A_846 = arith.constant 32 : index
        %get3A_847 = tpu.vector_load %arg12[%get3A_845, %get3A_846] {strides = array<i32>} : memref<200x128xf32, #tpu.memory_space<vmem>>, vector<16xf32>,
        %add3A_848 = arith.addf %get3A_844, %get3A_847 : vector<16xf32>
        %get3A_849 = arith.index_cast %add3A_827 : i32 to index
        %get3A_850 = arith.constant 48 : index
        %get3A_851 = tpu.vector_load %arg10[%get3A_849, %get3A_850] {strides = array<i32>} : memref<200x128xf32, #tpu.memory_space<vmem>>, vector<16xf32>,
        %get3A_852 = arith.index_cast %add3A_827 : i32 to index
        %get3A_853 = arith.constant 48 : index
        %get3A_854 = tpu.vector_load %arg12[%get3A_852, %get3A_853] {strides = array<i32>} : memref<200x128xf32, #tpu.memory_space<vmem>>, vector<16xf32>,
        %add3A_855 = arith.addf %get3A_851, %get3A_854 : vector<16xf32>
        %get3A_856 = arith.index_cast %add3A_827 : i32 to index
        %get3A_857 = arith.constant 64 : index
        %get3A_858 = tpu.vector_load %arg10[%get3A_856, %get3A_857] {strides = array<i32>} : memref<200x128xf32, #tpu.memory_space<vmem>>, vector<16xf32>,
        %get3A_859 = arith.index_cast %add3A_827 : i32 to index
        %get3A_860 = arith.constant 64 : index
        %get3A_861 = tpu.vector_load %arg12[%get3A_859, %get3A_860] {strides = array<i32>} : memref<200x128xf32, #tpu.memory_space<vmem>>, vector<16xf32>,
        %add3A_862 = arith.addf %get3A_858, %get3A_861 : vector<16xf32>
        %get3A_863 = arith.index_cast %add3A_827 : i32 to index
        %get3A_864 = arith.constant 80 : index
        %get3A_865 = tpu.vector_load %arg10[%get3A_863, %get3A_864] {strides = array<i32>} : memref<200x128xf32, #tpu.memory_space<vmem>>, vector<16xf32>,
        %get3A_866 = arith.index_cast %add3A_827 : i32 to index
        %get3A_867 = arith.constant 80 : index
        %get3A_868 = tpu.vector_load %arg12[%get3A_866, %get3A_867] {strides = array<i32>} : memref<200x128xf32, #tpu.memory_space<vmem>>, vector<16xf32>,
        %add3A_869 = arith.addf %get3A_865, %get3A_868 : vector<16xf32>
        %get3A_870 = arith.index_cast %add3A_827 : i32 to index
        %get3A_871 = arith.constant 96 : index
        %get3A_872 = tpu.vector_load %arg10[%get3A_870, %get3A_871] {strides = array<i32>} : memref<200x128xf32, #tpu.memory_space<vmem>>, vector<16xf32>,
        %get3A_873 = arith.index_cast %add3A_827 : i32 to index
        %get3A_874 = arith.constant 96 : index
        %get3A_875 = tpu.vector_load %arg12[%get3A_873, %get3A_874] {strides = array<i32>} : memref<200x128xf32, #tpu.memory_space<vmem>>, vector<16xf32>,
        %add3A_876 = arith.addf %get3A_872, %get3A_875 : vector<16xf32>
        %get3A_877 = arith.index_cast %add3A_827 : i32 to index
        %get3A_878 = arith.constant 112 : index
        %get3A_879 = tpu.vector_load %arg10[%get3A_877, %get3A_878] {strides = array<i32>} : memref<200x128xf32, #tpu.memory_space<vmem>>, vector<16xf32>,
        %get3A_880 = arith.index_cast %add3A_827 : i32 to index
        %get3A_881 = arith.constant 112 : index
        %get3A_882 = tpu.vector_load %arg12[%get3A_880, %get3A_881] {strides = array<i32>} : memref<200x128xf32, #tpu.memory_space<vmem>>, vector<16xf32>,
        %add3A_883 = arith.addf %get3A_879, %get3A_882 : vector<16xf32>
        %add3A_884 = arith.addf %add3A_834, %add3A_841 : vector<16xf32>
        %add3A_885 = arith.addf %add3A_884, %add3A_848 : vector<16xf32>
        %add3A_886 = arith.addf %add3A_885, %add3A_855 : vector<16xf32>
        %add3A_887 = arith.addf %add3A_886, %add3A_862 : vector<16xf32>
        %add3A_888 = arith.addf %add3A_887, %add3A_869 : vector<16xf32>
        %add3A_889 = arith.addf %add3A_888, %add3A_876 : vector<16xf32>
        %add3A_890 = arith.addf %add3A_889, %add3A_883 : vector<16xf32>
        %mul3A_891 = arith.mulf %add3A_834, %add3A_834 : vector<16xf32>
        %mul3A_892 = arith.mulf %add3A_841, %add3A_841 : vector<16xf32>
        %add3A_893 = arith.addf %mul3A_891, %mul3A_892 : vector<16xf32>
        %mul3A_894 = arith.mulf %add3A_848, %add3A_848 : vector<16xf32>
        %add3A_895 = arith.addf %add3A_893, %mul3A_894 : vector<16xf32>
        %mul3A_896 = arith.mulf %add3A_855, %add3A_855 : vector<16xf32>
        %add3A_897 = arith.addf %add3A_895, %mul3A_896 : vector<16xf32>
        %mul3A_898 = arith.mulf %add3A_862, %add3A_862 : vector<16xf32>
        %add3A_899 = arith.addf %add3A_897, %mul3A_898 : vector<16xf32>
        %mul3A_900 = arith.mulf %add3A_869, %add3A_869 : vector<16xf32>
        %add3A_901 = arith.addf %add3A_899, %mul3A_900 : vector<16xf32>
        %mul3A_902 = arith.mulf %add3A_876, %add3A_876 : vector<16xf32>
        %add3A_903 = arith.addf %add3A_901, %mul3A_902 : vector<16xf32>
        %mul3A_904 = arith.mulf %add3A_883, %add3A_883 : vector<16xf32>
        %add3A_905 = arith.addf %add3A_903, %mul3A_904 : vector<16xf32>
        %reduce_sum3A_906 = arith.constant true
        %reduce_sum3A_907 = vector.broadcast %reduce_sum3A_906 : i1 to vector<16xi1>
        %reduce_sum3A_908 = tpu.scan <sum>, %add3A_890 masked %reduce_sum3A_907 : vector<16xf32>, vector<16xi1> -> vector<16xf32>
        %reduce_sum3A_909 = vector.extract %reduce_sum3A_908[15] : f32 from vector<16xf32>
        %reduce_sum3A_910 = arith.constant true
        %reduce_sum3A_911 = vector.broadcast %reduce_sum3A_910 : i1 to vector<16xi1>
        %reduce_sum3A_912 = tpu.scan <sum>, %add3A_905 masked %reduce_sum3A_911 : vector<16xf32>, vector<16xi1> -> vector<16xf32>
        %reduce_sum3A_913 = vector.extract %reduce_sum3A_912[15] : f32 from vector<16xf32>
        %mul3A_914 = arith.constant 7.812500e-03 : f32
        %mul3A_915 = arith.mulf %reduce_sum3A_909, %mul3A_914 : f32
        %mul3A_916 = arith.constant 7.812500e-03 : f32
        %mul3A_917 = arith.mulf %reduce_sum3A_913, %mul3A_916 : f32
        %mul3A_918 = arith.mulf %mul3A_915, %mul3A_915 : f32
        %sub3A_919 = arith.subf %mul3A_917, %mul3A_918 : f32
        %add3A_920 = arith.constant 9.99999996E-13 : f32
        %add3A_921 = arith.addf %sub3A_919, %add3A_920 : f32
        %bitcast_convert_type3A_922 = arith.bitcast %add3A_921 : f32 to i32
        %shift_right_logical3A_923 = arith.constant 1 : i32
        %shift_right_logical3A_924 = arith.shrui %bitcast_convert_type3A_922, %shift_right_logical3A_923 : i32
        %sub3A_925 = arith.constant 1597463007 : i32
        %sub3A_926 = arith.subi %sub3A_925, %shift_right_logical3A_924 : i32
        %bitcast_convert_type3A_927 = arith.bitcast %sub3A_926 : i32 to f32
        %mul3A_928 = arith.constant 5.000000e-01 : f32
        %mul3A_929 = arith.mulf %add3A_921, %mul3A_928 : f32
        %mul3A_930 = arith.mulf %bitcast_convert_type3A_927, %bitcast_convert_type3A_927 : f32
        %mul3A_931 = arith.mulf %mul3A_929, %mul3A_930 : f32
        %sub3A_932 = arith.constant 1.500000e+00 : f32
        %sub3A_933 = arith.subf %sub3A_932, %mul3A_931 : f32
        %mul3A_934 = arith.mulf %bitcast_convert_type3A_927, %sub3A_933 : f32
        %mul3A_935 = arith.mulf %mul3A_934, %mul3A_934 : f32
        %mul3A_936 = arith.mulf %mul3A_929, %mul3A_935 : f32
        %sub3A_937 = arith.constant 1.500000e+00 : f32
        %sub3A_938 = arith.subf %sub3A_937, %mul3A_936 : f32
        %mul3A_939 = arith.mulf %mul3A_934, %sub3A_938 : f32
        %sub3A_940 = vector.broadcast %mul3A_915 : f32 to vector<16xf32>
        %sub3A_941 = arith.subf %add3A_834, %sub3A_940 : vector<16xf32>
        %mul3A_942 = vector.broadcast %mul3A_939 : f32 to vector<16xf32>
        %mul3A_943 = arith.mulf %mul3A_942, %get3A_3 : vector<16xf32>
        %mul3A_944 = arith.mulf %sub3A_941, %mul3A_943 : vector<16xf32>
        %add3A_945 = arith.addf %mul3A_944, %get3A_19 : vector<16xf32>
        %swap3A_946 = arith.index_cast %add3A_827 : i32 to index
        %swap3A_947 = arith.constant 0 : index
        %swap3A_948 = tpu.vector_load %arg10[%swap3A_946, %swap3A_947] {strides = array<i32>} : memref<200x128xf32, #tpu.memory_space<vmem>>, vector<16xf32>,
        tpu.vector_store %arg10[%swap3A_946, %swap3A_947], %add3A_945 {strides = array<i32>} : memref<200x128xf32, #tpu.memory_space<vmem>>, vector<16xf32>,
        %sub3A_949 = vector.broadcast %mul3A_915 : f32 to vector<16xf32>
        %sub3A_950 = arith.subf %add3A_841, %sub3A_949 : vector<16xf32>
        %mul3A_951 = vector.broadcast %mul3A_939 : f32 to vector<16xf32>
        %mul3A_952 = arith.mulf %mul3A_951, %get3A_5 : vector<16xf32>
        %mul3A_953 = arith.mulf %sub3A_950, %mul3A_952 : vector<16xf32>
        %add3A_954 = arith.addf %mul3A_953, %get3A_21 : vector<16xf32>
        %swap3A_955 = arith.index_cast %add3A_827 : i32 to index
        %swap3A_956 = arith.constant 16 : index
        %swap3A_957 = tpu.vector_load %arg10[%swap3A_955, %swap3A_956] {strides = array<i32>} : memref<200x128xf32, #tpu.memory_space<vmem>>, vector<16xf32>,
        tpu.vector_store %arg10[%swap3A_955, %swap3A_956], %add3A_954 {strides = array<i32>} : memref<200x128xf32, #tpu.memory_space<vmem>>, vector<16xf32>,
        %sub3A_958 = vector.broadcast %mul3A_915 : f32 to vector<16xf32>
        %sub3A_959 = arith.subf %add3A_848, %sub3A_958 : vector<16xf32>
        %mul3A_960 = vector.broadcast %mul3A_939 : f32 to vector<16xf32>
        %mul3A_961 = arith.mulf %mul3A_960, %get3A_7 : vector<16xf32>
        %mul3A_962 = arith.mulf %sub3A_959, %mul3A_961 : vector<16xf32>
        %add3A_963 = arith.addf %mul3A_962, %get3A_23 : vector<16xf32>
        %swap3A_964 = arith.index_cast %add3A_827 : i32 to index
        %swap3A_965 = arith.constant 32 : index
        %swap3A_966 = tpu.vector_load %arg10[%swap3A_964, %swap3A_965] {strides = array<i32>} : memref<200x128xf32, #tpu.memory_space<vmem>>, vector<16xf32>,
        tpu.vector_store %arg10[%swap3A_964, %swap3A_965], %add3A_963 {strides = array<i32>} : memref<200x128xf32, #tpu.memory_space<vmem>>, vector<16xf32>,
        %sub3A_967 = vector.broadcast %mul3A_915 : f32 to vector<16xf32>
        %sub3A_968 = arith.subf %add3A_855, %sub3A_967 : vector<16xf32>
        %mul3A_969 = vector.broadcast %mul3A_939 : f32 to vector<16xf32>
        %mul3A_970 = arith.mulf %mul3A_969, %get3A_9 : vector<16xf32>
        %mul3A_971 = arith.mulf %sub3A_968, %mul3A_970 : vector<16xf32>
        %add3A_972 = arith.addf %mul3A_971, %get3A_25 : vector<16xf32>
        %swap3A_973 = arith.index_cast %add3A_827 : i32 to index
        %swap3A_974 = arith.constant 48 : index
        %swap3A_975 = tpu.vector_load %arg10[%swap3A_973, %swap3A_974] {strides = array<i32>} : memref<200x128xf32, #tpu.memory_space<vmem>>, vector<16xf32>,
        tpu.vector_store %arg10[%swap3A_973, %swap3A_974], %add3A_972 {strides = array<i32>} : memref<200x128xf32, #tpu.memory_space<vmem>>, vector<16xf32>,
        %sub3A_976 = vector.broadcast %mul3A_915 : f32 to vector<16xf32>
        %sub3A_977 = arith.subf %add3A_862, %sub3A_976 : vector<16xf32>
        %mul3A_978 = vector.broadcast %mul3A_939 : f32 to vector<16xf32>
        %mul3A_979 = arith.mulf %mul3A_978, %get3A_11 : vector<16xf32>
        %mul3A_980 = arith.mulf %sub3A_977, %mul3A_979 : vector<16xf32>
        %add3A_981 = arith.addf %mul3A_980, %get3A_27 : vector<16xf32>
        %swap3A_982 = arith.index_cast %add3A_827 : i32 to index
        %swap3A_983 = arith.constant 64 : index
        %swap3A_984 = tpu.vector_load %arg10[%swap3A_982, %swap3A_983] {strides = array<i32>} : memref<200x128xf32, #tpu.memory_space<vmem>>, vector<16xf32>,
        tpu.vector_store %arg10[%swap3A_982, %swap3A_983], %add3A_981 {strides = array<i32>} : memref<200x128xf32, #tpu.memory_space<vmem>>, vector<16xf32>,
        %sub3A_985 = vector.broadcast %mul3A_915 : f32 to vector<16xf32>
        %sub3A_986 = arith.subf %add3A_869, %sub3A_985 : vector<16xf32>
        %mul3A_987 = vector.broadcast %mul3A_939 : f32 to vector<16xf32>
        %mul3A_988 = arith.mulf %mul3A_987, %get3A_13 : vector<16xf32>
        %mul3A_989 = arith.mulf %sub3A_986, %mul3A_988 : vector<16xf32>
        %add3A_990 = arith.addf %mul3A_989, %get3A_29 : vector<16xf32>
        %swap3A_991 = arith.index_cast %add3A_827 : i32 to index
        %swap3A_992 = arith.constant 80 : index
        %swap3A_993 = tpu.vector_load %arg10[%swap3A_991, %swap3A_992] {strides = array<i32>} : memref<200x128xf32, #tpu.memory_space<vmem>>, vector<16xf32>,
        tpu.vector_store %arg10[%swap3A_991, %swap3A_992], %add3A_990 {strides = array<i32>} : memref<200x128xf32, #tpu.memory_space<vmem>>, vector<16xf32>,
        %sub3A_994 = vector.broadcast %mul3A_915 : f32 to vector<16xf32>
        %sub3A_995 = arith.subf %add3A_876, %sub3A_994 : vector<16xf32>
        %mul3A_996 = vector.broadcast %mul3A_939 : f32 to vector<16xf32>
        %mul3A_997 = arith.mulf %mul3A_996, %get3A_15 : vector<16xf32>
        %mul3A_998 = arith.mulf %sub3A_995, %mul3A_997 : vector<16xf32>
        %add3A_999 = arith.addf %mul3A_998, %get3A_31 : vector<16xf32>
        %swap3A_1000 = arith.index_cast %add3A_827 : i32 to index
        %swap3A_1001 = arith.constant 96 : index
        %swap3A_1002 = tpu.vector_load %arg10[%swap3A_1000, %swap3A_1001] {strides = array<i32>} : memref<200x128xf32, #tpu.memory_space<vmem>>, vector<16xf32>,
        tpu.vector_store %arg10[%swap3A_1000, %swap3A_1001], %add3A_999 {strides = array<i32>} : memref<200x128xf32, #tpu.memory_space<vmem>>, vector<16xf32>,
        %sub3A_1003 = vector.broadcast %mul3A_915 : f32 to vector<16xf32>
        %sub3A_1004 = arith.subf %add3A_883, %sub3A_1003 : vector<16xf32>
        %mul3A_1005 = vector.broadcast %mul3A_939 : f32 to vector<16xf32>
        %mul3A_1006 = arith.mulf %mul3A_1005, %get3A_17 : vector<16xf32>
        %mul3A_1007 = arith.mulf %sub3A_1004, %mul3A_1006 : vector<16xf32>
        %add3A_1008 = arith.addf %mul3A_1007, %get3A_33 : vector<16xf32>
        %swap3A_1009 = arith.index_cast %add3A_827 : i32 to index
        %swap3A_1010 = arith.constant 112 : index
        %swap3A_1011 = tpu.vector_load %arg10[%swap3A_1009, %swap3A_1010] {strides = array<i32>} : memref<200x128xf32, #tpu.memory_space<vmem>>, vector<16xf32>,
        tpu.vector_store %arg10[%swap3A_1009, %swap3A_1010], %add3A_1008 {strides = array<i32>} : memref<200x128xf32, #tpu.memory_space<vmem>>, vector<16xf32>,
        %mul3A_1012 = arith.constant 5 : i32
        %mul3A_1013 = arith.muli %scan3A_264, %mul3A_1012 : i32
        %add3A_1014 = arith.constant 4 : i32
        %add3A_1015 = arith.addi %mul3A_1013, %add3A_1014 : i32
        %get3A_1016 = arith.index_cast %add3A_1015 : i32 to index
        %get3A_1017 = arith.constant 0 : index
        %get3A_1018 = tpu.vector_load %arg10[%get3A_1016, %get3A_1017] {strides = array<i32>} : memref<200x128xf32, #tpu.memory_space<vmem>>, vector<16xf32>,
        %get3A_1019 = arith.index_cast %add3A_1015 : i32 to index
        %get3A_1020 = arith.constant 0 : index
        %get3A_1021 = tpu.vector_load %arg12[%get3A_1019, %get3A_1020] {strides = array<i32>} : memref<200x128xf32, #tpu.memory_space<vmem>>, vector<16xf32>,
        %add3A_1022 = arith.addf %get3A_1018, %get3A_1021 : vector<16xf32>
        %get3A_1023 = arith.index_cast %add3A_1015 : i32 to index
        %get3A_1024 = arith.constant 16 : index
        %get3A_1025 = tpu.vector_load %arg10[%get3A_1023, %get3A_1024] {strides = array<i32>} : memref<200x128xf32, #tpu.memory_space<vmem>>, vector<16xf32>,
        %get3A_1026 = arith.index_cast %add3A_1015 : i32 to index
        %get3A_1027 = arith.constant 16 : index
        %get3A_1028 = tpu.vector_load %arg12[%get3A_1026, %get3A_1027] {strides = array<i32>} : memref<200x128xf32, #tpu.memory_space<vmem>>, vector<16xf32>,
        %add3A_1029 = arith.addf %get3A_1025, %get3A_1028 : vector<16xf32>
        %get3A_1030 = arith.index_cast %add3A_1015 : i32 to index
        %get3A_1031 = arith.constant 32 : index
        %get3A_1032 = tpu.vector_load %arg10[%get3A_1030, %get3A_1031] {strides = array<i32>} : memref<200x128xf32, #tpu.memory_space<vmem>>, vector<16xf32>,
        %get3A_1033 = arith.index_cast %add3A_1015 : i32 to index
        %get3A_1034 = arith.constant 32 : index
        %get3A_1035 = tpu.vector_load %arg12[%get3A_1033, %get3A_1034] {strides = array<i32>} : memref<200x128xf32, #tpu.memory_space<vmem>>, vector<16xf32>,
        %add3A_1036 = arith.addf %get3A_1032, %get3A_1035 : vector<16xf32>
        %get3A_1037 = arith.index_cast %add3A_1015 : i32 to index
        %get3A_1038 = arith.constant 48 : index
        %get3A_1039 = tpu.vector_load %arg10[%get3A_1037, %get3A_1038] {strides = array<i32>} : memref<200x128xf32, #tpu.memory_space<vmem>>, vector<16xf32>,
        %get3A_1040 = arith.index_cast %add3A_1015 : i32 to index
        %get3A_1041 = arith.constant 48 : index
        %get3A_1042 = tpu.vector_load %arg12[%get3A_1040, %get3A_1041] {strides = array<i32>} : memref<200x128xf32, #tpu.memory_space<vmem>>, vector<16xf32>,
        %add3A_1043 = arith.addf %get3A_1039, %get3A_1042 : vector<16xf32>
        %get3A_1044 = arith.index_cast %add3A_1015 : i32 to index
        %get3A_1045 = arith.constant 64 : index
        %get3A_1046 = tpu.vector_load %arg10[%get3A_1044, %get3A_1045] {strides = array<i32>} : memref<200x128xf32, #tpu.memory_space<vmem>>, vector<16xf32>,
        %get3A_1047 = arith.index_cast %add3A_1015 : i32 to index
        %get3A_1048 = arith.constant 64 : index
        %get3A_1049 = tpu.vector_load %arg12[%get3A_1047, %get3A_1048] {strides = array<i32>} : memref<200x128xf32, #tpu.memory_space<vmem>>, vector<16xf32>,
        %add3A_1050 = arith.addf %get3A_1046, %get3A_1049 : vector<16xf32>
        %get3A_1051 = arith.index_cast %add3A_1015 : i32 to index
        %get3A_1052 = arith.constant 80 : index
        %get3A_1053 = tpu.vector_load %arg10[%get3A_1051, %get3A_1052] {strides = array<i32>} : memref<200x128xf32, #tpu.memory_space<vmem>>, vector<16xf32>,
        %get3A_1054 = arith.index_cast %add3A_1015 : i32 to index
        %get3A_1055 = arith.constant 80 : index
        %get3A_1056 = tpu.vector_load %arg12[%get3A_1054, %get3A_1055] {strides = array<i32>} : memref<200x128xf32, #tpu.memory_space<vmem>>, vector<16xf32>,
        %add3A_1057 = arith.addf %get3A_1053, %get3A_1056 : vector<16xf32>
        %get3A_1058 = arith.index_cast %add3A_1015 : i32 to index
        %get3A_1059 = arith.constant 96 : index
        %get3A_1060 = tpu.vector_load %arg10[%get3A_1058, %get3A_1059] {strides = array<i32>} : memref<200x128xf32, #tpu.memory_space<vmem>>, vector<16xf32>,
        %get3A_1061 = arith.index_cast %add3A_1015 : i32 to index
        %get3A_1062 = arith.constant 96 : index
        %get3A_1063 = tpu.vector_load %arg12[%get3A_1061, %get3A_1062] {strides = array<i32>} : memref<200x128xf32, #tpu.memory_space<vmem>>, vector<16xf32>,
        %add3A_1064 = arith.addf %get3A_1060, %get3A_1063 : vector<16xf32>
        %get3A_1065 = arith.index_cast %add3A_1015 : i32 to index
        %get3A_1066 = arith.constant 112 : index
        %get3A_1067 = tpu.vector_load %arg10[%get3A_1065, %get3A_1066] {strides = array<i32>} : memref<200x128xf32, #tpu.memory_space<vmem>>, vector<16xf32>,
        %get3A_1068 = arith.index_cast %add3A_1015 : i32 to index
        %get3A_1069 = arith.constant 112 : index
        %get3A_1070 = tpu.vector_load %arg12[%get3A_1068, %get3A_1069] {strides = array<i32>} : memref<200x128xf32, #tpu.memory_space<vmem>>, vector<16xf32>,
        %add3A_1071 = arith.addf %get3A_1067, %get3A_1070 : vector<16xf32>
        %add3A_1072 = arith.addf %add3A_1022, %add3A_1029 : vector<16xf32>
        %add3A_1073 = arith.addf %add3A_1072, %add3A_1036 : vector<16xf32>
        %add3A_1074 = arith.addf %add3A_1073, %add3A_1043 : vector<16xf32>
        %add3A_1075 = arith.addf %add3A_1074, %add3A_1050 : vector<16xf32>
        %add3A_1076 = arith.addf %add3A_1075, %add3A_1057 : vector<16xf32>
        %add3A_1077 = arith.addf %add3A_1076, %add3A_1064 : vector<16xf32>
        %add3A_1078 = arith.addf %add3A_1077, %add3A_1071 : vector<16xf32>
        %mul3A_1079 = arith.mulf %add3A_1022, %add3A_1022 : vector<16xf32>
        %mul3A_1080 = arith.mulf %add3A_1029, %add3A_1029 : vector<16xf32>
        %add3A_1081 = arith.addf %mul3A_1079, %mul3A_1080 : vector<16xf32>
        %mul3A_1082 = arith.mulf %add3A_1036, %add3A_1036 : vector<16xf32>
        %add3A_1083 = arith.addf %add3A_1081, %mul3A_1082 : vector<16xf32>
        %mul3A_1084 = arith.mulf %add3A_1043, %add3A_1043 : vector<16xf32>
        %add3A_1085 = arith.addf %add3A_1083, %mul3A_1084 : vector<16xf32>
        %mul3A_1086 = arith.mulf %add3A_1050, %add3A_1050 : vector<16xf32>
        %add3A_1087 = arith.addf %add3A_1085, %mul3A_1086 : vector<16xf32>
        %mul3A_1088 = arith.mulf %add3A_1057, %add3A_1057 : vector<16xf32>
        %add3A_1089 = arith.addf %add3A_1087, %mul3A_1088 : vector<16xf32>
        %mul3A_1090 = arith.mulf %add3A_1064, %add3A_1064 : vector<16xf32>
        %add3A_1091 = arith.addf %add3A_1089, %mul3A_1090 : vector<16xf32>
        %mul3A_1092 = arith.mulf %add3A_1071, %add3A_1071 : vector<16xf32>
        %add3A_1093 = arith.addf %add3A_1091, %mul3A_1092 : vector<16xf32>
        %reduce_sum3A_1094 = arith.constant true
        %reduce_sum3A_1095 = vector.broadcast %reduce_sum3A_1094 : i1 to vector<16xi1>
        %reduce_sum3A_1096 = tpu.scan <sum>, %add3A_1078 masked %reduce_sum3A_1095 : vector<16xf32>, vector<16xi1> -> vector<16xf32>
        %reduce_sum3A_1097 = vector.extract %reduce_sum3A_1096[15] : f32 from vector<16xf32>
        %reduce_sum3A_1098 = arith.constant true
        %reduce_sum3A_1099 = vector.broadcast %reduce_sum3A_1098 : i1 to vector<16xi1>
        %reduce_sum3A_1100 = tpu.scan <sum>, %add3A_1093 masked %reduce_sum3A_1099 : vector<16xf32>, vector<16xi1> -> vector<16xf32>
        %reduce_sum3A_1101 = vector.extract %reduce_sum3A_1100[15] : f32 from vector<16xf32>
        %mul3A_1102 = arith.constant 7.812500e-03 : f32
        %mul3A_1103 = arith.mulf %reduce_sum3A_1097, %mul3A_1102 : f32
        %mul3A_1104 = arith.constant 7.812500e-03 : f32
        %mul3A_1105 = arith.mulf %reduce_sum3A_1101, %mul3A_1104 : f32
        %mul3A_1106 = arith.mulf %mul3A_1103, %mul3A_1103 : f32
        %sub3A_1107 = arith.subf %mul3A_1105, %mul3A_1106 : f32
        %add3A_1108 = arith.constant 9.99999996E-13 : f32
        %add3A_1109 = arith.addf %sub3A_1107, %add3A_1108 : f32
        %bitcast_convert_type3A_1110 = arith.bitcast %add3A_1109 : f32 to i32
        %shift_right_logical3A_1111 = arith.constant 1 : i32
        %shift_right_logical3A_1112 = arith.shrui %bitcast_convert_type3A_1110, %shift_right_logical3A_1111 : i32
        %sub3A_1113 = arith.constant 1597463007 : i32
        %sub3A_1114 = arith.subi %sub3A_1113, %shift_right_logical3A_1112 : i32
        %bitcast_convert_type3A_1115 = arith.bitcast %sub3A_1114 : i32 to f32
        %mul3A_1116 = arith.constant 5.000000e-01 : f32
        %mul3A_1117 = arith.mulf %add3A_1109, %mul3A_1116 : f32
        %mul3A_1118 = arith.mulf %bitcast_convert_type3A_1115, %bitcast_convert_type3A_1115 : f32
        %mul3A_1119 = arith.mulf %mul3A_1117, %mul3A_1118 : f32
        %sub3A_1120 = arith.constant 1.500000e+00 : f32
        %sub3A_1121 = arith.subf %sub3A_1120, %mul3A_1119 : f32
        %mul3A_1122 = arith.mulf %bitcast_convert_type3A_1115, %sub3A_1121 : f32
        %mul3A_1123 = arith.mulf %mul3A_1122, %mul3A_1122 : f32
        %mul3A_1124 = arith.mulf %mul3A_1117, %mul3A_1123 : f32
        %sub3A_1125 = arith.constant 1.500000e+00 : f32
        %sub3A_1126 = arith.subf %sub3A_1125, %mul3A_1124 : f32
        %mul3A_1127 = arith.mulf %mul3A_1122, %sub3A_1126 : f32
        %sub3A_1128 = vector.broadcast %mul3A_1103 : f32 to vector<16xf32>
        %sub3A_1129 = arith.subf %add3A_1022, %sub3A_1128 : vector<16xf32>
        %mul3A_1130 = vector.broadcast %mul3A_1127 : f32 to vector<16xf32>
        %mul3A_1131 = arith.mulf %mul3A_1130, %get3A_3 : vector<16xf32>
        %mul3A_1132 = arith.mulf %sub3A_1129, %mul3A_1131 : vector<16xf32>
        %add3A_1133 = arith.addf %mul3A_1132, %get3A_19 : vector<16xf32>
        %swap3A_1134 = arith.index_cast %add3A_1015 : i32 to index
        %swap3A_1135 = arith.constant 0 : index
        %swap3A_1136 = tpu.vector_load %arg10[%swap3A_1134, %swap3A_1135] {strides = array<i32>} : memref<200x128xf32, #tpu.memory_space<vmem>>, vector<16xf32>,
        tpu.vector_store %arg10[%swap3A_1134, %swap3A_1135], %add3A_1133 {strides = array<i32>} : memref<200x128xf32, #tpu.memory_space<vmem>>, vector<16xf32>,
        %sub3A_1137 = vector.broadcast %mul3A_1103 : f32 to vector<16xf32>
        %sub3A_1138 = arith.subf %add3A_1029, %sub3A_1137 : vector<16xf32>
        %mul3A_1139 = vector.broadcast %mul3A_1127 : f32 to vector<16xf32>
        %mul3A_1140 = arith.mulf %mul3A_1139, %get3A_5 : vector<16xf32>
        %mul3A_1141 = arith.mulf %sub3A_1138, %mul3A_1140 : vector<16xf32>
        %add3A_1142 = arith.addf %mul3A_1141, %get3A_21 : vector<16xf32>
        %swap3A_1143 = arith.index_cast %add3A_1015 : i32 to index
        %swap3A_1144 = arith.constant 16 : index
        %swap3A_1145 = tpu.vector_load %arg10[%swap3A_1143, %swap3A_1144] {strides = array<i32>} : memref<200x128xf32, #tpu.memory_space<vmem>>, vector<16xf32>,
        tpu.vector_store %arg10[%swap3A_1143, %swap3A_1144], %add3A_1142 {strides = array<i32>} : memref<200x128xf32, #tpu.memory_space<vmem>>, vector<16xf32>,
        %sub3A_1146 = vector.broadcast %mul3A_1103 : f32 to vector<16xf32>
        %sub3A_1147 = arith.subf %add3A_1036, %sub3A_1146 : vector<16xf32>
        %mul3A_1148 = vector.broadcast %mul3A_1127 : f32 to vector<16xf32>
        %mul3A_1149 = arith.mulf %mul3A_1148, %get3A_7 : vector<16xf32>
        %mul3A_1150 = arith.mulf %sub3A_1147, %mul3A_1149 : vector<16xf32>
        %add3A_1151 = arith.addf %mul3A_1150, %get3A_23 : vector<16xf32>
        %swap3A_1152 = arith.index_cast %add3A_1015 : i32 to index
        %swap3A_1153 = arith.constant 32 : index
        %swap3A_1154 = tpu.vector_load %arg10[%swap3A_1152, %swap3A_1153] {strides = array<i32>} : memref<200x128xf32, #tpu.memory_space<vmem>>, vector<16xf32>,
        tpu.vector_store %arg10[%swap3A_1152, %swap3A_1153], %add3A_1151 {strides = array<i32>} : memref<200x128xf32, #tpu.memory_space<vmem>>, vector<16xf32>,
        %sub3A_1155 = vector.broadcast %mul3A_1103 : f32 to vector<16xf32>
        %sub3A_1156 = arith.subf %add3A_1043, %sub3A_1155 : vector<16xf32>
        %mul3A_1157 = vector.broadcast %mul3A_1127 : f32 to vector<16xf32>
        %mul3A_1158 = arith.mulf %mul3A_1157, %get3A_9 : vector<16xf32>
        %mul3A_1159 = arith.mulf %sub3A_1156, %mul3A_1158 : vector<16xf32>
        %add3A_1160 = arith.addf %mul3A_1159, %get3A_25 : vector<16xf32>
        %swap3A_1161 = arith.index_cast %add3A_1015 : i32 to index
        %swap3A_1162 = arith.constant 48 : index
        %swap3A_1163 = tpu.vector_load %arg10[%swap3A_1161, %swap3A_1162] {strides = array<i32>} : memref<200x128xf32, #tpu.memory_space<vmem>>, vector<16xf32>,
        tpu.vector_store %arg10[%swap3A_1161, %swap3A_1162], %add3A_1160 {strides = array<i32>} : memref<200x128xf32, #tpu.memory_space<vmem>>, vector<16xf32>,
        %sub3A_1164 = vector.broadcast %mul3A_1103 : f32 to vector<16xf32>
        %sub3A_1165 = arith.subf %add3A_1050, %sub3A_1164 : vector<16xf32>
        %mul3A_1166 = vector.broadcast %mul3A_1127 : f32 to vector<16xf32>
        %mul3A_1167 = arith.mulf %mul3A_1166, %get3A_11 : vector<16xf32>
        %mul3A_1168 = arith.mulf %sub3A_1165, %mul3A_1167 : vector<16xf32>
        %add3A_1169 = arith.addf %mul3A_1168, %get3A_27 : vector<16xf32>
        %swap3A_1170 = arith.index_cast %add3A_1015 : i32 to index
        %swap3A_1171 = arith.constant 64 : index
        %swap3A_1172 = tpu.vector_load %arg10[%swap3A_1170, %swap3A_1171] {strides = array<i32>} : memref<200x128xf32, #tpu.memory_space<vmem>>, vector<16xf32>,
        tpu.vector_store %arg10[%swap3A_1170, %swap3A_1171], %add3A_1169 {strides = array<i32>} : memref<200x128xf32, #tpu.memory_space<vmem>>, vector<16xf32>,
        %sub3A_1173 = vector.broadcast %mul3A_1103 : f32 to vector<16xf32>
        %sub3A_1174 = arith.subf %add3A_1057, %sub3A_1173 : vector<16xf32>
        %mul3A_1175 = vector.broadcast %mul3A_1127 : f32 to vector<16xf32>
        %mul3A_1176 = arith.mulf %mul3A_1175, %get3A_13 : vector<16xf32>
        %mul3A_1177 = arith.mulf %sub3A_1174, %mul3A_1176 : vector<16xf32>
        %add3A_1178 = arith.addf %mul3A_1177, %get3A_29 : vector<16xf32>
        %swap3A_1179 = arith.index_cast %add3A_1015 : i32 to index
        %swap3A_1180 = arith.constant 80 : index
        %swap3A_1181 = tpu.vector_load %arg10[%swap3A_1179, %swap3A_1180] {strides = array<i32>} : memref<200x128xf32, #tpu.memory_space<vmem>>, vector<16xf32>,
        tpu.vector_store %arg10[%swap3A_1179, %swap3A_1180], %add3A_1178 {strides = array<i32>} : memref<200x128xf32, #tpu.memory_space<vmem>>, vector<16xf32>,
        %sub3A_1182 = vector.broadcast %mul3A_1103 : f32 to vector<16xf32>
        %sub3A_1183 = arith.subf %add3A_1064, %sub3A_1182 : vector<16xf32>
        %mul3A_1184 = vector.broadcast %mul3A_1127 : f32 to vector<16xf32>
        %mul3A_1185 = arith.mulf %mul3A_1184, %get3A_15 : vector<16xf32>
        %mul3A_1186 = arith.mulf %sub3A_1183, %mul3A_1185 : vector<16xf32>
        %add3A_1187 = arith.addf %mul3A_1186, %get3A_31 : vector<16xf32>
        %swap3A_1188 = arith.index_cast %add3A_1015 : i32 to index
        %swap3A_1189 = arith.constant 96 : index
        %swap3A_1190 = tpu.vector_load %arg10[%swap3A_1188, %swap3A_1189] {strides = array<i32>} : memref<200x128xf32, #tpu.memory_space<vmem>>, vector<16xf32>,
        tpu.vector_store %arg10[%swap3A_1188, %swap3A_1189], %add3A_1187 {strides = array<i32>} : memref<200x128xf32, #tpu.memory_space<vmem>>, vector<16xf32>,
        %sub3A_1191 = vector.broadcast %mul3A_1103 : f32 to vector<16xf32>
        %sub3A_1192 = arith.subf %add3A_1071, %sub3A_1191 : vector<16xf32>
        %mul3A_1193 = vector.broadcast %mul3A_1127 : f32 to vector<16xf32>
        %mul3A_1194 = arith.mulf %mul3A_1193, %get3A_17 : vector<16xf32>
        %mul3A_1195 = arith.mulf %sub3A_1192, %mul3A_1194 : vector<16xf32>
        %add3A_1196 = arith.addf %mul3A_1195, %get3A_33 : vector<16xf32>
        %swap3A_1197 = arith.index_cast %add3A_1015 : i32 to index
        %swap3A_1198 = arith.constant 112 : index
        %swap3A_1199 = tpu.vector_load %arg10[%swap3A_1197, %swap3A_1198] {strides = array<i32>} : memref<200x128xf32, #tpu.memory_space<vmem>>, vector<16xf32>,
        tpu.vector_store %arg10[%swap3A_1197, %swap3A_1198], %add3A_1196 {strides = array<i32>} : memref<200x128xf32, #tpu.memory_space<vmem>>, vector<16xf32>,
      }
      %scan3A_196 = arith.constant 40 : i32
      %add3A_197 = arith.addi %mul3A_2, %mul3A_147 : i32
      %dma_start3A_198 = arith.constant 0 : i32
      %dma_start3A_199 = tpu.memref_slice %arg7[%add3A_197, %dma_start3A_198] : memref<204800x128xf32, #tpu.memory_space<hbm>> -> memref<200x128xf32, #tpu.memory_space<hbm>>
      %dma_start3A_200 = arith.constant 0 : i32
      %dma_start3A_201 = tpu.memref_slice %arg7[%add3A_197, %dma_start3A_200] : memref<204800x128xf32, #tpu.memory_space<hbm>> -> memref<200x128xf32, #tpu.memory_space<hbm>>
      tpu.enqueue_dma source(%arg10 : memref<200x128xf32, #tpu.memory_space<vmem>>) target(%dma_start3A_201 : memref<200x128xf32, #tpu.memory_space<hbm>>) target_semaphore(%arg19 : memref<!tpu.dma_semaphore, #tpu.memory_space<semaphore_mem>>)
      %mul3A_202 = arith.constant 3 : i32
      %mul3A_203 = arith.muli %scan3A_81, %mul3A_202 : i32
      %add3A_204 = arith.constant 2 : i32
      %add3A_205 = arith.addi %mul3A_203, %add3A_204 : i32
      %rem3A_206 = arith.constant 32 : i32
      %rem3A_207 = arith.remsi %add3A_205, %rem3A_206 : i32
      %mul3A_208 = arith.constant 200 : i32
      %mul3A_209 = arith.muli %rem3A_207, %mul3A_208 : i32
      %add3A_210 = arith.constant 1 : i32
      %add3A_211 = arith.addi %add3A_205, %add3A_210 : i32
      %rem3A_212 = arith.constant 32 : i32
      %rem3A_213 = arith.remsi %add3A_211, %rem3A_212 : i32
      %mul3A_214 = arith.constant 200 : i32
      %mul3A_215 = arith.muli %rem3A_213, %mul3A_214 : i32
      %ge3A_216 = arith.constant 2 : i32
      %ge3A_217 = arith.cmpi sge, %add3A_205, %ge3A_216 : i32
      %convert_element_type3A_218 = arith.extui %ge3A_217 : i1 to i32
      %cond3A_219 = arith.constant 0 : i32
      %cond3A_220 = arith.cmpi ne, %convert_element_type3A_218, %cond3A_219 : i32
      scf.if %cond3A_220 {
        %dma_wait3A_264 = arith.constant 0 : i32
        %dma_wait3A_265 = arith.constant 0 : i32
        %dma_wait3A_266 = tpu.memref_slice %arg7[%dma_wait3A_264, %dma_wait3A_265] : memref<204800x128xf32, #tpu.memory_space<hbm>> -> memref<200x128xf32, #tpu.memory_space<hbm>>
        %dma_wait3A_267 = arith.constant 0 : i32
        %dma_wait3A_268 = arith.constant 0 : i32
        %dma_wait3A_269 = tpu.memref_slice %arg7[%dma_wait3A_267, %dma_wait3A_268] : memref<204800x128xf32, #tpu.memory_space<hbm>> -> memref<200x128xf32, #tpu.memory_space<hbm>>
        tpu.wait_dma2 semaphore(%arg18 : memref<!tpu.dma_semaphore, #tpu.memory_space<semaphore_mem>>) src(%arg9 : memref<200x128xf32, #tpu.memory_space<vmem>>) dst(%dma_wait3A_269 : memref<200x128xf32, #tpu.memory_space<hbm>>)
      } else {
      }
      %dma_start3A_221 = arith.constant 0 : i32
      %dma_start3A_222 = arith.constant 0 : i32
      %dma_start3A_223 = tpu.memref_slice %arg9[%dma_start3A_221, %dma_start3A_222] : memref<200x128xf32, #tpu.memory_space<vmem>> -> memref<104x128xf32, #tpu.memory_space<vmem>>
      %dma_start3A_224 = tpu.memref_slice %arg8[%mul3A_215] : memref<6400xi32, #tpu.memory_space<vmem>> -> memref<104xi32, #tpu.memory_space<vmem>>
      %dma_start3A_225 = arith.constant 0 : i32
      %dma_start3A_226 = arith.constant 0 : i32
      %dma_start3A_227 = tpu.memref_slice %arg3[%dma_start3A_225, %dma_start3A_226] : memref<100000x128xf32, #tpu.memory_space<hbm>> -> memref<100000x128xf32, #tpu.memory_space<hbm>>
      tpu.enqueue_indirect_dma source(%dma_start3A_227 : memref<100000x128xf32, #tpu.memory_space<hbm>>) target(%dma_start3A_223 : memref<104x128xf32, #tpu.memory_space<vmem>>) offsets(%dma_start3A_224 : memref<104xi32, #tpu.memory_space<vmem>>) semaphore(%arg15 : memref<!tpu.dma_semaphore, #tpu.memory_space<semaphore_mem>>)
      %add3A_228 = arith.constant 104 : i32
      %add3A_229 = arith.addi %mul3A_215, %add3A_228 : i32
      %dma_start3A_230 = arith.constant 104 : i32
      %dma_start3A_231 = arith.constant 0 : i32
      %dma_start3A_232 = tpu.memref_slice %arg9[%dma_start3A_230, %dma_start3A_231] : memref<200x128xf32, #tpu.memory_space<vmem>> -> memref<96x128xf32, #tpu.memory_space<vmem>>
      %dma_start3A_233 = tpu.memref_slice %arg8[%add3A_229] : memref<6400xi32, #tpu.memory_space<vmem>> -> memref<96xi32, #tpu.memory_space<vmem>>
      %dma_start3A_234 = arith.constant 0 : i32
      %dma_start3A_235 = arith.constant 0 : i32
      %dma_start3A_236 = tpu.memref_slice %arg3[%dma_start3A_234, %dma_start3A_235] : memref<100000x128xf32, #tpu.memory_space<hbm>> -> memref<100000x128xf32, #tpu.memory_space<hbm>>
      tpu.enqueue_indirect_dma source(%dma_start3A_236 : memref<100000x128xf32, #tpu.memory_space<hbm>>) target(%dma_start3A_232 : memref<96x128xf32, #tpu.memory_space<vmem>>) offsets(%dma_start3A_233 : memref<96xi32, #tpu.memory_space<vmem>>) semaphore(%arg15 : memref<!tpu.dma_semaphore, #tpu.memory_space<semaphore_mem>>)
      %dma_wait3A_237 = arith.constant 0 : i32
      %dma_wait3A_238 = arith.constant 0 : i32
      %dma_wait3A_239 = tpu.memref_slice %arg11[%dma_wait3A_237, %dma_wait3A_238] : memref<200x128xf32, #tpu.memory_space<vmem>> -> memref<104x128xf32, #tpu.memory_space<vmem>>
      %dma_wait3A_240 = arith.constant 0 : i32
      %dma_wait3A_241 = tpu.memref_slice %arg8[%dma_wait3A_240] : memref<6400xi32, #tpu.memory_space<vmem>> -> memref<104xi32, #tpu.memory_space<vmem>>
      %dma_wait3A_242 = arith.constant 0 : i32
      %dma_wait3A_243 = arith.constant 0 : i32
      %dma_wait3A_244 = tpu.memref_slice %arg3[%dma_wait3A_242, %dma_wait3A_243] : memref<100000x128xf32, #tpu.memory_space<hbm>> -> memref<100000x128xf32, #tpu.memory_space<hbm>>
      tpu.wait_indirect_dma semaphore(%arg17 : memref<!tpu.dma_semaphore, #tpu.memory_space<semaphore_mem>>) src(%dma_wait3A_244 : memref<100000x128xf32, #tpu.memory_space<hbm>>) dst(%dma_wait3A_239 : memref<104x128xf32, #tpu.memory_space<vmem>>)
      %dma_wait3A_245 = arith.constant 104 : i32
      %dma_wait3A_246 = arith.constant 0 : i32
      %dma_wait3A_247 = tpu.memref_slice %arg11[%dma_wait3A_245, %dma_wait3A_246] : memref<200x128xf32, #tpu.memory_space<vmem>> -> memref<96x128xf32, #tpu.memory_space<vmem>>
      %dma_wait3A_248 = arith.constant 0 : i32
      %dma_wait3A_249 = tpu.memref_slice %arg8[%dma_wait3A_248] : memref<6400xi32, #tpu.memory_space<vmem>> -> memref<96xi32, #tpu.memory_space<vmem>>
      %dma_wait3A_250 = arith.constant 0 : i32
      %dma_wait3A_251 = arith.constant 0 : i32
      %dma_wait3A_252 = tpu.memref_slice %arg3[%dma_wait3A_250, %dma_wait3A_251] : memref<100000x128xf32, #tpu.memory_space<hbm>> -> memref<100000x128xf32, #tpu.memory_space<hbm>>
      tpu.wait_indirect_dma semaphore(%arg17 : memref<!tpu.dma_semaphore, #tpu.memory_space<semaphore_mem>>) src(%dma_wait3A_252 : memref<100000x128xf32, #tpu.memory_space<hbm>>) dst(%dma_wait3A_247 : memref<96x128xf32, #tpu.memory_space<vmem>>)
      %scan3A_253 = arith.constant 0 : i32
      %scan3A_254 = arith.constant 0 : i32
      %scan3A_255 = arith.constant 40 : i32
      %scan3A_256 = arith.addi %scan3A_254, %scan3A_255 : i32
      %scan3A_257 = arith.constant 1 : i32
      scf.for %scan3A_264 = %scan3A_254 to %scan3A_256 step %scan3A_257  : i32 {
        %mul3A_265 = arith.constant 5 : i32
        %mul3A_266 = arith.muli %scan3A_264, %mul3A_265 : i32
        %add3A_267 = arith.constant 0 : i32
        %add3A_268 = arith.addi %mul3A_266, %add3A_267 : i32
        %get3A_269 = arith.index_cast %add3A_268 : i32 to index
        %get3A_270 = arith.constant 0 : index
        %get3A_271 = tpu.vector_load %arg11[%get3A_269, %get3A_270] {strides = array<i32>} : memref<200x128xf32, #tpu.memory_space<vmem>>, vector<16xf32>,
        %get3A_272 = arith.index_cast %add3A_268 : i32 to index
        %get3A_273 = arith.constant 0 : index
        %get3A_274 = tpu.vector_load %arg12[%get3A_272, %get3A_273] {strides = array<i32>} : memref<200x128xf32, #tpu.memory_space<vmem>>, vector<16xf32>,
        %add3A_275 = arith.addf %get3A_271, %get3A_274 : vector<16xf32>
        %get3A_276 = arith.index_cast %add3A_268 : i32 to index
        %get3A_277 = arith.constant 16 : index
        %get3A_278 = tpu.vector_load %arg11[%get3A_276, %get3A_277] {strides = array<i32>} : memref<200x128xf32, #tpu.memory_space<vmem>>, vector<16xf32>,
        %get3A_279 = arith.index_cast %add3A_268 : i32 to index
        %get3A_280 = arith.constant 16 : index
        %get3A_281 = tpu.vector_load %arg12[%get3A_279, %get3A_280] {strides = array<i32>} : memref<200x128xf32, #tpu.memory_space<vmem>>, vector<16xf32>,
        %add3A_282 = arith.addf %get3A_278, %get3A_281 : vector<16xf32>
        %get3A_283 = arith.index_cast %add3A_268 : i32 to index
        %get3A_284 = arith.constant 32 : index
        %get3A_285 = tpu.vector_load %arg11[%get3A_283, %get3A_284] {strides = array<i32>} : memref<200x128xf32, #tpu.memory_space<vmem>>, vector<16xf32>,
        %get3A_286 = arith.index_cast %add3A_268 : i32 to index
        %get3A_287 = arith.constant 32 : index
        %get3A_288 = tpu.vector_load %arg12[%get3A_286, %get3A_287] {strides = array<i32>} : memref<200x128xf32, #tpu.memory_space<vmem>>, vector<16xf32>,
        %add3A_289 = arith.addf %get3A_285, %get3A_288 : vector<16xf32>
        %get3A_290 = arith.index_cast %add3A_268 : i32 to index
        %get3A_291 = arith.constant 48 : index
        %get3A_292 = tpu.vector_load %arg11[%get3A_290, %get3A_291] {strides = array<i32>} : memref<200x128xf32, #tpu.memory_space<vmem>>, vector<16xf32>,
        %get3A_293 = arith.index_cast %add3A_268 : i32 to index
        %get3A_294 = arith.constant 48 : index
        %get3A_295 = tpu.vector_load %arg12[%get3A_293, %get3A_294] {strides = array<i32>} : memref<200x128xf32, #tpu.memory_space<vmem>>, vector<16xf32>,
        %add3A_296 = arith.addf %get3A_292, %get3A_295 : vector<16xf32>
        %get3A_297 = arith.index_cast %add3A_268 : i32 to index
        %get3A_298 = arith.constant 64 : index
        %get3A_299 = tpu.vector_load %arg11[%get3A_297, %get3A_298] {strides = array<i32>} : memref<200x128xf32, #tpu.memory_space<vmem>>, vector<16xf32>,
        %get3A_300 = arith.index_cast %add3A_268 : i32 to index
        %get3A_301 = arith.constant 64 : index
        %get3A_302 = tpu.vector_load %arg12[%get3A_300, %get3A_301] {strides = array<i32>} : memref<200x128xf32, #tpu.memory_space<vmem>>, vector<16xf32>,
        %add3A_303 = arith.addf %get3A_299, %get3A_302 : vector<16xf32>
        %get3A_304 = arith.index_cast %add3A_268 : i32 to index
        %get3A_305 = arith.constant 80 : index
        %get3A_306 = tpu.vector_load %arg11[%get3A_304, %get3A_305] {strides = array<i32>} : memref<200x128xf32, #tpu.memory_space<vmem>>, vector<16xf32>,
        %get3A_307 = arith.index_cast %add3A_268 : i32 to index
        %get3A_308 = arith.constant 80 : index
        %get3A_309 = tpu.vector_load %arg12[%get3A_307, %get3A_308] {strides = array<i32>} : memref<200x128xf32, #tpu.memory_space<vmem>>, vector<16xf32>,
        %add3A_310 = arith.addf %get3A_306, %get3A_309 : vector<16xf32>
        %get3A_311 = arith.index_cast %add3A_268 : i32 to index
        %get3A_312 = arith.constant 96 : index
        %get3A_313 = tpu.vector_load %arg11[%get3A_311, %get3A_312] {strides = array<i32>} : memref<200x128xf32, #tpu.memory_space<vmem>>, vector<16xf32>,
        %get3A_314 = arith.index_cast %add3A_268 : i32 to index
        %get3A_315 = arith.constant 96 : index
        %get3A_316 = tpu.vector_load %arg12[%get3A_314, %get3A_315] {strides = array<i32>} : memref<200x128xf32, #tpu.memory_space<vmem>>, vector<16xf32>,
        %add3A_317 = arith.addf %get3A_313, %get3A_316 : vector<16xf32>
        %get3A_318 = arith.index_cast %add3A_268 : i32 to index
        %get3A_319 = arith.constant 112 : index
        %get3A_320 = tpu.vector_load %arg11[%get3A_318, %get3A_319] {strides = array<i32>} : memref<200x128xf32, #tpu.memory_space<vmem>>, vector<16xf32>,
        %get3A_321 = arith.index_cast %add3A_268 : i32 to index
        %get3A_322 = arith.constant 112 : index
        %get3A_323 = tpu.vector_load %arg12[%get3A_321, %get3A_322] {strides = array<i32>} : memref<200x128xf32, #tpu.memory_space<vmem>>, vector<16xf32>,
        %add3A_324 = arith.addf %get3A_320, %get3A_323 : vector<16xf32>
        %add3A_325 = arith.addf %add3A_275, %add3A_282 : vector<16xf32>
        %add3A_326 = arith.addf %add3A_325, %add3A_289 : vector<16xf32>
        %add3A_327 = arith.addf %add3A_326, %add3A_296 : vector<16xf32>
        %add3A_328 = arith.addf %add3A_327, %add3A_303 : vector<16xf32>
        %add3A_329 = arith.addf %add3A_328, %add3A_310 : vector<16xf32>
        %add3A_330 = arith.addf %add3A_329, %add3A_317 : vector<16xf32>
        %add3A_331 = arith.addf %add3A_330, %add3A_324 : vector<16xf32>
        %mul3A_332 = arith.mulf %add3A_275, %add3A_275 : vector<16xf32>
        %mul3A_333 = arith.mulf %add3A_282, %add3A_282 : vector<16xf32>
        %add3A_334 = arith.addf %mul3A_332, %mul3A_333 : vector<16xf32>
        %mul3A_335 = arith.mulf %add3A_289, %add3A_289 : vector<16xf32>
        %add3A_336 = arith.addf %add3A_334, %mul3A_335 : vector<16xf32>
        %mul3A_337 = arith.mulf %add3A_296, %add3A_296 : vector<16xf32>
        %add3A_338 = arith.addf %add3A_336, %mul3A_337 : vector<16xf32>
        %mul3A_339 = arith.mulf %add3A_303, %add3A_303 : vector<16xf32>
        %add3A_340 = arith.addf %add3A_338, %mul3A_339 : vector<16xf32>
        %mul3A_341 = arith.mulf %add3A_310, %add3A_310 : vector<16xf32>
        %add3A_342 = arith.addf %add3A_340, %mul3A_341 : vector<16xf32>
        %mul3A_343 = arith.mulf %add3A_317, %add3A_317 : vector<16xf32>
        %add3A_344 = arith.addf %add3A_342, %mul3A_343 : vector<16xf32>
        %mul3A_345 = arith.mulf %add3A_324, %add3A_324 : vector<16xf32>
        %add3A_346 = arith.addf %add3A_344, %mul3A_345 : vector<16xf32>
        %reduce_sum3A = arith.constant true
        %reduce_sum3A_347 = vector.broadcast %reduce_sum3A : i1 to vector<16xi1>
        %reduce_sum3A_348 = tpu.scan <sum>, %add3A_331 masked %reduce_sum3A_347 : vector<16xf32>, vector<16xi1> -> vector<16xf32>
        %reduce_sum3A_349 = vector.extract %reduce_sum3A_348[15] : f32 from vector<16xf32>
        %reduce_sum3A_350 = arith.constant true
        %reduce_sum3A_351 = vector.broadcast %reduce_sum3A_350 : i1 to vector<16xi1>
        %reduce_sum3A_352 = tpu.scan <sum>, %add3A_346 masked %reduce_sum3A_351 : vector<16xf32>, vector<16xi1> -> vector<16xf32>
        %reduce_sum3A_353 = vector.extract %reduce_sum3A_352[15] : f32 from vector<16xf32>
        %mul3A_354 = arith.constant 7.812500e-03 : f32
        %mul3A_355 = arith.mulf %reduce_sum3A_349, %mul3A_354 : f32
        %mul3A_356 = arith.constant 7.812500e-03 : f32
        %mul3A_357 = arith.mulf %reduce_sum3A_353, %mul3A_356 : f32
        %mul3A_358 = arith.mulf %mul3A_355, %mul3A_355 : f32
        %sub3A = arith.subf %mul3A_357, %mul3A_358 : f32
        %add3A_359 = arith.constant 9.99999996E-13 : f32
        %add3A_360 = arith.addf %sub3A, %add3A_359 : f32
        %bitcast_convert_type3A = arith.bitcast %add3A_360 : f32 to i32
        %shift_right_logical3A = arith.constant 1 : i32
        %shift_right_logical3A_361 = arith.shrui %bitcast_convert_type3A, %shift_right_logical3A : i32
        %sub3A_362 = arith.constant 1597463007 : i32
        %sub3A_363 = arith.subi %sub3A_362, %shift_right_logical3A_361 : i32
        %bitcast_convert_type3A_364 = arith.bitcast %sub3A_363 : i32 to f32
        %mul3A_365 = arith.constant 5.000000e-01 : f32
        %mul3A_366 = arith.mulf %add3A_360, %mul3A_365 : f32
        %mul3A_367 = arith.mulf %bitcast_convert_type3A_364, %bitcast_convert_type3A_364 : f32
        %mul3A_368 = arith.mulf %mul3A_366, %mul3A_367 : f32
        %sub3A_369 = arith.constant 1.500000e+00 : f32
        %sub3A_370 = arith.subf %sub3A_369, %mul3A_368 : f32
        %mul3A_371 = arith.mulf %bitcast_convert_type3A_364, %sub3A_370 : f32
        %mul3A_372 = arith.mulf %mul3A_371, %mul3A_371 : f32
        %mul3A_373 = arith.mulf %mul3A_366, %mul3A_372 : f32
        %sub3A_374 = arith.constant 1.500000e+00 : f32
        %sub3A_375 = arith.subf %sub3A_374, %mul3A_373 : f32
        %mul3A_376 = arith.mulf %mul3A_371, %sub3A_375 : f32
        %sub3A_377 = vector.broadcast %mul3A_355 : f32 to vector<16xf32>
        %sub3A_378 = arith.subf %add3A_275, %sub3A_377 : vector<16xf32>
        %mul3A_379 = vector.broadcast %mul3A_376 : f32 to vector<16xf32>
        %mul3A_380 = arith.mulf %mul3A_379, %get3A_3 : vector<16xf32>
        %mul3A_381 = arith.mulf %sub3A_378, %mul3A_380 : vector<16xf32>
        %add3A_382 = arith.addf %mul3A_381, %get3A_19 : vector<16xf32>
        %swap3A = arith.index_cast %add3A_268 : i32 to index
        %swap3A_383 = arith.constant 0 : index
        %swap3A_384 = tpu.vector_load %arg11[%swap3A, %swap3A_383] {strides = array<i32>} : memref<200x128xf32, #tpu.memory_space<vmem>>, vector<16xf32>,
        tpu.vector_store %arg11[%swap3A, %swap3A_383], %add3A_382 {strides = array<i32>} : memref<200x128xf32, #tpu.memory_space<vmem>>, vector<16xf32>,
        %sub3A_385 = vector.broadcast %mul3A_355 : f32 to vector<16xf32>
        %sub3A_386 = arith.subf %add3A_282, %sub3A_385 : vector<16xf32>
        %mul3A_387 = vector.broadcast %mul3A_376 : f32 to vector<16xf32>
        %mul3A_388 = arith.mulf %mul3A_387, %get3A_5 : vector<16xf32>
        %mul3A_389 = arith.mulf %sub3A_386, %mul3A_388 : vector<16xf32>
        %add3A_390 = arith.addf %mul3A_389, %get3A_21 : vector<16xf32>
        %swap3A_391 = arith.index_cast %add3A_268 : i32 to index
        %swap3A_392 = arith.constant 16 : index
        %swap3A_393 = tpu.vector_load %arg11[%swap3A_391, %swap3A_392] {strides = array<i32>} : memref<200x128xf32, #tpu.memory_space<vmem>>, vector<16xf32>,
        tpu.vector_store %arg11[%swap3A_391, %swap3A_392], %add3A_390 {strides = array<i32>} : memref<200x128xf32, #tpu.memory_space<vmem>>, vector<16xf32>,
        %sub3A_394 = vector.broadcast %mul3A_355 : f32 to vector<16xf32>
        %sub3A_395 = arith.subf %add3A_289, %sub3A_394 : vector<16xf32>
        %mul3A_396 = vector.broadcast %mul3A_376 : f32 to vector<16xf32>
        %mul3A_397 = arith.mulf %mul3A_396, %get3A_7 : vector<16xf32>
        %mul3A_398 = arith.mulf %sub3A_395, %mul3A_397 : vector<16xf32>
        %add3A_399 = arith.addf %mul3A_398, %get3A_23 : vector<16xf32>
        %swap3A_400 = arith.index_cast %add3A_268 : i32 to index
        %swap3A_401 = arith.constant 32 : index
        %swap3A_402 = tpu.vector_load %arg11[%swap3A_400, %swap3A_401] {strides = array<i32>} : memref<200x128xf32, #tpu.memory_space<vmem>>, vector<16xf32>,
        tpu.vector_store %arg11[%swap3A_400, %swap3A_401], %add3A_399 {strides = array<i32>} : memref<200x128xf32, #tpu.memory_space<vmem>>, vector<16xf32>,
        %sub3A_403 = vector.broadcast %mul3A_355 : f32 to vector<16xf32>
        %sub3A_404 = arith.subf %add3A_296, %sub3A_403 : vector<16xf32>
        %mul3A_405 = vector.broadcast %mul3A_376 : f32 to vector<16xf32>
        %mul3A_406 = arith.mulf %mul3A_405, %get3A_9 : vector<16xf32>
        %mul3A_407 = arith.mulf %sub3A_404, %mul3A_406 : vector<16xf32>
        %add3A_408 = arith.addf %mul3A_407, %get3A_25 : vector<16xf32>
        %swap3A_409 = arith.index_cast %add3A_268 : i32 to index
        %swap3A_410 = arith.constant 48 : index
        %swap3A_411 = tpu.vector_load %arg11[%swap3A_409, %swap3A_410] {strides = array<i32>} : memref<200x128xf32, #tpu.memory_space<vmem>>, vector<16xf32>,
        tpu.vector_store %arg11[%swap3A_409, %swap3A_410], %add3A_408 {strides = array<i32>} : memref<200x128xf32, #tpu.memory_space<vmem>>, vector<16xf32>,
        %sub3A_412 = vector.broadcast %mul3A_355 : f32 to vector<16xf32>
        %sub3A_413 = arith.subf %add3A_303, %sub3A_412 : vector<16xf32>
        %mul3A_414 = vector.broadcast %mul3A_376 : f32 to vector<16xf32>
        %mul3A_415 = arith.mulf %mul3A_414, %get3A_11 : vector<16xf32>
        %mul3A_416 = arith.mulf %sub3A_413, %mul3A_415 : vector<16xf32>
        %add3A_417 = arith.addf %mul3A_416, %get3A_27 : vector<16xf32>
        %swap3A_418 = arith.index_cast %add3A_268 : i32 to index
        %swap3A_419 = arith.constant 64 : index
        %swap3A_420 = tpu.vector_load %arg11[%swap3A_418, %swap3A_419] {strides = array<i32>} : memref<200x128xf32, #tpu.memory_space<vmem>>, vector<16xf32>,
        tpu.vector_store %arg11[%swap3A_418, %swap3A_419], %add3A_417 {strides = array<i32>} : memref<200x128xf32, #tpu.memory_space<vmem>>, vector<16xf32>,
        %sub3A_421 = vector.broadcast %mul3A_355 : f32 to vector<16xf32>
        %sub3A_422 = arith.subf %add3A_310, %sub3A_421 : vector<16xf32>
        %mul3A_423 = vector.broadcast %mul3A_376 : f32 to vector<16xf32>
        %mul3A_424 = arith.mulf %mul3A_423, %get3A_13 : vector<16xf32>
        %mul3A_425 = arith.mulf %sub3A_422, %mul3A_424 : vector<16xf32>
        %add3A_426 = arith.addf %mul3A_425, %get3A_29 : vector<16xf32>
        %swap3A_427 = arith.index_cast %add3A_268 : i32 to index
        %swap3A_428 = arith.constant 80 : index
        %swap3A_429 = tpu.vector_load %arg11[%swap3A_427, %swap3A_428] {strides = array<i32>} : memref<200x128xf32, #tpu.memory_space<vmem>>, vector<16xf32>,
        tpu.vector_store %arg11[%swap3A_427, %swap3A_428], %add3A_426 {strides = array<i32>} : memref<200x128xf32, #tpu.memory_space<vmem>>, vector<16xf32>,
        %sub3A_430 = vector.broadcast %mul3A_355 : f32 to vector<16xf32>
        %sub3A_431 = arith.subf %add3A_317, %sub3A_430 : vector<16xf32>
        %mul3A_432 = vector.broadcast %mul3A_376 : f32 to vector<16xf32>
        %mul3A_433 = arith.mulf %mul3A_432, %get3A_15 : vector<16xf32>
        %mul3A_434 = arith.mulf %sub3A_431, %mul3A_433 : vector<16xf32>
        %add3A_435 = arith.addf %mul3A_434, %get3A_31 : vector<16xf32>
        %swap3A_436 = arith.index_cast %add3A_268 : i32 to index
        %swap3A_437 = arith.constant 96 : index
        %swap3A_438 = tpu.vector_load %arg11[%swap3A_436, %swap3A_437] {strides = array<i32>} : memref<200x128xf32, #tpu.memory_space<vmem>>, vector<16xf32>,
        tpu.vector_store %arg11[%swap3A_436, %swap3A_437], %add3A_435 {strides = array<i32>} : memref<200x128xf32, #tpu.memory_space<vmem>>, vector<16xf32>,
        %sub3A_439 = vector.broadcast %mul3A_355 : f32 to vector<16xf32>
        %sub3A_440 = arith.subf %add3A_324, %sub3A_439 : vector<16xf32>
        %mul3A_441 = vector.broadcast %mul3A_376 : f32 to vector<16xf32>
        %mul3A_442 = arith.mulf %mul3A_441, %get3A_17 : vector<16xf32>
        %mul3A_443 = arith.mulf %sub3A_440, %mul3A_442 : vector<16xf32>
        %add3A_444 = arith.addf %mul3A_443, %get3A_33 : vector<16xf32>
        %swap3A_445 = arith.index_cast %add3A_268 : i32 to index
        %swap3A_446 = arith.constant 112 : index
        %swap3A_447 = tpu.vector_load %arg11[%swap3A_445, %swap3A_446] {strides = array<i32>} : memref<200x128xf32, #tpu.memory_space<vmem>>, vector<16xf32>,
        tpu.vector_store %arg11[%swap3A_445, %swap3A_446], %add3A_444 {strides = array<i32>} : memref<200x128xf32, #tpu.memory_space<vmem>>, vector<16xf32>,
        %mul3A_448 = arith.constant 5 : i32
        %mul3A_449 = arith.muli %scan3A_264, %mul3A_448 : i32
        %add3A_450 = arith.constant 1 : i32
        %add3A_451 = arith.addi %mul3A_449, %add3A_450 : i32
        %get3A_452 = arith.index_cast %add3A_451 : i32 to index
        %get3A_453 = arith.constant 0 : index
        %get3A_454 = tpu.vector_load %arg11[%get3A_452, %get3A_453] {strides = array<i32>} : memref<200x128xf32, #tpu.memory_space<vmem>>, vector<16xf32>,
        %get3A_455 = arith.index_cast %add3A_451 : i32 to index
        %get3A_456 = arith.constant 0 : index
        %get3A_457 = tpu.vector_load %arg12[%get3A_455, %get3A_456] {strides = array<i32>} : memref<200x128xf32, #tpu.memory_space<vmem>>, vector<16xf32>,
        %add3A_458 = arith.addf %get3A_454, %get3A_457 : vector<16xf32>
        %get3A_459 = arith.index_cast %add3A_451 : i32 to index
        %get3A_460 = arith.constant 16 : index
        %get3A_461 = tpu.vector_load %arg11[%get3A_459, %get3A_460] {strides = array<i32>} : memref<200x128xf32, #tpu.memory_space<vmem>>, vector<16xf32>,
        %get3A_462 = arith.index_cast %add3A_451 : i32 to index
        %get3A_463 = arith.constant 16 : index
        %get3A_464 = tpu.vector_load %arg12[%get3A_462, %get3A_463] {strides = array<i32>} : memref<200x128xf32, #tpu.memory_space<vmem>>, vector<16xf32>,
        %add3A_465 = arith.addf %get3A_461, %get3A_464 : vector<16xf32>
        %get3A_466 = arith.index_cast %add3A_451 : i32 to index
        %get3A_467 = arith.constant 32 : index
        %get3A_468 = tpu.vector_load %arg11[%get3A_466, %get3A_467] {strides = array<i32>} : memref<200x128xf32, #tpu.memory_space<vmem>>, vector<16xf32>,
        %get3A_469 = arith.index_cast %add3A_451 : i32 to index
        %get3A_470 = arith.constant 32 : index
        %get3A_471 = tpu.vector_load %arg12[%get3A_469, %get3A_470] {strides = array<i32>} : memref<200x128xf32, #tpu.memory_space<vmem>>, vector<16xf32>,
        %add3A_472 = arith.addf %get3A_468, %get3A_471 : vector<16xf32>
        %get3A_473 = arith.index_cast %add3A_451 : i32 to index
        %get3A_474 = arith.constant 48 : index
        %get3A_475 = tpu.vector_load %arg11[%get3A_473, %get3A_474] {strides = array<i32>} : memref<200x128xf32, #tpu.memory_space<vmem>>, vector<16xf32>,
        %get3A_476 = arith.index_cast %add3A_451 : i32 to index
        %get3A_477 = arith.constant 48 : index
        %get3A_478 = tpu.vector_load %arg12[%get3A_476, %get3A_477] {strides = array<i32>} : memref<200x128xf32, #tpu.memory_space<vmem>>, vector<16xf32>,
        %add3A_479 = arith.addf %get3A_475, %get3A_478 : vector<16xf32>
        %get3A_480 = arith.index_cast %add3A_451 : i32 to index
        %get3A_481 = arith.constant 64 : index
        %get3A_482 = tpu.vector_load %arg11[%get3A_480, %get3A_481] {strides = array<i32>} : memref<200x128xf32, #tpu.memory_space<vmem>>, vector<16xf32>,
        %get3A_483 = arith.index_cast %add3A_451 : i32 to index
        %get3A_484 = arith.constant 64 : index
        %get3A_485 = tpu.vector_load %arg12[%get3A_483, %get3A_484] {strides = array<i32>} : memref<200x128xf32, #tpu.memory_space<vmem>>, vector<16xf32>,
        %add3A_486 = arith.addf %get3A_482, %get3A_485 : vector<16xf32>
        %get3A_487 = arith.index_cast %add3A_451 : i32 to index
        %get3A_488 = arith.constant 80 : index
        %get3A_489 = tpu.vector_load %arg11[%get3A_487, %get3A_488] {strides = array<i32>} : memref<200x128xf32, #tpu.memory_space<vmem>>, vector<16xf32>,
        %get3A_490 = arith.index_cast %add3A_451 : i32 to index
        %get3A_491 = arith.constant 80 : index
        %get3A_492 = tpu.vector_load %arg12[%get3A_490, %get3A_491] {strides = array<i32>} : memref<200x128xf32, #tpu.memory_space<vmem>>, vector<16xf32>,
        %add3A_493 = arith.addf %get3A_489, %get3A_492 : vector<16xf32>
        %get3A_494 = arith.index_cast %add3A_451 : i32 to index
        %get3A_495 = arith.constant 96 : index
        %get3A_496 = tpu.vector_load %arg11[%get3A_494, %get3A_495] {strides = array<i32>} : memref<200x128xf32, #tpu.memory_space<vmem>>, vector<16xf32>,
        %get3A_497 = arith.index_cast %add3A_451 : i32 to index
        %get3A_498 = arith.constant 96 : index
        %get3A_499 = tpu.vector_load %arg12[%get3A_497, %get3A_498] {strides = array<i32>} : memref<200x128xf32, #tpu.memory_space<vmem>>, vector<16xf32>,
        %add3A_500 = arith.addf %get3A_496, %get3A_499 : vector<16xf32>
        %get3A_501 = arith.index_cast %add3A_451 : i32 to index
        %get3A_502 = arith.constant 112 : index
        %get3A_503 = tpu.vector_load %arg11[%get3A_501, %get3A_502] {strides = array<i32>} : memref<200x128xf32, #tpu.memory_space<vmem>>, vector<16xf32>,
        %get3A_504 = arith.index_cast %add3A_451 : i32 to index
        %get3A_505 = arith.constant 112 : index
        %get3A_506 = tpu.vector_load %arg12[%get3A_504, %get3A_505] {strides = array<i32>} : memref<200x128xf32, #tpu.memory_space<vmem>>, vector<16xf32>,
        %add3A_507 = arith.addf %get3A_503, %get3A_506 : vector<16xf32>
        %add3A_508 = arith.addf %add3A_458, %add3A_465 : vector<16xf32>
        %add3A_509 = arith.addf %add3A_508, %add3A_472 : vector<16xf32>
        %add3A_510 = arith.addf %add3A_509, %add3A_479 : vector<16xf32>
        %add3A_511 = arith.addf %add3A_510, %add3A_486 : vector<16xf32>
        %add3A_512 = arith.addf %add3A_511, %add3A_493 : vector<16xf32>
        %add3A_513 = arith.addf %add3A_512, %add3A_500 : vector<16xf32>
        %add3A_514 = arith.addf %add3A_513, %add3A_507 : vector<16xf32>
        %mul3A_515 = arith.mulf %add3A_458, %add3A_458 : vector<16xf32>
        %mul3A_516 = arith.mulf %add3A_465, %add3A_465 : vector<16xf32>
        %add3A_517 = arith.addf %mul3A_515, %mul3A_516 : vector<16xf32>
        %mul3A_518 = arith.mulf %add3A_472, %add3A_472 : vector<16xf32>
        %add3A_519 = arith.addf %add3A_517, %mul3A_518 : vector<16xf32>
        %mul3A_520 = arith.mulf %add3A_479, %add3A_479 : vector<16xf32>
        %add3A_521 = arith.addf %add3A_519, %mul3A_520 : vector<16xf32>
        %mul3A_522 = arith.mulf %add3A_486, %add3A_486 : vector<16xf32>
        %add3A_523 = arith.addf %add3A_521, %mul3A_522 : vector<16xf32>
        %mul3A_524 = arith.mulf %add3A_493, %add3A_493 : vector<16xf32>
        %add3A_525 = arith.addf %add3A_523, %mul3A_524 : vector<16xf32>
        %mul3A_526 = arith.mulf %add3A_500, %add3A_500 : vector<16xf32>
        %add3A_527 = arith.addf %add3A_525, %mul3A_526 : vector<16xf32>
        %mul3A_528 = arith.mulf %add3A_507, %add3A_507 : vector<16xf32>
        %add3A_529 = arith.addf %add3A_527, %mul3A_528 : vector<16xf32>
        %reduce_sum3A_530 = arith.constant true
        %reduce_sum3A_531 = vector.broadcast %reduce_sum3A_530 : i1 to vector<16xi1>
        %reduce_sum3A_532 = tpu.scan <sum>, %add3A_514 masked %reduce_sum3A_531 : vector<16xf32>, vector<16xi1> -> vector<16xf32>
        %reduce_sum3A_533 = vector.extract %reduce_sum3A_532[15] : f32 from vector<16xf32>
        %reduce_sum3A_534 = arith.constant true
        %reduce_sum3A_535 = vector.broadcast %reduce_sum3A_534 : i1 to vector<16xi1>
        %reduce_sum3A_536 = tpu.scan <sum>, %add3A_529 masked %reduce_sum3A_535 : vector<16xf32>, vector<16xi1> -> vector<16xf32>
        %reduce_sum3A_537 = vector.extract %reduce_sum3A_536[15] : f32 from vector<16xf32>
        %mul3A_538 = arith.constant 7.812500e-03 : f32
        %mul3A_539 = arith.mulf %reduce_sum3A_533, %mul3A_538 : f32
        %mul3A_540 = arith.constant 7.812500e-03 : f32
        %mul3A_541 = arith.mulf %reduce_sum3A_537, %mul3A_540 : f32
        %mul3A_542 = arith.mulf %mul3A_539, %mul3A_539 : f32
        %sub3A_543 = arith.subf %mul3A_541, %mul3A_542 : f32
        %add3A_544 = arith.constant 9.99999996E-13 : f32
        %add3A_545 = arith.addf %sub3A_543, %add3A_544 : f32
        %bitcast_convert_type3A_546 = arith.bitcast %add3A_545 : f32 to i32
        %shift_right_logical3A_547 = arith.constant 1 : i32
        %shift_right_logical3A_548 = arith.shrui %bitcast_convert_type3A_546, %shift_right_logical3A_547 : i32
        %sub3A_549 = arith.constant 1597463007 : i32
        %sub3A_550 = arith.subi %sub3A_549, %shift_right_logical3A_548 : i32
        %bitcast_convert_type3A_551 = arith.bitcast %sub3A_550 : i32 to f32
        %mul3A_552 = arith.constant 5.000000e-01 : f32
        %mul3A_553 = arith.mulf %add3A_545, %mul3A_552 : f32
        %mul3A_554 = arith.mulf %bitcast_convert_type3A_551, %bitcast_convert_type3A_551 : f32
        %mul3A_555 = arith.mulf %mul3A_553, %mul3A_554 : f32
        %sub3A_556 = arith.constant 1.500000e+00 : f32
        %sub3A_557 = arith.subf %sub3A_556, %mul3A_555 : f32
        %mul3A_558 = arith.mulf %bitcast_convert_type3A_551, %sub3A_557 : f32
        %mul3A_559 = arith.mulf %mul3A_558, %mul3A_558 : f32
        %mul3A_560 = arith.mulf %mul3A_553, %mul3A_559 : f32
        %sub3A_561 = arith.constant 1.500000e+00 : f32
        %sub3A_562 = arith.subf %sub3A_561, %mul3A_560 : f32
        %mul3A_563 = arith.mulf %mul3A_558, %sub3A_562 : f32
        %sub3A_564 = vector.broadcast %mul3A_539 : f32 to vector<16xf32>
        %sub3A_565 = arith.subf %add3A_458, %sub3A_564 : vector<16xf32>
        %mul3A_566 = vector.broadcast %mul3A_563 : f32 to vector<16xf32>
        %mul3A_567 = arith.mulf %mul3A_566, %get3A_3 : vector<16xf32>
        %mul3A_568 = arith.mulf %sub3A_565, %mul3A_567 : vector<16xf32>
        %add3A_569 = arith.addf %mul3A_568, %get3A_19 : vector<16xf32>
        %swap3A_570 = arith.index_cast %add3A_451 : i32 to index
        %swap3A_571 = arith.constant 0 : index
        %swap3A_572 = tpu.vector_load %arg11[%swap3A_570, %swap3A_571] {strides = array<i32>} : memref<200x128xf32, #tpu.memory_space<vmem>>, vector<16xf32>,
        tpu.vector_store %arg11[%swap3A_570, %swap3A_571], %add3A_569 {strides = array<i32>} : memref<200x128xf32, #tpu.memory_space<vmem>>, vector<16xf32>,
        %sub3A_573 = vector.broadcast %mul3A_539 : f32 to vector<16xf32>
        %sub3A_574 = arith.subf %add3A_465, %sub3A_573 : vector<16xf32>
        %mul3A_575 = vector.broadcast %mul3A_563 : f32 to vector<16xf32>
        %mul3A_576 = arith.mulf %mul3A_575, %get3A_5 : vector<16xf32>
        %mul3A_577 = arith.mulf %sub3A_574, %mul3A_576 : vector<16xf32>
        %add3A_578 = arith.addf %mul3A_577, %get3A_21 : vector<16xf32>
        %swap3A_579 = arith.index_cast %add3A_451 : i32 to index
        %swap3A_580 = arith.constant 16 : index
        %swap3A_581 = tpu.vector_load %arg11[%swap3A_579, %swap3A_580] {strides = array<i32>} : memref<200x128xf32, #tpu.memory_space<vmem>>, vector<16xf32>,
        tpu.vector_store %arg11[%swap3A_579, %swap3A_580], %add3A_578 {strides = array<i32>} : memref<200x128xf32, #tpu.memory_space<vmem>>, vector<16xf32>,
        %sub3A_582 = vector.broadcast %mul3A_539 : f32 to vector<16xf32>
        %sub3A_583 = arith.subf %add3A_472, %sub3A_582 : vector<16xf32>
        %mul3A_584 = vector.broadcast %mul3A_563 : f32 to vector<16xf32>
        %mul3A_585 = arith.mulf %mul3A_584, %get3A_7 : vector<16xf32>
        %mul3A_586 = arith.mulf %sub3A_583, %mul3A_585 : vector<16xf32>
        %add3A_587 = arith.addf %mul3A_586, %get3A_23 : vector<16xf32>
        %swap3A_588 = arith.index_cast %add3A_451 : i32 to index
        %swap3A_589 = arith.constant 32 : index
        %swap3A_590 = tpu.vector_load %arg11[%swap3A_588, %swap3A_589] {strides = array<i32>} : memref<200x128xf32, #tpu.memory_space<vmem>>, vector<16xf32>,
        tpu.vector_store %arg11[%swap3A_588, %swap3A_589], %add3A_587 {strides = array<i32>} : memref<200x128xf32, #tpu.memory_space<vmem>>, vector<16xf32>,
        %sub3A_591 = vector.broadcast %mul3A_539 : f32 to vector<16xf32>
        %sub3A_592 = arith.subf %add3A_479, %sub3A_591 : vector<16xf32>
        %mul3A_593 = vector.broadcast %mul3A_563 : f32 to vector<16xf32>
        %mul3A_594 = arith.mulf %mul3A_593, %get3A_9 : vector<16xf32>
        %mul3A_595 = arith.mulf %sub3A_592, %mul3A_594 : vector<16xf32>
        %add3A_596 = arith.addf %mul3A_595, %get3A_25 : vector<16xf32>
        %swap3A_597 = arith.index_cast %add3A_451 : i32 to index
        %swap3A_598 = arith.constant 48 : index
        %swap3A_599 = tpu.vector_load %arg11[%swap3A_597, %swap3A_598] {strides = array<i32>} : memref<200x128xf32, #tpu.memory_space<vmem>>, vector<16xf32>,
        tpu.vector_store %arg11[%swap3A_597, %swap3A_598], %add3A_596 {strides = array<i32>} : memref<200x128xf32, #tpu.memory_space<vmem>>, vector<16xf32>,
        %sub3A_600 = vector.broadcast %mul3A_539 : f32 to vector<16xf32>
        %sub3A_601 = arith.subf %add3A_486, %sub3A_600 : vector<16xf32>
        %mul3A_602 = vector.broadcast %mul3A_563 : f32 to vector<16xf32>
        %mul3A_603 = arith.mulf %mul3A_602, %get3A_11 : vector<16xf32>
        %mul3A_604 = arith.mulf %sub3A_601, %mul3A_603 : vector<16xf32>
        %add3A_605 = arith.addf %mul3A_604, %get3A_27 : vector<16xf32>
        %swap3A_606 = arith.index_cast %add3A_451 : i32 to index
        %swap3A_607 = arith.constant 64 : index
        %swap3A_608 = tpu.vector_load %arg11[%swap3A_606, %swap3A_607] {strides = array<i32>} : memref<200x128xf32, #tpu.memory_space<vmem>>, vector<16xf32>,
        tpu.vector_store %arg11[%swap3A_606, %swap3A_607], %add3A_605 {strides = array<i32>} : memref<200x128xf32, #tpu.memory_space<vmem>>, vector<16xf32>,
        %sub3A_609 = vector.broadcast %mul3A_539 : f32 to vector<16xf32>
        %sub3A_610 = arith.subf %add3A_493, %sub3A_609 : vector<16xf32>
        %mul3A_611 = vector.broadcast %mul3A_563 : f32 to vector<16xf32>
        %mul3A_612 = arith.mulf %mul3A_611, %get3A_13 : vector<16xf32>
        %mul3A_613 = arith.mulf %sub3A_610, %mul3A_612 : vector<16xf32>
        %add3A_614 = arith.addf %mul3A_613, %get3A_29 : vector<16xf32>
        %swap3A_615 = arith.index_cast %add3A_451 : i32 to index
        %swap3A_616 = arith.constant 80 : index
        %swap3A_617 = tpu.vector_load %arg11[%swap3A_615, %swap3A_616] {strides = array<i32>} : memref<200x128xf32, #tpu.memory_space<vmem>>, vector<16xf32>,
        tpu.vector_store %arg11[%swap3A_615, %swap3A_616], %add3A_614 {strides = array<i32>} : memref<200x128xf32, #tpu.memory_space<vmem>>, vector<16xf32>,
        %sub3A_618 = vector.broadcast %mul3A_539 : f32 to vector<16xf32>
        %sub3A_619 = arith.subf %add3A_500, %sub3A_618 : vector<16xf32>
        %mul3A_620 = vector.broadcast %mul3A_563 : f32 to vector<16xf32>
        %mul3A_621 = arith.mulf %mul3A_620, %get3A_15 : vector<16xf32>
        %mul3A_622 = arith.mulf %sub3A_619, %mul3A_621 : vector<16xf32>
        %add3A_623 = arith.addf %mul3A_622, %get3A_31 : vector<16xf32>
        %swap3A_624 = arith.index_cast %add3A_451 : i32 to index
        %swap3A_625 = arith.constant 96 : index
        %swap3A_626 = tpu.vector_load %arg11[%swap3A_624, %swap3A_625] {strides = array<i32>} : memref<200x128xf32, #tpu.memory_space<vmem>>, vector<16xf32>,
        tpu.vector_store %arg11[%swap3A_624, %swap3A_625], %add3A_623 {strides = array<i32>} : memref<200x128xf32, #tpu.memory_space<vmem>>, vector<16xf32>,
        %sub3A_627 = vector.broadcast %mul3A_539 : f32 to vector<16xf32>
        %sub3A_628 = arith.subf %add3A_507, %sub3A_627 : vector<16xf32>
        %mul3A_629 = vector.broadcast %mul3A_563 : f32 to vector<16xf32>
        %mul3A_630 = arith.mulf %mul3A_629, %get3A_17 : vector<16xf32>
        %mul3A_631 = arith.mulf %sub3A_628, %mul3A_630 : vector<16xf32>
        %add3A_632 = arith.addf %mul3A_631, %get3A_33 : vector<16xf32>
        %swap3A_633 = arith.index_cast %add3A_451 : i32 to index
        %swap3A_634 = arith.constant 112 : index
        %swap3A_635 = tpu.vector_load %arg11[%swap3A_633, %swap3A_634] {strides = array<i32>} : memref<200x128xf32, #tpu.memory_space<vmem>>, vector<16xf32>,
        tpu.vector_store %arg11[%swap3A_633, %swap3A_634], %add3A_632 {strides = array<i32>} : memref<200x128xf32, #tpu.memory_space<vmem>>, vector<16xf32>,
        %mul3A_636 = arith.constant 5 : i32
        %mul3A_637 = arith.muli %scan3A_264, %mul3A_636 : i32
        %add3A_638 = arith.constant 2 : i32
        %add3A_639 = arith.addi %mul3A_637, %add3A_638 : i32
        %get3A_640 = arith.index_cast %add3A_639 : i32 to index
        %get3A_641 = arith.constant 0 : index
        %get3A_642 = tpu.vector_load %arg11[%get3A_640, %get3A_641] {strides = array<i32>} : memref<200x128xf32, #tpu.memory_space<vmem>>, vector<16xf32>,
        %get3A_643 = arith.index_cast %add3A_639 : i32 to index
        %get3A_644 = arith.constant 0 : index
        %get3A_645 = tpu.vector_load %arg12[%get3A_643, %get3A_644] {strides = array<i32>} : memref<200x128xf32, #tpu.memory_space<vmem>>, vector<16xf32>,
        %add3A_646 = arith.addf %get3A_642, %get3A_645 : vector<16xf32>
        %get3A_647 = arith.index_cast %add3A_639 : i32 to index
        %get3A_648 = arith.constant 16 : index
        %get3A_649 = tpu.vector_load %arg11[%get3A_647, %get3A_648] {strides = array<i32>} : memref<200x128xf32, #tpu.memory_space<vmem>>, vector<16xf32>,
        %get3A_650 = arith.index_cast %add3A_639 : i32 to index
        %get3A_651 = arith.constant 16 : index
        %get3A_652 = tpu.vector_load %arg12[%get3A_650, %get3A_651] {strides = array<i32>} : memref<200x128xf32, #tpu.memory_space<vmem>>, vector<16xf32>,
        %add3A_653 = arith.addf %get3A_649, %get3A_652 : vector<16xf32>
        %get3A_654 = arith.index_cast %add3A_639 : i32 to index
        %get3A_655 = arith.constant 32 : index
        %get3A_656 = tpu.vector_load %arg11[%get3A_654, %get3A_655] {strides = array<i32>} : memref<200x128xf32, #tpu.memory_space<vmem>>, vector<16xf32>,
        %get3A_657 = arith.index_cast %add3A_639 : i32 to index
        %get3A_658 = arith.constant 32 : index
        %get3A_659 = tpu.vector_load %arg12[%get3A_657, %get3A_658] {strides = array<i32>} : memref<200x128xf32, #tpu.memory_space<vmem>>, vector<16xf32>,
        %add3A_660 = arith.addf %get3A_656, %get3A_659 : vector<16xf32>
        %get3A_661 = arith.index_cast %add3A_639 : i32 to index
        %get3A_662 = arith.constant 48 : index
        %get3A_663 = tpu.vector_load %arg11[%get3A_661, %get3A_662] {strides = array<i32>} : memref<200x128xf32, #tpu.memory_space<vmem>>, vector<16xf32>,
        %get3A_664 = arith.index_cast %add3A_639 : i32 to index
        %get3A_665 = arith.constant 48 : index
        %get3A_666 = tpu.vector_load %arg12[%get3A_664, %get3A_665] {strides = array<i32>} : memref<200x128xf32, #tpu.memory_space<vmem>>, vector<16xf32>,
        %add3A_667 = arith.addf %get3A_663, %get3A_666 : vector<16xf32>
        %get3A_668 = arith.index_cast %add3A_639 : i32 to index
        %get3A_669 = arith.constant 64 : index
        %get3A_670 = tpu.vector_load %arg11[%get3A_668, %get3A_669] {strides = array<i32>} : memref<200x128xf32, #tpu.memory_space<vmem>>, vector<16xf32>,
        %get3A_671 = arith.index_cast %add3A_639 : i32 to index
        %get3A_672 = arith.constant 64 : index
        %get3A_673 = tpu.vector_load %arg12[%get3A_671, %get3A_672] {strides = array<i32>} : memref<200x128xf32, #tpu.memory_space<vmem>>, vector<16xf32>,
        %add3A_674 = arith.addf %get3A_670, %get3A_673 : vector<16xf32>
        %get3A_675 = arith.index_cast %add3A_639 : i32 to index
        %get3A_676 = arith.constant 80 : index
        %get3A_677 = tpu.vector_load %arg11[%get3A_675, %get3A_676] {strides = array<i32>} : memref<200x128xf32, #tpu.memory_space<vmem>>, vector<16xf32>,
        %get3A_678 = arith.index_cast %add3A_639 : i32 to index
        %get3A_679 = arith.constant 80 : index
        %get3A_680 = tpu.vector_load %arg12[%get3A_678, %get3A_679] {strides = array<i32>} : memref<200x128xf32, #tpu.memory_space<vmem>>, vector<16xf32>,
        %add3A_681 = arith.addf %get3A_677, %get3A_680 : vector<16xf32>
        %get3A_682 = arith.index_cast %add3A_639 : i32 to index
        %get3A_683 = arith.constant 96 : index
        %get3A_684 = tpu.vector_load %arg11[%get3A_682, %get3A_683] {strides = array<i32>} : memref<200x128xf32, #tpu.memory_space<vmem>>, vector<16xf32>,
        %get3A_685 = arith.index_cast %add3A_639 : i32 to index
        %get3A_686 = arith.constant 96 : index
        %get3A_687 = tpu.vector_load %arg12[%get3A_685, %get3A_686] {strides = array<i32>} : memref<200x128xf32, #tpu.memory_space<vmem>>, vector<16xf32>,
        %add3A_688 = arith.addf %get3A_684, %get3A_687 : vector<16xf32>
        %get3A_689 = arith.index_cast %add3A_639 : i32 to index
        %get3A_690 = arith.constant 112 : index
        %get3A_691 = tpu.vector_load %arg11[%get3A_689, %get3A_690] {strides = array<i32>} : memref<200x128xf32, #tpu.memory_space<vmem>>, vector<16xf32>,
        %get3A_692 = arith.index_cast %add3A_639 : i32 to index
        %get3A_693 = arith.constant 112 : index
        %get3A_694 = tpu.vector_load %arg12[%get3A_692, %get3A_693] {strides = array<i32>} : memref<200x128xf32, #tpu.memory_space<vmem>>, vector<16xf32>,
        %add3A_695 = arith.addf %get3A_691, %get3A_694 : vector<16xf32>
        %add3A_696 = arith.addf %add3A_646, %add3A_653 : vector<16xf32>
        %add3A_697 = arith.addf %add3A_696, %add3A_660 : vector<16xf32>
        %add3A_698 = arith.addf %add3A_697, %add3A_667 : vector<16xf32>
        %add3A_699 = arith.addf %add3A_698, %add3A_674 : vector<16xf32>
        %add3A_700 = arith.addf %add3A_699, %add3A_681 : vector<16xf32>
        %add3A_701 = arith.addf %add3A_700, %add3A_688 : vector<16xf32>
        %add3A_702 = arith.addf %add3A_701, %add3A_695 : vector<16xf32>
        %mul3A_703 = arith.mulf %add3A_646, %add3A_646 : vector<16xf32>
        %mul3A_704 = arith.mulf %add3A_653, %add3A_653 : vector<16xf32>
        %add3A_705 = arith.addf %mul3A_703, %mul3A_704 : vector<16xf32>
        %mul3A_706 = arith.mulf %add3A_660, %add3A_660 : vector<16xf32>
        %add3A_707 = arith.addf %add3A_705, %mul3A_706 : vector<16xf32>
        %mul3A_708 = arith.mulf %add3A_667, %add3A_667 : vector<16xf32>
        %add3A_709 = arith.addf %add3A_707, %mul3A_708 : vector<16xf32>
        %mul3A_710 = arith.mulf %add3A_674, %add3A_674 : vector<16xf32>
        %add3A_711 = arith.addf %add3A_709, %mul3A_710 : vector<16xf32>
        %mul3A_712 = arith.mulf %add3A_681, %add3A_681 : vector<16xf32>
        %add3A_713 = arith.addf %add3A_711, %mul3A_712 : vector<16xf32>
        %mul3A_714 = arith.mulf %add3A_688, %add3A_688 : vector<16xf32>
        %add3A_715 = arith.addf %add3A_713, %mul3A_714 : vector<16xf32>
        %mul3A_716 = arith.mulf %add3A_695, %add3A_695 : vector<16xf32>
        %add3A_717 = arith.addf %add3A_715, %mul3A_716 : vector<16xf32>
        %reduce_sum3A_718 = arith.constant true
        %reduce_sum3A_719 = vector.broadcast %reduce_sum3A_718 : i1 to vector<16xi1>
        %reduce_sum3A_720 = tpu.scan <sum>, %add3A_702 masked %reduce_sum3A_719 : vector<16xf32>, vector<16xi1> -> vector<16xf32>
        %reduce_sum3A_721 = vector.extract %reduce_sum3A_720[15] : f32 from vector<16xf32>
        %reduce_sum3A_722 = arith.constant true
        %reduce_sum3A_723 = vector.broadcast %reduce_sum3A_722 : i1 to vector<16xi1>
        %reduce_sum3A_724 = tpu.scan <sum>, %add3A_717 masked %reduce_sum3A_723 : vector<16xf32>, vector<16xi1> -> vector<16xf32>
        %reduce_sum3A_725 = vector.extract %reduce_sum3A_724[15] : f32 from vector<16xf32>
        %mul3A_726 = arith.constant 7.812500e-03 : f32
        %mul3A_727 = arith.mulf %reduce_sum3A_721, %mul3A_726 : f32
        %mul3A_728 = arith.constant 7.812500e-03 : f32
        %mul3A_729 = arith.mulf %reduce_sum3A_725, %mul3A_728 : f32
        %mul3A_730 = arith.mulf %mul3A_727, %mul3A_727 : f32
        %sub3A_731 = arith.subf %mul3A_729, %mul3A_730 : f32
        %add3A_732 = arith.constant 9.99999996E-13 : f32
        %add3A_733 = arith.addf %sub3A_731, %add3A_732 : f32
        %bitcast_convert_type3A_734 = arith.bitcast %add3A_733 : f32 to i32
        %shift_right_logical3A_735 = arith.constant 1 : i32
        %shift_right_logical3A_736 = arith.shrui %bitcast_convert_type3A_734, %shift_right_logical3A_735 : i32
        %sub3A_737 = arith.constant 1597463007 : i32
        %sub3A_738 = arith.subi %sub3A_737, %shift_right_logical3A_736 : i32
        %bitcast_convert_type3A_739 = arith.bitcast %sub3A_738 : i32 to f32
        %mul3A_740 = arith.constant 5.000000e-01 : f32
        %mul3A_741 = arith.mulf %add3A_733, %mul3A_740 : f32
        %mul3A_742 = arith.mulf %bitcast_convert_type3A_739, %bitcast_convert_type3A_739 : f32
        %mul3A_743 = arith.mulf %mul3A_741, %mul3A_742 : f32
        %sub3A_744 = arith.constant 1.500000e+00 : f32
        %sub3A_745 = arith.subf %sub3A_744, %mul3A_743 : f32
        %mul3A_746 = arith.mulf %bitcast_convert_type3A_739, %sub3A_745 : f32
        %mul3A_747 = arith.mulf %mul3A_746, %mul3A_746 : f32
        %mul3A_748 = arith.mulf %mul3A_741, %mul3A_747 : f32
        %sub3A_749 = arith.constant 1.500000e+00 : f32
        %sub3A_750 = arith.subf %sub3A_749, %mul3A_748 : f32
        %mul3A_751 = arith.mulf %mul3A_746, %sub3A_750 : f32
        %sub3A_752 = vector.broadcast %mul3A_727 : f32 to vector<16xf32>
        %sub3A_753 = arith.subf %add3A_646, %sub3A_752 : vector<16xf32>
        %mul3A_754 = vector.broadcast %mul3A_751 : f32 to vector<16xf32>
        %mul3A_755 = arith.mulf %mul3A_754, %get3A_3 : vector<16xf32>
        %mul3A_756 = arith.mulf %sub3A_753, %mul3A_755 : vector<16xf32>
        %add3A_757 = arith.addf %mul3A_756, %get3A_19 : vector<16xf32>
        %swap3A_758 = arith.index_cast %add3A_639 : i32 to index
        %swap3A_759 = arith.constant 0 : index
        %swap3A_760 = tpu.vector_load %arg11[%swap3A_758, %swap3A_759] {strides = array<i32>} : memref<200x128xf32, #tpu.memory_space<vmem>>, vector<16xf32>,
        tpu.vector_store %arg11[%swap3A_758, %swap3A_759], %add3A_757 {strides = array<i32>} : memref<200x128xf32, #tpu.memory_space<vmem>>, vector<16xf32>,
        %sub3A_761 = vector.broadcast %mul3A_727 : f32 to vector<16xf32>
        %sub3A_762 = arith.subf %add3A_653, %sub3A_761 : vector<16xf32>
        %mul3A_763 = vector.broadcast %mul3A_751 : f32 to vector<16xf32>
        %mul3A_764 = arith.mulf %mul3A_763, %get3A_5 : vector<16xf32>
        %mul3A_765 = arith.mulf %sub3A_762, %mul3A_764 : vector<16xf32>
        %add3A_766 = arith.addf %mul3A_765, %get3A_21 : vector<16xf32>
        %swap3A_767 = arith.index_cast %add3A_639 : i32 to index
        %swap3A_768 = arith.constant 16 : index
        %swap3A_769 = tpu.vector_load %arg11[%swap3A_767, %swap3A_768] {strides = array<i32>} : memref<200x128xf32, #tpu.memory_space<vmem>>, vector<16xf32>,
        tpu.vector_store %arg11[%swap3A_767, %swap3A_768], %add3A_766 {strides = array<i32>} : memref<200x128xf32, #tpu.memory_space<vmem>>, vector<16xf32>,
        %sub3A_770 = vector.broadcast %mul3A_727 : f32 to vector<16xf32>
        %sub3A_771 = arith.subf %add3A_660, %sub3A_770 : vector<16xf32>
        %mul3A_772 = vector.broadcast %mul3A_751 : f32 to vector<16xf32>
        %mul3A_773 = arith.mulf %mul3A_772, %get3A_7 : vector<16xf32>
        %mul3A_774 = arith.mulf %sub3A_771, %mul3A_773 : vector<16xf32>
        %add3A_775 = arith.addf %mul3A_774, %get3A_23 : vector<16xf32>
        %swap3A_776 = arith.index_cast %add3A_639 : i32 to index
        %swap3A_777 = arith.constant 32 : index
        %swap3A_778 = tpu.vector_load %arg11[%swap3A_776, %swap3A_777] {strides = array<i32>} : memref<200x128xf32, #tpu.memory_space<vmem>>, vector<16xf32>,
        tpu.vector_store %arg11[%swap3A_776, %swap3A_777], %add3A_775 {strides = array<i32>} : memref<200x128xf32, #tpu.memory_space<vmem>>, vector<16xf32>,
        %sub3A_779 = vector.broadcast %mul3A_727 : f32 to vector<16xf32>
        %sub3A_780 = arith.subf %add3A_667, %sub3A_779 : vector<16xf32>
        %mul3A_781 = vector.broadcast %mul3A_751 : f32 to vector<16xf32>
        %mul3A_782 = arith.mulf %mul3A_781, %get3A_9 : vector<16xf32>
        %mul3A_783 = arith.mulf %sub3A_780, %mul3A_782 : vector<16xf32>
        %add3A_784 = arith.addf %mul3A_783, %get3A_25 : vector<16xf32>
        %swap3A_785 = arith.index_cast %add3A_639 : i32 to index
        %swap3A_786 = arith.constant 48 : index
        %swap3A_787 = tpu.vector_load %arg11[%swap3A_785, %swap3A_786] {strides = array<i32>} : memref<200x128xf32, #tpu.memory_space<vmem>>, vector<16xf32>,
        tpu.vector_store %arg11[%swap3A_785, %swap3A_786], %add3A_784 {strides = array<i32>} : memref<200x128xf32, #tpu.memory_space<vmem>>, vector<16xf32>,
        %sub3A_788 = vector.broadcast %mul3A_727 : f32 to vector<16xf32>
        %sub3A_789 = arith.subf %add3A_674, %sub3A_788 : vector<16xf32>
        %mul3A_790 = vector.broadcast %mul3A_751 : f32 to vector<16xf32>
        %mul3A_791 = arith.mulf %mul3A_790, %get3A_11 : vector<16xf32>
        %mul3A_792 = arith.mulf %sub3A_789, %mul3A_791 : vector<16xf32>
        %add3A_793 = arith.addf %mul3A_792, %get3A_27 : vector<16xf32>
        %swap3A_794 = arith.index_cast %add3A_639 : i32 to index
        %swap3A_795 = arith.constant 64 : index
        %swap3A_796 = tpu.vector_load %arg11[%swap3A_794, %swap3A_795] {strides = array<i32>} : memref<200x128xf32, #tpu.memory_space<vmem>>, vector<16xf32>,
        tpu.vector_store %arg11[%swap3A_794, %swap3A_795], %add3A_793 {strides = array<i32>} : memref<200x128xf32, #tpu.memory_space<vmem>>, vector<16xf32>,
        %sub3A_797 = vector.broadcast %mul3A_727 : f32 to vector<16xf32>
        %sub3A_798 = arith.subf %add3A_681, %sub3A_797 : vector<16xf32>
        %mul3A_799 = vector.broadcast %mul3A_751 : f32 to vector<16xf32>
        %mul3A_800 = arith.mulf %mul3A_799, %get3A_13 : vector<16xf32>
        %mul3A_801 = arith.mulf %sub3A_798, %mul3A_800 : vector<16xf32>
        %add3A_802 = arith.addf %mul3A_801, %get3A_29 : vector<16xf32>
        %swap3A_803 = arith.index_cast %add3A_639 : i32 to index
        %swap3A_804 = arith.constant 80 : index
        %swap3A_805 = tpu.vector_load %arg11[%swap3A_803, %swap3A_804] {strides = array<i32>} : memref<200x128xf32, #tpu.memory_space<vmem>>, vector<16xf32>,
        tpu.vector_store %arg11[%swap3A_803, %swap3A_804], %add3A_802 {strides = array<i32>} : memref<200x128xf32, #tpu.memory_space<vmem>>, vector<16xf32>,
        %sub3A_806 = vector.broadcast %mul3A_727 : f32 to vector<16xf32>
        %sub3A_807 = arith.subf %add3A_688, %sub3A_806 : vector<16xf32>
        %mul3A_808 = vector.broadcast %mul3A_751 : f32 to vector<16xf32>
        %mul3A_809 = arith.mulf %mul3A_808, %get3A_15 : vector<16xf32>
        %mul3A_810 = arith.mulf %sub3A_807, %mul3A_809 : vector<16xf32>
        %add3A_811 = arith.addf %mul3A_810, %get3A_31 : vector<16xf32>
        %swap3A_812 = arith.index_cast %add3A_639 : i32 to index
        %swap3A_813 = arith.constant 96 : index
        %swap3A_814 = tpu.vector_load %arg11[%swap3A_812, %swap3A_813] {strides = array<i32>} : memref<200x128xf32, #tpu.memory_space<vmem>>, vector<16xf32>,
        tpu.vector_store %arg11[%swap3A_812, %swap3A_813], %add3A_811 {strides = array<i32>} : memref<200x128xf32, #tpu.memory_space<vmem>>, vector<16xf32>,
        %sub3A_815 = vector.broadcast %mul3A_727 : f32 to vector<16xf32>
        %sub3A_816 = arith.subf %add3A_695, %sub3A_815 : vector<16xf32>
        %mul3A_817 = vector.broadcast %mul3A_751 : f32 to vector<16xf32>
        %mul3A_818 = arith.mulf %mul3A_817, %get3A_17 : vector<16xf32>
        %mul3A_819 = arith.mulf %sub3A_816, %mul3A_818 : vector<16xf32>
        %add3A_820 = arith.addf %mul3A_819, %get3A_33 : vector<16xf32>
        %swap3A_821 = arith.index_cast %add3A_639 : i32 to index
        %swap3A_822 = arith.constant 112 : index
        %swap3A_823 = tpu.vector_load %arg11[%swap3A_821, %swap3A_822] {strides = array<i32>} : memref<200x128xf32, #tpu.memory_space<vmem>>, vector<16xf32>,
        tpu.vector_store %arg11[%swap3A_821, %swap3A_822], %add3A_820 {strides = array<i32>} : memref<200x128xf32, #tpu.memory_space<vmem>>, vector<16xf32>,
        %mul3A_824 = arith.constant 5 : i32
        %mul3A_825 = arith.muli %scan3A_264, %mul3A_824 : i32
        %add3A_826 = arith.constant 3 : i32
        %add3A_827 = arith.addi %mul3A_825, %add3A_826 : i32
        %get3A_828 = arith.index_cast %add3A_827 : i32 to index
        %get3A_829 = arith.constant 0 : index
        %get3A_830 = tpu.vector_load %arg11[%get3A_828, %get3A_829] {strides = array<i32>} : memref<200x128xf32, #tpu.memory_space<vmem>>, vector<16xf32>,
        %get3A_831 = arith.index_cast %add3A_827 : i32 to index
        %get3A_832 = arith.constant 0 : index
        %get3A_833 = tpu.vector_load %arg12[%get3A_831, %get3A_832] {strides = array<i32>} : memref<200x128xf32, #tpu.memory_space<vmem>>, vector<16xf32>,
        %add3A_834 = arith.addf %get3A_830, %get3A_833 : vector<16xf32>
        %get3A_835 = arith.index_cast %add3A_827 : i32 to index
        %get3A_836 = arith.constant 16 : index
        %get3A_837 = tpu.vector_load %arg11[%get3A_835, %get3A_836] {strides = array<i32>} : memref<200x128xf32, #tpu.memory_space<vmem>>, vector<16xf32>,
        %get3A_838 = arith.index_cast %add3A_827 : i32 to index
        %get3A_839 = arith.constant 16 : index
        %get3A_840 = tpu.vector_load %arg12[%get3A_838, %get3A_839] {strides = array<i32>} : memref<200x128xf32, #tpu.memory_space<vmem>>, vector<16xf32>,
        %add3A_841 = arith.addf %get3A_837, %get3A_840 : vector<16xf32>
        %get3A_842 = arith.index_cast %add3A_827 : i32 to index
        %get3A_843 = arith.constant 32 : index
        %get3A_844 = tpu.vector_load %arg11[%get3A_842, %get3A_843] {strides = array<i32>} : memref<200x128xf32, #tpu.memory_space<vmem>>, vector<16xf32>,
        %get3A_845 = arith.index_cast %add3A_827 : i32 to index
        %get3A_846 = arith.constant 32 : index
        %get3A_847 = tpu.vector_load %arg12[%get3A_845, %get3A_846] {strides = array<i32>} : memref<200x128xf32, #tpu.memory_space<vmem>>, vector<16xf32>,
        %add3A_848 = arith.addf %get3A_844, %get3A_847 : vector<16xf32>
        %get3A_849 = arith.index_cast %add3A_827 : i32 to index
        %get3A_850 = arith.constant 48 : index
        %get3A_851 = tpu.vector_load %arg11[%get3A_849, %get3A_850] {strides = array<i32>} : memref<200x128xf32, #tpu.memory_space<vmem>>, vector<16xf32>,
        %get3A_852 = arith.index_cast %add3A_827 : i32 to index
        %get3A_853 = arith.constant 48 : index
        %get3A_854 = tpu.vector_load %arg12[%get3A_852, %get3A_853] {strides = array<i32>} : memref<200x128xf32, #tpu.memory_space<vmem>>, vector<16xf32>,
        %add3A_855 = arith.addf %get3A_851, %get3A_854 : vector<16xf32>
        %get3A_856 = arith.index_cast %add3A_827 : i32 to index
        %get3A_857 = arith.constant 64 : index
        %get3A_858 = tpu.vector_load %arg11[%get3A_856, %get3A_857] {strides = array<i32>} : memref<200x128xf32, #tpu.memory_space<vmem>>, vector<16xf32>,
        %get3A_859 = arith.index_cast %add3A_827 : i32 to index
        %get3A_860 = arith.constant 64 : index
        %get3A_861 = tpu.vector_load %arg12[%get3A_859, %get3A_860] {strides = array<i32>} : memref<200x128xf32, #tpu.memory_space<vmem>>, vector<16xf32>,
        %add3A_862 = arith.addf %get3A_858, %get3A_861 : vector<16xf32>
        %get3A_863 = arith.index_cast %add3A_827 : i32 to index
        %get3A_864 = arith.constant 80 : index
        %get3A_865 = tpu.vector_load %arg11[%get3A_863, %get3A_864] {strides = array<i32>} : memref<200x128xf32, #tpu.memory_space<vmem>>, vector<16xf32>,
        %get3A_866 = arith.index_cast %add3A_827 : i32 to index
        %get3A_867 = arith.constant 80 : index
        %get3A_868 = tpu.vector_load %arg12[%get3A_866, %get3A_867] {strides = array<i32>} : memref<200x128xf32, #tpu.memory_space<vmem>>, vector<16xf32>,
        %add3A_869 = arith.addf %get3A_865, %get3A_868 : vector<16xf32>
        %get3A_870 = arith.index_cast %add3A_827 : i32 to index
        %get3A_871 = arith.constant 96 : index
        %get3A_872 = tpu.vector_load %arg11[%get3A_870, %get3A_871] {strides = array<i32>} : memref<200x128xf32, #tpu.memory_space<vmem>>, vector<16xf32>,
        %get3A_873 = arith.index_cast %add3A_827 : i32 to index
        %get3A_874 = arith.constant 96 : index
        %get3A_875 = tpu.vector_load %arg12[%get3A_873, %get3A_874] {strides = array<i32>} : memref<200x128xf32, #tpu.memory_space<vmem>>, vector<16xf32>,
        %add3A_876 = arith.addf %get3A_872, %get3A_875 : vector<16xf32>
        %get3A_877 = arith.index_cast %add3A_827 : i32 to index
        %get3A_878 = arith.constant 112 : index
        %get3A_879 = tpu.vector_load %arg11[%get3A_877, %get3A_878] {strides = array<i32>} : memref<200x128xf32, #tpu.memory_space<vmem>>, vector<16xf32>,
        %get3A_880 = arith.index_cast %add3A_827 : i32 to index
        %get3A_881 = arith.constant 112 : index
        %get3A_882 = tpu.vector_load %arg12[%get3A_880, %get3A_881] {strides = array<i32>} : memref<200x128xf32, #tpu.memory_space<vmem>>, vector<16xf32>,
        %add3A_883 = arith.addf %get3A_879, %get3A_882 : vector<16xf32>
        %add3A_884 = arith.addf %add3A_834, %add3A_841 : vector<16xf32>
        %add3A_885 = arith.addf %add3A_884, %add3A_848 : vector<16xf32>
        %add3A_886 = arith.addf %add3A_885, %add3A_855 : vector<16xf32>
        %add3A_887 = arith.addf %add3A_886, %add3A_862 : vector<16xf32>
        %add3A_888 = arith.addf %add3A_887, %add3A_869 : vector<16xf32>
        %add3A_889 = arith.addf %add3A_888, %add3A_876 : vector<16xf32>
        %add3A_890 = arith.addf %add3A_889, %add3A_883 : vector<16xf32>
        %mul3A_891 = arith.mulf %add3A_834, %add3A_834 : vector<16xf32>
        %mul3A_892 = arith.mulf %add3A_841, %add3A_841 : vector<16xf32>
        %add3A_893 = arith.addf %mul3A_891, %mul3A_892 : vector<16xf32>
        %mul3A_894 = arith.mulf %add3A_848, %add3A_848 : vector<16xf32>
        %add3A_895 = arith.addf %add3A_893, %mul3A_894 : vector<16xf32>
        %mul3A_896 = arith.mulf %add3A_855, %add3A_855 : vector<16xf32>
        %add3A_897 = arith.addf %add3A_895, %mul3A_896 : vector<16xf32>
        %mul3A_898 = arith.mulf %add3A_862, %add3A_862 : vector<16xf32>
        %add3A_899 = arith.addf %add3A_897, %mul3A_898 : vector<16xf32>
        %mul3A_900 = arith.mulf %add3A_869, %add3A_869 : vector<16xf32>
        %add3A_901 = arith.addf %add3A_899, %mul3A_900 : vector<16xf32>
        %mul3A_902 = arith.mulf %add3A_876, %add3A_876 : vector<16xf32>
        %add3A_903 = arith.addf %add3A_901, %mul3A_902 : vector<16xf32>
        %mul3A_904 = arith.mulf %add3A_883, %add3A_883 : vector<16xf32>
        %add3A_905 = arith.addf %add3A_903, %mul3A_904 : vector<16xf32>
        %reduce_sum3A_906 = arith.constant true
        %reduce_sum3A_907 = vector.broadcast %reduce_sum3A_906 : i1 to vector<16xi1>
        %reduce_sum3A_908 = tpu.scan <sum>, %add3A_890 masked %reduce_sum3A_907 : vector<16xf32>, vector<16xi1> -> vector<16xf32>
        %reduce_sum3A_909 = vector.extract %reduce_sum3A_908[15] : f32 from vector<16xf32>
        %reduce_sum3A_910 = arith.constant true
        %reduce_sum3A_911 = vector.broadcast %reduce_sum3A_910 : i1 to vector<16xi1>
        %reduce_sum3A_912 = tpu.scan <sum>, %add3A_905 masked %reduce_sum3A_911 : vector<16xf32>, vector<16xi1> -> vector<16xf32>
        %reduce_sum3A_913 = vector.extract %reduce_sum3A_912[15] : f32 from vector<16xf32>
        %mul3A_914 = arith.constant 7.812500e-03 : f32
        %mul3A_915 = arith.mulf %reduce_sum3A_909, %mul3A_914 : f32
        %mul3A_916 = arith.constant 7.812500e-03 : f32
        %mul3A_917 = arith.mulf %reduce_sum3A_913, %mul3A_916 : f32
        %mul3A_918 = arith.mulf %mul3A_915, %mul3A_915 : f32
        %sub3A_919 = arith.subf %mul3A_917, %mul3A_918 : f32
        %add3A_920 = arith.constant 9.99999996E-13 : f32
        %add3A_921 = arith.addf %sub3A_919, %add3A_920 : f32
        %bitcast_convert_type3A_922 = arith.bitcast %add3A_921 : f32 to i32
        %shift_right_logical3A_923 = arith.constant 1 : i32
        %shift_right_logical3A_924 = arith.shrui %bitcast_convert_type3A_922, %shift_right_logical3A_923 : i32
        %sub3A_925 = arith.constant 1597463007 : i32
        %sub3A_926 = arith.subi %sub3A_925, %shift_right_logical3A_924 : i32
        %bitcast_convert_type3A_927 = arith.bitcast %sub3A_926 : i32 to f32
        %mul3A_928 = arith.constant 5.000000e-01 : f32
        %mul3A_929 = arith.mulf %add3A_921, %mul3A_928 : f32
        %mul3A_930 = arith.mulf %bitcast_convert_type3A_927, %bitcast_convert_type3A_927 : f32
        %mul3A_931 = arith.mulf %mul3A_929, %mul3A_930 : f32
        %sub3A_932 = arith.constant 1.500000e+00 : f32
        %sub3A_933 = arith.subf %sub3A_932, %mul3A_931 : f32
        %mul3A_934 = arith.mulf %bitcast_convert_type3A_927, %sub3A_933 : f32
        %mul3A_935 = arith.mulf %mul3A_934, %mul3A_934 : f32
        %mul3A_936 = arith.mulf %mul3A_929, %mul3A_935 : f32
        %sub3A_937 = arith.constant 1.500000e+00 : f32
        %sub3A_938 = arith.subf %sub3A_937, %mul3A_936 : f32
        %mul3A_939 = arith.mulf %mul3A_934, %sub3A_938 : f32
        %sub3A_940 = vector.broadcast %mul3A_915 : f32 to vector<16xf32>
        %sub3A_941 = arith.subf %add3A_834, %sub3A_940 : vector<16xf32>
        %mul3A_942 = vector.broadcast %mul3A_939 : f32 to vector<16xf32>
        %mul3A_943 = arith.mulf %mul3A_942, %get3A_3 : vector<16xf32>
        %mul3A_944 = arith.mulf %sub3A_941, %mul3A_943 : vector<16xf32>
        %add3A_945 = arith.addf %mul3A_944, %get3A_19 : vector<16xf32>
        %swap3A_946 = arith.index_cast %add3A_827 : i32 to index
        %swap3A_947 = arith.constant 0 : index
        %swap3A_948 = tpu.vector_load %arg11[%swap3A_946, %swap3A_947] {strides = array<i32>} : memref<200x128xf32, #tpu.memory_space<vmem>>, vector<16xf32>,
        tpu.vector_store %arg11[%swap3A_946, %swap3A_947], %add3A_945 {strides = array<i32>} : memref<200x128xf32, #tpu.memory_space<vmem>>, vector<16xf32>,
        %sub3A_949 = vector.broadcast %mul3A_915 : f32 to vector<16xf32>
        %sub3A_950 = arith.subf %add3A_841, %sub3A_949 : vector<16xf32>
        %mul3A_951 = vector.broadcast %mul3A_939 : f32 to vector<16xf32>
        %mul3A_952 = arith.mulf %mul3A_951, %get3A_5 : vector<16xf32>
        %mul3A_953 = arith.mulf %sub3A_950, %mul3A_952 : vector<16xf32>
        %add3A_954 = arith.addf %mul3A_953, %get3A_21 : vector<16xf32>
        %swap3A_955 = arith.index_cast %add3A_827 : i32 to index
        %swap3A_956 = arith.constant 16 : index
        %swap3A_957 = tpu.vector_load %arg11[%swap3A_955, %swap3A_956] {strides = array<i32>} : memref<200x128xf32, #tpu.memory_space<vmem>>, vector<16xf32>,
        tpu.vector_store %arg11[%swap3A_955, %swap3A_956], %add3A_954 {strides = array<i32>} : memref<200x128xf32, #tpu.memory_space<vmem>>, vector<16xf32>,
        %sub3A_958 = vector.broadcast %mul3A_915 : f32 to vector<16xf32>
        %sub3A_959 = arith.subf %add3A_848, %sub3A_958 : vector<16xf32>
        %mul3A_960 = vector.broadcast %mul3A_939 : f32 to vector<16xf32>
        %mul3A_961 = arith.mulf %mul3A_960, %get3A_7 : vector<16xf32>
        %mul3A_962 = arith.mulf %sub3A_959, %mul3A_961 : vector<16xf32>
        %add3A_963 = arith.addf %mul3A_962, %get3A_23 : vector<16xf32>
        %swap3A_964 = arith.index_cast %add3A_827 : i32 to index
        %swap3A_965 = arith.constant 32 : index
        %swap3A_966 = tpu.vector_load %arg11[%swap3A_964, %swap3A_965] {strides = array<i32>} : memref<200x128xf32, #tpu.memory_space<vmem>>, vector<16xf32>,
        tpu.vector_store %arg11[%swap3A_964, %swap3A_965], %add3A_963 {strides = array<i32>} : memref<200x128xf32, #tpu.memory_space<vmem>>, vector<16xf32>,
        %sub3A_967 = vector.broadcast %mul3A_915 : f32 to vector<16xf32>
        %sub3A_968 = arith.subf %add3A_855, %sub3A_967 : vector<16xf32>
        %mul3A_969 = vector.broadcast %mul3A_939 : f32 to vector<16xf32>
        %mul3A_970 = arith.mulf %mul3A_969, %get3A_9 : vector<16xf32>
        %mul3A_971 = arith.mulf %sub3A_968, %mul3A_970 : vector<16xf32>
        %add3A_972 = arith.addf %mul3A_971, %get3A_25 : vector<16xf32>
        %swap3A_973 = arith.index_cast %add3A_827 : i32 to index
        %swap3A_974 = arith.constant 48 : index
        %swap3A_975 = tpu.vector_load %arg11[%swap3A_973, %swap3A_974] {strides = array<i32>} : memref<200x128xf32, #tpu.memory_space<vmem>>, vector<16xf32>,
        tpu.vector_store %arg11[%swap3A_973, %swap3A_974], %add3A_972 {strides = array<i32>} : memref<200x128xf32, #tpu.memory_space<vmem>>, vector<16xf32>,
        %sub3A_976 = vector.broadcast %mul3A_915 : f32 to vector<16xf32>
        %sub3A_977 = arith.subf %add3A_862, %sub3A_976 : vector<16xf32>
        %mul3A_978 = vector.broadcast %mul3A_939 : f32 to vector<16xf32>
        %mul3A_979 = arith.mulf %mul3A_978, %get3A_11 : vector<16xf32>
        %mul3A_980 = arith.mulf %sub3A_977, %mul3A_979 : vector<16xf32>
        %add3A_981 = arith.addf %mul3A_980, %get3A_27 : vector<16xf32>
        %swap3A_982 = arith.index_cast %add3A_827 : i32 to index
        %swap3A_983 = arith.constant 64 : index
        %swap3A_984 = tpu.vector_load %arg11[%swap3A_982, %swap3A_983] {strides = array<i32>} : memref<200x128xf32, #tpu.memory_space<vmem>>, vector<16xf32>,
        tpu.vector_store %arg11[%swap3A_982, %swap3A_983], %add3A_981 {strides = array<i32>} : memref<200x128xf32, #tpu.memory_space<vmem>>, vector<16xf32>,
        %sub3A_985 = vector.broadcast %mul3A_915 : f32 to vector<16xf32>
        %sub3A_986 = arith.subf %add3A_869, %sub3A_985 : vector<16xf32>
        %mul3A_987 = vector.broadcast %mul3A_939 : f32 to vector<16xf32>
        %mul3A_988 = arith.mulf %mul3A_987, %get3A_13 : vector<16xf32>
        %mul3A_989 = arith.mulf %sub3A_986, %mul3A_988 : vector<16xf32>
        %add3A_990 = arith.addf %mul3A_989, %get3A_29 : vector<16xf32>
        %swap3A_991 = arith.index_cast %add3A_827 : i32 to index
        %swap3A_992 = arith.constant 80 : index
        %swap3A_993 = tpu.vector_load %arg11[%swap3A_991, %swap3A_992] {strides = array<i32>} : memref<200x128xf32, #tpu.memory_space<vmem>>, vector<16xf32>,
        tpu.vector_store %arg11[%swap3A_991, %swap3A_992], %add3A_990 {strides = array<i32>} : memref<200x128xf32, #tpu.memory_space<vmem>>, vector<16xf32>,
        %sub3A_994 = vector.broadcast %mul3A_915 : f32 to vector<16xf32>
        %sub3A_995 = arith.subf %add3A_876, %sub3A_994 : vector<16xf32>
        %mul3A_996 = vector.broadcast %mul3A_939 : f32 to vector<16xf32>
        %mul3A_997 = arith.mulf %mul3A_996, %get3A_15 : vector<16xf32>
        %mul3A_998 = arith.mulf %sub3A_995, %mul3A_997 : vector<16xf32>
        %add3A_999 = arith.addf %mul3A_998, %get3A_31 : vector<16xf32>
        %swap3A_1000 = arith.index_cast %add3A_827 : i32 to index
        %swap3A_1001 = arith.constant 96 : index
        %swap3A_1002 = tpu.vector_load %arg11[%swap3A_1000, %swap3A_1001] {strides = array<i32>} : memref<200x128xf32, #tpu.memory_space<vmem>>, vector<16xf32>,
        tpu.vector_store %arg11[%swap3A_1000, %swap3A_1001], %add3A_999 {strides = array<i32>} : memref<200x128xf32, #tpu.memory_space<vmem>>, vector<16xf32>,
        %sub3A_1003 = vector.broadcast %mul3A_915 : f32 to vector<16xf32>
        %sub3A_1004 = arith.subf %add3A_883, %sub3A_1003 : vector<16xf32>
        %mul3A_1005 = vector.broadcast %mul3A_939 : f32 to vector<16xf32>
        %mul3A_1006 = arith.mulf %mul3A_1005, %get3A_17 : vector<16xf32>
        %mul3A_1007 = arith.mulf %sub3A_1004, %mul3A_1006 : vector<16xf32>
        %add3A_1008 = arith.addf %mul3A_1007, %get3A_33 : vector<16xf32>
        %swap3A_1009 = arith.index_cast %add3A_827 : i32 to index
        %swap3A_1010 = arith.constant 112 : index
        %swap3A_1011 = tpu.vector_load %arg11[%swap3A_1009, %swap3A_1010] {strides = array<i32>} : memref<200x128xf32, #tpu.memory_space<vmem>>, vector<16xf32>,
        tpu.vector_store %arg11[%swap3A_1009, %swap3A_1010], %add3A_1008 {strides = array<i32>} : memref<200x128xf32, #tpu.memory_space<vmem>>, vector<16xf32>,
        %mul3A_1012 = arith.constant 5 : i32
        %mul3A_1013 = arith.muli %scan3A_264, %mul3A_1012 : i32
        %add3A_1014 = arith.constant 4 : i32
        %add3A_1015 = arith.addi %mul3A_1013, %add3A_1014 : i32
        %get3A_1016 = arith.index_cast %add3A_1015 : i32 to index
        %get3A_1017 = arith.constant 0 : index
        %get3A_1018 = tpu.vector_load %arg11[%get3A_1016, %get3A_1017] {strides = array<i32>} : memref<200x128xf32, #tpu.memory_space<vmem>>, vector<16xf32>,
        %get3A_1019 = arith.index_cast %add3A_1015 : i32 to index
        %get3A_1020 = arith.constant 0 : index
        %get3A_1021 = tpu.vector_load %arg12[%get3A_1019, %get3A_1020] {strides = array<i32>} : memref<200x128xf32, #tpu.memory_space<vmem>>, vector<16xf32>,
        %add3A_1022 = arith.addf %get3A_1018, %get3A_1021 : vector<16xf32>
        %get3A_1023 = arith.index_cast %add3A_1015 : i32 to index
        %get3A_1024 = arith.constant 16 : index
        %get3A_1025 = tpu.vector_load %arg11[%get3A_1023, %get3A_1024] {strides = array<i32>} : memref<200x128xf32, #tpu.memory_space<vmem>>, vector<16xf32>,
        %get3A_1026 = arith.index_cast %add3A_1015 : i32 to index
        %get3A_1027 = arith.constant 16 : index
        %get3A_1028 = tpu.vector_load %arg12[%get3A_1026, %get3A_1027] {strides = array<i32>} : memref<200x128xf32, #tpu.memory_space<vmem>>, vector<16xf32>,
        %add3A_1029 = arith.addf %get3A_1025, %get3A_1028 : vector<16xf32>
        %get3A_1030 = arith.index_cast %add3A_1015 : i32 to index
        %get3A_1031 = arith.constant 32 : index
        %get3A_1032 = tpu.vector_load %arg11[%get3A_1030, %get3A_1031] {strides = array<i32>} : memref<200x128xf32, #tpu.memory_space<vmem>>, vector<16xf32>,
        %get3A_1033 = arith.index_cast %add3A_1015 : i32 to index
        %get3A_1034 = arith.constant 32 : index
        %get3A_1035 = tpu.vector_load %arg12[%get3A_1033, %get3A_1034] {strides = array<i32>} : memref<200x128xf32, #tpu.memory_space<vmem>>, vector<16xf32>,
        %add3A_1036 = arith.addf %get3A_1032, %get3A_1035 : vector<16xf32>
        %get3A_1037 = arith.index_cast %add3A_1015 : i32 to index
        %get3A_1038 = arith.constant 48 : index
        %get3A_1039 = tpu.vector_load %arg11[%get3A_1037, %get3A_1038] {strides = array<i32>} : memref<200x128xf32, #tpu.memory_space<vmem>>, vector<16xf32>,
        %get3A_1040 = arith.index_cast %add3A_1015 : i32 to index
        %get3A_1041 = arith.constant 48 : index
        %get3A_1042 = tpu.vector_load %arg12[%get3A_1040, %get3A_1041] {strides = array<i32>} : memref<200x128xf32, #tpu.memory_space<vmem>>, vector<16xf32>,
        %add3A_1043 = arith.addf %get3A_1039, %get3A_1042 : vector<16xf32>
        %get3A_1044 = arith.index_cast %add3A_1015 : i32 to index
        %get3A_1045 = arith.constant 64 : index
        %get3A_1046 = tpu.vector_load %arg11[%get3A_1044, %get3A_1045] {strides = array<i32>} : memref<200x128xf32, #tpu.memory_space<vmem>>, vector<16xf32>,
        %get3A_1047 = arith.index_cast %add3A_1015 : i32 to index
        %get3A_1048 = arith.constant 64 : index
        %get3A_1049 = tpu.vector_load %arg12[%get3A_1047, %get3A_1048] {strides = array<i32>} : memref<200x128xf32, #tpu.memory_space<vmem>>, vector<16xf32>,
        %add3A_1050 = arith.addf %get3A_1046, %get3A_1049 : vector<16xf32>
        %get3A_1051 = arith.index_cast %add3A_1015 : i32 to index
        %get3A_1052 = arith.constant 80 : index
        %get3A_1053 = tpu.vector_load %arg11[%get3A_1051, %get3A_1052] {strides = array<i32>} : memref<200x128xf32, #tpu.memory_space<vmem>>, vector<16xf32>,
        %get3A_1054 = arith.index_cast %add3A_1015 : i32 to index
        %get3A_1055 = arith.constant 80 : index
        %get3A_1056 = tpu.vector_load %arg12[%get3A_1054, %get3A_1055] {strides = array<i32>} : memref<200x128xf32, #tpu.memory_space<vmem>>, vector<16xf32>,
        %add3A_1057 = arith.addf %get3A_1053, %get3A_1056 : vector<16xf32>
        %get3A_1058 = arith.index_cast %add3A_1015 : i32 to index
        %get3A_1059 = arith.constant 96 : index
        %get3A_1060 = tpu.vector_load %arg11[%get3A_1058, %get3A_1059] {strides = array<i32>} : memref<200x128xf32, #tpu.memory_space<vmem>>, vector<16xf32>,
        %get3A_1061 = arith.index_cast %add3A_1015 : i32 to index
        %get3A_1062 = arith.constant 96 : index
        %get3A_1063 = tpu.vector_load %arg12[%get3A_1061, %get3A_1062] {strides = array<i32>} : memref<200x128xf32, #tpu.memory_space<vmem>>, vector<16xf32>,
        %add3A_1064 = arith.addf %get3A_1060, %get3A_1063 : vector<16xf32>
        %get3A_1065 = arith.index_cast %add3A_1015 : i32 to index
        %get3A_1066 = arith.constant 112 : index
        %get3A_1067 = tpu.vector_load %arg11[%get3A_1065, %get3A_1066] {strides = array<i32>} : memref<200x128xf32, #tpu.memory_space<vmem>>, vector<16xf32>,
        %get3A_1068 = arith.index_cast %add3A_1015 : i32 to index
        %get3A_1069 = arith.constant 112 : index
        %get3A_1070 = tpu.vector_load %arg12[%get3A_1068, %get3A_1069] {strides = array<i32>} : memref<200x128xf32, #tpu.memory_space<vmem>>, vector<16xf32>,
        %add3A_1071 = arith.addf %get3A_1067, %get3A_1070 : vector<16xf32>
        %add3A_1072 = arith.addf %add3A_1022, %add3A_1029 : vector<16xf32>
        %add3A_1073 = arith.addf %add3A_1072, %add3A_1036 : vector<16xf32>
        %add3A_1074 = arith.addf %add3A_1073, %add3A_1043 : vector<16xf32>
        %add3A_1075 = arith.addf %add3A_1074, %add3A_1050 : vector<16xf32>
        %add3A_1076 = arith.addf %add3A_1075, %add3A_1057 : vector<16xf32>
        %add3A_1077 = arith.addf %add3A_1076, %add3A_1064 : vector<16xf32>
        %add3A_1078 = arith.addf %add3A_1077, %add3A_1071 : vector<16xf32>
        %mul3A_1079 = arith.mulf %add3A_1022, %add3A_1022 : vector<16xf32>
        %mul3A_1080 = arith.mulf %add3A_1029, %add3A_1029 : vector<16xf32>
        %add3A_1081 = arith.addf %mul3A_1079, %mul3A_1080 : vector<16xf32>
        %mul3A_1082 = arith.mulf %add3A_1036, %add3A_1036 : vector<16xf32>
        %add3A_1083 = arith.addf %add3A_1081, %mul3A_1082 : vector<16xf32>
        %mul3A_1084 = arith.mulf %add3A_1043, %add3A_1043 : vector<16xf32>
        %add3A_1085 = arith.addf %add3A_1083, %mul3A_1084 : vector<16xf32>
        %mul3A_1086 = arith.mulf %add3A_1050, %add3A_1050 : vector<16xf32>
        %add3A_1087 = arith.addf %add3A_1085, %mul3A_1086 : vector<16xf32>
        %mul3A_1088 = arith.mulf %add3A_1057, %add3A_1057 : vector<16xf32>
        %add3A_1089 = arith.addf %add3A_1087, %mul3A_1088 : vector<16xf32>
        %mul3A_1090 = arith.mulf %add3A_1064, %add3A_1064 : vector<16xf32>
        %add3A_1091 = arith.addf %add3A_1089, %mul3A_1090 : vector<16xf32>
        %mul3A_1092 = arith.mulf %add3A_1071, %add3A_1071 : vector<16xf32>
        %add3A_1093 = arith.addf %add3A_1091, %mul3A_1092 : vector<16xf32>
        %reduce_sum3A_1094 = arith.constant true
        %reduce_sum3A_1095 = vector.broadcast %reduce_sum3A_1094 : i1 to vector<16xi1>
        %reduce_sum3A_1096 = tpu.scan <sum>, %add3A_1078 masked %reduce_sum3A_1095 : vector<16xf32>, vector<16xi1> -> vector<16xf32>
        %reduce_sum3A_1097 = vector.extract %reduce_sum3A_1096[15] : f32 from vector<16xf32>
        %reduce_sum3A_1098 = arith.constant true
        %reduce_sum3A_1099 = vector.broadcast %reduce_sum3A_1098 : i1 to vector<16xi1>
        %reduce_sum3A_1100 = tpu.scan <sum>, %add3A_1093 masked %reduce_sum3A_1099 : vector<16xf32>, vector<16xi1> -> vector<16xf32>
        %reduce_sum3A_1101 = vector.extract %reduce_sum3A_1100[15] : f32 from vector<16xf32>
        %mul3A_1102 = arith.constant 7.812500e-03 : f32
        %mul3A_1103 = arith.mulf %reduce_sum3A_1097, %mul3A_1102 : f32
        %mul3A_1104 = arith.constant 7.812500e-03 : f32
        %mul3A_1105 = arith.mulf %reduce_sum3A_1101, %mul3A_1104 : f32
        %mul3A_1106 = arith.mulf %mul3A_1103, %mul3A_1103 : f32
        %sub3A_1107 = arith.subf %mul3A_1105, %mul3A_1106 : f32
        %add3A_1108 = arith.constant 9.99999996E-13 : f32
        %add3A_1109 = arith.addf %sub3A_1107, %add3A_1108 : f32
        %bitcast_convert_type3A_1110 = arith.bitcast %add3A_1109 : f32 to i32
        %shift_right_logical3A_1111 = arith.constant 1 : i32
        %shift_right_logical3A_1112 = arith.shrui %bitcast_convert_type3A_1110, %shift_right_logical3A_1111 : i32
        %sub3A_1113 = arith.constant 1597463007 : i32
        %sub3A_1114 = arith.subi %sub3A_1113, %shift_right_logical3A_1112 : i32
        %bitcast_convert_type3A_1115 = arith.bitcast %sub3A_1114 : i32 to f32
        %mul3A_1116 = arith.constant 5.000000e-01 : f32
        %mul3A_1117 = arith.mulf %add3A_1109, %mul3A_1116 : f32
        %mul3A_1118 = arith.mulf %bitcast_convert_type3A_1115, %bitcast_convert_type3A_1115 : f32
        %mul3A_1119 = arith.mulf %mul3A_1117, %mul3A_1118 : f32
        %sub3A_1120 = arith.constant 1.500000e+00 : f32
        %sub3A_1121 = arith.subf %sub3A_1120, %mul3A_1119 : f32
        %mul3A_1122 = arith.mulf %bitcast_convert_type3A_1115, %sub3A_1121 : f32
        %mul3A_1123 = arith.mulf %mul3A_1122, %mul3A_1122 : f32
        %mul3A_1124 = arith.mulf %mul3A_1117, %mul3A_1123 : f32
        %sub3A_1125 = arith.constant 1.500000e+00 : f32
        %sub3A_1126 = arith.subf %sub3A_1125, %mul3A_1124 : f32
        %mul3A_1127 = arith.mulf %mul3A_1122, %sub3A_1126 : f32
        %sub3A_1128 = vector.broadcast %mul3A_1103 : f32 to vector<16xf32>
        %sub3A_1129 = arith.subf %add3A_1022, %sub3A_1128 : vector<16xf32>
        %mul3A_1130 = vector.broadcast %mul3A_1127 : f32 to vector<16xf32>
        %mul3A_1131 = arith.mulf %mul3A_1130, %get3A_3 : vector<16xf32>
        %mul3A_1132 = arith.mulf %sub3A_1129, %mul3A_1131 : vector<16xf32>
        %add3A_1133 = arith.addf %mul3A_1132, %get3A_19 : vector<16xf32>
        %swap3A_1134 = arith.index_cast %add3A_1015 : i32 to index
        %swap3A_1135 = arith.constant 0 : index
        %swap3A_1136 = tpu.vector_load %arg11[%swap3A_1134, %swap3A_1135] {strides = array<i32>} : memref<200x128xf32, #tpu.memory_space<vmem>>, vector<16xf32>,
        tpu.vector_store %arg11[%swap3A_1134, %swap3A_1135], %add3A_1133 {strides = array<i32>} : memref<200x128xf32, #tpu.memory_space<vmem>>, vector<16xf32>,
        %sub3A_1137 = vector.broadcast %mul3A_1103 : f32 to vector<16xf32>
        %sub3A_1138 = arith.subf %add3A_1029, %sub3A_1137 : vector<16xf32>
        %mul3A_1139 = vector.broadcast %mul3A_1127 : f32 to vector<16xf32>
        %mul3A_1140 = arith.mulf %mul3A_1139, %get3A_5 : vector<16xf32>
        %mul3A_1141 = arith.mulf %sub3A_1138, %mul3A_1140 : vector<16xf32>
        %add3A_1142 = arith.addf %mul3A_1141, %get3A_21 : vector<16xf32>
        %swap3A_1143 = arith.index_cast %add3A_1015 : i32 to index
        %swap3A_1144 = arith.constant 16 : index
        %swap3A_1145 = tpu.vector_load %arg11[%swap3A_1143, %swap3A_1144] {strides = array<i32>} : memref<200x128xf32, #tpu.memory_space<vmem>>, vector<16xf32>,
        tpu.vector_store %arg11[%swap3A_1143, %swap3A_1144], %add3A_1142 {strides = array<i32>} : memref<200x128xf32, #tpu.memory_space<vmem>>, vector<16xf32>,
        %sub3A_1146 = vector.broadcast %mul3A_1103 : f32 to vector<16xf32>
        %sub3A_1147 = arith.subf %add3A_1036, %sub3A_1146 : vector<16xf32>
        %mul3A_1148 = vector.broadcast %mul3A_1127 : f32 to vector<16xf32>
        %mul3A_1149 = arith.mulf %mul3A_1148, %get3A_7 : vector<16xf32>
        %mul3A_1150 = arith.mulf %sub3A_1147, %mul3A_1149 : vector<16xf32>
        %add3A_1151 = arith.addf %mul3A_1150, %get3A_23 : vector<16xf32>
        %swap3A_1152 = arith.index_cast %add3A_1015 : i32 to index
        %swap3A_1153 = arith.constant 32 : index
        %swap3A_1154 = tpu.vector_load %arg11[%swap3A_1152, %swap3A_1153] {strides = array<i32>} : memref<200x128xf32, #tpu.memory_space<vmem>>, vector<16xf32>,
        tpu.vector_store %arg11[%swap3A_1152, %swap3A_1153], %add3A_1151 {strides = array<i32>} : memref<200x128xf32, #tpu.memory_space<vmem>>, vector<16xf32>,
        %sub3A_1155 = vector.broadcast %mul3A_1103 : f32 to vector<16xf32>
        %sub3A_1156 = arith.subf %add3A_1043, %sub3A_1155 : vector<16xf32>
        %mul3A_1157 = vector.broadcast %mul3A_1127 : f32 to vector<16xf32>
        %mul3A_1158 = arith.mulf %mul3A_1157, %get3A_9 : vector<16xf32>
        %mul3A_1159 = arith.mulf %sub3A_1156, %mul3A_1158 : vector<16xf32>
        %add3A_1160 = arith.addf %mul3A_1159, %get3A_25 : vector<16xf32>
        %swap3A_1161 = arith.index_cast %add3A_1015 : i32 to index
        %swap3A_1162 = arith.constant 48 : index
        %swap3A_1163 = tpu.vector_load %arg11[%swap3A_1161, %swap3A_1162] {strides = array<i32>} : memref<200x128xf32, #tpu.memory_space<vmem>>, vector<16xf32>,
        tpu.vector_store %arg11[%swap3A_1161, %swap3A_1162], %add3A_1160 {strides = array<i32>} : memref<200x128xf32, #tpu.memory_space<vmem>>, vector<16xf32>,
        %sub3A_1164 = vector.broadcast %mul3A_1103 : f32 to vector<16xf32>
        %sub3A_1165 = arith.subf %add3A_1050, %sub3A_1164 : vector<16xf32>
        %mul3A_1166 = vector.broadcast %mul3A_1127 : f32 to vector<16xf32>
        %mul3A_1167 = arith.mulf %mul3A_1166, %get3A_11 : vector<16xf32>
        %mul3A_1168 = arith.mulf %sub3A_1165, %mul3A_1167 : vector<16xf32>
        %add3A_1169 = arith.addf %mul3A_1168, %get3A_27 : vector<16xf32>
        %swap3A_1170 = arith.index_cast %add3A_1015 : i32 to index
        %swap3A_1171 = arith.constant 64 : index
        %swap3A_1172 = tpu.vector_load %arg11[%swap3A_1170, %swap3A_1171] {strides = array<i32>} : memref<200x128xf32, #tpu.memory_space<vmem>>, vector<16xf32>,
        tpu.vector_store %arg11[%swap3A_1170, %swap3A_1171], %add3A_1169 {strides = array<i32>} : memref<200x128xf32, #tpu.memory_space<vmem>>, vector<16xf32>,
        %sub3A_1173 = vector.broadcast %mul3A_1103 : f32 to vector<16xf32>
        %sub3A_1174 = arith.subf %add3A_1057, %sub3A_1173 : vector<16xf32>
        %mul3A_1175 = vector.broadcast %mul3A_1127 : f32 to vector<16xf32>
        %mul3A_1176 = arith.mulf %mul3A_1175, %get3A_13 : vector<16xf32>
        %mul3A_1177 = arith.mulf %sub3A_1174, %mul3A_1176 : vector<16xf32>
        %add3A_1178 = arith.addf %mul3A_1177, %get3A_29 : vector<16xf32>
        %swap3A_1179 = arith.index_cast %add3A_1015 : i32 to index
        %swap3A_1180 = arith.constant 80 : index
        %swap3A_1181 = tpu.vector_load %arg11[%swap3A_1179, %swap3A_1180] {strides = array<i32>} : memref<200x128xf32, #tpu.memory_space<vmem>>, vector<16xf32>,
        tpu.vector_store %arg11[%swap3A_1179, %swap3A_1180], %add3A_1178 {strides = array<i32>} : memref<200x128xf32, #tpu.memory_space<vmem>>, vector<16xf32>,
        %sub3A_1182 = vector.broadcast %mul3A_1103 : f32 to vector<16xf32>
        %sub3A_1183 = arith.subf %add3A_1064, %sub3A_1182 : vector<16xf32>
        %mul3A_1184 = vector.broadcast %mul3A_1127 : f32 to vector<16xf32>
        %mul3A_1185 = arith.mulf %mul3A_1184, %get3A_15 : vector<16xf32>
        %mul3A_1186 = arith.mulf %sub3A_1183, %mul3A_1185 : vector<16xf32>
        %add3A_1187 = arith.addf %mul3A_1186, %get3A_31 : vector<16xf32>
        %swap3A_1188 = arith.index_cast %add3A_1015 : i32 to index
        %swap3A_1189 = arith.constant 96 : index
        %swap3A_1190 = tpu.vector_load %arg11[%swap3A_1188, %swap3A_1189] {strides = array<i32>} : memref<200x128xf32, #tpu.memory_space<vmem>>, vector<16xf32>,
        tpu.vector_store %arg11[%swap3A_1188, %swap3A_1189], %add3A_1187 {strides = array<i32>} : memref<200x128xf32, #tpu.memory_space<vmem>>, vector<16xf32>,
        %sub3A_1191 = vector.broadcast %mul3A_1103 : f32 to vector<16xf32>
        %sub3A_1192 = arith.subf %add3A_1071, %sub3A_1191 : vector<16xf32>
        %mul3A_1193 = vector.broadcast %mul3A_1127 : f32 to vector<16xf32>
        %mul3A_1194 = arith.mulf %mul3A_1193, %get3A_17 : vector<16xf32>
        %mul3A_1195 = arith.mulf %sub3A_1192, %mul3A_1194 : vector<16xf32>
        %add3A_1196 = arith.addf %mul3A_1195, %get3A_33 : vector<16xf32>
        %swap3A_1197 = arith.index_cast %add3A_1015 : i32 to index
        %swap3A_1198 = arith.constant 112 : index
        %swap3A_1199 = tpu.vector_load %arg11[%swap3A_1197, %swap3A_1198] {strides = array<i32>} : memref<200x128xf32, #tpu.memory_space<vmem>>, vector<16xf32>,
        tpu.vector_store %arg11[%swap3A_1197, %swap3A_1198], %add3A_1196 {strides = array<i32>} : memref<200x128xf32, #tpu.memory_space<vmem>>, vector<16xf32>,
      }
      %scan3A_258 = arith.constant 40 : i32
      %add3A_259 = arith.addi %mul3A_2, %mul3A_209 : i32
      %dma_start3A_260 = arith.constant 0 : i32
      %dma_start3A_261 = tpu.memref_slice %arg7[%add3A_259, %dma_start3A_260] : memref<204800x128xf32, #tpu.memory_space<hbm>> -> memref<200x128xf32, #tpu.memory_space<hbm>>
      %dma_start3A_262 = arith.constant 0 : i32
      %dma_start3A_263 = tpu.memref_slice %arg7[%add3A_259, %dma_start3A_262] : memref<204800x128xf32, #tpu.memory_space<hbm>> -> memref<200x128xf32, #tpu.memory_space<hbm>>
      tpu.enqueue_dma source(%arg11 : memref<200x128xf32, #tpu.memory_space<vmem>>) target(%dma_start3A_263 : memref<200x128xf32, #tpu.memory_space<hbm>>) target_semaphore(%arg20 : memref<!tpu.dma_semaphore, #tpu.memory_space<semaphore_mem>>)
    }
    %scan3A_53 = arith.constant 11 : i32
    %dma_wait3A = arith.constant 0 : i32
    %dma_wait3A_54 = arith.constant 0 : i32
    %dma_wait3A_55 = tpu.memref_slice %arg7[%dma_wait3A, %dma_wait3A_54] : memref<204800x128xf32, #tpu.memory_space<hbm>> -> memref<200x128xf32, #tpu.memory_space<hbm>>
    %dma_wait3A_56 = arith.constant 0 : i32
    %dma_wait3A_57 = arith.constant 0 : i32
    %dma_wait3A_58 = tpu.memref_slice %arg7[%dma_wait3A_56, %dma_wait3A_57] : memref<204800x128xf32, #tpu.memory_space<hbm>> -> memref<200x128xf32, #tpu.memory_space<hbm>>
    tpu.wait_dma2 semaphore(%arg19 : memref<!tpu.dma_semaphore, #tpu.memory_space<semaphore_mem>>) src(%arg10 : memref<200x128xf32, #tpu.memory_space<vmem>>) dst(%dma_wait3A_58 : memref<200x128xf32, #tpu.memory_space<hbm>>)
    %dma_wait3A_59 = arith.constant 0 : i32
    %dma_wait3A_60 = arith.constant 0 : i32
    %dma_wait3A_61 = tpu.memref_slice %arg7[%dma_wait3A_59, %dma_wait3A_60] : memref<204800x128xf32, #tpu.memory_space<hbm>> -> memref<200x128xf32, #tpu.memory_space<hbm>>
    %dma_wait3A_62 = arith.constant 0 : i32
    %dma_wait3A_63 = arith.constant 0 : i32
    %dma_wait3A_64 = tpu.memref_slice %arg7[%dma_wait3A_62, %dma_wait3A_63] : memref<204800x128xf32, #tpu.memory_space<hbm>> -> memref<200x128xf32, #tpu.memory_space<hbm>>
    tpu.wait_dma2 semaphore(%arg20 : memref<!tpu.dma_semaphore, #tpu.memory_space<semaphore_mem>>) src(%arg11 : memref<200x128xf32, #tpu.memory_space<vmem>>) dst(%dma_wait3A_64 : memref<200x128xf32, #tpu.memory_space<hbm>>)
    %dma_wait3A_65 = arith.constant 0 : i32
    %dma_wait3A_66 = arith.constant 0 : i32
    %dma_wait3A_67 = tpu.memref_slice %arg9[%dma_wait3A_65, %dma_wait3A_66] : memref<200x128xf32, #tpu.memory_space<vmem>> -> memref<104x128xf32, #tpu.memory_space<vmem>>
    %dma_wait3A_68 = arith.constant 0 : i32
    %dma_wait3A_69 = tpu.memref_slice %arg8[%dma_wait3A_68] : memref<6400xi32, #tpu.memory_space<vmem>> -> memref<104xi32, #tpu.memory_space<vmem>>
    %dma_wait3A_70 = arith.constant 0 : i32
    %dma_wait3A_71 = arith.constant 0 : i32
    %dma_wait3A_72 = tpu.memref_slice %arg3[%dma_wait3A_70, %dma_wait3A_71] : memref<100000x128xf32, #tpu.memory_space<hbm>> -> memref<100000x128xf32, #tpu.memory_space<hbm>>
    tpu.wait_indirect_dma semaphore(%arg15 : memref<!tpu.dma_semaphore, #tpu.memory_space<semaphore_mem>>) src(%dma_wait3A_72 : memref<100000x128xf32, #tpu.memory_space<hbm>>) dst(%dma_wait3A_67 : memref<104x128xf32, #tpu.memory_space<vmem>>)
    %dma_wait3A_73 = arith.constant 104 : i32
    %dma_wait3A_74 = arith.constant 0 : i32
    %dma_wait3A_75 = tpu.memref_slice %arg9[%dma_wait3A_73, %dma_wait3A_74] : memref<200x128xf32, #tpu.memory_space<vmem>> -> memref<96x128xf32, #tpu.memory_space<vmem>>
    %dma_wait3A_76 = arith.constant 0 : i32
    %dma_wait3A_77 = tpu.memref_slice %arg8[%dma_wait3A_76] : memref<6400xi32, #tpu.memory_space<vmem>> -> memref<96xi32, #tpu.memory_space<vmem>>
    %dma_wait3A_78 = arith.constant 0 : i32
    %dma_wait3A_79 = arith.constant 0 : i32
    %dma_wait3A_80 = tpu.memref_slice %arg3[%dma_wait3A_78, %dma_wait3A_79] : memref<100000x128xf32, #tpu.memory_space<hbm>> -> memref<100000x128xf32, #tpu.memory_space<hbm>>
    tpu.wait_indirect_dma semaphore(%arg15 : memref<!tpu.dma_semaphore, #tpu.memory_space<semaphore_mem>>) src(%dma_wait3A_80 : memref<100000x128xf32, #tpu.memory_space<hbm>>) dst(%dma_wait3A_75 : memref<96x128xf32, #tpu.memory_space<vmem>>)
    return
  }
}

</mosaic_0001>

<sc_bundles>
// kernel: kernel.3.cloned.1.call-start
scs
__scs_entry_jumppad:
0x0: {  	(pc) =	sbr.rel $0x88, $3  }
0x1: {  	(tag) =	ssettag $0x0;
	lr =	simm.s32 $0x1  }
0x2: {  	[smem:$0x3F9C] =	sst lr;
	_ =	strace $0xD0000000  }
0x3: {  	_ = 	snop  }
0x4: {  	_ = 	snop  }
0x5: {  	_ = 	snop  }
0x6: {  	_ = 	snop  }
0x7: {  	_ = 	snop  }
__scs_overlays_trampoline_lowered:
0x8: {  	[smem:$0x3FAB] =	sst s0  }
0x9: {  	[smem:$0x3FAC] =	sst s1  }
0xa: {  	[smem:$0x3FAD] =	sst s2  }
0xb: {  	[smem:$0x3FAE] =	sst s3  }
0xc: {  	[smem:$0x3FAF] =	sst s4  }
0xd: {  	[smem:$0x3FB0] =	sst s5  }
0xe: {  	[smem:$0x3FB1] =	sst s6  }
0xf: {  	[smem:$0x3FB2] =	sst s7  }
0x10: {  	[smem:$0x3FB3] =	sst s8  }
0x11: {  	[smem:$0x3FB4] =	sst s9;
	s0 =	simm.s32 @!p0 $0x0  }
0x12: {  	s1 =	sld [smem:$0x3F9A];
	s0 =	simm.s32 @p0 $0x1  }
0x13: {  	[smem:$0x3FB5] =	sst s0;
	s0 =	simm.s32 @!p1 $0x0  }
0x14: {  	s2 =	sld [smem:$0x3F99];
	s0 =	simm.s32 @p1 $0x1  }
0x15: {  	[smem:$0x3FB6] =	sst s0;
	s0 =	simm.s32 @!p2 $0x0  }
0x16: {  	s3 =	sld [smem:$0x3FDB];
	s0 =	simm.s32 @p2 $0x1  }
0x17: {  	s4 =	simm.s32 $0x1BF5;
	[smem:$0x3FB8] =	sst s0  }
0x18: {  	s0 =	sld [smem:$0x3F9B];
	_ =	swait.ge [sflag:s4], $0x0  }
0x19: {  	s7 =	sld [smem:$0x3F9C]  }
0x1a: {  	s8 =	sadd.s32 $0xFFFFE003, lr  }
0x1b: {  	s9 =	sadd.s32 $0xFFFFFEF7, lr;
	s5 =	simm.s32 $0xFFFFFFFF;
	p2 =	slt.u32 s8, $0xFFFFF086  }
0x1c: {  	p1 =	slt.u32 s9, $0xF7A;
	s5 =	simm.s32 @!p2 $0x0  }
0x1d: {  	s5 =	simm.s32 @p1 $0x1;
	p0 =	seq.s32 s7, s2  }
0x1e: {  	s7 =	smul.u32 @!p0 $0xF7A, s2;
	p2 =	seq.s32 @!p0 s5, $0x0  }
0x1f: {  	s9 =	smul.u32 $0xF7A, s1;
	s8 =	simm.s32 @!p0 $0x1BF5;
	p2 =	por !p2, p0  }
0x20: {  	[sflag:s8] =	ssyncset.s32 @!p0 $0xFFFFF086;
	s6 =	sadd.s32 @!p0 s3, s7;
	s7 =	simm.s32 @!p0 $0x108  }
0x21: {  	s3 =	sadd.s32 s3, s9;
	s6 =	sadd.s32 @!p0 $0x88, s6;
	s7 =	simm.s32 @p2 $0x1082  }
0x22: {  	[simem:s7], [sflag:s8] =	dma.local @!p0 [hbm:s6], $0xF7A  }
0x23: {  	s9 =	sor.u32 $0xD0000000, s2;
	s6 =	simm.s32 $0x108;
	_ =	swait.ge @!p0 [sflag:s8], $0x0  }
0x24: {  	s3 =	sadd.s32 $0x88, s3;
	s6 =	simm.s32 @!p1 $0x1082;
	[sflag:s4] =	ssyncset.s32 $0xFFFFF086  }
0x25: {  	[simem:s6], [sflag:s4] =	dma.local [hbm:s3], $0xF7A  }
0x26: {  	[smem:$0x3F9C] =	sst s1;
	(tag) =	ssettag s2;
	_ =	strace s9  }
0x27: {  	s1 =	sld [smem:$0x3FAC]  }
0x28: {  	s2 =	sld [smem:$0x3FAD]  }
0x29: {  	s4 =	sld [smem:$0x3FAF]  }
0x2a: {  	p0 =	seq.s32 s5, $0x0;
	s5 =	sld [smem:$0x3FB0]  }
0x2b: {  	s6 =	sld [smem:$0x3FB1]  }
0x2c: {  	s7 =	sld [smem:$0x3FB2]  }
0x2d: {  	s3 =	simm.s32 $0x108;
	s8 =	sld [smem:$0x3FB3]  }
0x2e: {  	s3 =	simm.s32 @!p0 $0x1082;
	s9 =	sld [smem:$0x3FB4]  }
0x2f: {  	lr =	sadd.s32 s0, s3;
	s0 =	sld [smem:$0x3FAB]  }
0x30: {  	s3 =	sld [smem:$0x3FAE]  }
0x31: {  	[smem:$0x3FB7] =	sst s10  }
0x32: {  	s10 =	sld [smem:$0x3FB5];
	_ =	sdelay $0x3  }
0x33: {  	p0 =	seq.s32 s10, $0x1;
	s10 =	sld [smem:$0x3FB7];
	_ =	sdelay $0x3  }
0x34: {  	[smem:$0x3FB7] =	sst s10  }
0x35: {  	s10 =	sld [smem:$0x3FB6];
	_ =	sdelay $0x3  }
0x36: {  	p1 =	seq.s32 s10, $0x1;
	s10 =	sld [smem:$0x3FB7];
	_ =	sdelay $0x3  }
0x37: {  	[smem:$0x3FB7] =	sst s10  }
0x38: {  	s10 =	sld [smem:$0x3FB8]  }
0x39: {  	_ = 	snop;
	(pc) =	sbr.ind lr, $3  }
0x3a: {  	_ = 	snop  }
0x3b: {  	_ = 	snop  }
0x3c: {  	p2 =	seq.s32 s10, $0x1;
	s10 =	sld [smem:$0x3FB7]  }
0x3d: {  	_ =	shalt  }
0x3e: {  	_ =	shalt  }
0x3f: {  	_ =	shalt  }
0x40: {  	_ =	shalt  }
0x41: {  	_ =	shalt  }
0x42: {  	_ =	shalt  }
0x43: {  	_ =	shalt  }
0x44: {  	_ =	shalt  }
0x45: {  	_ =	shalt  }
0x46: {  	_ =	shalt  }
0x47: {  	_ =	shalt  }
0x48: {  	_ =	shalt  }
0x49: {  	_ =	shalt  }
0x4a: {  	_ =	shalt  }
0x4b: {  	_ =	shalt  }
0x4c: {  	_ =	shalt  }
0x4d: {  	_ =	shalt  }
0x4e: {  	_ =	shalt  }
0x4f: {  	_ =	shalt  }
0x50: {  	_ =	shalt  }
0x51: {  	_ =	shalt  }
0x52: {  	_ =	shalt  }
0x53: {  	_ =	shalt  }
0x54: {  	_ =	shalt  }
0x55: {  	_ =	shalt  }
0x56: {  	_ =	shalt  }
0x57: {  	_ =	shalt  }
0x58: {  	_ =	shalt  }
0x59: {  	_ =	shalt  }
0x5a: {  	_ =	shalt  }
0x5b: {  	_ =	shalt  }
0x5c: {  	_ =	shalt  }
0x5d: {  	_ =	shalt  }
0x5e: {  	_ =	shalt  }
0x5f: {  	_ =	shalt  }
0x60: {  	_ =	shalt  }
0x61: {  	_ =	shalt  }
0x62: {  	_ =	shalt  }
0x63: {  	_ =	shalt  }
0x64: {  	_ =	shalt  }
0x65: {  	_ =	shalt  }
0x66: {  	_ =	shalt  }
0x67: {  	_ =	shalt  }
0x68: {  	_ =	shalt  }
0x69: {  	_ =	shalt  }
0x6a: {  	_ =	shalt  }
0x6b: {  	_ =	shalt  }
0x6c: {  	_ =	shalt  }
0x6d: {  	_ =	shalt  }
0x6e: {  	_ =	shalt  }
0x6f: {  	_ =	shalt  }
0x70: {  	_ =	shalt  }
0x71: {  	_ =	shalt  }
0x72: {  	_ =	shalt  }
0x73: {  	_ =	shalt  }
0x74: {  	_ =	shalt  }
0x75: {  	_ =	shalt  }
0x76: {  	_ =	shalt  }
0x77: {  	_ =	shalt  }
0x78: {  	_ =	shalt  }
0x79: {  	_ =	shalt  }
0x7a: {  	_ =	shalt  }
0x7b: {  	_ =	shalt  }
0x7c: {  	_ =	shalt  }
0x7d: {  	_ =	shalt  }
0x7e: {  	_ =	shalt  }
0x7f: {  	_ =	shalt  }
0x80: {  	_ =	shalt  }
0x81: {  	_ =	shalt  }
0x82: {  	_ =	shalt  }
0x83: {  	_ =	shalt  }
0x84: {  	_ =	shalt  }
0x85: {  	_ =	shalt  }
0x86: {  	_ =	shalt  }
0x87: {  	_ =	shalt  }
.Lfunc_end0:
.L_simem_size_0:
called_computation_lowered:
.L_overlay_start_0:
0x88: {  	s2 =	sld [smem:$0x3FD9]  }
0x89: {  	s3 =	sld [smem:$0x3FFE];
	_ =	sdelay $0x1  }
0x8a: {  	s1 =	srdreg.scid  }
0x8b: {  	s0 =	sand.u32 $0x1, s1  }
0x8c: {  	s17 =	sshll.u32 s0, $0xA;
	s2 =	sadd.s32 s3, s2  }
0x8d: {  	s2 =	sadd.s32 s2, s17  }
0x8e: {  	[smem:$0x3FC3] =	sst s2  }
0x8f: {  	_ = 	snop  }
0x90: {  	s2 =	sld [smem:$0x3FC8]  }
0x91: {  	s18 =	sld [smem:$0x3FC7]  }
0x92: {  	s4 =	sld [smem:$0x3FC6]  }
0x93: {  	s5 =	sld [smem:$0x3FC5]  }
0x94: {  	s6 =	sld [smem:$0x3FD0];
	(tm) =	ssettm $0x1  }
0x95: {  	s7 =	sld [smem:$0x3FFB];
	_ =	sdelay $0x3  }
0x96: {  	_ =	strace s7  }
0x97: {  	s7 =	sld [smem:$0x3FFC];
	_ =	sdelay $0x3  }
0x98: {  	_ =	strace s7  }
0x99: {  	s7 =	sld [smem:$0x3FFD];
	_ =	sdelay $0x3  }
0x9a: {  	_ =	strace s7  }
0x9b: {  	_ =	strace $0x8FFFFFFF  }
0x9c: {  	s19 =	sld [smem:$0x3FDB];
	_ =	sdelay $0x1  }
0x9d: {  	s8 =	simm.s32 $_scs_section_size  }
0x9e: {  	s9 =	simm.s32 $_size__tile_overlayer_lowered;
	s10 =	simm.s32 $_tile_overlayer_lowered  }
0x9f: {  	s22 =	simm.s32 $0x1BFF;
	s21 =	sshll.u32 s10, $0x1;
	s7 =	sadd.s32 s8, s19  }
0xa0: {  	s11 =	simm.s32 $0x0;
	s20 =	sshll.u32 s9, $0x1;
	s9 =	sadd.s32 s21, s7  }
0xa1: {  	[timem:s11], [sflag:s22] =	dma.local [hbm:s9], s20  }
0xa2: {  	_ =	swait.ge [sflag:s22], s20  }
0xa3: {  	s8 =	ssub.s32 $0x0, s20;
	[sflag:s22] =	ssyncset.done $0x0  }
0xa4: {  	[sflag:s22] =	ssyncadd.s32 s8;
	_ =	sdelay $0x1  }
0xa5: {  	s23 =	simm.s32 $0x1B8B  }
0xa6: {  	_ =	swait.ge [sflag:s23], $0x1  }
0xa7: {  	[sflag:s23] =	ssyncset.done $0x0  }
0xa8: {  	s25 =	simm.s32 $0x1B8E;
	s24 =	sld [smem:$0x3FFE];
	[sflag:s23] =	ssyncadd.s32 $0xFFFFFFFF  }
0xa9: {  	s26 =	simm.s32 $execute0_lowered;
	[smem:$0x3FD2] =	sst s25  }
0xaa: {  	s9 =	sshll.u32 s26, $0x1;
	_ =	strace $0x80000046;
	[dreg:$0x1] =	wrdreg $0xFFFFFFFF  }
0xab: {  	s28 =	simm.s32 $_size_execute0_lowered;
	s7 =	sadd.s32 s7, s9;
	[dreg:$0x0] =	wrdreg $0x0  }
0xac: {  	s9 =	sshll.u32 s28, $0x1;
	[dreg:$0x2] =	wrdreg s7  }
0xad: {  	[dreg:$0x3] =	wrdreg s9  }
0xae: {  	[dreg:$0x4] =	wrdreg $0xC0  }
0xaf: {  	_ =	task [dreg:s11], $0x5FFFF  }
0xb0: {  	[dreg:$0x1] =	wrdreg $0xFFFFFFFF  }
0xb1: {  	[dreg:$0x0] =	wrdreg $0x60  }
0xb2: {  	[dreg:$0x2] =	wrdreg s24  }
0xb3: {  	[dreg:$0x3] =	wrdreg s2  }
0xb4: {  	[dreg:$0x4] =	wrdreg s18  }
0xb5: {  	[dreg:$0x5] =	wrdreg s4  }
0xb6: {  	[dreg:$0x6] =	wrdreg s5  }
0xb7: {  	[dreg:$0x7] =	wrdreg s6  }
0xb8: {  	[dreg:$0x8] =	wrdreg $0x9  }
0xb9: {  	_ =	task.clear_ibuf [dreg:s11], $0x9FFFF;
	_ =	strace $0x90000046  }
0xba: {  	s29 =	simm.s32 $0x9;
	_ =	strace $0x80000048  }
0xbb: {  	_ =	swait.ge [sflag:s29], $0x1  }
0xbc: {  	[sflag:s29] =	ssyncadd.s32 $0xFFFFFFFF  }
0xbd: {  	_ =	strace $0x90000048  }
0xbe: {  	_ =	sfence  }
0xbf: {  	s30 =	sld [smem:$0x0];
	_ =	sdelay $0x2  }
0xc0: {  	s31 =	sshll.u32 s1, $0xD;
	s1 =	sshrl.u32 s1, $0x2  }
0xc1: {  	s3 =	sand.u32 $0x4000, s31;
	s1 =	sadd.s32 s1, s30  }
0xc2: {  	s0 =	sor.u32 s3, s0;
	s1 =	sshll.u32 s1, $0x11  }
0xc3: {  	s0 =	sor.u32 s1, s0  }
0xc4: {  	s0 =	sadd.s32 $0x8F2B, s0  }
0xc5: {  	[sflag:s0] =	ssyncadd.remote.s32 $0x1  }
0xc6: {  	_ =	sfence.sel $0xFFFF  }
0xc7: {  	[dreg:$0x0] =	wrdreg $0xFFFFFFFF;
	(pc) =	sbr.abs _section_cstart, $3  }
0xc8: {  	[dreg:$0x1] =	wrdreg $0xFFFFFFFF  }
0xc9: {  	_ =	task.clear_ibuf [dreg:s11], $0x2FFFF;
	_ =	strace $0x9FFFFFFF  }
0xca: {  	(tm) =	ssettm $0x7FFFFFFF  }
0xcb: {  	_ =	shalt  }
tec
execute0_lowered:
.L_overlay_start_1:
0x0: {  	(tag) =	ssettag $0x1  }
0x1: {  	s0 =	rddreg [dreg:$0x0]  }
0x2: {  	s1 =	rddreg [dreg:$0x1];
	s2 =	srdreg.scid  }
0x3: {  	s3 =	stileid.u32;
	s6 =	rddreg [dreg:$0x5];
	s8 =	simm.s32 $0x0  }
0x4: {  	s15 =	simm.s32 $0x68;
	s16 =	simm.s32 $0x1900;
	s17 =	simm.s32 $0x60  }
0x5: {  	s18 =	simm.s32 $0x4D00;
	s2 =	sand.u32 $0x1, s2;
	s3 =	sshll.u32 s3, $0x1  }
0x6: {  	s19 =	simm.s32 $0x7D00;
	s21 =	simm.s32 $0x1;
	s3 =	sor.u32 s2, s3  }
0x7: {  	s22 =	simm.s32 $0xE100;
	s2 =	ssub.s32 $0x2, s2;
	s7 =	smul.u32 $0x1900, s3  }
0x8: {  	s23 =	simm.s32 $0x11500;
	s24 =	simm.s32 $0x2;
	s4 =	sshrl.u32 s2, $0x1  }
0x9: {  	s25 =	simm.s32 $0x4;
	s2 =	ssub.s32 s2, s4;
	s3 =	sshrl.u32 s7, $0x3  }
0xa: {  	[smem:$0x7FF] =	sst s8;
	s31 =	smax.u32 s2, $0x1;
	s0 =	sadd.s32 s3, s0  }
0xb: {  	_ =	strace $0x80000047;
	[dreg:$0x8] =	wrdreg s31;
	s0 =	sadd.s32 $0x400, s0  }
0xc: {  	s26 =	simm.s32 $0x3;
	s2 =	simm.s32 $0x0;
	[dreg:$0x7] =	wrdreg s0  }
.LBB2_1:
0xd: {  	[dreg:$0x9] =	wrdreg s2  }
0xe: {  	s0 =	rddreg [dreg:$0x2];
	s13 =	simm.s32 $0x14500;
	s14 =	simm.s32 $0x7  }
0xf: {  	[tilespmem:s13], [sflag:$0x7] =	stream.linear.gather [hbm4b:s0+s8], $0x6400, $0x38;
	[tilespmem:$0x1AA00] =	vst v63  }
0x10: {  	_ =	swait.ge [sflag:s14], $0x6400  }
0x11: {  	[sflag:s14] =	ssyncset.done $0x0  }
0x12: {  	[sflag:s14] =	ssyncadd.s32 $0xFFFF9C00  }
0x13: {  	s3 =	simm.s32 $0x1A900;
	s20 =	rddreg [dreg:$0x3]  }
0x14: {  	[tilespmem:s3], [sflag:$0x7] =	stream.linear.gather [hbm4b:s20+s8], $0x80, $0x38;
	[tilespmem:$0x1AA00] =	vst v63  }
0x15: {  	_ =	swait.ge [sflag:s14], $0x80  }
0x16: {  	[sflag:s14] =	ssyncset.done $0x0  }
0x17: {  	[sflag:s14] =	ssyncadd.s32 $0xFFFFFF80  }
0x18: {  	s29 =	simm.s32 $0x1A980;
	s28 =	rddreg [dreg:$0x4]  }
0x19: {  	[tilespmem:s29], [sflag:$0x7] =	stream.linear.gather [hbm4b:s28+s8], $0x80, $0x38;
	[tilespmem:$0x1AA00] =	vst v63  }
0x1a: {  	_ =	swait.ge [sflag:s14], $0x80  }
0x1b: {  	[sflag:s14] =	ssyncset.done $0x0  }
0x1c: {  	s30 =	rddreg [dreg:$0x7];
	[sflag:s14] =	ssyncadd.s32 $0xFFFFFF80  }
0x1d: {  	[tilespmem:s8], [sflag:$0x7] =	stream.linear.gather [hbm4b:s30+s8], $0x1900, $0x38;
	[tilespmem:$0x1AA00] =	vst v63  }
0x1e: {  	_ =	swait.ge [sflag:s14], $0x1900  }
0x1f: {  	[sflag:s14] =	ssyncset.done $0x0  }
0x20: {  	[sflag:s14] =	ssyncadd.s32 $0xFFFFE700  }
0x21: {  	v0 =	vld [tilespmem:$0x1A900]  }
0x22: {  	v1 =	vld [tilespmem:$0x1A910]  }
0x23: {  	v2 =	vld [tilespmem:$0x1A920]  }
0x24: {  	v3 =	vld [tilespmem:$0x1A930]  }
0x25: {  	v4 =	vld [tilespmem:$0x1A940]  }
0x26: {  	v5 =	vld [tilespmem:$0x1A950]  }
0x27: {  	v6 =	vld [tilespmem:$0x1A960]  }
0x28: {  	v7 =	vld [tilespmem:$0x1A970]  }
0x29: {  	v8 =	vld [tilespmem:$0x1A980]  }
0x2a: {  	v9 =	vld [tilespmem:$0x1A990]  }
0x2b: {  	v10 =	vld [tilespmem:$0x1A9A0]  }
0x2c: {  	v11 =	vld [tilespmem:$0x1A9B0]  }
0x2d: {  	v12 =	vld [tilespmem:$0x1A9C0]  }
0x2e: {  	v13 =	vld [tilespmem:$0x1A9D0]  }
0x2f: {  	v14 =	vld [tilespmem:$0x1A9E0]  }
0x30: {  	v15 =	vld [tilespmem:$0x1A9F0];
	[tilespmem:s16], [sflag:$0x1] =	stream.indirect.gather [hbm4b:s1+s15], $0x80, s8, s15, $0xb8  }
0x31: {  	s31 =	simm.s32 $0x0  }
0x32: {  	[tilespmem:s18], [sflag:$0x1] =	stream.indirect.gather [hbm4b:s1+s17], $0x80, s15, s17, $0xb8;
	[tilespmem:$0x1AA00] =	vst v63  }
.LBB2_2:
0x33: {  	p0 =	seq.s32 s31, $0x0  }
0x34: {  	s2 =	simm.s32 @!p0 $0x5  }
0x35: {  	s0 =	smul.u32 $0x258, s31;
	_ =	swait.ge @!p0 [sflag:s2], $0x6400  }
0x36: {  	[sflag:s2] =	ssyncset.done @!p0 $0x0  }
0x37: {  	s4 =	sadd.s32 $0xC8, s0;
	[sflag:s2] =	ssyncadd.s32 @!p0 $0xFFFF9C00  }
0x38: {  	[tilespmem:s19], [sflag:$0x2] =	stream.indirect.gather [hbm4b:s1+s15], $0x80, s4, s15, $0xb8;
	[tilespmem:$0x1AA00] =	vst v63  }
0x39: {  	s3 =	simm.s32 $0xB100;
	s30 =	sadd.s32 $0x68, s4  }
0x3a: {  	[tilespmem:s3], [sflag:$0x2] =	stream.indirect.gather [hbm4b:s1+s17], $0x80, s30, s17, $0xb8;
	[tilespmem:$0x1AA00] =	vst v63  }
0x3b: {  	_ =	swait.ge [sflag:s21], $0x3400  }
0x3c: {  	[sflag:s21] =	ssyncset.done $0x0  }
0x3d: {  	[sflag:s21] =	ssyncadd.s32 $0xFFFFCC00  }
0x3e: {  	_ =	swait.ge [sflag:s21], $0x3000  }
0x3f: {  	[sflag:s21] =	ssyncset.done $0x0  }
0x40: {  	s2 =	smul.u32 $0x3, s31;
	s3 =	simm.s32 $0x9C0;
	[sflag:s21] =	ssyncadd.s32 $0xFFFFD000  }
.LBB2_3:
0x41: {  	s5 =	sshra.s32 s3, $0x2  }
0x42: {  	v16 =	vld [tilespmem:s5+$0x1690]  }
0x43: {  	v17 =	vld [tilespmem:s5+$0x14290]  }
0x44: {  	v18 =	vld [tilespmem:s5+$0x16A0]  }
0x45: {  	v19 =	vld [tilespmem:s5+$0x142A0]  }
0x46: {  	v20 =	vld [tilespmem:s5+$0x16B0]  }
0x47: {  	v21 =	vld [tilespmem:s5+$0x142B0]  }
0x48: {  	v22 =	vld [tilespmem:s5+$0x16C0]  }
0x49: {  	v23 =	vld [tilespmem:s5+$0x142C0]  }
0x4a: {  	v24 =	vld [tilespmem:s5+$0x16D0]  }
0x4b: {  	v46 =	vld [tilespmem:s5+$0x142E0]  }
0x4c: {  	v50 =	vld [tilespmem:s5+$0x16F0]  }
0x4d: {  	v51 =	vld [tilespmem:s5+$0x142F0]  }
0x4e: {  	v53 =	vld [tilespmem:s5+$0x1700]  }
0x4f: {  	v56 =	vld [tilespmem:s5+$0x1710]  }
0x50: {  	v58 =	vld [tilespmem:s5+$0x14310]  }
0x51: {  	v60 =	vld [tilespmem:s5+$0x1720];
	v47 =	vadd.f32 v17, v16;
	v38 =	vadd.f32 v19, v18  }
0x52: {  	v16 =	vld [tilespmem:s5+$0x142D0]  }
0x53: {  	v62 =	vld [tilespmem:s5+$0x14320];
	v32 =	vadd.f32 v21, v20;
	v48 =	vmul.f32 v47, v47;
	v49 =	vmul.f32 v38, v38  }
0x54: {  	v17 =	vld [tilespmem:s5+$0x16E0];
	v25 =	vadd.f32 v38, v47  }
0x55: {  	v63 =	vld [tilespmem:s5+$0x1730];
	v33 =	vadd.f32 v23, v22;
	v52 =	vmul.f32 v32, v32;
	v19 =	vadd.f32 v49, v48  }
0x56: {  	v34 =	vld [tilespmem:s5+$0x14330];
	v26 =	vadd.f32 v32, v25  }
0x57: {  	v35 =	vld [tilespmem:s5+$0x1740];
	v54 =	vmul.f32 v33, v33;
	v25 =	vadd.f32 v16, v24;
	v19 =	vadd.f32 v52, v19  }
0x58: {  	v16 =	vld [tilespmem:s5+$0x14300];
	v55 =	vadd.f32 v33, v26  }
0x59: {  	v27 =	vld [tilespmem:s5+$0x14340];
	v31 =	vadd.f32 v46, v17;
	v57 =	vmul.f32 v25, v25;
	v17 =	vadd.f32 v54, v19  }
0x5a: {  	v28 =	vld [tilespmem:s5+$0x1750];
	v59 =	vadd.f32 v25, v55  }
0x5b: {  	v36 =	vld [tilespmem:s5+$0x1760];
	v40 =	vadd.f32 v51, v50;
	v61 =	vmul.f32 v31, v31;
	v17 =	vadd.f32 v57, v17  }
0x5c: {  	v37 =	vld [tilespmem:s5+$0x14360];
	v20 =	vadd.f32 v31, v59  }
0x5d: {  	v29 =	vld [tilespmem:s5+$0x17B0];
	v44 =	vadd.f32 v16, v53;
	v16 =	vadd.f32 v61, v17;
	v17 =	vmul.f32 v40, v40  }
0x5e: {  	v42 =	vld [tilespmem:s5+$0x143C0];
	v50 =	vadd.f32 v34, v63  }
0x5f: {  	v51 =	vld [tilespmem:s5+$0x1780];
	v20 =	vadd.f32 v40, v20;
	v16 =	vadd.f32 v17, v16;
	v17 =	vmul.f32 v44, v44  }
0x60: {  	v63 =	vld [tilespmem:s5+$0x17C0];
	v49 =	vadd.f32 v58, v56;
	v48 =	vadd.f32 v62, v60  }
0x61: {  	v20 =	vadd.f32 v44, v20;
	v16 =	vadd.f32 v17, v16;
	v17 =	vld [tilespmem:s5+$0x14350]  }
0x62: {  	v60 =	vld [tilespmem:s5+$0x143B0];
	v45 =	vadd.f32 v48, v49  }
0x63: {  	v46 =	vld [tilespmem:s5+$0x14370];
	(xrf2) =	vadd.scan.msk.f32 $0xffff, v20  }
0x64: {  	v34 =	vadd.f32 v27, v35;
	v18 =	vadd.f32 v50, v45;
	(xrf2) =	vadd.scan.msk.f32 $0xffff, v16;
	v16 =	vld [tilespmem:s5+$0x1770]  }
0x65: {  	v52 =	vld [tilespmem:s5+$0x14380]  }
0x66: {  	v54 =	vld [tilespmem:s5+$0x14390];
	v41 =	vadd.f32 v17, v28;
	v17 =	vadd.f32 v34, v18  }
0x67: {  	v56 =	vmul.f32 v48, v48;
	v55 =	vmul.f32 v49, v49;
	v53 =	vld [tilespmem:s5+$0x1790]  }
0x68: {  	v35 =	vadd.f32 v37, v36;
	v57 =	vld [tilespmem:s5+$0x17A0];
	v17 =	vadd.f32 v41, v17  }
0x69: {  	v59 =	vmul.f32 v50, v50;
	v20 =	vadd.f32 v56, v55;
	v23 =	vadd.f32 v46, v16;
	v16 =	vld [tilespmem:s5+$0x143A0]  }
0x6a: {  	v21 =	vadd.f32 v60, v29;
	v17 =	vadd.f32 v35, v17  }
0x6b: {  	v62 =	vmul.f32 v34, v34;
	v29 =	vadd.f32 v42, v63;
	v20 =	vadd.f32 v59, v20  }
0x6c: {  	v36 =	vld [tilespmem:s5+$0x17D0];
	v26 =	vadd.f32 v52, v51;
	v17 =	vadd.f32 v23, v17  }
0x6d: {  	v24 =	vld [tilespmem:s5+$0x1810];
	v45 =	vadd.f32 v54, v53;
	v20 =	vadd.f32 v62, v20;
	v43 =	vmul.f32 v41, v41  }
0x6e: {  	v63 =	vld [tilespmem:s5+$0x1820];
	v30 =	vadd.f32 v26, v17;
	v17 =	vadd.f32 v16, v57  }
0x6f: {  	v52 =	vmul.f32 v35, v35;
	v51 =	vadd.f32 v43, v20;
	v58, _, _ =	vpop (xrf2);
	v16 =	vld [tilespmem:s5+$0x143D0]  }
0x70: {  	v53 =	vld [tilespmem:s5+$0x17E0];
	v37 =	vmul.f32 v45, v45;
	(v2sf) =	vpush v58, $0xF;
	v39 =	vmul.f32 v17, v17  }
0x71: {  	v54 =	vld [tilespmem:s5+$0x143E0];
	v55 =	vmul.f32 v23, v23;
	v18 =	vadd.f32 v52, v51;
	v61, _, _ =	vpop (xrf2);
	v27 =	vadd.f32 v17, v45  }
0x72: {  	v56 =	vld [tilespmem:s5+$0x17F0];
	v58 =	vmul.f32 v21, v21;
	(v2sf) =	vpush v61, $0xF;
	v37 =	vadd.f32 v39, v37  }
0x73: {  	v42 =	vmul.f32 v26, v26;
	v57 =	vld [tilespmem:s5+$0x143F0];
	v19 =	vadd.f32 v55, v18;
	v27 =	vadd.f32 v21, v27  }
0x74: {  	v60 =	vmul.f32 v29, v29;
	v59 =	vld [tilespmem:s5+$0x14400];
	v18 =	vadd.f32 v16, v36;
	v37 =	vadd.f32 v58, v37  }
0x75: {  	v42 =	vadd.f32 v42, v19;
	v16 =	vld [tilespmem:s5+$0x1800];
	v27 =	vadd.f32 v29, v27  }
0x76: {  	v51 =	vld [tilespmem:s5+$0x1850];
	v19 =	vadd.f32 v54, v53;
	(xrf2) =	vadd.scan.msk.f32 $0xffff, v30;
	v62 =	vmul.f32 v18, v18;
	v61 =	vadd.f32 v60, v37  }
0x77: {  	v52 =	vld [tilespmem:s5+$0x14450];
	v27 =	vadd.f32 v18, v27  }
0x78: {  	v39 =	vld [tilespmem:s5+$0x14410];
	(xrf2) =	vadd.scan.msk.f32 $0xffff, v42;
	v20 =	vadd.f32 v57, v56;
	v56 =	vmul.f32 v19, v19;
	v55 =	vadd.f32 v62, v61  }
0x79: {  	v57 =	vld [tilespmem:s5+$0x14420];
	v27 =	vadd.f32 v19, v27  }
0x7a: {  	v58 =	vld [tilespmem:s5+$0x1830];
	v16 =	vadd.f32 v59, v16;
	v59 =	vmul.f32 v20, v20;
	v28 =	vadd.f32 v56, v55  }
0x7b: {  	v60 =	vld [tilespmem:s5+$0x14430];
	v27 =	vadd.f32 v20, v27  }
0x7c: {  	v46 =	vld [tilespmem:s5+$0x14440];
	v61 =	vmul.f32 v16, v16;
	v28 =	vadd.f32 v59, v28  }
0x7d: {  	v43 =	vld [tilespmem:s5+$0x1840];
	v30 =	vadd.f32 v39, v24;
	v27 =	vadd.f32 v16, v27  }
0x7e: {  	v53 =	vld [tilespmem:s5+$0x1860];
	v24 =	vadd.f32 v57, v63;
	v28 =	vadd.f32 v61, v28  }
0x7f: {  	v36 =	vadd.f32 v52, v51;
	v51 =	vld [tilespmem:s5+$0x1890];
	(xrf2) =	vadd.scan.msk.f32 $0xffff, v27  }
0x80: {  	v37 =	vld [tilespmem:s5+$0x1870];
	v62, _, _ =	vpop (xrf2);
	v22 =	vadd.f32 v60, v58;
	v58 =	vadd.f32 v24, v30;
	(xrf2) =	vadd.scan.msk.f32 $0xffff, v28  }
0x81: {  	v63 =	vld [tilespmem:s5+$0x14460];
	v54 =	vmul.f32 v24, v24;
	(v2sf) =	vpush v62, $0xF;
	v59 =	vmul.f32 v30, v30  }
0x82: {  	v39 =	vld [tilespmem:s5+$0x14470];
	v57, _, _ =	vpop (xrf2);
	v55 =	vadd.f32 v22, v58;
	v27 =	vadd.f32 v46, v43  }
0x83: {  	(v2sf) =	vpush v57, $0xF;
	v60 =	vmul.f32 v22, v22;
	v43 =	vld [tilespmem:s5+$0x1880];
	v42 =	vadd.f32 v54, v59  }
0x84: {  	s9 =	spop (v2sf);
	v46 =	vld [tilespmem:s5+$0x14480];
	v61 =	vadd.f32 v27, v55  }
0x85: {  	v56 =	vld [tilespmem:s5+$0x14490];
	s11 =	smul.f32 $7.812500000e-03, s9;
	s13 =	spop (v2sf);
	v54 =	vadd.f32 v60, v42;
	v62 =	vmul.f32 v27, v27  }
0x86: {  	v57 =	vld [tilespmem:s5+$0x144A0];
	s20 =	smul.f32 $7.812500000e-03, s13;
	v42 =	vadd.f32 v63, v53;
	v52 =	vadd.f32 v36, v61  }
0x87: {  	s28 =	smul.f32 s11, s11;
	v53 =	vld [tilespmem:s5+$0x18A0];
	v60 =	vmul.f32 v36, v36;
	v54 =	vadd.f32 v62, v54  }
0x88: {  	v58 =	vld [tilespmem:s5+$0x18B0];
	v28 =	vadd.f32 v39, v37;
	v52 =	vadd.f32 v42, v52  }
0x89: {  	v59 =	vld [tilespmem:s5+$0x144B0];
	s9 =	ssub.f32 s20, s28;
	v55 =	vmul.f32 v42, v42;
	v39 =	vadd.f32 v46, v43;
	v54 =	vadd.f32 v60, v54;
	v63, _, _ =	vpop (xrf2)  }
0x8a: {  	v60 =	vld [tilespmem:s5+$0x18C0];
	v62 =	vadd.f32 v28, v52;
	(v2sf) =	vpush v63, $0xF;
	v61, _, _ =	vpop (xrf2)  }
0x8b: {  	s9 =	sadd.f32 $9.999999960e-13, s9;
	v63 =	vadd.f32 v55, v54;
	v55 =	vld [tilespmem:s5+$0x144C0];
	(v2sf) =	vpush v61, $0xF;
	v61 =	vmul.f32 v28, v28  }
0x8c: {  	v43 =	vadd.f32 v56, v51;
	v51 =	vld [tilespmem:s5+$0x18D0];
	v37 =	vadd.f32 v57, v53  }
0x8d: {  	v56 =	vld [tilespmem:s5+$0x144D0];
	s29 =	sshrl.u32 s9, $0x1;
	v53 =	vadd.f32 v39, v62;
	v62 =	vmul.f32 v39, v39;
	v52 =	vadd.f32 v61, v63  }
0x8e: {  	v46 =	vadd.f32 v59, v58;
	s9 =	smul.f32 $5.000000000e-01, s9;
	s14 =	ssub.s32 $0x5F3759DF, s29;
	v57 =	vld [tilespmem:s5+$0x18E0]  }
0x8f: {  	v58 =	vmul.f32 v43, v43;
	s13 =	smul.f32 s14, s14;
	v59 =	vmul.f32 v37, v37;
	v61 =	vld [tilespmem:s5+$0x144E0];
	v54 =	vadd.f32 v62, v52  }
0x90: {  	(xrf2) =	vadd.scan.msk.f32 $0xffff, v53;
	v62 =	vadd.f32 v37, v43;
	v52 =	vadd.f32 v55, v60;
	v55 =	vld [tilespmem:s5+$0x18F0]  }
0x91: {  	s10 =	smul.f32 s13, s9;
	s30 =	spop (v2sf);
	v63 =	vadd.f32 v59, v58;
	v60 =	vmul.f32 v46, v46;
	(xrf2) =	vadd.scan.msk.f32 $0xffff, v54;
	v54 =	vld [tilespmem:s5+$0x144F0]  }
0x92: {  	s13 =	smul.f32 $7.812500000e-03, s30;
	s28 =	spop (v2sf);
	v59 =	vadd.f32 v46, v62  }
0x93: {  	v51 =	vadd.f32 v56, v51;
	v56 =	vld [tilespmem:s5+$0x1900];
	s28 =	smul.f32 $7.812500000e-03, s28;
	v58 =	vadd.f32 v60, v63;
	v60 =	vmul.f32 v52, v52  }
0x94: {  	s29 =	smul.f32 s13, s13;
	v62 =	vld [tilespmem:s5+$0x14500];
	v59 =	vadd.f32 v52, v59  }
0x95: {  	s10 =	ssub.f32 $1.500000000e+00, s10;
	v53 =	vadd.f32 v61, v57;
	v63 =	vadd.f32 v60, v58;
	v60 =	vmul.f32 v51, v51  }
0x96: {  	s28 =	ssub.f32 s28, s29;
	v59 =	vadd.f32 v51, v59;
	v54 =	vadd.f32 v54, v55  }
0x97: {  	v61 =	vmul.f32 v53, v53;
	v57 =	vadd.f32 v60, v63  }
0x98: {  	s10 =	smul.f32 s14, s10;
	s12 =	sadd.f32 $9.999999960e-13, s28;
	v59 =	vadd.f32 v53, v59;
	v60 =	vmul.f32 v54, v54  }
0x99: {  	v55 =	vadd.f32 v62, v56;
	v63 =	vadd.f32 v61, v57  }
0x9a: {  	s28 =	smul.f32 s10, s10;
	s20 =	sshrl.u32 s12, $0x1;
	v61 =	vadd.f32 v54, v59  }
0x9b: {  	s12 =	smul.f32 $5.000000000e-01, s12;
	s29 =	ssub.s32 $0x5F3759DF, s20;
	v62, _, _ =	vpop (xrf2);
	v56 =	vadd.f32 v60, v63;
	v63 =	vmul.f32 v55, v55  }
0x9c: {  	s30 =	smul.f32 s29, s29;
	(v2sf) =	vpush v62, $0xF;
	v58 =	vadd.f32 v55, v61;
	v60, _, _ =	vpop (xrf2)  }
0x9d: {  	s9 =	smul.f32 s28, s9;
	v56 =	vadd.f32 v63, v56;
	(v2sf) =	vpush v60, $0xF  }
0x9e: {  	s28 =	smul.f32 s30, s12;
	s20 =	spop (v2sf);
	(xrf2) =	vadd.scan.msk.f32 $0xffff, v58  }
0x9f: {  	s14 =	smul.f32 $7.812500000e-03, s20;
	s30 =	spop (v2sf);
	(xrf2) =	vadd.scan.msk.f32 $0xffff, v56  }
0xa0: {  	s28 =	ssub.f32 $1.500000000e+00, s28;
	s30 =	smul.f32 $7.812500000e-03, s30  }
0xa1: {  	s20 =	smul.f32 s14, s14  }
0xa2: {  	s9 =	ssub.f32 $1.500000000e+00, s9;
	s28 =	smul.f32 s29, s28;
	v56 =	vmov s11  }
0xa3: {  	s29 =	ssub.f32 s30, s20;
	v47 =	vsub.f32 v47, v56;
	v38 =	vsub.f32 v38, v56  }
0xa4: {  	s30 =	smul.f32 s28, s28;
	v32 =	vsub.f32 v32, v56;
	v33 =	vsub.f32 v33, v56  }
0xa5: {  	s10 =	smul.f32 s9, s10;
	s9 =	sadd.f32 $9.999999960e-13, s29;
	v25 =	vsub.f32 v25, v56;
	v31 =	vsub.f32 v31, v56  }
0xa6: {  	s20 =	smul.f32 s30, s12;
	v40 =	vsub.f32 v40, v56;
	v44 =	vsub.f32 v44, v56;
	v56 =	vmov s13  }
0xa7: {  	v49 =	vsub.f32 v49, v56;
	s29 =	sshrl.u32 s9, $0x1  }
0xa8: {  	v62 =	vmul.f32 s10, v1;
	v48 =	vsub.f32 v48, v56;
	v50 =	vsub.f32 v50, v56;
	s11 =	ssub.f32 $1.500000000e+00, s20;
	s20 =	smul.f32 $5.000000000e-01, s9;
	s12 =	ssub.s32 $0x5F3759DF, s29;
	v58, _, _ =	vpop (xrf2)  }
0xa9: {  	v61 =	vmul.f32 s10, v0;
	v34 =	vsub.f32 v34, v56;
	s30 =	smul.f32 s12, s12;
	(v2sf) =	vpush v58, $0xF;
	v60, _, _ =	vpop (xrf2)  }
0xaa: {  	v63 =	vmul.f32 s10, v2;
	v41 =	vsub.f32 v41, v56;
	s9 =	smul.f32 s11, s28;
	(v2sf) =	vpush v60, $0xF  }
0xab: {  	v35 =	vsub.f32 v35, v56;
	v23 =	vsub.f32 v23, v56;
	v47 =	vmul.f32 v61, v47;
	s28 =	smul.f32 s30, s20;
	s11 =	spop (v2sf)  }
0xac: {  	v26 =	vsub.f32 v26, v56;
	v61 =	vmul.f32 s10, v3;
	v38 =	vmul.f32 v62, v38;
	s11 =	smul.f32 $7.812500000e-03, s11;
	s30 =	spop (v2sf)  }
0xad: {  	v56 =	vmov s14;
	v32 =	vmul.f32 v63, v32;
	v62 =	vmul.f32 s10, v4;
	s28 =	ssub.f32 $1.500000000e+00, s28;
	s29 =	smul.f32 $7.812500000e-03, s30  }
0xae: {  	v63 =	vmul.f32 s10, v5;
	v45 =	vsub.f32 v45, v56;
	v17 =	vsub.f32 v17, v56;
	s30 =	smul.f32 s11, s11  }
0xaf: {  	v21 =	vsub.f32 v21, v56;
	v29 =	vsub.f32 v29, v56;
	v33 =	vmul.f32 v61, v33;
	s12 =	smul.f32 s12, s28  }
0xb0: {  	v18 =	vsub.f32 v18, v56;
	v61 =	vmul.f32 s10, v7;
	v60 =	vmul.f32 s10, v6;
	s10 =	ssub.f32 s29, s30  }
0xb1: {  	v19 =	vsub.f32 v19, v56;
	v20 =	vsub.f32 v20, v56;
	s30 =	smul.f32 s12, s12  }
0xb2: {  	v16 =	vsub.f32 v16, v56;
	v25 =	vmul.f32 v62, v25;
	v31 =	vmul.f32 v63, v31;
	s10 =	sadd.f32 $9.999999960e-13, s10  }
0xb3: {  	v47 =	vadd.f32 v47, v8;
	v62 =	vmul.f32 s9, v0;
	v63 =	vmul.f32 s9, v1;
	s13 =	smul.f32 s30, s20  }
0xb4: {  	v38 =	vadd.f32 v38, v9;
	v44 =	vmul.f32 v61, v44;
	v61 =	vmul.f32 s9, v3;
	s28 =	sshrl.u32 s10, $0x1  }
0xb5: {  	v32 =	vadd.f32 v32, v10;
	v49 =	vmul.f32 v62, v49;
	v48 =	vmul.f32 v63, v48;
	s13 =	ssub.f32 $1.500000000e+00, s13;
	s10 =	smul.f32 $5.000000000e-01, s10;
	s20 =	ssub.s32 $0x5F3759DF, s28  }
0xb6: {  	v33 =	vadd.f32 v33, v11;
	v62 =	vmul.f32 s9, v4;
	v63 =	vmul.f32 s9, v5;
	s29 =	smul.f32 s20, s20  }
0xb7: {  	v25 =	vadd.f32 v25, v12;
	v34 =	vmul.f32 v61, v34;
	v61 =	vmul.f32 s9, v7;
	s12 =	smul.f32 s13, s12  }
0xb8: {  	v31 =	vadd.f32 v31, v13;
	v40 =	vmul.f32 v60, v40;
	v60 =	vmul.f32 s9, v2;
	s30 =	spop (v2sf);
	s28 =	smul.f32 s29, s10  }
0xb9: {  	[tilespmem:s5+$0x1690] =	vst v47;
	v44 =	vadd.f32 v44, v15;
	v41 =	vmul.f32 v62, v41;
	v35 =	vmul.f32 v63, v35;
	s29 =	spop (v2sf);
	s13 =	smul.f32 $7.812500000e-03, s30  }
0xba: {  	[tilespmem:s5+$0x16A0] =	vst v38;
	v49 =	vadd.f32 v49, v8;
	v50 =	vmul.f32 v60, v50;
	v60 =	vmul.f32 s9, v6;
	s9 =	smul.f32 $7.812500000e-03, s29  }
0xbb: {  	[tilespmem:s5+$0x16B0] =	vst v32;
	v26 =	vmul.f32 v61, v26;
	v38 =	vadd.f32 v48, v9;
	v32 =	vadd.f32 v34, v11;
	s30 =	ssub.f32 $1.500000000e+00, s28;
	s29 =	smul.f32 s13, s13  }
0xbc: {  	[tilespmem:s5+$0x16C0] =	vst v33;
	v34 =	vadd.f32 v41, v12;
	v58 =	vadd.f32 v35, v13  }
0xbd: {  	[tilespmem:s5+$0x16D0] =	vst v25;
	v26 =	vadd.f32 v26, v15;
	v23 =	vmul.f32 v60, v23;
	v62 =	vmul.f32 s12, v0;
	s14 =	smul.f32 s20, s30;
	s9 =	ssub.f32 s9, s29  }
0xbe: {  	[tilespmem:s5+$0x16E0] =	vst v31;
	v48 =	vadd.f32 v50, v10;
	v63 =	vmul.f32 s12, v1;
	v50 =	vmul.f32 s12, v2  }
0xbf: {  	[tilespmem:s5+$0x1700] =	vst v44;
	v40 =	vadd.f32 v40, v14;
	v57 =	vmul.f32 s12, v3;
	v60 =	vmul.f32 s12, v4;
	s20 =	smul.f32 s14, s14;
	s9 =	sadd.f32 $9.999999960e-13, s9  }
0xc0: {  	[tilespmem:s5+$0x1710] =	vst v49;
	v23 =	vadd.f32 v23, v14;
	v61 =	vmul.f32 s12, v5;
	v41 =	vmul.f32 v62, v45  }
0xc1: {  	[tilespmem:s5+$0x1720] =	vst v38;
	v17 =	vmul.f32 v63, v17;
	v21 =	vmul.f32 v50, v21;
	v45 =	vmov s11;
	s10 =	smul.f32 s20, s10;
	s30 =	sshrl.u32 s9, $0x1  }
0xc2: {  	[tilespmem:s5+$0x1740] =	vst v32;
	v59 =	vmul.f32 v57, v29;
	v62 =	vmul.f32 s12, v6;
	v30 =	vsub.f32 v30, v45;
	s9 =	smul.f32 $5.000000000e-01, s9;
	s20 =	ssub.s32 $0x5F3759DF, s30  }
0xc3: {  	[tilespmem:s5+$0x1730] =	vst v48;
	v63 =	vmul.f32 s12, v7;
	v48 =	vsub.f32 v24, v45;
	v22 =	vsub.f32 v22, v45;
	s28 =	smul.f32 s20, s20  }
0xc4: {  	[tilespmem:s5+$0x1750] =	vst v34;
	v18 =	vmul.f32 v60, v18;
	v57 =	vsub.f32 v27, v45;
	v34 =	vsub.f32 v28, v45  }
0xc5: {  	[tilespmem:s5+$0x1760] =	vst v58;
	v19 =	vmul.f32 v61, v19;
	v44 =	vadd.f32 v41, v8;
	v17 =	vadd.f32 v17, v9;
	s12 =	smul.f32 s28, s9  }
0xc6: {  	[tilespmem:s5+$0x1780] =	vst v26;
	v38 =	vmov s13;
	v21 =	vadd.f32 v21, v10;
	v25 =	vadd.f32 v59, v11;
	s10 =	ssub.f32 $1.500000000e+00, s10  }
0xc7: {  	[tilespmem:s5+$0x16F0] =	vst v40;
	v18 =	vadd.f32 v18, v12;
	v19 =	vadd.f32 v19, v13;
	v16 =	vmul.f32 v63, v16;
	s29 =	ssub.f32 $1.500000000e+00, s12  }
0xc8: {  	[tilespmem:s5+$0x1770] =	vst v23;
	v20 =	vmul.f32 v62, v20;
	v59 =	vsub.f32 v36, v45;
	v62 =	vsub.f32 v42, v45;
	s10 =	smul.f32 s10, s14  }
0xc9: {  	v41 =	vsub.f32 v37, v38;
	[tilespmem:s5+$0x1790] =	vst v44;
	v16 =	vadd.f32 v16, v15;
	s11 =	smul.f32 s20, s29  }
0xca: {  	v51 =	vsub.f32 v51, v38;
	v20 =	vadd.f32 v20, v14;
	[tilespmem:s5+$0x17A0] =	vst v17;
	v47 =	vmul.f32 s10, v0  }
0xcb: {  	[tilespmem:s5+$0x1800] =	vst v16;
	v16 =	vsub.f32 v39, v45;
	v49 =	vmul.f32 s10, v1;
	v56 =	vmul.f32 s10, v2;
	s30 =	smul.f32 s11, s11  }
0xcc: {  	[tilespmem:s5+$0x17B0] =	vst v21;
	v39 =	vsub.f32 v43, v38;
	v58 =	vmul.f32 s10, v3;
	v60 =	vmul.f32 s10, v4  }
0xcd: {  	[tilespmem:s5+$0x17C0] =	vst v25;
	v43 =	vsub.f32 v46, v38;
	v63 =	vmul.f32 s10, v5;
	v50 =	vmul.f32 v47, v30;
	s9 =	smul.f32 s30, s9  }
0xce: {  	[tilespmem:s5+$0x17D0] =	vst v18;
	v46 =	vsub.f32 v52, v38;
	v35 =	vmul.f32 s10, v6;
	v23 =	vmul.f32 v49, v48  }
0xcf: {  	[tilespmem:s5+$0x17E0] =	vst v19;
	v36 =	vmul.f32 s10, v7;
	v17 =	vmul.f32 v56, v22;
	v29 =	vadd.f32 v50, v8;
	s9 =	ssub.f32 $1.500000000e+00, s9  }
0xd0: {  	[tilespmem:s5+$0x17F0] =	vst v20;
	v61 =	vmul.f32 v58, v57;
	v22 =	vmul.f32 v60, v59;
	v23 =	vadd.f32 v23, v9  }
0xd1: {  	v30 =	vmul.f32 v63, v62;
	v20 =	vmul.f32 v35, v34;
	v17 =	vadd.f32 v17, v10;
	[tilespmem:s5+$0x1810] =	vst v29;
	s9 =	smul.f32 s9, s11  }
0xd2: {  	v16 =	vmul.f32 v36, v16;
	v56 =	vsub.f32 v53, v38;
	v31 =	vadd.f32 v61, v11;
	[tilespmem:s5+$0x1820] =	vst v23  }
0xd3: {  	v58 =	vsub.f32 v54, v38;
	v33 =	vadd.f32 v22, v12;
	[tilespmem:s5+$0x1830] =	vst v17;
	v40 =	vmul.f32 s9, v0  }
0xd4: {  	v60 =	vsub.f32 v55, v38;
	v18 =	vadd.f32 v30, v13;
	[tilespmem:s5+$0x1840] =	vst v31;
	v42 =	vmul.f32 s9, v1  }
0xd5: {  	v20 =	vadd.f32 v20, v14;
	[tilespmem:s5+$0x1850] =	vst v33;
	v47 =	vmul.f32 s9, v3;
	v17 =	vmul.f32 v40, v39  }
0xd6: {  	v16 =	vadd.f32 v16, v15;
	[tilespmem:s5+$0x1860] =	vst v18;
	v44 =	vmul.f32 s9, v2;
	v45 =	vmul.f32 v42, v41  }
0xd7: {  	[tilespmem:s5+$0x1870] =	vst v20;
	v57 =	vmul.f32 s9, v5;
	v49 =	vmul.f32 v47, v46;
	v17 =	vadd.f32 v17, v8  }
0xd8: {  	[tilespmem:s5+$0x1880] =	vst v16;
	v52 =	vmul.f32 s9, v4;
	v48 =	vmul.f32 v44, v43;
	v19 =	vadd.f32 v45, v9  }
0xd9: {  	v61 =	vmul.f32 s9, v7;
	v18 =	vmul.f32 v57, v56;
	v16 =	vadd.f32 v49, v11;
	[tilespmem:s5+$0x1890] =	vst v17  }
0xda: {  	v59 =	vmul.f32 s9, v6;
	v50 =	vadd.f32 v48, v10;
	v17 =	vmul.f32 v52, v51;
	[tilespmem:s5+$0x18A0] =	vst v19  }
0xdb: {  	p1 =	sne.s32 s3, $0x18FC0;
	v63 =	vmul.f32 v61, v60;
	[tilespmem:s5+$0x18C0] =	vst v16;
	v16 =	vadd.f32 v18, v13  }
.Ltmp0:
0xdc: {  	v62 =	vmul.f32 v59, v58;
	[tilespmem:s5+$0x18B0] =	vst v50;
	v17 =	vadd.f32 v17, v12;
	(pc) =	sbr.rel @p1 .LBB2_3-.Ltmp0, $4  }
0xdd: {  	[tilespmem:s5+$0x18E0] =	vst v16;
	v16 =	vadd.f32 v63, v15  }
0xde: {  	[tilespmem:s5+$0x18D0] =	vst v17;
	v17 =	vadd.f32 v62, v14  }
0xdf: {  	[tilespmem:s5+$0x1900] =	vst v16  }
0xe0: {  	s3 =	sadd.s32 $0xA00, s3;
	[tilespmem:s5+$0x18F0] =	vst v17  }
0xe1: {  	s0 =	sadd.s32 s7, s0  }
0xe2: {  	s0 =	sshll.u32 s0, $0x4  }
0xe3: {  	s29 =	sadd.s32 $0x2, s2;
	s3 =	simm.s32 @!p0 $0x6;
	s0 =	sadd.s32 s6, s0  }
0xe4: {  	[hbm4b:s0+s8] =	stream.linear.scatter [tilespmem:s16], [sflag:$0x4], $0x6400, $0x38;
	[tilespmem:$0x1AA00] =	vst v63  }
0xe5: {  	s0 =	sand.u32 $0x1F, s29;
	_ =	swait.ge @!p0 [sflag:s3], $0x6400  }
0xe6: {  	s0 =	smul.u32 $0xC8, s0;
	[sflag:s3] =	ssyncset.done @!p0 $0x0  }
0xe7: {  	[sflag:s3] =	ssyncadd.s32 @!p0 $0xFFFF9C00  }
0xe8: {  	[tilespmem:s22], [sflag:$0x3] =	stream.indirect.gather [hbm4b:s1+s15], $0x80, s0, s15, $0xb8;
	[tilespmem:$0x1AA00] =	vst v63  }
0xe9: {  	s30 =	sadd.s32 $0x68, s0  }
0xea: {  	[tilespmem:s23], [sflag:$0x3] =	stream.indirect.gather [hbm4b:s1+s17], $0x80, s30, s17, $0xb8;
	[tilespmem:$0x1AA00] =	vst v63  }
0xeb: {  	_ =	swait.ge [sflag:s24], $0x3400  }
0xec: {  	[sflag:s24] =	ssyncset.done $0x0  }
0xed: {  	[sflag:s24] =	ssyncadd.s32 $0xFFFFCC00  }
0xee: {  	_ =	swait.ge [sflag:s24], $0x3000  }
0xef: {  	[sflag:s24] =	ssyncset.done $0x0  }
0xf0: {  	s3 =	simm.s32 $0x9C0;
	[sflag:s24] =	ssyncadd.s32 $0xFFFFD000  }
.LBB2_5:
0xf1: {  	s5 =	sshra.s32 s3, $0x2  }
0xf2: {  	v16 =	vld [tilespmem:s5+$0x7A90]  }
0xf3: {  	v17 =	vld [tilespmem:s5+$0x14290]  }
0xf4: {  	v18 =	vld [tilespmem:s5+$0x7AA0]  }
0xf5: {  	v19 =	vld [tilespmem:s5+$0x142A0]  }
0xf6: {  	v20 =	vld [tilespmem:s5+$0x7AB0]  }
0xf7: {  	v21 =	vld [tilespmem:s5+$0x142B0]  }
0xf8: {  	v22 =	vld [tilespmem:s5+$0x7AC0]  }
0xf9: {  	v23 =	vld [tilespmem:s5+$0x142C0]  }
0xfa: {  	v24 =	vld [tilespmem:s5+$0x7AD0]  }
0xfb: {  	v46 =	vld [tilespmem:s5+$0x142E0]  }
0xfc: {  	v50 =	vld [tilespmem:s5+$0x7AF0]  }
0xfd: {  	v51 =	vld [tilespmem:s5+$0x142F0]  }
0xfe: {  	v53 =	vld [tilespmem:s5+$0x7B00]  }
0xff: {  	v56 =	vld [tilespmem:s5+$0x7B10]  }
0x100: {  	v58 =	vld [tilespmem:s5+$0x14310]  }
0x101: {  	v60 =	vld [tilespmem:s5+$0x7B20];
	v47 =	vadd.f32 v17, v16;
	v38 =	vadd.f32 v19, v18  }
0x102: {  	v16 =	vld [tilespmem:s5+$0x142D0]  }
0x103: {  	v62 =	vld [tilespmem:s5+$0x14320];
	v32 =	vadd.f32 v21, v20;
	v48 =	vmul.f32 v47, v47;
	v49 =	vmul.f32 v38, v38  }
0x104: {  	v17 =	vld [tilespmem:s5+$0x7AE0];
	v25 =	vadd.f32 v38, v47  }
0x105: {  	v63 =	vld [tilespmem:s5+$0x7B30];
	v33 =	vadd.f32 v23, v22;
	v52 =	vmul.f32 v32, v32;
	v19 =	vadd.f32 v49, v48  }
0x106: {  	v34 =	vld [tilespmem:s5+$0x14330];
	v26 =	vadd.f32 v32, v25  }
0x107: {  	v35 =	vld [tilespmem:s5+$0x7B40];
	v54 =	vmul.f32 v33, v33;
	v25 =	vadd.f32 v16, v24;
	v19 =	vadd.f32 v52, v19  }
0x108: {  	v16 =	vld [tilespmem:s5+$0x14300];
	v55 =	vadd.f32 v33, v26  }
0x109: {  	v27 =	vld [tilespmem:s5+$0x14340];
	v31 =	vadd.f32 v46, v17;
	v57 =	vmul.f32 v25, v25;
	v17 =	vadd.f32 v54, v19  }
0x10a: {  	v28 =	vld [tilespmem:s5+$0x7B50];
	v59 =	vadd.f32 v25, v55  }
0x10b: {  	v36 =	vld [tilespmem:s5+$0x7B60];
	v40 =	vadd.f32 v51, v50;
	v61 =	vmul.f32 v31, v31;
	v17 =	vadd.f32 v57, v17  }
0x10c: {  	v37 =	vld [tilespmem:s5+$0x14360];
	v20 =	vadd.f32 v31, v59  }
0x10d: {  	v29 =	vld [tilespmem:s5+$0x7BB0];
	v44 =	vadd.f32 v16, v53;
	v16 =	vadd.f32 v61, v17;
	v17 =	vmul.f32 v40, v40  }
0x10e: {  	v42 =	vld [tilespmem:s5+$0x143C0];
	v50 =	vadd.f32 v34, v63  }
0x10f: {  	v51 =	vld [tilespmem:s5+$0x7B80];
	v20 =	vadd.f32 v40, v20;
	v16 =	vadd.f32 v17, v16;
	v17 =	vmul.f32 v44, v44  }
0x110: {  	v63 =	vld [tilespmem:s5+$0x7BC0];
	v49 =	vadd.f32 v58, v56;
	v48 =	vadd.f32 v62, v60  }
0x111: {  	v20 =	vadd.f32 v44, v20;
	v16 =	vadd.f32 v17, v16;
	v17 =	vld [tilespmem:s5+$0x14350]  }
0x112: {  	v60 =	vld [tilespmem:s5+$0x143B0];
	v45 =	vadd.f32 v48, v49  }
0x113: {  	v46 =	vld [tilespmem:s5+$0x14370];
	(xrf2) =	vadd.scan.msk.f32 $0xffff, v20  }
0x114: {  	v34 =	vadd.f32 v27, v35;
	v18 =	vadd.f32 v50, v45;
	(xrf2) =	vadd.scan.msk.f32 $0xffff, v16;
	v16 =	vld [tilespmem:s5+$0x7B70]  }
0x115: {  	v52 =	vld [tilespmem:s5+$0x14380]  }
0x116: {  	v54 =	vld [tilespmem:s5+$0x14390];
	v41 =	vadd.f32 v17, v28;
	v17 =	vadd.f32 v34, v18  }
0x117: {  	v56 =	vmul.f32 v48, v48;
	v55 =	vmul.f32 v49, v49;
	v53 =	vld [tilespmem:s5+$0x7B90]  }
0x118: {  	v35 =	vadd.f32 v37, v36;
	v57 =	vld [tilespmem:s5+$0x7BA0];
	v17 =	vadd.f32 v41, v17  }
0x119: {  	v59 =	vmul.f32 v50, v50;
	v20 =	vadd.f32 v56, v55;
	v23 =	vadd.f32 v46, v16;
	v16 =	vld [tilespmem:s5+$0x143A0]  }
0x11a: {  	v21 =	vadd.f32 v60, v29;
	v17 =	vadd.f32 v35, v17  }
0x11b: {  	v62 =	vmul.f32 v34, v34;
	v29 =	vadd.f32 v42, v63;
	v20 =	vadd.f32 v59, v20  }
0x11c: {  	v36 =	vld [tilespmem:s5+$0x7BD0];
	v26 =	vadd.f32 v52, v51;
	v17 =	vadd.f32 v23, v17  }
0x11d: {  	v24 =	vld [tilespmem:s5+$0x7C10];
	v45 =	vadd.f32 v54, v53;
	v20 =	vadd.f32 v62, v20;
	v43 =	vmul.f32 v41, v41  }
0x11e: {  	v63 =	vld [tilespmem:s5+$0x7C20];
	v30 =	vadd.f32 v26, v17;
	v17 =	vadd.f32 v16, v57  }
0x11f: {  	v52 =	vmul.f32 v35, v35;
	v51 =	vadd.f32 v43, v20;
	v58, _, _ =	vpop (xrf2);
	v16 =	vld [tilespmem:s5+$0x143D0]  }
0x120: {  	v53 =	vld [tilespmem:s5+$0x7BE0];
	v37 =	vmul.f32 v45, v45;
	(v2sf) =	vpush v58, $0xF;
	v39 =	vmul.f32 v17, v17  }
0x121: {  	v54 =	vld [tilespmem:s5+$0x143E0];
	v55 =	vmul.f32 v23, v23;
	v18 =	vadd.f32 v52, v51;
	v61, _, _ =	vpop (xrf2);
	v27 =	vadd.f32 v17, v45  }
0x122: {  	v56 =	vld [tilespmem:s5+$0x7BF0];
	v58 =	vmul.f32 v21, v21;
	(v2sf) =	vpush v61, $0xF;
	v37 =	vadd.f32 v39, v37  }
0x123: {  	v42 =	vmul.f32 v26, v26;
	v57 =	vld [tilespmem:s5+$0x143F0];
	v19 =	vadd.f32 v55, v18;
	v27 =	vadd.f32 v21, v27  }
0x124: {  	v60 =	vmul.f32 v29, v29;
	v59 =	vld [tilespmem:s5+$0x14400];
	v18 =	vadd.f32 v16, v36;
	v37 =	vadd.f32 v58, v37  }
0x125: {  	v42 =	vadd.f32 v42, v19;
	v16 =	vld [tilespmem:s5+$0x7C00];
	v27 =	vadd.f32 v29, v27  }
0x126: {  	v51 =	vld [tilespmem:s5+$0x7C50];
	v19 =	vadd.f32 v54, v53;
	(xrf2) =	vadd.scan.msk.f32 $0xffff, v30;
	v62 =	vmul.f32 v18, v18;
	v61 =	vadd.f32 v60, v37  }
0x127: {  	v52 =	vld [tilespmem:s5+$0x14450];
	v27 =	vadd.f32 v18, v27  }
0x128: {  	v39 =	vld [tilespmem:s5+$0x14410];
	(xrf2) =	vadd.scan.msk.f32 $0xffff, v42;
	v20 =	vadd.f32 v57, v56;
	v56 =	vmul.f32 v19, v19;
	v55 =	vadd.f32 v62, v61  }
0x129: {  	v57 =	vld [tilespmem:s5+$0x14420];
	v27 =	vadd.f32 v19, v27  }
0x12a: {  	v58 =	vld [tilespmem:s5+$0x7C30];
	v16 =	vadd.f32 v59, v16;
	v59 =	vmul.f32 v20, v20;
	v28 =	vadd.f32 v56, v55  }
0x12b: {  	v60 =	vld [tilespmem:s5+$0x14430];
	v27 =	vadd.f32 v20, v27  }
0x12c: {  	v46 =	vld [tilespmem:s5+$0x14440];
	v61 =	vmul.f32 v16, v16;
	v28 =	vadd.f32 v59, v28  }
0x12d: {  	v43 =	vld [tilespmem:s5+$0x7C40];
	v30 =	vadd.f32 v39, v24;
	v27 =	vadd.f32 v16, v27  }
0x12e: {  	v53 =	vld [tilespmem:s5+$0x7C60];
	v24 =	vadd.f32 v57, v63;
	v28 =	vadd.f32 v61, v28  }
0x12f: {  	v36 =	vadd.f32 v52, v51;
	v51 =	vld [tilespmem:s5+$0x7C90];
	(xrf2) =	vadd.scan.msk.f32 $0xffff, v27  }
0x130: {  	v37 =	vld [tilespmem:s5+$0x7C70];
	v62, _, _ =	vpop (xrf2);
	v22 =	vadd.f32 v60, v58;
	v58 =	vadd.f32 v24, v30;
	(xrf2) =	vadd.scan.msk.f32 $0xffff, v28  }
0x131: {  	v63 =	vld [tilespmem:s5+$0x14460];
	v54 =	vmul.f32 v24, v24;
	(v2sf) =	vpush v62, $0xF;
	v59 =	vmul.f32 v30, v30  }
0x132: {  	v39 =	vld [tilespmem:s5+$0x14470];
	v57, _, _ =	vpop (xrf2);
	v55 =	vadd.f32 v22, v58;
	v27 =	vadd.f32 v46, v43  }
0x133: {  	(v2sf) =	vpush v57, $0xF;
	v60 =	vmul.f32 v22, v22;
	v43 =	vld [tilespmem:s5+$0x7C80];
	v42 =	vadd.f32 v54, v59  }
0x134: {  	s9 =	spop (v2sf);
	v46 =	vld [tilespmem:s5+$0x14480];
	v61 =	vadd.f32 v27, v55  }
0x135: {  	v56 =	vld [tilespmem:s5+$0x14490];
	s11 =	smul.f32 $7.812500000e-03, s9;
	s10 =	spop (v2sf);
	v54 =	vadd.f32 v60, v42;
	v62 =	vmul.f32 v27, v27  }
0x136: {  	v57 =	vld [tilespmem:s5+$0x144A0];
	s13 =	smul.f32 $7.812500000e-03, s10;
	v42 =	vadd.f32 v63, v53;
	v52 =	vadd.f32 v36, v61  }
0x137: {  	s14 =	smul.f32 s11, s11;
	v53 =	vld [tilespmem:s5+$0x7CA0];
	v60 =	vmul.f32 v36, v36;
	v54 =	vadd.f32 v62, v54  }
0x138: {  	v58 =	vld [tilespmem:s5+$0x7CB0];
	v28 =	vadd.f32 v39, v37;
	v52 =	vadd.f32 v42, v52  }
0x139: {  	v59 =	vld [tilespmem:s5+$0x144B0];
	s9 =	ssub.f32 s13, s14;
	v55 =	vmul.f32 v42, v42;
	v39 =	vadd.f32 v46, v43;
	v54 =	vadd.f32 v60, v54;
	v63, _, _ =	vpop (xrf2)  }
0x13a: {  	v60 =	vld [tilespmem:s5+$0x7CC0];
	v62 =	vadd.f32 v28, v52;
	(v2sf) =	vpush v63, $0xF;
	v61, _, _ =	vpop (xrf2)  }
0x13b: {  	s9 =	sadd.f32 $9.999999960e-13, s9;
	v63 =	vadd.f32 v55, v54;
	v55 =	vld [tilespmem:s5+$0x144C0];
	(v2sf) =	vpush v61, $0xF;
	v61 =	vmul.f32 v28, v28  }
0x13c: {  	v43 =	vadd.f32 v56, v51;
	v51 =	vld [tilespmem:s5+$0x7CD0];
	v37 =	vadd.f32 v57, v53  }
0x13d: {  	v56 =	vld [tilespmem:s5+$0x144D0];
	s20 =	sshrl.u32 s9, $0x1;
	v53 =	vadd.f32 v39, v62;
	v62 =	vmul.f32 v39, v39;
	v52 =	vadd.f32 v61, v63  }
0x13e: {  	v46 =	vadd.f32 v59, v58;
	s9 =	smul.f32 $5.000000000e-01, s9;
	s10 =	ssub.s32 $0x5F3759DF, s20;
	v57 =	vld [tilespmem:s5+$0x7CE0]  }
0x13f: {  	v58 =	vmul.f32 v43, v43;
	s12 =	smul.f32 s10, s10;
	v59 =	vmul.f32 v37, v37;
	v61 =	vld [tilespmem:s5+$0x144E0];
	v54 =	vadd.f32 v62, v52  }
0x140: {  	(xrf2) =	vadd.scan.msk.f32 $0xffff, v53;
	v62 =	vadd.f32 v37, v43;
	v52 =	vadd.f32 v55, v60;
	v55 =	vld [tilespmem:s5+$0x7CF0]  }
0x141: {  	s12 =	smul.f32 s12, s9;
	s13 =	spop (v2sf);
	v63 =	vadd.f32 v59, v58;
	v60 =	vmul.f32 v46, v46;
	(xrf2) =	vadd.scan.msk.f32 $0xffff, v54;
	v54 =	vld [tilespmem:s5+$0x144F0]  }
0x142: {  	s13 =	smul.f32 $7.812500000e-03, s13;
	s14 =	spop (v2sf);
	v59 =	vadd.f32 v46, v62  }
0x143: {  	v51 =	vadd.f32 v56, v51;
	v56 =	vld [tilespmem:s5+$0x7D00];
	s14 =	smul.f32 $7.812500000e-03, s14;
	v58 =	vadd.f32 v60, v63;
	v60 =	vmul.f32 v52, v52  }
0x144: {  	s20 =	smul.f32 s13, s13;
	v62 =	vld [tilespmem:s5+$0x14500];
	v59 =	vadd.f32 v52, v59  }
0x145: {  	s12 =	ssub.f32 $1.500000000e+00, s12;
	v53 =	vadd.f32 v61, v57;
	v63 =	vadd.f32 v60, v58;
	v60 =	vmul.f32 v51, v51  }
0x146: {  	s14 =	ssub.f32 s14, s20;
	v59 =	vadd.f32 v51, v59;
	v54 =	vadd.f32 v54, v55  }
0x147: {  	v61 =	vmul.f32 v53, v53;
	v57 =	vadd.f32 v60, v63  }
0x148: {  	s10 =	smul.f32 s10, s12;
	s28 =	sadd.f32 $9.999999960e-13, s14;
	v59 =	vadd.f32 v53, v59;
	v60 =	vmul.f32 v54, v54  }
0x149: {  	v55 =	vadd.f32 v62, v56;
	v63 =	vadd.f32 v61, v57  }
0x14a: {  	s30 =	smul.f32 s10, s10;
	s29 =	sshrl.u32 s28, $0x1;
	v61 =	vadd.f32 v54, v59  }
0x14b: {  	s12 =	smul.f32 $5.000000000e-01, s28;
	s20 =	ssub.s32 $0x5F3759DF, s29;
	v62, _, _ =	vpop (xrf2);
	v56 =	vadd.f32 v60, v63;
	v63 =	vmul.f32 v55, v55  }
0x14c: {  	s28 =	smul.f32 s20, s20;
	(v2sf) =	vpush v62, $0xF;
	v58 =	vadd.f32 v55, v61;
	v60, _, _ =	vpop (xrf2)  }
0x14d: {  	s9 =	smul.f32 s30, s9;
	v56 =	vadd.f32 v63, v56;
	(v2sf) =	vpush v60, $0xF  }
0x14e: {  	s28 =	smul.f32 s28, s12;
	s30 =	spop (v2sf);
	(xrf2) =	vadd.scan.msk.f32 $0xffff, v58  }
0x14f: {  	s14 =	smul.f32 $7.812500000e-03, s30;
	s29 =	spop (v2sf);
	(xrf2) =	vadd.scan.msk.f32 $0xffff, v56  }
0x150: {  	s28 =	ssub.f32 $1.500000000e+00, s28;
	s29 =	smul.f32 $7.812500000e-03, s29  }
0x151: {  	s30 =	smul.f32 s14, s14  }
0x152: {  	s9 =	ssub.f32 $1.500000000e+00, s9;
	s20 =	smul.f32 s20, s28;
	v56 =	vmov s11  }
0x153: {  	s30 =	ssub.f32 s29, s30;
	v47 =	vsub.f32 v47, v56;
	v38 =	vsub.f32 v38, v56  }
0x154: {  	s28 =	smul.f32 s20, s20;
	v32 =	vsub.f32 v32, v56;
	v33 =	vsub.f32 v33, v56  }
0x155: {  	s10 =	smul.f32 s9, s10;
	s9 =	sadd.f32 $9.999999960e-13, s30;
	v25 =	vsub.f32 v25, v56;
	v31 =	vsub.f32 v31, v56  }
0x156: {  	s28 =	smul.f32 s28, s12;
	v40 =	vsub.f32 v40, v56;
	v44 =	vsub.f32 v44, v56;
	v56 =	vmov s13  }
0x157: {  	v49 =	vsub.f32 v49, v56;
	s29 =	sshrl.u32 s9, $0x1  }
0x158: {  	v62 =	vmul.f32 s10, v1;
	v48 =	vsub.f32 v48, v56;
	v50 =	vsub.f32 v50, v56;
	s11 =	ssub.f32 $1.500000000e+00, s28;
	s28 =	smul.f32 $5.000000000e-01, s9;
	s12 =	ssub.s32 $0x5F3759DF, s29;
	v58, _, _ =	vpop (xrf2)  }
0x159: {  	v61 =	vmul.f32 s10, v0;
	v34 =	vsub.f32 v34, v56;
	s30 =	smul.f32 s12, s12;
	(v2sf) =	vpush v58, $0xF;
	v60, _, _ =	vpop (xrf2)  }
0x15a: {  	v63 =	vmul.f32 s10, v2;
	v41 =	vsub.f32 v41, v56;
	s9 =	smul.f32 s11, s20;
	(v2sf) =	vpush v60, $0xF  }
0x15b: {  	v35 =	vsub.f32 v35, v56;
	v23 =	vsub.f32 v23, v56;
	v47 =	vmul.f32 v61, v47;
	s20 =	smul.f32 s30, s28;
	s11 =	spop (v2sf)  }
0x15c: {  	v26 =	vsub.f32 v26, v56;
	v61 =	vmul.f32 s10, v3;
	v38 =	vmul.f32 v62, v38;
	s11 =	smul.f32 $7.812500000e-03, s11;
	s30 =	spop (v2sf)  }
0x15d: {  	v56 =	vmov s14;
	v32 =	vmul.f32 v63, v32;
	v62 =	vmul.f32 s10, v4;
	s20 =	ssub.f32 $1.500000000e+00, s20;
	s29 =	smul.f32 $7.812500000e-03, s30  }
0x15e: {  	v63 =	vmul.f32 s10, v5;
	v45 =	vsub.f32 v45, v56;
	v17 =	vsub.f32 v17, v56;
	s30 =	smul.f32 s11, s11  }
0x15f: {  	v21 =	vsub.f32 v21, v56;
	v29 =	vsub.f32 v29, v56;
	v33 =	vmul.f32 v61, v33;
	s12 =	smul.f32 s12, s20  }
0x160: {  	v18 =	vsub.f32 v18, v56;
	v61 =	vmul.f32 s10, v7;
	v60 =	vmul.f32 s10, v6;
	s10 =	ssub.f32 s29, s30  }
0x161: {  	v19 =	vsub.f32 v19, v56;
	v20 =	vsub.f32 v20, v56;
	s20 =	smul.f32 s12, s12  }
0x162: {  	v16 =	vsub.f32 v16, v56;
	v25 =	vmul.f32 v62, v25;
	v31 =	vmul.f32 v63, v31;
	s10 =	sadd.f32 $9.999999960e-13, s10  }
0x163: {  	v47 =	vadd.f32 v47, v8;
	v62 =	vmul.f32 s9, v0;
	v63 =	vmul.f32 s9, v1;
	s13 =	smul.f32 s20, s28  }
0x164: {  	v38 =	vadd.f32 v38, v9;
	v44 =	vmul.f32 v61, v44;
	v61 =	vmul.f32 s9, v3;
	s28 =	sshrl.u32 s10, $0x1  }
0x165: {  	v32 =	vadd.f32 v32, v10;
	v49 =	vmul.f32 v62, v49;
	v48 =	vmul.f32 v63, v48;
	s13 =	ssub.f32 $1.500000000e+00, s13;
	s10 =	smul.f32 $5.000000000e-01, s10;
	s20 =	ssub.s32 $0x5F3759DF, s28  }
0x166: {  	v33 =	vadd.f32 v33, v11;
	v62 =	vmul.f32 s9, v4;
	v63 =	vmul.f32 s9, v5;
	s29 =	smul.f32 s20, s20  }
0x167: {  	v25 =	vadd.f32 v25, v12;
	v34 =	vmul.f32 v61, v34;
	v61 =	vmul.f32 s9, v7;
	s12 =	smul.f32 s13, s12  }
0x168: {  	v31 =	vadd.f32 v31, v13;
	v40 =	vmul.f32 v60, v40;
	v60 =	vmul.f32 s9, v2;
	s30 =	spop (v2sf);
	s28 =	smul.f32 s29, s10  }
0x169: {  	[tilespmem:s5+$0x7A90] =	vst v47;
	v44 =	vadd.f32 v44, v15;
	v41 =	vmul.f32 v62, v41;
	v35 =	vmul.f32 v63, v35;
	s29 =	spop (v2sf);
	s13 =	smul.f32 $7.812500000e-03, s30  }
0x16a: {  	[tilespmem:s5+$0x7AA0] =	vst v38;
	v49 =	vadd.f32 v49, v8;
	v50 =	vmul.f32 v60, v50;
	v60 =	vmul.f32 s9, v6;
	s9 =	smul.f32 $7.812500000e-03, s29  }
0x16b: {  	[tilespmem:s5+$0x7AB0] =	vst v32;
	v26 =	vmul.f32 v61, v26;
	v38 =	vadd.f32 v48, v9;
	v32 =	vadd.f32 v34, v11;
	s30 =	ssub.f32 $1.500000000e+00, s28;
	s29 =	smul.f32 s13, s13  }
0x16c: {  	[tilespmem:s5+$0x7AC0] =	vst v33;
	v34 =	vadd.f32 v41, v12;
	v58 =	vadd.f32 v35, v13  }
0x16d: {  	[tilespmem:s5+$0x7AD0] =	vst v25;
	v26 =	vadd.f32 v26, v15;
	v23 =	vmul.f32 v60, v23;
	v62 =	vmul.f32 s12, v0;
	s14 =	smul.f32 s20, s30;
	s9 =	ssub.f32 s9, s29  }
0x16e: {  	[tilespmem:s5+$0x7AE0] =	vst v31;
	v48 =	vadd.f32 v50, v10;
	v63 =	vmul.f32 s12, v1;
	v50 =	vmul.f32 s12, v2  }
0x16f: {  	[tilespmem:s5+$0x7B00] =	vst v44;
	v40 =	vadd.f32 v40, v14;
	v57 =	vmul.f32 s12, v3;
	v60 =	vmul.f32 s12, v4;
	s20 =	smul.f32 s14, s14;
	s9 =	sadd.f32 $9.999999960e-13, s9  }
0x170: {  	[tilespmem:s5+$0x7B10] =	vst v49;
	v23 =	vadd.f32 v23, v14;
	v61 =	vmul.f32 s12, v5;
	v41 =	vmul.f32 v62, v45  }
0x171: {  	[tilespmem:s5+$0x7B20] =	vst v38;
	v17 =	vmul.f32 v63, v17;
	v21 =	vmul.f32 v50, v21;
	v45 =	vmov s11;
	s10 =	smul.f32 s20, s10;
	s30 =	sshrl.u32 s9, $0x1  }
0x172: {  	[tilespmem:s5+$0x7B40] =	vst v32;
	v59 =	vmul.f32 v57, v29;
	v62 =	vmul.f32 s12, v6;
	v30 =	vsub.f32 v30, v45;
	s9 =	smul.f32 $5.000000000e-01, s9;
	s20 =	ssub.s32 $0x5F3759DF, s30  }
0x173: {  	[tilespmem:s5+$0x7B30] =	vst v48;
	v63 =	vmul.f32 s12, v7;
	v48 =	vsub.f32 v24, v45;
	v22 =	vsub.f32 v22, v45;
	s28 =	smul.f32 s20, s20  }
0x174: {  	[tilespmem:s5+$0x7B50] =	vst v34;
	v18 =	vmul.f32 v60, v18;
	v57 =	vsub.f32 v27, v45;
	v34 =	vsub.f32 v28, v45  }
0x175: {  	[tilespmem:s5+$0x7B60] =	vst v58;
	v19 =	vmul.f32 v61, v19;
	v44 =	vadd.f32 v41, v8;
	v17 =	vadd.f32 v17, v9;
	s12 =	smul.f32 s28, s9  }
0x176: {  	[tilespmem:s5+$0x7B80] =	vst v26;
	v21 =	vadd.f32 v21, v10;
	v25 =	vadd.f32 v59, v11;
	v16 =	vmul.f32 v63, v16;
	s10 =	ssub.f32 $1.500000000e+00, s10  }
0x177: {  	[tilespmem:s5+$0x7AF0] =	vst v40;
	v20 =	vmul.f32 v62, v20;
	v18 =	vadd.f32 v18, v12;
	v19 =	vadd.f32 v19, v13;
	s29 =	ssub.f32 $1.500000000e+00, s12  }
0x178: {  	[tilespmem:s5+$0x7B70] =	vst v23;
	v59 =	vsub.f32 v36, v45;
	v16 =	vadd.f32 v16, v15;
	s10 =	smul.f32 s10, s14  }
0x179: {  	v62 =	vsub.f32 v42, v45;
	v20 =	vadd.f32 v20, v14;
	[tilespmem:s5+$0x7B90] =	vst v44;
	v38 =	vmov s13;
	s11 =	smul.f32 s20, s29  }
0x17a: {  	[tilespmem:s5+$0x7C00] =	vst v16;
	v16 =	vsub.f32 v39, v45;
	v39 =	vsub.f32 v43, v38;
	v47 =	vmul.f32 s10, v0  }
0x17b: {  	[tilespmem:s5+$0x7BA0] =	vst v17;
	v41 =	vsub.f32 v37, v38;
	v49 =	vmul.f32 s10, v1;
	v56 =	vmul.f32 s10, v2;
	s30 =	smul.f32 s11, s11  }
0x17c: {  	[tilespmem:s5+$0x7BB0] =	vst v21;
	v43 =	vsub.f32 v46, v38;
	v58 =	vmul.f32 s10, v3;
	v60 =	vmul.f32 s10, v4  }
0x17d: {  	[tilespmem:s5+$0x7BC0] =	vst v25;
	v46 =	vsub.f32 v52, v38;
	v63 =	vmul.f32 s10, v5;
	v50 =	vmul.f32 v47, v30;
	s9 =	smul.f32 s30, s9  }
0x17e: {  	[tilespmem:s5+$0x7BD0] =	vst v18;
	v51 =	vsub.f32 v51, v38;
	v35 =	vmul.f32 s10, v6;
	v23 =	vmul.f32 v49, v48  }
0x17f: {  	[tilespmem:s5+$0x7BE0] =	vst v19;
	v36 =	vmul.f32 s10, v7;
	v17 =	vmul.f32 v56, v22;
	v29 =	vadd.f32 v50, v8;
	s9 =	ssub.f32 $1.500000000e+00, s9  }
0x180: {  	[tilespmem:s5+$0x7BF0] =	vst v20;
	v61 =	vmul.f32 v58, v57;
	v22 =	vmul.f32 v60, v59;
	v23 =	vadd.f32 v23, v9  }
0x181: {  	v30 =	vmul.f32 v63, v62;
	v20 =	vmul.f32 v35, v34;
	v17 =	vadd.f32 v17, v10;
	[tilespmem:s5+$0x7C10] =	vst v29;
	s9 =	smul.f32 s9, s11  }
0x182: {  	v16 =	vmul.f32 v36, v16;
	v56 =	vsub.f32 v53, v38;
	v31 =	vadd.f32 v61, v11;
	[tilespmem:s5+$0x7C20] =	vst v23  }
0x183: {  	v58 =	vsub.f32 v54, v38;
	v33 =	vadd.f32 v22, v12;
	[tilespmem:s5+$0x7C30] =	vst v17;
	v40 =	vmul.f32 s9, v0  }
0x184: {  	v60 =	vsub.f32 v55, v38;
	v18 =	vadd.f32 v30, v13;
	[tilespmem:s5+$0x7C40] =	vst v31;
	v42 =	vmul.f32 s9, v1  }
0x185: {  	v20 =	vadd.f32 v20, v14;
	[tilespmem:s5+$0x7C50] =	vst v33;
	v47 =	vmul.f32 s9, v3;
	v17 =	vmul.f32 v40, v39  }
0x186: {  	v16 =	vadd.f32 v16, v15;
	[tilespmem:s5+$0x7C60] =	vst v18;
	v44 =	vmul.f32 s9, v2;
	v45 =	vmul.f32 v42, v41  }
0x187: {  	[tilespmem:s5+$0x7C70] =	vst v20;
	v57 =	vmul.f32 s9, v5;
	v49 =	vmul.f32 v47, v46;
	v17 =	vadd.f32 v17, v8  }
0x188: {  	[tilespmem:s5+$0x7C80] =	vst v16;
	v52 =	vmul.f32 s9, v4;
	v48 =	vmul.f32 v44, v43;
	v19 =	vadd.f32 v45, v9  }
0x189: {  	v61 =	vmul.f32 s9, v7;
	v18 =	vmul.f32 v57, v56;
	v16 =	vadd.f32 v49, v11;
	[tilespmem:s5+$0x7C90] =	vst v17  }
0x18a: {  	v59 =	vmul.f32 s9, v6;
	v50 =	vadd.f32 v48, v10;
	v17 =	vmul.f32 v52, v51;
	[tilespmem:s5+$0x7CA0] =	vst v19  }
0x18b: {  	p0 =	sne.s32 s3, $0x18FC0;
	v63 =	vmul.f32 v61, v60;
	[tilespmem:s5+$0x7CC0] =	vst v16;
	v16 =	vadd.f32 v18, v13  }
.Ltmp1:
0x18c: {  	v62 =	vmul.f32 v59, v58;
	[tilespmem:s5+$0x7CB0] =	vst v50;
	v17 =	vadd.f32 v17, v12;
	(pc) =	sbr.rel @p0 .LBB2_5-.Ltmp1, $4  }
0x18d: {  	[tilespmem:s5+$0x7CE0] =	vst v16;
	v16 =	vadd.f32 v63, v15  }
0x18e: {  	[tilespmem:s5+$0x7CD0] =	vst v17;
	v17 =	vadd.f32 v62, v14  }
0x18f: {  	[tilespmem:s5+$0x7D00] =	vst v16  }
0x190: {  	s3 =	sadd.s32 $0xA00, s3;
	[tilespmem:s5+$0x7CF0] =	vst v17  }
0x191: {  	s3 =	sadd.s32 s7, s4  }
0x192: {  	s2 =	sadd.s32 $0x3, s2;
	s3 =	sshll.u32 s3, $0x4  }
0x193: {  	s2 =	sand.u32 $0x1F, s2;
	s3 =	sadd.s32 s6, s3  }
0x194: {  	[hbm4b:s3+s8] =	stream.linear.scatter [tilespmem:s19], [sflag:$0x5], $0x6400, $0x38;
	[tilespmem:$0x1AA00] =	vst v63  }
0x195: {  	s2 =	smul.u32 $0x320, s2;
	_ =	swait.ge [sflag:s25], $0x6400  }
0x196: {  	[sflag:s25] =	ssyncset.done $0x0  }
0x197: {  	s2 =	sshrl.u32 s2, $0x2;
	[sflag:s25] =	ssyncadd.s32 $0xFFFF9C00  }
0x198: {  	[tilespmem:s16], [sflag:$0x1] =	stream.indirect.gather [hbm4b:s1+s15], $0x80, s2, s15, $0xb8;
	[tilespmem:$0x1AA00] =	vst v63  }
0x199: {  	s2 =	sadd.s32 $0x68, s2  }
0x19a: {  	[tilespmem:s18], [sflag:$0x1] =	stream.indirect.gather [hbm4b:s1+s17], $0x80, s2, s17, $0xb8;
	[tilespmem:$0x1AA00] =	vst v63  }
0x19b: {  	_ =	swait.ge [sflag:s26], $0x3400  }
0x19c: {  	[sflag:s26] =	ssyncset.done $0x0  }
0x19d: {  	[sflag:s26] =	ssyncadd.s32 $0xFFFFCC00  }
0x19e: {  	_ =	swait.ge [sflag:s26], $0x3000  }
0x19f: {  	[sflag:s26] =	ssyncset.done $0x0  }
0x1a0: {  	s2 =	simm.s32 $0x9C0;
	[sflag:s26] =	ssyncadd.s32 $0xFFFFD000  }
.LBB2_7:
0x1a1: {  	s3 =	sshra.s32 s2, $0x2  }
0x1a2: {  	v16 =	vld [tilespmem:s3+$0xDE90]  }
0x1a3: {  	v17 =	vld [tilespmem:s3+$0x14290]  }
0x1a4: {  	v18 =	vld [tilespmem:s3+$0xDEA0]  }
0x1a5: {  	v19 =	vld [tilespmem:s3+$0x142A0]  }
0x1a6: {  	v20 =	vld [tilespmem:s3+$0xDEB0]  }
0x1a7: {  	v21 =	vld [tilespmem:s3+$0x142B0]  }
0x1a8: {  	v22 =	vld [tilespmem:s3+$0xDEC0]  }
0x1a9: {  	v23 =	vld [tilespmem:s3+$0x142C0]  }
0x1aa: {  	v24 =	vld [tilespmem:s3+$0xDED0]  }
0x1ab: {  	v46 =	vld [tilespmem:s3+$0x142E0]  }
0x1ac: {  	v50 =	vld [tilespmem:s3+$0xDEF0]  }
0x1ad: {  	v51 =	vld [tilespmem:s3+$0x142F0]  }
0x1ae: {  	v53 =	vld [tilespmem:s3+$0xDF00]  }
0x1af: {  	v56 =	vld [tilespmem:s3+$0xDF10]  }
0x1b0: {  	v58 =	vld [tilespmem:s3+$0x14310]  }
0x1b1: {  	v60 =	vld [tilespmem:s3+$0xDF20];
	v47 =	vadd.f32 v17, v16;
	v38 =	vadd.f32 v19, v18  }
0x1b2: {  	v16 =	vld [tilespmem:s3+$0x142D0]  }
0x1b3: {  	v62 =	vld [tilespmem:s3+$0x14320];
	v32 =	vadd.f32 v21, v20;
	v48 =	vmul.f32 v47, v47;
	v49 =	vmul.f32 v38, v38  }
0x1b4: {  	v17 =	vld [tilespmem:s3+$0xDEE0];
	v25 =	vadd.f32 v38, v47  }
0x1b5: {  	v63 =	vld [tilespmem:s3+$0xDF30];
	v33 =	vadd.f32 v23, v22;
	v52 =	vmul.f32 v32, v32;
	v19 =	vadd.f32 v49, v48  }
0x1b6: {  	v34 =	vld [tilespmem:s3+$0x14330];
	v26 =	vadd.f32 v32, v25  }
0x1b7: {  	v35 =	vld [tilespmem:s3+$0xDF40];
	v54 =	vmul.f32 v33, v33;
	v25 =	vadd.f32 v16, v24;
	v19 =	vadd.f32 v52, v19  }
0x1b8: {  	v16 =	vld [tilespmem:s3+$0x14300];
	v55 =	vadd.f32 v33, v26  }
0x1b9: {  	v27 =	vld [tilespmem:s3+$0x14340];
	v31 =	vadd.f32 v46, v17;
	v57 =	vmul.f32 v25, v25;
	v17 =	vadd.f32 v54, v19  }
0x1ba: {  	v28 =	vld [tilespmem:s3+$0xDF50];
	v59 =	vadd.f32 v25, v55  }
0x1bb: {  	v36 =	vld [tilespmem:s3+$0xDF60];
	v40 =	vadd.f32 v51, v50;
	v61 =	vmul.f32 v31, v31;
	v17 =	vadd.f32 v57, v17  }
0x1bc: {  	v37 =	vld [tilespmem:s3+$0x14360];
	v20 =	vadd.f32 v31, v59  }
0x1bd: {  	v29 =	vld [tilespmem:s3+$0xDFB0];
	v44 =	vadd.f32 v16, v53;
	v16 =	vadd.f32 v61, v17;
	v17 =	vmul.f32 v40, v40  }
0x1be: {  	v42 =	vld [tilespmem:s3+$0x143C0];
	v50 =	vadd.f32 v34, v63  }
0x1bf: {  	v51 =	vld [tilespmem:s3+$0xDF80];
	v20 =	vadd.f32 v40, v20;
	v16 =	vadd.f32 v17, v16;
	v17 =	vmul.f32 v44, v44  }
0x1c0: {  	v63 =	vld [tilespmem:s3+$0xDFC0];
	v49 =	vadd.f32 v58, v56;
	v48 =	vadd.f32 v62, v60  }
0x1c1: {  	v20 =	vadd.f32 v44, v20;
	v16 =	vadd.f32 v17, v16;
	v17 =	vld [tilespmem:s3+$0x14350]  }
0x1c2: {  	v60 =	vld [tilespmem:s3+$0x143B0];
	v45 =	vadd.f32 v48, v49  }
0x1c3: {  	v46 =	vld [tilespmem:s3+$0x14370];
	(xrf2) =	vadd.scan.msk.f32 $0xffff, v20  }
0x1c4: {  	v34 =	vadd.f32 v27, v35;
	v18 =	vadd.f32 v50, v45;
	(xrf2) =	vadd.scan.msk.f32 $0xffff, v16;
	v16 =	vld [tilespmem:s3+$0xDF70]  }
0x1c5: {  	v52 =	vld [tilespmem:s3+$0x14380]  }
0x1c6: {  	v54 =	vld [tilespmem:s3+$0x14390];
	v41 =	vadd.f32 v17, v28;
	v17 =	vadd.f32 v34, v18  }
0x1c7: {  	v56 =	vmul.f32 v48, v48;
	v55 =	vmul.f32 v49, v49;
	v53 =	vld [tilespmem:s3+$0xDF90]  }
0x1c8: {  	v35 =	vadd.f32 v37, v36;
	v57 =	vld [tilespmem:s3+$0xDFA0];
	v17 =	vadd.f32 v41, v17  }
0x1c9: {  	v59 =	vmul.f32 v50, v50;
	v20 =	vadd.f32 v56, v55;
	v23 =	vadd.f32 v46, v16;
	v16 =	vld [tilespmem:s3+$0x143A0]  }
0x1ca: {  	v21 =	vadd.f32 v60, v29;
	v17 =	vadd.f32 v35, v17  }
0x1cb: {  	v62 =	vmul.f32 v34, v34;
	v29 =	vadd.f32 v42, v63;
	v20 =	vadd.f32 v59, v20  }
0x1cc: {  	v36 =	vld [tilespmem:s3+$0xDFD0];
	v26 =	vadd.f32 v52, v51;
	v17 =	vadd.f32 v23, v17  }
0x1cd: {  	v24 =	vld [tilespmem:s3+$0xE010];
	v45 =	vadd.f32 v54, v53;
	v20 =	vadd.f32 v62, v20;
	v43 =	vmul.f32 v41, v41  }
0x1ce: {  	v63 =	vld [tilespmem:s3+$0xE020];
	v30 =	vadd.f32 v26, v17;
	v17 =	vadd.f32 v16, v57  }
0x1cf: {  	v52 =	vmul.f32 v35, v35;
	v51 =	vadd.f32 v43, v20;
	v58, _, _ =	vpop (xrf2);
	v16 =	vld [tilespmem:s3+$0x143D0]  }
0x1d0: {  	v53 =	vld [tilespmem:s3+$0xDFE0];
	v37 =	vmul.f32 v45, v45;
	(v2sf) =	vpush v58, $0xF;
	v39 =	vmul.f32 v17, v17  }
0x1d1: {  	v54 =	vld [tilespmem:s3+$0x143E0];
	v55 =	vmul.f32 v23, v23;
	v18 =	vadd.f32 v52, v51;
	v61, _, _ =	vpop (xrf2);
	v27 =	vadd.f32 v17, v45  }
0x1d2: {  	v56 =	vld [tilespmem:s3+$0xDFF0];
	v58 =	vmul.f32 v21, v21;
	(v2sf) =	vpush v61, $0xF;
	v37 =	vadd.f32 v39, v37  }
0x1d3: {  	v42 =	vmul.f32 v26, v26;
	v57 =	vld [tilespmem:s3+$0x143F0];
	v19 =	vadd.f32 v55, v18;
	v27 =	vadd.f32 v21, v27  }
0x1d4: {  	v60 =	vmul.f32 v29, v29;
	v59 =	vld [tilespmem:s3+$0x14400];
	v18 =	vadd.f32 v16, v36;
	v37 =	vadd.f32 v58, v37  }
0x1d5: {  	v42 =	vadd.f32 v42, v19;
	v16 =	vld [tilespmem:s3+$0xE000];
	v27 =	vadd.f32 v29, v27  }
0x1d6: {  	v51 =	vld [tilespmem:s3+$0xE050];
	v19 =	vadd.f32 v54, v53;
	(xrf2) =	vadd.scan.msk.f32 $0xffff, v30;
	v62 =	vmul.f32 v18, v18;
	v61 =	vadd.f32 v60, v37  }
0x1d7: {  	v52 =	vld [tilespmem:s3+$0x14450];
	v27 =	vadd.f32 v18, v27  }
0x1d8: {  	v39 =	vld [tilespmem:s3+$0x14410];
	(xrf2) =	vadd.scan.msk.f32 $0xffff, v42;
	v20 =	vadd.f32 v57, v56;
	v56 =	vmul.f32 v19, v19;
	v55 =	vadd.f32 v62, v61  }
0x1d9: {  	v57 =	vld [tilespmem:s3+$0x14420];
	v27 =	vadd.f32 v19, v27  }
0x1da: {  	v58 =	vld [tilespmem:s3+$0xE030];
	v16 =	vadd.f32 v59, v16;
	v59 =	vmul.f32 v20, v20;
	v28 =	vadd.f32 v56, v55  }
0x1db: {  	v60 =	vld [tilespmem:s3+$0x14430];
	v27 =	vadd.f32 v20, v27  }
0x1dc: {  	v46 =	vld [tilespmem:s3+$0x14440];
	v61 =	vmul.f32 v16, v16;
	v28 =	vadd.f32 v59, v28  }
0x1dd: {  	v43 =	vld [tilespmem:s3+$0xE040];
	v30 =	vadd.f32 v39, v24;
	v27 =	vadd.f32 v16, v27  }
0x1de: {  	v53 =	vld [tilespmem:s3+$0xE060];
	v24 =	vadd.f32 v57, v63;
	v28 =	vadd.f32 v61, v28  }
0x1df: {  	v36 =	vadd.f32 v52, v51;
	v51 =	vld [tilespmem:s3+$0xE090];
	(xrf2) =	vadd.scan.msk.f32 $0xffff, v27  }
0x1e0: {  	v37 =	vld [tilespmem:s3+$0xE070];
	v62, _, _ =	vpop (xrf2);
	v22 =	vadd.f32 v60, v58;
	v58 =	vadd.f32 v24, v30;
	(xrf2) =	vadd.scan.msk.f32 $0xffff, v28  }
0x1e1: {  	v63 =	vld [tilespmem:s3+$0x14460];
	v54 =	vmul.f32 v24, v24;
	(v2sf) =	vpush v62, $0xF;
	v59 =	vmul.f32 v30, v30  }
0x1e2: {  	v39 =	vld [tilespmem:s3+$0x14470];
	v57, _, _ =	vpop (xrf2);
	v55 =	vadd.f32 v22, v58;
	v27 =	vadd.f32 v46, v43  }
0x1e3: {  	(v2sf) =	vpush v57, $0xF;
	v60 =	vmul.f32 v22, v22;
	v43 =	vld [tilespmem:s3+$0xE080];
	v42 =	vadd.f32 v54, v59  }
0x1e4: {  	s4 =	spop (v2sf);
	v46 =	vld [tilespmem:s3+$0x14480];
	v61 =	vadd.f32 v27, v55  }
0x1e5: {  	v56 =	vld [tilespmem:s3+$0x14490];
	s4 =	smul.f32 $7.812500000e-03, s4;
	s5 =	spop (v2sf);
	v54 =	vadd.f32 v60, v42;
	v62 =	vmul.f32 v27, v27  }
0x1e6: {  	v57 =	vld [tilespmem:s3+$0x144A0];
	s5 =	smul.f32 $7.812500000e-03, s5;
	v42 =	vadd.f32 v63, v53;
	v52 =	vadd.f32 v36, v61  }
0x1e7: {  	s9 =	smul.f32 s4, s4;
	v53 =	vld [tilespmem:s3+$0xE0A0];
	v60 =	vmul.f32 v36, v36;
	v54 =	vadd.f32 v62, v54  }
0x1e8: {  	v58 =	vld [tilespmem:s3+$0xE0B0];
	v28 =	vadd.f32 v39, v37;
	v52 =	vadd.f32 v42, v52  }
0x1e9: {  	v59 =	vld [tilespmem:s3+$0x144B0];
	s5 =	ssub.f32 s5, s9;
	v55 =	vmul.f32 v42, v42;
	v39 =	vadd.f32 v46, v43;
	v54 =	vadd.f32 v60, v54;
	v63, _, _ =	vpop (xrf2)  }
0x1ea: {  	v60 =	vld [tilespmem:s3+$0xE0C0];
	v62 =	vadd.f32 v28, v52;
	(v2sf) =	vpush v63, $0xF;
	v61, _, _ =	vpop (xrf2)  }
0x1eb: {  	s5 =	sadd.f32 $9.999999960e-13, s5;
	v63 =	vadd.f32 v55, v54;
	v55 =	vld [tilespmem:s3+$0x144C0];
	(v2sf) =	vpush v61, $0xF;
	v61 =	vmul.f32 v28, v28  }
0x1ec: {  	v43 =	vadd.f32 v56, v51;
	v51 =	vld [tilespmem:s3+$0xE0D0];
	v37 =	vadd.f32 v57, v53  }
0x1ed: {  	v56 =	vld [tilespmem:s3+$0x144D0];
	s14 =	sshrl.u32 s5, $0x1;
	v53 =	vadd.f32 v39, v62;
	v62 =	vmul.f32 v39, v39;
	v52 =	vadd.f32 v61, v63  }
0x1ee: {  	v46 =	vadd.f32 v59, v58;
	s10 =	smul.f32 $5.000000000e-01, s5;
	s9 =	ssub.s32 $0x5F3759DF, s14;
	v57 =	vld [tilespmem:s3+$0xE0E0]  }
0x1ef: {  	v58 =	vmul.f32 v43, v43;
	s20 =	smul.f32 s9, s9;
	v59 =	vmul.f32 v37, v37;
	v61 =	vld [tilespmem:s3+$0x144E0];
	v54 =	vadd.f32 v62, v52  }
0x1f0: {  	(xrf2) =	vadd.scan.msk.f32 $0xffff, v53;
	v62 =	vadd.f32 v37, v43;
	v52 =	vadd.f32 v55, v60;
	v55 =	vld [tilespmem:s3+$0xE0F0]  }
0x1f1: {  	s11 =	smul.f32 s20, s10;
	s28 =	spop (v2sf);
	v63 =	vadd.f32 v59, v58;
	v60 =	vmul.f32 v46, v46;
	(xrf2) =	vadd.scan.msk.f32 $0xffff, v54;
	v54 =	vld [tilespmem:s3+$0x144F0]  }
0x1f2: {  	s5 =	smul.f32 $7.812500000e-03, s28;
	s12 =	spop (v2sf);
	v59 =	vadd.f32 v46, v62  }
0x1f3: {  	v51 =	vadd.f32 v56, v51;
	v56 =	vld [tilespmem:s3+$0xE100];
	s12 =	smul.f32 $7.812500000e-03, s12;
	v58 =	vadd.f32 v60, v63;
	v60 =	vmul.f32 v52, v52  }
0x1f4: {  	s13 =	smul.f32 s5, s5;
	v62 =	vld [tilespmem:s3+$0x14500];
	v59 =	vadd.f32 v52, v59  }
0x1f5: {  	s11 =	ssub.f32 $1.500000000e+00, s11;
	v53 =	vadd.f32 v61, v57;
	v63 =	vadd.f32 v60, v58;
	v60 =	vmul.f32 v51, v51  }
0x1f6: {  	s12 =	ssub.f32 s12, s13;
	v59 =	vadd.f32 v51, v59;
	v54 =	vadd.f32 v54, v55  }
0x1f7: {  	v61 =	vmul.f32 v53, v53;
	v57 =	vadd.f32 v60, v63  }
0x1f8: {  	s9 =	smul.f32 s9, s11;
	s29 =	sadd.f32 $9.999999960e-13, s12;
	v59 =	vadd.f32 v53, v59;
	v60 =	vmul.f32 v54, v54  }
0x1f9: {  	v55 =	vadd.f32 v62, v56;
	v63 =	vadd.f32 v61, v57  }
0x1fa: {  	s30 =	smul.f32 s9, s9;
	s14 =	sshrl.u32 s29, $0x1;
	v61 =	vadd.f32 v54, v59  }
0x1fb: {  	s13 =	ssub.s32 $0x5F3759DF, s14;
	s14 =	smul.f32 $5.000000000e-01, s29;
	v62, _, _ =	vpop (xrf2);
	v56 =	vadd.f32 v60, v63;
	v63 =	vmul.f32 v55, v55  }
0x1fc: {  	s20 =	smul.f32 s13, s13;
	(v2sf) =	vpush v62, $0xF;
	v58 =	vadd.f32 v55, v61;
	v60, _, _ =	vpop (xrf2)  }
0x1fd: {  	s10 =	smul.f32 s30, s10;
	v56 =	vadd.f32 v63, v56;
	(v2sf) =	vpush v60, $0xF  }
0x1fe: {  	s28 =	smul.f32 s20, s14;
	s29 =	spop (v2sf);
	(xrf2) =	vadd.scan.msk.f32 $0xffff, v58  }
0x1ff: {  	s11 =	smul.f32 $7.812500000e-03, s29;
	s20 =	spop (v2sf);
	(xrf2) =	vadd.scan.msk.f32 $0xffff, v56  }
0x200: {  	s12 =	ssub.f32 $1.500000000e+00, s28;
	s20 =	smul.f32 $7.812500000e-03, s20  }
0x201: {  	s28 =	smul.f32 s11, s11  }
0x202: {  	s12 =	smul.f32 s13, s12;
	v56 =	vmov s4  }
0x203: {  	s30 =	ssub.f32 s20, s28;
	v47 =	vsub.f32 v47, v56;
	v38 =	vsub.f32 v38, v56  }
0x204: {  	s10 =	ssub.f32 $1.500000000e+00, s10;
	s13 =	smul.f32 s12, s12;
	v32 =	vsub.f32 v32, v56;
	v33 =	vsub.f32 v33, v56  }
0x205: {  	s20 =	sadd.f32 $9.999999960e-13, s30;
	v25 =	vsub.f32 v25, v56;
	v31 =	vsub.f32 v31, v56  }
0x206: {  	s28 =	smul.f32 s13, s14;
	v40 =	vsub.f32 v40, v56;
	v44 =	vsub.f32 v44, v56;
	v56 =	vmov s5  }
0x207: {  	s10 =	smul.f32 s10, s9;
	v49 =	vsub.f32 v49, v56;
	s29 =	sshrl.u32 s20, $0x1  }
0x208: {  	v48 =	vsub.f32 v48, v56;
	v50 =	vsub.f32 v50, v56;
	s9 =	ssub.f32 $1.500000000e+00, s28;
	s14 =	smul.f32 $5.000000000e-01, s20;
	s13 =	ssub.s32 $0x5F3759DF, s29;
	v58, _, _ =	vpop (xrf2)  }
0x209: {  	v62 =	vmul.f32 s10, v1;
	v34 =	vsub.f32 v34, v56;
	s30 =	smul.f32 s13, s13;
	(v2sf) =	vpush v58, $0xF;
	v60, _, _ =	vpop (xrf2)  }
0x20a: {  	v61 =	vmul.f32 s10, v0;
	v41 =	vsub.f32 v41, v56;
	s9 =	smul.f32 s9, s12;
	(v2sf) =	vpush v60, $0xF  }
0x20b: {  	v63 =	vmul.f32 s10, v2;
	v35 =	vsub.f32 v35, v56;
	v23 =	vsub.f32 v23, v56;
	s29 =	smul.f32 s30, s14;
	s20 =	spop (v2sf)  }
0x20c: {  	v26 =	vsub.f32 v26, v56;
	v47 =	vmul.f32 v61, v47;
	v61 =	vmul.f32 s10, v3;
	s4 =	smul.f32 $7.812500000e-03, s20;
	s30 =	spop (v2sf)  }
0x20d: {  	v56 =	vmov s11;
	v38 =	vmul.f32 v62, v38;
	v32 =	vmul.f32 v63, v32;
	s20 =	ssub.f32 $1.500000000e+00, s29;
	s29 =	smul.f32 $7.812500000e-03, s30  }
0x20e: {  	v62 =	vmul.f32 s10, v4;
	v45 =	vsub.f32 v45, v56;
	v17 =	vsub.f32 v17, v56;
	s30 =	smul.f32 s4, s4  }
0x20f: {  	v63 =	vmul.f32 s10, v5;
	v21 =	vsub.f32 v21, v56;
	v29 =	vsub.f32 v29, v56;
	s12 =	smul.f32 s13, s20  }
0x210: {  	v18 =	vsub.f32 v18, v56;
	v19 =	vsub.f32 v19, v56;
	v33 =	vmul.f32 v61, v33;
	s20 =	ssub.f32 s29, s30  }
0x211: {  	v20 =	vsub.f32 v20, v56;
	v61 =	vmul.f32 s10, v7;
	v25 =	vmul.f32 v62, v25;
	s28 =	smul.f32 s12, s12  }
0x212: {  	v16 =	vsub.f32 v16, v56;
	v31 =	vmul.f32 v63, v31;
	v62 =	vmul.f32 s9, v0;
	s5 =	sadd.f32 $9.999999960e-13, s20  }
0x213: {  	v47 =	vadd.f32 v47, v8;
	v63 =	vmul.f32 s9, v1;
	v60 =	vmul.f32 s10, v6;
	s10 =	smul.f32 s28, s14  }
0x214: {  	v38 =	vadd.f32 v38, v9;
	v44 =	vmul.f32 v61, v44;
	v61 =	vmul.f32 s9, v3;
	s29 =	sshrl.u32 s5, $0x1  }
0x215: {  	v32 =	vadd.f32 v32, v10;
	v49 =	vmul.f32 v62, v49;
	v48 =	vmul.f32 v63, v48;
	s10 =	ssub.f32 $1.500000000e+00, s10;
	s14 =	smul.f32 $5.000000000e-01, s5;
	s13 =	ssub.s32 $0x5F3759DF, s29  }
0x216: {  	v33 =	vadd.f32 v33, v11;
	v62 =	vmul.f32 s9, v4;
	v63 =	vmul.f32 s9, v5;
	s30 =	smul.f32 s13, s13  }
0x217: {  	v25 =	vadd.f32 v25, v12;
	v34 =	vmul.f32 v61, v34;
	v61 =	vmul.f32 s9, v7;
	s10 =	smul.f32 s10, s12  }
0x218: {  	v31 =	vadd.f32 v31, v13;
	v40 =	vmul.f32 v60, v40;
	v60 =	vmul.f32 s9, v2;
	s20 =	spop (v2sf);
	s28 =	smul.f32 s30, s14  }
0x219: {  	[tilespmem:s3+$0xDE90] =	vst v47;
	v44 =	vadd.f32 v44, v15;
	v41 =	vmul.f32 v62, v41;
	v35 =	vmul.f32 v63, v35;
	s29 =	spop (v2sf);
	s5 =	smul.f32 $7.812500000e-03, s20  }
0x21a: {  	[tilespmem:s3+$0xDEA0] =	vst v38;
	v49 =	vadd.f32 v49, v8;
	v50 =	vmul.f32 v60, v50;
	v60 =	vmul.f32 s9, v6;
	s9 =	smul.f32 $7.812500000e-03, s29  }
0x21b: {  	[tilespmem:s3+$0xDEB0] =	vst v32;
	v26 =	vmul.f32 v61, v26;
	v38 =	vadd.f32 v48, v9;
	v32 =	vadd.f32 v34, v11;
	s30 =	ssub.f32 $1.500000000e+00, s28;
	s12 =	smul.f32 s5, s5  }
0x21c: {  	[tilespmem:s3+$0xDEC0] =	vst v33;
	v34 =	vadd.f32 v41, v12;
	v58 =	vadd.f32 v35, v13  }
0x21d: {  	[tilespmem:s3+$0xDED0] =	vst v25;
	v26 =	vadd.f32 v26, v15;
	v23 =	vmul.f32 v60, v23;
	v62 =	vmul.f32 s10, v0;
	s11 =	smul.f32 s13, s30;
	s9 =	ssub.f32 s9, s12  }
0x21e: {  	[tilespmem:s3+$0xDEE0] =	vst v31;
	v48 =	vadd.f32 v50, v10;
	v63 =	vmul.f32 s10, v1;
	v50 =	vmul.f32 s10, v2  }
0x21f: {  	[tilespmem:s3+$0xDF00] =	vst v44;
	v40 =	vadd.f32 v40, v14;
	v57 =	vmul.f32 s10, v3;
	v60 =	vmul.f32 s10, v4;
	s13 =	smul.f32 s11, s11;
	s9 =	sadd.f32 $9.999999960e-13, s9  }
0x220: {  	[tilespmem:s3+$0xDF10] =	vst v49;
	v23 =	vadd.f32 v23, v14;
	v61 =	vmul.f32 s10, v5;
	v41 =	vmul.f32 v62, v45  }
0x221: {  	[tilespmem:s3+$0xDF20] =	vst v38;
	v17 =	vmul.f32 v63, v17;
	v21 =	vmul.f32 v50, v21;
	v45 =	vmov s4;
	s12 =	smul.f32 s13, s14;
	s20 =	sshrl.u32 s9, $0x1  }
0x222: {  	[tilespmem:s3+$0xDF40] =	vst v32;
	v59 =	vmul.f32 v57, v29;
	v62 =	vmul.f32 s10, v6;
	v30 =	vsub.f32 v30, v45;
	s9 =	smul.f32 $5.000000000e-01, s9;
	s13 =	ssub.s32 $0x5F3759DF, s20  }
0x223: {  	[tilespmem:s3+$0xDF30] =	vst v48;
	v63 =	vmul.f32 s10, v7;
	v48 =	vsub.f32 v24, v45;
	v22 =	vsub.f32 v22, v45;
	s28 =	smul.f32 s13, s13  }
0x224: {  	[tilespmem:s3+$0xDF50] =	vst v34;
	v18 =	vmul.f32 v60, v18;
	v57 =	vsub.f32 v27, v45;
	v34 =	vsub.f32 v28, v45  }
0x225: {  	[tilespmem:s3+$0xDF60] =	vst v58;
	v19 =	vmul.f32 v61, v19;
	v44 =	vadd.f32 v41, v8;
	v17 =	vadd.f32 v17, v9;
	s10 =	smul.f32 s28, s9  }
0x226: {  	[tilespmem:s3+$0xDF80] =	vst v26;
	v21 =	vadd.f32 v21, v10;
	v25 =	vadd.f32 v59, v11;
	v16 =	vmul.f32 v63, v16;
	s12 =	ssub.f32 $1.500000000e+00, s12  }
0x227: {  	[tilespmem:s3+$0xDEF0] =	vst v40;
	v20 =	vmul.f32 v62, v20;
	v18 =	vadd.f32 v18, v12;
	v19 =	vadd.f32 v19, v13;
	s29 =	ssub.f32 $1.500000000e+00, s10  }
0x228: {  	[tilespmem:s3+$0xDF70] =	vst v23;
	v59 =	vsub.f32 v36, v45;
	v16 =	vadd.f32 v16, v15;
	s11 =	smul.f32 s12, s11  }
0x229: {  	v62 =	vsub.f32 v42, v45;
	v20 =	vadd.f32 v20, v14;
	[tilespmem:s3+$0xDF90] =	vst v44;
	v38 =	vmov s5;
	s4 =	smul.f32 s13, s29  }
0x22a: {  	[tilespmem:s3+$0xE000] =	vst v16;
	v16 =	vsub.f32 v39, v45;
	v39 =	vsub.f32 v43, v38;
	v47 =	vmul.f32 s11, v0  }
0x22b: {  	[tilespmem:s3+$0xDFA0] =	vst v17;
	v41 =	vsub.f32 v37, v38;
	v49 =	vmul.f32 s11, v1;
	v56 =	vmul.f32 s11, v2;
	s30 =	smul.f32 s4, s4  }
0x22c: {  	[tilespmem:s3+$0xDFB0] =	vst v21;
	v43 =	vsub.f32 v46, v38;
	v58 =	vmul.f32 s11, v3;
	v60 =	vmul.f32 s11, v4  }
0x22d: {  	[tilespmem:s3+$0xDFC0] =	vst v25;
	v46 =	vsub.f32 v52, v38;
	v63 =	vmul.f32 s11, v5;
	v50 =	vmul.f32 v47, v30;
	s9 =	smul.f32 s30, s9  }
0x22e: {  	[tilespmem:s3+$0xDFD0] =	vst v18;
	v51 =	vsub.f32 v51, v38;
	v35 =	vmul.f32 s11, v6;
	v23 =	vmul.f32 v49, v48  }
0x22f: {  	[tilespmem:s3+$0xDFE0] =	vst v19;
	v36 =	vmul.f32 s11, v7;
	v17 =	vmul.f32 v56, v22;
	v29 =	vadd.f32 v50, v8;
	s9 =	ssub.f32 $1.500000000e+00, s9  }
0x230: {  	[tilespmem:s3+$0xDFF0] =	vst v20;
	v61 =	vmul.f32 v58, v57;
	v22 =	vmul.f32 v60, v59;
	v23 =	vadd.f32 v23, v9  }
0x231: {  	v30 =	vmul.f32 v63, v62;
	v20 =	vmul.f32 v35, v34;
	v17 =	vadd.f32 v17, v10;
	[tilespmem:s3+$0xE010] =	vst v29;
	s4 =	smul.f32 s9, s4  }
0x232: {  	v16 =	vmul.f32 v36, v16;
	v56 =	vsub.f32 v53, v38;
	v31 =	vadd.f32 v61, v11;
	[tilespmem:s3+$0xE020] =	vst v23  }
0x233: {  	v58 =	vsub.f32 v54, v38;
	v33 =	vadd.f32 v22, v12;
	[tilespmem:s3+$0xE030] =	vst v17;
	v40 =	vmul.f32 s4, v0  }
0x234: {  	v60 =	vsub.f32 v55, v38;
	v18 =	vadd.f32 v30, v13;
	[tilespmem:s3+$0xE040] =	vst v31;
	v42 =	vmul.f32 s4, v1  }
0x235: {  	v20 =	vadd.f32 v20, v14;
	[tilespmem:s3+$0xE050] =	vst v33;
	v47 =	vmul.f32 s4, v3;
	v17 =	vmul.f32 v40, v39  }
0x236: {  	v16 =	vadd.f32 v16, v15;
	[tilespmem:s3+$0xE060] =	vst v18;
	v44 =	vmul.f32 s4, v2;
	v45 =	vmul.f32 v42, v41  }
0x237: {  	[tilespmem:s3+$0xE070] =	vst v20;
	v57 =	vmul.f32 s4, v5;
	v49 =	vmul.f32 v47, v46;
	v17 =	vadd.f32 v17, v8  }
0x238: {  	[tilespmem:s3+$0xE080] =	vst v16;
	v52 =	vmul.f32 s4, v4;
	v48 =	vmul.f32 v44, v43;
	v19 =	vadd.f32 v45, v9  }
0x239: {  	v61 =	vmul.f32 s4, v7;
	v18 =	vmul.f32 v57, v56;
	v16 =	vadd.f32 v49, v11;
	[tilespmem:s3+$0xE090] =	vst v17  }
0x23a: {  	v59 =	vmul.f32 s4, v6;
	v50 =	vadd.f32 v48, v10;
	v17 =	vmul.f32 v52, v51;
	[tilespmem:s3+$0xE0A0] =	vst v19  }
0x23b: {  	p0 =	sne.s32 s2, $0x18FC0;
	v63 =	vmul.f32 v61, v60;
	[tilespmem:s3+$0xE0C0] =	vst v16;
	v16 =	vadd.f32 v18, v13  }
.Ltmp2:
0x23c: {  	v62 =	vmul.f32 v59, v58;
	[tilespmem:s3+$0xE0B0] =	vst v50;
	v17 =	vadd.f32 v17, v12;
	(pc) =	sbr.rel @p0 .LBB2_7-.Ltmp2, $4  }
0x23d: {  	[tilespmem:s3+$0xE0E0] =	vst v16;
	v16 =	vadd.f32 v63, v15  }
0x23e: {  	[tilespmem:s3+$0xE0D0] =	vst v17;
	v17 =	vadd.f32 v62, v14  }
0x23f: {  	[tilespmem:s3+$0xE100] =	vst v16  }
0x240: {  	s2 =	sadd.s32 $0xA00, s2;
	[tilespmem:s3+$0xE0F0] =	vst v17  }
0x241: {  	s31 =	sadd.s32 $0x1, s31  }
0x242: {  	p0 =	sne.s32 s31, $0xB  }
.Ltmp3:
0x243: {  	_ = 	snop;
	(pc) =	sbr.rel @p0 .LBB2_2-.Ltmp3, $4  }
0x244: {  	s0 =	sadd.s32 s7, s0  }
0x245: {  	s0 =	sshll.u32 s0, $0x4  }
0x246: {  	s0 =	sadd.s32 s6, s0  }
0x247: {  	[hbm4b:s0+s8] =	stream.linear.scatter [tilespmem:s22], [sflag:$0x6], $0x6400, $0x38;
	[tilespmem:$0x1AA00] =	vst v63  }
0x248: {  	s0 =	simm.s32 $0x5  }
0x249: {  	_ =	swait.ge [sflag:s0], $0x6400  }
0x24a: {  	[sflag:s0] =	ssyncset.done $0x0  }
0x24b: {  	s30 =	simm.s32 $0x6;
	[sflag:s0] =	ssyncadd.s32 $0xFFFF9C00  }
0x24c: {  	_ =	swait.ge [sflag:s30], $0x6400  }
0x24d: {  	[sflag:s30] =	ssyncset.done $0x0  }
0x24e: {  	[sflag:s30] =	ssyncadd.s32 $0xFFFF9C00  }
0x24f: {  	_ =	swait.ge [sflag:s21], $0x3400  }
0x250: {  	[sflag:s21] =	ssyncset.done $0x0  }
0x251: {  	[sflag:s21] =	ssyncadd.s32 $0xFFFFCC00  }
0x252: {  	_ =	swait.ge [sflag:s21], $0x3000  }
0x253: {  	s2 =	rddreg [dreg:$0x9]  }
0x254: {  	s31 =	rddreg [dreg:$0x8];
	s2 =	sadd.s32 $0x1, s2  }
0x255: {  	p0 =	sne.s32 s2, s31  }
.Ltmp4:
0x256: {  	_ = 	snop;
	(pc) =	sbr.rel @p0 .LBB2_1-.Ltmp4, $3  }
0x257: {  	_ =	sdelay $0x1  }
0x258: {  	[sflag:s21] =	ssyncset.done $0x0  }
0x259: {  	[sflag:s21] =	ssyncadd.s32 $0xFFFFD000  }
0x25a: {  	_ =	sfence.sel $0x180000  }
0x25b: {  	[bflag:$0x0] =	sbarrier.arrive $0xFFFF  }
0x25c: {  	_ =	strace $0x90000047  }
0x25d: {  	s0 =	stileid.u32;
	[bflag:$0x2] =	sbarrier.arrive $0xFFFF  }
0x25e: {  	p0 =	sne.s32 s0, $0x0;
	s0 =	rddreg [dreg:$0x6]  }
0x25f: {  	s0 =	sadd.s32 @!p0 $0x100000, s0  }
0x260: {  	[sflag:s0] =	ssyncadd.tile.s32 @!p0 $0x1;
	_ =	shalt  }
.Lfunc_end2:
_tile_overlayer_lowered:
.L_overlay_start_2:
0x261: {  	(tag) =	ssettag $0x2  }
0x262: {  	s0 =	rddreg [dreg:$0x0];
	s2 =	stileid.u32  }
0x263: {  	s1 =	rddreg [dreg:$0x1];
	p0 =	sne.s32 s2, $0x0  }
0x264: {  	s3 =	rddreg [dreg:$0x2];
	[bflag:$0x3] =	sbarrier.arrive $0xFFFF;
	s2 =	simm.s32 @!p0 $0x1C07  }
0x265: {  	[timem:s3], [sflag:s2] =	dma.local @!p0 [hbm:s0], s1  }
0x266: {  	s0 =	simm.s32 @!p0 $0x7  }
0x267: {  	_ =	swait.ge @!p0 [sflag:s0], s1  }
0x268: {  	s1 =	ssub.s32 @!p0 $0x0, s1;
	[sflag:s0] =	ssyncset.done @!p0 $0x0  }
0x269: {  	[sflag:s0] =	ssyncadd.s32 @!p0 s1  }
0x26a: {  	[bflag:$0x3] =	sbarrier.arrive $0xFFFF  }
0x26b: {  	_ =	shalt  }

</sc_bundles>
